<compile_context>
chip_gen: v7x
topology: tpu7x:2x2x1
jax: 0.10.2.dev20260603
libtpu: 0.0.44.dev20260713+nightly
codegen_flags: <defaults>
</compile_context>

<pallas_src>
import functools

import jax
import jax.numpy as jnp
from jax import lax
from jax.experimental import pallas as pl
from jax.experimental.pallas import tpu as pltpu
from jax.experimental.pallas import tpu_sc as plsc

N = 10000
NPAD = 10240
C = 128
KW = 256
NSAMP = 16
G = 16
W = NPAD // G
RB = 128
GRID = NPAD // RB
CHS = (5120, 5120)
CAND = NSAMP * G
BIGF = 1e30


def _lnorm(x, g, b, eps=1e-5):
    mu = jnp.mean(x, axis=-1, keepdims=True)
    xm = x - mu
    var = jnp.mean(xm * xm, axis=-1, keepdims=True)
    return xm * lax.rsqrt(var + eps) * g + b


def _kqkv_body(pts_blk, feat, wq, bq_, wk, bk_, wv, bv_, q_out, k_out, v_out):
    xb = feat[...].astype(jnp.bfloat16)
    q_out[...] = jnp.dot(xb, wq[...].astype(jnp.bfloat16),
                         preferred_element_type=jnp.float32) + bq_[...]
    k_out[:, 0:C] = jnp.dot(xb, wk[...].astype(jnp.bfloat16),
                            preferred_element_type=jnp.float32) + bk_[...]
    k_out[:, C:C + 8] = pts_blk[...]
    k_out[:, C + 8:KW] = jnp.zeros((RB, KW - C - 8), jnp.float32)
    v_out[...] = jnp.dot(xb, wv[...].astype(jnp.bfloat16),
                         preferred_element_type=jnp.float32) + bv_[...]


def _kqkv(pts8, featpad, wq, bq_, wk, bk_, wv, bv_):
    full = lambda shape: pl.BlockSpec(shape, lambda i: (0, 0))
    return pl.pallas_call(
        _kqkv_body,
        grid=(GRID,),
        in_specs=[
            pl.BlockSpec((RB, 8), lambda i: (i, 0)),
            pl.BlockSpec((RB, C), lambda i: (i, 0)),
            full((C, C)), full((1, C)),
            full((C, C)), full((1, C)),
            full((C, C)), full((1, C)),
        ],
        out_specs=[
            pl.BlockSpec((RB, C), lambda i: (i, 0)),
            pl.BlockSpec((RB, KW), lambda i: (i, 0)),
            pl.BlockSpec((RB, C), lambda i: (i, 0)),
        ],
        out_shape=[
            jax.ShapeDtypeStruct((NPAD, C), jnp.float32),
            jax.ShapeDtypeStruct((NPAD, KW), jnp.float32),
            jax.ShapeDtypeStruct((NPAD, C), jnp.float32),
        ],
    )(pts8, featpad, wq, bq_, wk, bk_, wv, bv_)


def _kad_body(pts_blk, ptsTm2, sqrow, gid_out):
    xq = pts_blk[...].astype(jnp.bfloat16)
    ptm2 = ptsTm2[...].astype(jnp.bfloat16)
    dot = jnp.dot(xq, ptm2, preferred_element_type=jnp.float32)
    sqt = sqrow[...]

    dg = sqt[:, 0:W] + dot[:, 0:W]
    for j in range(1, G):
        dg = jnp.minimum(dg, sqt[:, j * W:(j + 1) * W] + dot[:, j * W:(j + 1) * W])

    iota = lax.broadcasted_iota(jnp.int32, (RB, W), 1).astype(jnp.float32)
    gids = []
    for _ in range(NSAMP):
        m = jnp.min(dg, axis=1, keepdims=True)
        gsel = jnp.min(jnp.where(dg == m, iota, BIGF), axis=1, keepdims=True)
        gids.append(gsel)
        dg = jnp.where(iota == gsel, BIGF, dg)
    gid_out[...] = jnp.concatenate(gids, axis=1).astype(jnp.int32)


def _kad(pts8, ptsTm2, sqrow, lo, chr_):
    full = lambda shape: pl.BlockSpec(shape, lambda i: (0, 0))
    off = lo // RB
    return pl.pallas_call(
        _kad_body,
        grid=(chr_ // RB,),
        in_specs=[
            pl.BlockSpec((RB, 8), lambda i: (i + off, 0)),
            full((8, NPAD)),
            full((1, NPAD)),
        ],
        out_specs=pl.BlockSpec((RB, NSAMP), lambda i: (i, 0)),
        out_shape=jax.ShapeDtypeStruct((chr_, NSAMP), jnp.int32),
    )(pts8, ptsTm2, sqrow)


def _kb(tab, idxf):
    B = idxf.shape[0]
    info = plsc.get_sparse_core_info()
    nw = info.num_cores * info.num_subcores
    bpw = B // nw
    ch = 256
    assert bpw % ch == 0
    nch = bpw // ch
    mesh = plsc.VectorSubcoreMesh(core_axis_name="c", subcore_axis_name="s")

    @functools.partial(
        pl.kernel, mesh=mesh,
        out_type=jax.ShapeDtypeStruct((B, C), jnp.float32),
        scratch_types=[
            pltpu.VMEM((ch,), jnp.int32),
            pltpu.VMEM((ch, C), jnp.float32),
            pltpu.SemaphoreType.DMA,
        ],
    )
    def kb(tab_h, idx_h, o_h, idx_v, buf, sem):
        wid = lax.axis_index("s") * info.num_cores + lax.axis_index("c")
        base = wid * bpw

        def body(t, carry):
            off = base + t * ch
            pltpu.sync_copy(idx_h.at[pl.ds(off, ch)], idx_v)
            pltpu.async_copy(tab_h.at[idx_v], buf, sem).wait()
            pltpu.sync_copy(buf, o_h.at[pl.ds(off, ch)])
            return carry

        lax.fori_loop(0, nch, body, 0)

    return kb(tab, idxf)


def _kc_body(cpk, pts_blk, sqcol, gid_blk, idx_out):
    blk = cpk[...]
    cx = jnp.concatenate([blk[:, s * C:s * C + G] for s in range(NSAMP)], axis=1)
    cy = jnp.concatenate([blk[:, s * C + G:s * C + 2 * G] for s in range(NSAMP)], axis=1)
    cz = jnp.concatenate([blk[:, s * C + 2 * G:s * C + 3 * G] for s in range(NSAMP)], axis=1)
    csq = jnp.concatenate([blk[:, s * C + 3 * G:s * C + 4 * G] for s in range(NSAMP)], axis=1)
    p = pts_blk[...]
    qx, qy, qz = p[:, 0:1], p[:, 1:2], p[:, 2:3]
    f32 = lambda t: t.astype(jnp.bfloat16).astype(jnp.float32)
    dotb = f32(qx) * f32(cx) + f32(qy) * f32(cy) + f32(qz) * f32(cz)
    d = sqcol[...] + csq - 2.0 * dotb

    gid = gid_blk[...].astype(jnp.float32)
    j16 = lax.broadcasted_iota(jnp.int32, (1, G), 1).astype(jnp.float32) * float(W)
    cols = jnp.concatenate([gid[:, s:s + 1] + j16 for s in range(NSAMP)], axis=1)

    idxs = []
    for _ in range(NSAMP):
        m = jnp.min(d, axis=1, keepdims=True)
        csel = jnp.min(jnp.where(d == m, cols, BIGF), axis=1, keepdims=True)
        idxs.append(csel)
        d = jnp.where(cols == csel, BIGF, d)
    idx_out[...] = jnp.concatenate(idxs, axis=1).astype(jnp.int32)


def _kc(cpk, pts8, sqcol, gid, lo, chr_):
    off = lo // RB
    return pl.pallas_call(
        _kc_body,
        grid=(chr_ // RB,),
        in_specs=[
            pl.BlockSpec((RB, NSAMP * C), lambda i: (i, 0)),
            pl.BlockSpec((RB, 8), lambda i: (i + off, 0)),
            pl.BlockSpec((RB, 1), lambda i: (i + off, 0)),
            pl.BlockSpec((RB, NSAMP), lambda i: (i, 0)),
        ],
        out_specs=pl.BlockSpec((RB, NSAMP), lambda i: (i, 0)),
        out_shape=jax.ShapeDtypeStruct((chr_, NSAMP), jnp.int32),
    )(cpk, pts8, sqcol, gid)


def _kd(ktab, vtab, idxf):
    B = idxf.shape[0]
    info = plsc.get_sparse_core_info()
    nw = info.num_cores * info.num_subcores
    bpw = B // nw
    ch = 256
    assert bpw % ch == 0
    nch = bpw // ch
    mesh = plsc.VectorSubcoreMesh(core_axis_name="c", subcore_axis_name="s")

    @functools.partial(
        pl.kernel, mesh=mesh,
        out_type=[
            jax.ShapeDtypeStruct((B, KW), jnp.float32),
            jax.ShapeDtypeStruct((B, C), jnp.float32),
        ],
        scratch_types=[
            pltpu.VMEM((ch,), jnp.int32),
            pltpu.VMEM((ch, KW), jnp.float32),
            pltpu.VMEM((ch, C), jnp.float32),
            pltpu.SemaphoreType.DMA,
        ],
    )
    def kd(kt, vt, idx_h, ok, ov, idx_v, bk_, bv_, sem):
        wid = lax.axis_index("s") * info.num_cores + lax.axis_index("c")
        base = wid * bpw

        def body(t, carry):
            off = base + t * ch
            pltpu.sync_copy(idx_h.at[pl.ds(off, ch)], idx_v)
            c1 = pltpu.async_copy(kt.at[idx_v], bk_, sem)
            c2 = pltpu.async_copy(vt.at[idx_v], bv_, sem)
            c1.wait()
            c2.wait()
            pltpu.sync_copy(bk_, ok.at[pl.ds(off, ch)])
            pltpu.sync_copy(bv_, ov.at[pl.ds(off, ch)])
            return carry

        lax.fori_loop(0, nch, body, 0)

    return kd(ktab, vtab, idxf)


def _ke_body(q, feat, pts, gkp, gv, wp, bp_, gpg, bpln, wg1, bg1_,
             gg_, bgln, wg2, bg2_, wo, bo_, out):
    bf = jnp.bfloat16
    gk3 = gkp[...].reshape(RB, NSAMP, KW)
    rel = gk3[:, :, C:C + 8] - pts[...].reshape(RB, 1, 8)
    pfeat = jnp.dot(rel.reshape(RB * NSAMP, 8).astype(bf), wp[...].astype(bf),
                    preferred_element_type=jnp.float32) + bp_[...]
    pfeat = jnp.maximum(_lnorm(pfeat, gpg[...], bpln[...]), 0.0)

    a = (q[...].reshape(RB, 1, C) - gk3[:, :, 0:C]
         + pfeat.reshape(RB, NSAMP, C))
    h = jnp.dot(a.reshape(RB * NSAMP, C).astype(bf), wg1[...].astype(bf),
                preferred_element_type=jnp.float32) + bg1_[...]
    h = jnp.maximum(_lnorm(h, gg_[...], bgln[...]), 0.0)
    h = jnp.dot(h.astype(bf), wg2[...].astype(bf),
                preferred_element_type=jnp.float32) + bg2_[...]
    h3 = h.reshape(RB, NSAMP, C)
    mx = jnp.max(h3, axis=1, keepdims=True)
    e = jnp.exp(h3 - mx)
    winv = 1.0 / jnp.sum(e, axis=1)

    vv = gv[...].reshape(RB, NSAMP, C) + pfeat.reshape(RB, NSAMP, C)
    t = jnp.sum(vv * e, axis=1) * winv
    out[...] = (jnp.dot(t.astype(bf), wo[...].astype(bf),
                        preferred_element_type=jnp.float32)
                + bo_[...] + feat[...])


def _ke(q, featpad, pts8, gkp, gv, wp8, bp_, gpg, bpln, wg1, bg1_,
        gg_, bgln, wg2, bg2_, wo, bo_, lo, chr_):
    full = lambda shape: pl.BlockSpec(shape, lambda i: (0, 0))
    off = lo // RB
    return pl.pallas_call(
        _ke_body,
        grid=(chr_ // RB,),
        in_specs=[
            pl.BlockSpec((RB, C), lambda i: (i + off, 0)),
            pl.BlockSpec((RB, C), lambda i: (i + off, 0)),
            pl.BlockSpec((RB, 8), lambda i: (i + off, 0)),
            pl.BlockSpec((RB * NSAMP, KW), lambda i: (i, 0)),
            pl.BlockSpec((RB * NSAMP, C), lambda i: (i, 0)),
            full((8, C)), full((1, C)), full((1, C)), full((1, C)),
            full((C, C)), full((1, C)), full((1, C)), full((1, C)),
            full((C, C)), full((1, C)),
            full((C, C)), full((1, C)),
        ],
        out_specs=pl.BlockSpec((RB, C), lambda i: (i, 0)),
        out_shape=jax.ShapeDtypeStruct((chr_, C), jnp.float32),
    )(q, featpad, pts8, gkp, gv, wp8, bp_, gpg, bpln, wg1, bg1_,
      gg_, bgln, wg2, bg2_, wo, bo_)


def kernel(points, features, Wq, bq, Wk, bk, Wv, bv, Wp, bp, gp, bp_ln,
           Wg1, bg1, gg, bg_ln, Wg2, bg2, Wo, bo):
    f32 = jnp.float32
    pts8 = jnp.zeros((NPAD, 8), f32)
    pts8 = pts8.at[:N, :3].set(points).at[N:, :3].set(100.0)
    ptsTm2 = (-2.0 * pts8).T
    featpad = jnp.zeros((NPAD, C), f32).at[:N].set(features)
    sq = jnp.sum(points * points, axis=1)
    sqpad = jnp.full((NPAD,), 30000.0, f32).at[:N].set(sq)
    sqcol = sqpad.reshape(NPAD, 1)
    sqrow = sqpad.reshape(1, NPAD)

    row = lambda x: x.reshape(1, C)
    wp8 = jnp.zeros((8, C), f32).at[:3].set(Wp)

    q, kp, v = _kqkv(pts8, featpad, Wq, row(bq), Wk, row(bk), Wv, row(bv))

    tab = jnp.concatenate(
        [pts8[:, 0].reshape(G, W).T, pts8[:, 1].reshape(G, W).T,
         pts8[:, 2].reshape(G, W).T, sqpad.reshape(G, W).T,
         jnp.zeros((W, C - 4 * G), f32)], axis=1)



    outs = []
    lo = 0
    for chr_ in CHS:
        gid = _kad(pts8, ptsTm2, sqrow, lo, chr_)
        cpk = _kb(tab, gid.reshape(-1))
        idx = _kc(cpk.reshape(chr_, NSAMP * C), pts8, sqcol, gid, lo, chr_)
        gkp, gv = _kd(kp, v, idx.reshape(-1))
        outs.append(_ke(q, featpad, pts8, gkp, gv,
                        wp8, row(bp), row(gp), row(bp_ln), Wg1, row(bg1),
                        row(gg), row(bg_ln), Wg2, row(bg2), Wo, row(bo),
                        lo, chr_))
        lo += chr_
    return jnp.concatenate(outs, axis=0)[:N]

# --- scband reference (transcript-rebuilt; emitter-appended) ---
"""Pipeline reference for scband-point-transformer-layer-91268055040155 (READ-ONLY COPY).

The authoritative reference and input builder live on the scoring server;
editing this copy changes nothing except your own understanding.
"""

import jax, jax.numpy as jnp
import numpy as np


def _ln(x, g, b, eps=1e-5):
    mu = jnp.mean(x, axis=-1, keepdims=True)
    var = jnp.var(x, axis=-1, keepdims=True)
    return (x - mu) / jnp.sqrt(var + eps) * g + b


def setup_inputs(seed: int = 0):
    key = jax.random.key(seed)
    N, C, O = 10000, 128, 128
    ks = jax.random.split(key, 12)
    inp = {}
    inp["points"] = jax.random.uniform(ks[0], (N, 3), dtype=jnp.float32)
    inp["features"] = jax.random.normal(ks[1], (N, C), dtype=jnp.float32)

    def lin(k, i, o):
        s = 1.0 / np.sqrt(i)
        k1, k2 = jax.random.split(k)
        W = jax.random.uniform(k1, (i, o), minval=-s, maxval=s, dtype=jnp.float32)
        b = jax.random.uniform(k2, (o,), minval=-s, maxval=s, dtype=jnp.float32)
        return W, b

    inp["Wq"], inp["bq"] = lin(ks[2], C, O)
    inp["Wk"], inp["bk"] = lin(ks[3], C, O)
    inp["Wv"], inp["bv"] = lin(ks[4], C, O)
    inp["Wp"], inp["bp"] = lin(ks[5], 3, O)
    inp["gp"], inp["bp_ln"] = jnp.ones((O,), jnp.float32), jnp.zeros((O,), jnp.float32)
    inp["Wg1"], inp["bg1"] = lin(ks[6], O, O)
    inp["gg"], inp["bg_ln"] = jnp.ones((O,), jnp.float32), jnp.zeros((O,), jnp.float32)
    inp["Wg2"], inp["bg2"] = lin(ks[7], O, O)
    inp["Wo"], inp["bo"] = lin(ks[8], O, O)
    return inp


def reference(points, features, Wq, bq, Wk, bk, Wv, bv, Wp, bp, gp, bp_ln, Wg1, bg1, gg, bg_ln, Wg2, bg2, Wo, bo):
    nsample = 16
    # residual_proj is Identity since in_planes == out_planes
    residual = features
    q = features @ Wq + bq
    k = features @ Wk + bk
    v = features @ Wv + bv
    # kNN (replaces KDTree query; same neighbor set, incl. self at dist 0)
    sq = jnp.sum(points * points, axis=1)
    d2 = sq[:, None] + sq[None, :] - 2.0 * (points @ points.T)
    _, idx = jax.lax.top_k(-d2, nsample)  # (N, nsample) int indices
    grouped_points = points[idx]          # (N, nsample, 3) gather
    grouped_k = k[idx]                    # (N, nsample, O) gather
    grouped_v = v[idx]                    # (N, nsample, O) gather
    relative_pos = grouped_points - points[:, None, :]
    p = jax.nn.relu(_ln(relative_pos @ Wp + bp, gp, bp_ln))
    attention_input = q[:, None, :] - grouped_k + p
    h = jax.nn.relu(_ln(attention_input @ Wg1 + bg1, gg, bg_ln)) @ Wg2 + bg2
    attention_weights = jax.nn.softmax(h, axis=1)
    transformed = jnp.sum((grouped_v + p) * attention_weights, axis=1)
    transformed = transformed @ Wo + bo
    return transformed + residual

if __name__ == "__main__":
    import jax
    _d = setup_inputs()
    print(jax.jit(kernel)(*tuple(_d.values())))

</pallas_src>

<mosaic_0001>
#map = affine_map<(d0, d1) -> (0, 0)>
#map1 = affine_map<(d0, d1) -> (0)>
module attributes {stable_mosaic.version = 14 : i64} {
  func.func @kb(%arg0: i32, %arg1: i32, %arg2: memref<640x128xf32, #tpu.memory_space<hbm>>, %arg3: memref<81920xi32, #tpu.memory_space<hbm>>, %arg4: memref<81920x128xf32, #tpu.memory_space<hbm>>, %arg5: memref<256xi32, #tpu.memory_space<vmem>>, %arg6: memref<256x128xf32, #tpu.memory_space<vmem>>, %arg7: memref<!tpu.dma_semaphore, #tpu.memory_space<semaphore_mem>>) attributes {dimension_semantics = [#tpu.dimension_semantics<core_parallel>, #tpu.dimension_semantics<subcore_parallel>], iteration_bounds = array<i64: 2, 16>, scalar_prefetch = 0 : i64, scratch_operands = 3 : i64, tpu.core_type = #tpu.core_type<sc_vector_subcore>, window_params = [{transform_indices = #map}, {transform_indices = #map1}, {transform_indices = #map}]} {
    %mul3A = arith.constant 2 : i32
    %mul3A_0 = arith.muli %arg1, %mul3A : i32
    %add3A = arith.addi %mul3A_0, %arg0 : i32
    %mul3A_1 = arith.constant 2560 : i32
    %mul3A_2 = arith.muli %add3A, %mul3A_1 : i32
    %scan3A = arith.constant 0 : i32
    %scan3A_3 = arith.constant 0 : i32
    %scan3A_4 = arith.constant 10 : i32
    %scan3A_5 = arith.addi %scan3A_3, %scan3A_4 : i32
    %scan3A_6 = arith.constant 1 : i32
    scf.for %scan3A_8 = %scan3A_3 to %scan3A_5 step %scan3A_6  : i32 {
      %mul3A_9 = arith.constant 256 : i32
      %mul3A_10 = arith.muli %scan3A_8, %mul3A_9 : i32
      %add3A_11 = arith.addi %mul3A_2, %mul3A_10 : i32
      "tpu.region"() ({
        %run_scoped3A = tpu.sem_alloc : memref<!tpu.dma_semaphore, #tpu.memory_space<semaphore_mem>>
        %dma_start3A_16 = tpu.memref_slice %arg3[%add3A_11] : memref<81920xi32, #tpu.memory_space<hbm>> -> memref<256xi32, #tpu.memory_space<hbm>>
        %dma_start3A_17 = tpu.memref_slice %arg3[%add3A_11] : memref<81920xi32, #tpu.memory_space<hbm>> -> memref<256xi32, #tpu.memory_space<hbm>>
        tpu.enqueue_dma source(%dma_start3A_17 : memref<256xi32, #tpu.memory_space<hbm>>) target(%arg5 : memref<256xi32, #tpu.memory_space<vmem>>) target_semaphore(%run_scoped3A : memref<!tpu.dma_semaphore, #tpu.memory_space<semaphore_mem>>)
        %dma_wait3A_18 = tpu.memref_slice %arg3[%add3A_11] : memref<81920xi32, #tpu.memory_space<hbm>> -> memref<256xi32, #tpu.memory_space<hbm>>
        %dma_wait3A_19 = tpu.memref_slice %arg3[%add3A_11] : memref<81920xi32, #tpu.memory_space<hbm>> -> memref<256xi32, #tpu.memory_space<hbm>>
        tpu.wait_dma2 semaphore(%run_scoped3A : memref<!tpu.dma_semaphore, #tpu.memory_space<semaphore_mem>>) src(%dma_wait3A_19 : memref<256xi32, #tpu.memory_space<hbm>>) dst(%arg5 : memref<256xi32, #tpu.memory_space<vmem>>)
        tpu.yield
      }) : () -> ()
      %dma_start3A = arith.constant 0 : i32
      %dma_start3A_12 = arith.constant 0 : i32
      %dma_start3A_13 = tpu.memref_slice %arg2[%dma_start3A, %dma_start3A_12] : memref<640x128xf32, #tpu.memory_space<hbm>> -> memref<640x128xf32, #tpu.memory_space<hbm>>
      tpu.enqueue_indirect_dma source(%dma_start3A_13 : memref<640x128xf32, #tpu.memory_space<hbm>>) target(%arg6 : memref<256x128xf32, #tpu.memory_space<vmem>>) offsets(%arg5 : memref<256xi32, #tpu.memory_space<vmem>>) semaphore(%arg7 : memref<!tpu.dma_semaphore, #tpu.memory_space<semaphore_mem>>)
      %dma_wait3A = arith.constant 0 : i32
      %dma_wait3A_14 = arith.constant 0 : i32
      %dma_wait3A_15 = tpu.memref_slice %arg2[%dma_wait3A, %dma_wait3A_14] : memref<640x128xf32, #tpu.memory_space<hbm>> -> memref<640x128xf32, #tpu.memory_space<hbm>>
      tpu.wait_indirect_dma semaphore(%arg7 : memref<!tpu.dma_semaphore, #tpu.memory_space<semaphore_mem>>) src(%dma_wait3A_15 : memref<640x128xf32, #tpu.memory_space<hbm>>) dst(%arg6 : memref<256x128xf32, #tpu.memory_space<vmem>>)
      "tpu.region"() ({
        %run_scoped3A = tpu.sem_alloc : memref<!tpu.dma_semaphore, #tpu.memory_space<semaphore_mem>>
        %dma_start3A_16 = arith.constant 0 : i32
        %dma_start3A_17 = tpu.memref_slice %arg4[%add3A_11, %dma_start3A_16] : memref<81920x128xf32, #tpu.memory_space<hbm>> -> memref<256x128xf32, #tpu.memory_space<hbm>>
        %dma_start3A_18 = arith.constant 0 : i32
        %dma_start3A_19 = tpu.memref_slice %arg4[%add3A_11, %dma_start3A_18] : memref<81920x128xf32, #tpu.memory_space<hbm>> -> memref<256x128xf32, #tpu.memory_space<hbm>>
        tpu.enqueue_dma source(%arg6 : memref<256x128xf32, #tpu.memory_space<vmem>>) target(%dma_start3A_19 : memref<256x128xf32, #tpu.memory_space<hbm>>) target_semaphore(%run_scoped3A : memref<!tpu.dma_semaphore, #tpu.memory_space<semaphore_mem>>)
        %dma_wait3A_20 = arith.constant 0 : i32
        %dma_wait3A_21 = tpu.memref_slice %arg4[%add3A_11, %dma_wait3A_20] : memref<81920x128xf32, #tpu.memory_space<hbm>> -> memref<256x128xf32, #tpu.memory_space<hbm>>
        %dma_wait3A_22 = arith.constant 0 : i32
        %dma_wait3A_23 = tpu.memref_slice %arg4[%add3A_11, %dma_wait3A_22] : memref<81920x128xf32, #tpu.memory_space<hbm>> -> memref<256x128xf32, #tpu.memory_space<hbm>>
        tpu.wait_dma2 semaphore(%run_scoped3A : memref<!tpu.dma_semaphore, #tpu.memory_space<semaphore_mem>>) src(%arg6 : memref<256x128xf32, #tpu.memory_space<vmem>>) dst(%dma_wait3A_23 : memref<256x128xf32, #tpu.memory_space<hbm>>)
        tpu.yield
      }) : () -> ()
    }
    %scan3A_7 = arith.constant 10 : i32
    return
  }
}

#map = affine_map<(d0, d1) -> (0, 0)>
#map1 = affine_map<(d0, d1) -> (0)>
module attributes {stable_mosaic.version = 14 : i64} {
  func.func @kb(%arg0: i32, %arg1: i32, %arg2: memref<640x128xf32, #tpu.memory_space<hbm>>, %arg3: memref<81920xi32, #tpu.memory_space<hbm>>, %arg4: memref<81920x128xf32, #tpu.memory_space<hbm>>, %arg5: memref<256xi32, #tpu.memory_space<vmem>>, %arg6: memref<256x128xf32, #tpu.memory_space<vmem>>, %arg7: memref<!tpu.dma_semaphore, #tpu.memory_space<semaphore_mem>>) attributes {dimension_semantics = [#tpu.dimension_semantics<core_parallel>, #tpu.dimension_semantics<subcore_parallel>], iteration_bounds = array<i64: 2, 16>, scalar_prefetch = 0 : i64, scratch_operands = 3 : i64, tpu.core_type = #tpu.core_type<sc_vector_subcore>, window_params = [{transform_indices = #map}, {transform_indices = #map1}, {transform_indices = #map}]} {
    %mul3A = arith.constant 2 : i32
    %mul3A_0 = arith.muli %arg1, %mul3A : i32
    %add3A = arith.addi %mul3A_0, %arg0 : i32
    %mul3A_1 = arith.constant 2560 : i32
    %mul3A_2 = arith.muli %add3A, %mul3A_1 : i32
    %scan3A = arith.constant 0 : i32
    %scan3A_3 = arith.constant 0 : i32
    %scan3A_4 = arith.constant 10 : i32
    %scan3A_5 = arith.addi %scan3A_3, %scan3A_4 : i32
    %scan3A_6 = arith.constant 1 : i32
    scf.for %scan3A_8 = %scan3A_3 to %scan3A_5 step %scan3A_6  : i32 {
      %mul3A_9 = arith.constant 256 : i32
      %mul3A_10 = arith.muli %scan3A_8, %mul3A_9 : i32
      %add3A_11 = arith.addi %mul3A_2, %mul3A_10 : i32
      "tpu.region"() ({
        %run_scoped3A = tpu.sem_alloc : memref<!tpu.dma_semaphore, #tpu.memory_space<semaphore_mem>>
        %dma_start3A_16 = tpu.memref_slice %arg3[%add3A_11] : memref<81920xi32, #tpu.memory_space<hbm>> -> memref<256xi32, #tpu.memory_space<hbm>>
        %dma_start3A_17 = tpu.memref_slice %arg3[%add3A_11] : memref<81920xi32, #tpu.memory_space<hbm>> -> memref<256xi32, #tpu.memory_space<hbm>>
        tpu.enqueue_dma source(%dma_start3A_17 : memref<256xi32, #tpu.memory_space<hbm>>) target(%arg5 : memref<256xi32, #tpu.memory_space<vmem>>) target_semaphore(%run_scoped3A : memref<!tpu.dma_semaphore, #tpu.memory_space<semaphore_mem>>)
        %dma_wait3A_18 = tpu.memref_slice %arg3[%add3A_11] : memref<81920xi32, #tpu.memory_space<hbm>> -> memref<256xi32, #tpu.memory_space<hbm>>
        %dma_wait3A_19 = tpu.memref_slice %arg3[%add3A_11] : memref<81920xi32, #tpu.memory_space<hbm>> -> memref<256xi32, #tpu.memory_space<hbm>>
        tpu.wait_dma2 semaphore(%run_scoped3A : memref<!tpu.dma_semaphore, #tpu.memory_space<semaphore_mem>>) src(%dma_wait3A_19 : memref<256xi32, #tpu.memory_space<hbm>>) dst(%arg5 : memref<256xi32, #tpu.memory_space<vmem>>)
        tpu.yield
      }) : () -> ()
      %dma_start3A = arith.constant 0 : i32
      %dma_start3A_12 = arith.constant 0 : i32
      %dma_start3A_13 = tpu.memref_slice %arg2[%dma_start3A, %dma_start3A_12] : memref<640x128xf32, #tpu.memory_space<hbm>> -> memref<640x128xf32, #tpu.memory_space<hbm>>
      tpu.enqueue_indirect_dma source(%dma_start3A_13 : memref<640x128xf32, #tpu.memory_space<hbm>>) target(%arg6 : memref<256x128xf32, #tpu.memory_space<vmem>>) offsets(%arg5 : memref<256xi32, #tpu.memory_space<vmem>>) semaphore(%arg7 : memref<!tpu.dma_semaphore, #tpu.memory_space<semaphore_mem>>)
      %dma_wait3A = arith.constant 0 : i32
      %dma_wait3A_14 = arith.constant 0 : i32
      %dma_wait3A_15 = tpu.memref_slice %arg2[%dma_wait3A, %dma_wait3A_14] : memref<640x128xf32, #tpu.memory_space<hbm>> -> memref<640x128xf32, #tpu.memory_space<hbm>>
      tpu.wait_indirect_dma semaphore(%arg7 : memref<!tpu.dma_semaphore, #tpu.memory_space<semaphore_mem>>) src(%dma_wait3A_15 : memref<640x128xf32, #tpu.memory_space<hbm>>) dst(%arg6 : memref<256x128xf32, #tpu.memory_space<vmem>>)
      "tpu.region"() ({
        %run_scoped3A = tpu.sem_alloc : memref<!tpu.dma_semaphore, #tpu.memory_space<semaphore_mem>>
        %dma_start3A_16 = arith.constant 0 : i32
        %dma_start3A_17 = tpu.memref_slice %arg4[%add3A_11, %dma_start3A_16] : memref<81920x128xf32, #tpu.memory_space<hbm>> -> memref<256x128xf32, #tpu.memory_space<hbm>>
        %dma_start3A_18 = arith.constant 0 : i32
        %dma_start3A_19 = tpu.memref_slice %arg4[%add3A_11, %dma_start3A_18] : memref<81920x128xf32, #tpu.memory_space<hbm>> -> memref<256x128xf32, #tpu.memory_space<hbm>>
        tpu.enqueue_dma source(%arg6 : memref<256x128xf32, #tpu.memory_space<vmem>>) target(%dma_start3A_19 : memref<256x128xf32, #tpu.memory_space<hbm>>) target_semaphore(%run_scoped3A : memref<!tpu.dma_semaphore, #tpu.memory_space<semaphore_mem>>)
        %dma_wait3A_20 = arith.constant 0 : i32
        %dma_wait3A_21 = tpu.memref_slice %arg4[%add3A_11, %dma_wait3A_20] : memref<81920x128xf32, #tpu.memory_space<hbm>> -> memref<256x128xf32, #tpu.memory_space<hbm>>
        %dma_wait3A_22 = arith.constant 0 : i32
        %dma_wait3A_23 = tpu.memref_slice %arg4[%add3A_11, %dma_wait3A_22] : memref<81920x128xf32, #tpu.memory_space<hbm>> -> memref<256x128xf32, #tpu.memory_space<hbm>>
        tpu.wait_dma2 semaphore(%run_scoped3A : memref<!tpu.dma_semaphore, #tpu.memory_space<semaphore_mem>>) src(%arg6 : memref<256x128xf32, #tpu.memory_space<vmem>>) dst(%dma_wait3A_23 : memref<256x128xf32, #tpu.memory_space<hbm>>)
        tpu.yield
      }) : () -> ()
    }
    %scan3A_7 = arith.constant 10 : i32
    return
  }
}

#map = affine_map<(d0, d1) -> (0, 0)>
#map1 = affine_map<(d0, d1) -> (0)>
module attributes {stable_mosaic.version = 14 : i64} {
  func.func @kd(%arg0: i32, %arg1: i32, %arg2: memref<10240x256xf32, #tpu.memory_space<hbm>>, %arg3: memref<10240x128xf32, #tpu.memory_space<hbm>>, %arg4: memref<81920xi32, #tpu.memory_space<hbm>>, %arg5: memref<81920x256xf32, #tpu.memory_space<hbm>>, %arg6: memref<81920x128xf32, #tpu.memory_space<hbm>>, %arg7: memref<256xi32, #tpu.memory_space<vmem>>, %arg8: memref<256x256xf32, #tpu.memory_space<vmem>>, %arg9: memref<256x128xf32, #tpu.memory_space<vmem>>, %arg10: memref<!tpu.dma_semaphore, #tpu.memory_space<semaphore_mem>>) attributes {dimension_semantics = [#tpu.dimension_semantics<core_parallel>, #tpu.dimension_semantics<subcore_parallel>], iteration_bounds = array<i64: 2, 16>, scalar_prefetch = 0 : i64, scratch_operands = 4 : i64, tpu.core_type = #tpu.core_type<sc_vector_subcore>, window_params = [{transform_indices = #map}, {transform_indices = #map}, {transform_indices = #map1}, {transform_indices = #map}, {transform_indices = #map}]} {
    %mul3A = arith.constant 2 : i32
    %mul3A_0 = arith.muli %arg1, %mul3A : i32
    %add3A = arith.addi %mul3A_0, %arg0 : i32
    %mul3A_1 = arith.constant 2560 : i32
    %mul3A_2 = arith.muli %add3A, %mul3A_1 : i32
    %scan3A = arith.constant 0 : i32
    %scan3A_3 = arith.constant 0 : i32
    %scan3A_4 = arith.constant 10 : i32
    %scan3A_5 = arith.addi %scan3A_3, %scan3A_4 : i32
    %scan3A_6 = arith.constant 1 : i32
    scf.for %scan3A_8 = %scan3A_3 to %scan3A_5 step %scan3A_6  : i32 {
      %mul3A_9 = arith.constant 256 : i32
      %mul3A_10 = arith.muli %scan3A_8, %mul3A_9 : i32
      %add3A_11 = arith.addi %mul3A_2, %mul3A_10 : i32
      "tpu.region"() ({
        %run_scoped3A = tpu.sem_alloc : memref<!tpu.dma_semaphore, #tpu.memory_space<semaphore_mem>>
        %dma_start3A_22 = tpu.memref_slice %arg4[%add3A_11] : memref<81920xi32, #tpu.memory_space<hbm>> -> memref<256xi32, #tpu.memory_space<hbm>>
        %dma_start3A_23 = tpu.memref_slice %arg4[%add3A_11] : memref<81920xi32, #tpu.memory_space<hbm>> -> memref<256xi32, #tpu.memory_space<hbm>>
        tpu.enqueue_dma source(%dma_start3A_23 : memref<256xi32, #tpu.memory_space<hbm>>) target(%arg7 : memref<256xi32, #tpu.memory_space<vmem>>) target_semaphore(%run_scoped3A : memref<!tpu.dma_semaphore, #tpu.memory_space<semaphore_mem>>)
        %dma_wait3A_24 = tpu.memref_slice %arg4[%add3A_11] : memref<81920xi32, #tpu.memory_space<hbm>> -> memref<256xi32, #tpu.memory_space<hbm>>
        %dma_wait3A_25 = tpu.memref_slice %arg4[%add3A_11] : memref<81920xi32, #tpu.memory_space<hbm>> -> memref<256xi32, #tpu.memory_space<hbm>>
        tpu.wait_dma2 semaphore(%run_scoped3A : memref<!tpu.dma_semaphore, #tpu.memory_space<semaphore_mem>>) src(%dma_wait3A_25 : memref<256xi32, #tpu.memory_space<hbm>>) dst(%arg7 : memref<256xi32, #tpu.memory_space<vmem>>)
        tpu.yield
      }) : () -> ()
      %dma_start3A = arith.constant 0 : i32
      %dma_start3A_12 = arith.constant 0 : i32
      %dma_start3A_13 = tpu.memref_slice %arg2[%dma_start3A, %dma_start3A_12] : memref<10240x256xf32, #tpu.memory_space<hbm>> -> memref<10240x256xf32, #tpu.memory_space<hbm>>
      tpu.enqueue_indirect_dma source(%dma_start3A_13 : memref<10240x256xf32, #tpu.memory_space<hbm>>) target(%arg8 : memref<256x256xf32, #tpu.memory_space<vmem>>) offsets(%arg7 : memref<256xi32, #tpu.memory_space<vmem>>) semaphore(%arg10 : memref<!tpu.dma_semaphore, #tpu.memory_space<semaphore_mem>>)
      %dma_start3A_14 = arith.constant 0 : i32
      %dma_start3A_15 = arith.constant 0 : i32
      %dma_start3A_16 = tpu.memref_slice %arg3[%dma_start3A_14, %dma_start3A_15] : memref<10240x128xf32, #tpu.memory_space<hbm>> -> memref<10240x128xf32, #tpu.memory_space<hbm>>
      tpu.enqueue_indirect_dma source(%dma_start3A_16 : memref<10240x128xf32, #tpu.memory_space<hbm>>) target(%arg9 : memref<256x128xf32, #tpu.memory_space<vmem>>) offsets(%arg7 : memref<256xi32, #tpu.memory_space<vmem>>) semaphore(%arg10 : memref<!tpu.dma_semaphore, #tpu.memory_space<semaphore_mem>>)
      %dma_wait3A = arith.constant 0 : i32
      %dma_wait3A_17 = arith.constant 0 : i32
      %dma_wait3A_18 = tpu.memref_slice %arg2[%dma_wait3A, %dma_wait3A_17] : memref<10240x256xf32, #tpu.memory_space<hbm>> -> memref<10240x256xf32, #tpu.memory_space<hbm>>
      tpu.wait_indirect_dma semaphore(%arg10 : memref<!tpu.dma_semaphore, #tpu.memory_space<semaphore_mem>>) src(%dma_wait3A_18 : memref<10240x256xf32, #tpu.memory_space<hbm>>) dst(%arg8 : memref<256x256xf32, #tpu.memory_space<vmem>>)
      %dma_wait3A_19 = arith.constant 0 : i32
      %dma_wait3A_20 = arith.constant 0 : i32
      %dma_wait3A_21 = tpu.memref_slice %arg3[%dma_wait3A_19, %dma_wait3A_20] : memref<10240x128xf32, #tpu.memory_space<hbm>> -> memref<10240x128xf32, #tpu.memory_space<hbm>>
      tpu.wait_indirect_dma semaphore(%arg10 : memref<!tpu.dma_semaphore, #tpu.memory_space<semaphore_mem>>) src(%dma_wait3A_21 : memref<10240x128xf32, #tpu.memory_space<hbm>>) dst(%arg9 : memref<256x128xf32, #tpu.memory_space<vmem>>)
      "tpu.region"() ({
        %run_scoped3A = tpu.sem_alloc : memref<!tpu.dma_semaphore, #tpu.memory_space<semaphore_mem>>
        %dma_start3A_22 = arith.constant 0 : i32
        %dma_start3A_23 = tpu.memref_slice %arg5[%add3A_11, %dma_start3A_22] : memref<81920x256xf32, #tpu.memory_space<hbm>> -> memref<256x256xf32, #tpu.memory_space<hbm>>
        %dma_start3A_24 = arith.constant 0 : i32
        %dma_start3A_25 = tpu.memref_slice %arg5[%add3A_11, %dma_start3A_24] : memref<81920x256xf32, #tpu.memory_space<hbm>> -> memref<256x256xf32, #tpu.memory_space<hbm>>
        tpu.enqueue_dma source(%arg8 : memref<256x256xf32, #tpu.memory_space<vmem>>) target(%dma_start3A_25 : memref<256x256xf32, #tpu.memory_space<hbm>>) target_semaphore(%run_scoped3A : memref<!tpu.dma_semaphore, #tpu.memory_space<semaphore_mem>>)
        %dma_wait3A_26 = arith.constant 0 : i32
        %dma_wait3A_27 = tpu.memref_slice %arg5[%add3A_11, %dma_wait3A_26] : memref<81920x256xf32, #tpu.memory_space<hbm>> -> memref<256x256xf32, #tpu.memory_space<hbm>>
        %dma_wait3A_28 = arith.constant 0 : i32
        %dma_wait3A_29 = tpu.memref_slice %arg5[%add3A_11, %dma_wait3A_28] : memref<81920x256xf32, #tpu.memory_space<hbm>> -> memref<256x256xf32, #tpu.memory_space<hbm>>
        tpu.wait_dma2 semaphore(%run_scoped3A : memref<!tpu.dma_semaphore, #tpu.memory_space<semaphore_mem>>) src(%arg8 : memref<256x256xf32, #tpu.memory_space<vmem>>) dst(%dma_wait3A_29 : memref<256x256xf32, #tpu.memory_space<hbm>>)
        tpu.yield
      }) : () -> ()
      "tpu.region"() ({
        %run_scoped3A = tpu.sem_alloc : memref<!tpu.dma_semaphore, #tpu.memory_space<semaphore_mem>>
        %dma_start3A_22 = arith.constant 0 : i32
        %dma_start3A_23 = tpu.memref_slice %arg6[%add3A_11, %dma_start3A_22] : memref<81920x128xf32, #tpu.memory_space<hbm>> -> memref<256x128xf32, #tpu.memory_space<hbm>>
        %dma_start3A_24 = arith.constant 0 : i32
        %dma_start3A_25 = tpu.memref_slice %arg6[%add3A_11, %dma_start3A_24] : memref<81920x128xf32, #tpu.memory_space<hbm>> -> memref<256x128xf32, #tpu.memory_space<hbm>>
        tpu.enqueue_dma source(%arg9 : memref<256x128xf32, #tpu.memory_space<vmem>>) target(%dma_start3A_25 : memref<256x128xf32, #tpu.memory_space<hbm>>) target_semaphore(%run_scoped3A : memref<!tpu.dma_semaphore, #tpu.memory_space<semaphore_mem>>)
        %dma_wait3A_26 = arith.constant 0 : i32
        %dma_wait3A_27 = tpu.memref_slice %arg6[%add3A_11, %dma_wait3A_26] : memref<81920x128xf32, #tpu.memory_space<hbm>> -> memref<256x128xf32, #tpu.memory_space<hbm>>
        %dma_wait3A_28 = arith.constant 0 : i32
        %dma_wait3A_29 = tpu.memref_slice %arg6[%add3A_11, %dma_wait3A_28] : memref<81920x128xf32, #tpu.memory_space<hbm>> -> memref<256x128xf32, #tpu.memory_space<hbm>>
        tpu.wait_dma2 semaphore(%run_scoped3A : memref<!tpu.dma_semaphore, #tpu.memory_space<semaphore_mem>>) src(%arg9 : memref<256x128xf32, #tpu.memory_space<vmem>>) dst(%dma_wait3A_29 : memref<256x128xf32, #tpu.memory_space<hbm>>)
        tpu.yield
      }) : () -> ()
    }
    %scan3A_7 = arith.constant 10 : i32
    return
  }
}

#map = affine_map<(d0, d1) -> (0, 0)>
#map1 = affine_map<(d0, d1) -> (0)>
module attributes {stable_mosaic.version = 14 : i64} {
  func.func @kd(%arg0: i32, %arg1: i32, %arg2: memref<10240x256xf32, #tpu.memory_space<hbm>>, %arg3: memref<10240x128xf32, #tpu.memory_space<hbm>>, %arg4: memref<81920xi32, #tpu.memory_space<hbm>>, %arg5: memref<81920x256xf32, #tpu.memory_space<hbm>>, %arg6: memref<81920x128xf32, #tpu.memory_space<hbm>>, %arg7: memref<256xi32, #tpu.memory_space<vmem>>, %arg8: memref<256x256xf32, #tpu.memory_space<vmem>>, %arg9: memref<256x128xf32, #tpu.memory_space<vmem>>, %arg10: memref<!tpu.dma_semaphore, #tpu.memory_space<semaphore_mem>>) attributes {dimension_semantics = [#tpu.dimension_semantics<core_parallel>, #tpu.dimension_semantics<subcore_parallel>], iteration_bounds = array<i64: 2, 16>, scalar_prefetch = 0 : i64, scratch_operands = 4 : i64, tpu.core_type = #tpu.core_type<sc_vector_subcore>, window_params = [{transform_indices = #map}, {transform_indices = #map}, {transform_indices = #map1}, {transform_indices = #map}, {transform_indices = #map}]} {
    %mul3A = arith.constant 2 : i32
    %mul3A_0 = arith.muli %arg1, %mul3A : i32
    %add3A = arith.addi %mul3A_0, %arg0 : i32
    %mul3A_1 = arith.constant 2560 : i32
    %mul3A_2 = arith.muli %add3A, %mul3A_1 : i32
    %scan3A = arith.constant 0 : i32
    %scan3A_3 = arith.constant 0 : i32
    %scan3A_4 = arith.constant 10 : i32
    %scan3A_5 = arith.addi %scan3A_3, %scan3A_4 : i32
    %scan3A_6 = arith.constant 1 : i32
    scf.for %scan3A_8 = %scan3A_3 to %scan3A_5 step %scan3A_6  : i32 {
      %mul3A_9 = arith.constant 256 : i32
      %mul3A_10 = arith.muli %scan3A_8, %mul3A_9 : i32
      %add3A_11 = arith.addi %mul3A_2, %mul3A_10 : i32
      "tpu.region"() ({
        %run_scoped3A = tpu.sem_alloc : memref<!tpu.dma_semaphore, #tpu.memory_space<semaphore_mem>>
        %dma_start3A_22 = tpu.memref_slice %arg4[%add3A_11] : memref<81920xi32, #tpu.memory_space<hbm>> -> memref<256xi32, #tpu.memory_space<hbm>>
        %dma_start3A_23 = tpu.memref_slice %arg4[%add3A_11] : memref<81920xi32, #tpu.memory_space<hbm>> -> memref<256xi32, #tpu.memory_space<hbm>>
        tpu.enqueue_dma source(%dma_start3A_23 : memref<256xi32, #tpu.memory_space<hbm>>) target(%arg7 : memref<256xi32, #tpu.memory_space<vmem>>) target_semaphore(%run_scoped3A : memref<!tpu.dma_semaphore, #tpu.memory_space<semaphore_mem>>)
        %dma_wait3A_24 = tpu.memref_slice %arg4[%add3A_11] : memref<81920xi32, #tpu.memory_space<hbm>> -> memref<256xi32, #tpu.memory_space<hbm>>
        %dma_wait3A_25 = tpu.memref_slice %arg4[%add3A_11] : memref<81920xi32, #tpu.memory_space<hbm>> -> memref<256xi32, #tpu.memory_space<hbm>>
        tpu.wait_dma2 semaphore(%run_scoped3A : memref<!tpu.dma_semaphore, #tpu.memory_space<semaphore_mem>>) src(%dma_wait3A_25 : memref<256xi32, #tpu.memory_space<hbm>>) dst(%arg7 : memref<256xi32, #tpu.memory_space<vmem>>)
        tpu.yield
      }) : () -> ()
      %dma_start3A = arith.constant 0 : i32
      %dma_start3A_12 = arith.constant 0 : i32
      %dma_start3A_13 = tpu.memref_slice %arg2[%dma_start3A, %dma_start3A_12] : memref<10240x256xf32, #tpu.memory_space<hbm>> -> memref<10240x256xf32, #tpu.memory_space<hbm>>
      tpu.enqueue_indirect_dma source(%dma_start3A_13 : memref<10240x256xf32, #tpu.memory_space<hbm>>) target(%arg8 : memref<256x256xf32, #tpu.memory_space<vmem>>) offsets(%arg7 : memref<256xi32, #tpu.memory_space<vmem>>) semaphore(%arg10 : memref<!tpu.dma_semaphore, #tpu.memory_space<semaphore_mem>>)
      %dma_start3A_14 = arith.constant 0 : i32
      %dma_start3A_15 = arith.constant 0 : i32
      %dma_start3A_16 = tpu.memref_slice %arg3[%dma_start3A_14, %dma_start3A_15] : memref<10240x128xf32, #tpu.memory_space<hbm>> -> memref<10240x128xf32, #tpu.memory_space<hbm>>
      tpu.enqueue_indirect_dma source(%dma_start3A_16 : memref<10240x128xf32, #tpu.memory_space<hbm>>) target(%arg9 : memref<256x128xf32, #tpu.memory_space<vmem>>) offsets(%arg7 : memref<256xi32, #tpu.memory_space<vmem>>) semaphore(%arg10 : memref<!tpu.dma_semaphore, #tpu.memory_space<semaphore_mem>>)
      %dma_wait3A = arith.constant 0 : i32
      %dma_wait3A_17 = arith.constant 0 : i32
      %dma_wait3A_18 = tpu.memref_slice %arg2[%dma_wait3A, %dma_wait3A_17] : memref<10240x256xf32, #tpu.memory_space<hbm>> -> memref<10240x256xf32, #tpu.memory_space<hbm>>
      tpu.wait_indirect_dma semaphore(%arg10 : memref<!tpu.dma_semaphore, #tpu.memory_space<semaphore_mem>>) src(%dma_wait3A_18 : memref<10240x256xf32, #tpu.memory_space<hbm>>) dst(%arg8 : memref<256x256xf32, #tpu.memory_space<vmem>>)
      %dma_wait3A_19 = arith.constant 0 : i32
      %dma_wait3A_20 = arith.constant 0 : i32
      %dma_wait3A_21 = tpu.memref_slice %arg3[%dma_wait3A_19, %dma_wait3A_20] : memref<10240x128xf32, #tpu.memory_space<hbm>> -> memref<10240x128xf32, #tpu.memory_space<hbm>>
      tpu.wait_indirect_dma semaphore(%arg10 : memref<!tpu.dma_semaphore, #tpu.memory_space<semaphore_mem>>) src(%dma_wait3A_21 : memref<10240x128xf32, #tpu.memory_space<hbm>>) dst(%arg9 : memref<256x128xf32, #tpu.memory_space<vmem>>)
      "tpu.region"() ({
        %run_scoped3A = tpu.sem_alloc : memref<!tpu.dma_semaphore, #tpu.memory_space<semaphore_mem>>
        %dma_start3A_22 = arith.constant 0 : i32
        %dma_start3A_23 = tpu.memref_slice %arg5[%add3A_11, %dma_start3A_22] : memref<81920x256xf32, #tpu.memory_space<hbm>> -> memref<256x256xf32, #tpu.memory_space<hbm>>
        %dma_start3A_24 = arith.constant 0 : i32
        %dma_start3A_25 = tpu.memref_slice %arg5[%add3A_11, %dma_start3A_24] : memref<81920x256xf32, #tpu.memory_space<hbm>> -> memref<256x256xf32, #tpu.memory_space<hbm>>
        tpu.enqueue_dma source(%arg8 : memref<256x256xf32, #tpu.memory_space<vmem>>) target(%dma_start3A_25 : memref<256x256xf32, #tpu.memory_space<hbm>>) target_semaphore(%run_scoped3A : memref<!tpu.dma_semaphore, #tpu.memory_space<semaphore_mem>>)
        %dma_wait3A_26 = arith.constant 0 : i32
        %dma_wait3A_27 = tpu.memref_slice %arg5[%add3A_11, %dma_wait3A_26] : memref<81920x256xf32, #tpu.memory_space<hbm>> -> memref<256x256xf32, #tpu.memory_space<hbm>>
        %dma_wait3A_28 = arith.constant 0 : i32
        %dma_wait3A_29 = tpu.memref_slice %arg5[%add3A_11, %dma_wait3A_28] : memref<81920x256xf32, #tpu.memory_space<hbm>> -> memref<256x256xf32, #tpu.memory_space<hbm>>
        tpu.wait_dma2 semaphore(%run_scoped3A : memref<!tpu.dma_semaphore, #tpu.memory_space<semaphore_mem>>) src(%arg8 : memref<256x256xf32, #tpu.memory_space<vmem>>) dst(%dma_wait3A_29 : memref<256x256xf32, #tpu.memory_space<hbm>>)
        tpu.yield
      }) : () -> ()
      "tpu.region"() ({
        %run_scoped3A = tpu.sem_alloc : memref<!tpu.dma_semaphore, #tpu.memory_space<semaphore_mem>>
        %dma_start3A_22 = arith.constant 0 : i32
        %dma_start3A_23 = tpu.memref_slice %arg6[%add3A_11, %dma_start3A_22] : memref<81920x128xf32, #tpu.memory_space<hbm>> -> memref<256x128xf32, #tpu.memory_space<hbm>>
        %dma_start3A_24 = arith.constant 0 : i32
        %dma_start3A_25 = tpu.memref_slice %arg6[%add3A_11, %dma_start3A_24] : memref<81920x128xf32, #tpu.memory_space<hbm>> -> memref<256x128xf32, #tpu.memory_space<hbm>>
        tpu.enqueue_dma source(%arg9 : memref<256x128xf32, #tpu.memory_space<vmem>>) target(%dma_start3A_25 : memref<256x128xf32, #tpu.memory_space<hbm>>) target_semaphore(%run_scoped3A : memref<!tpu.dma_semaphore, #tpu.memory_space<semaphore_mem>>)
        %dma_wait3A_26 = arith.constant 0 : i32
        %dma_wait3A_27 = tpu.memref_slice %arg6[%add3A_11, %dma_wait3A_26] : memref<81920x128xf32, #tpu.memory_space<hbm>> -> memref<256x128xf32, #tpu.memory_space<hbm>>
        %dma_wait3A_28 = arith.constant 0 : i32
        %dma_wait3A_29 = tpu.memref_slice %arg6[%add3A_11, %dma_wait3A_28] : memref<81920x128xf32, #tpu.memory_space<hbm>> -> memref<256x128xf32, #tpu.memory_space<hbm>>
        tpu.wait_dma2 semaphore(%run_scoped3A : memref<!tpu.dma_semaphore, #tpu.memory_space<semaphore_mem>>) src(%arg9 : memref<256x128xf32, #tpu.memory_space<vmem>>) dst(%dma_wait3A_29 : memref<256x128xf32, #tpu.memory_space<hbm>>)
        tpu.yield
      }) : () -> ()
    }
    %scan3A_7 = arith.constant 10 : i32
    return
  }
}

module attributes {stable_mosaic.version = 14 : i64} {
  func.func @_kad_body(%arg0: i32, %arg1: memref<128x8xf32, #tpu.memory_space<vmem>>, %arg2: memref<8x10240xf32, #tpu.memory_space<vmem>>, %arg3: memref<1x10240xf32, #tpu.memory_space<vmem>>, %arg4: memref<128x16xi32, #tpu.memory_space<vmem>>) attributes {dimension_semantics = [#tpu.dimension_semantics<arbitrary>], iteration_bounds = array<i64: 40>, scalar_prefetch = 0 : i64, scratch_operands = 0 : i64, tpu.core_type = #tpu.core_type<tc>, window_params = [{transform_indices = @transform_0, window_bounds = array<i64: 128, 8>}, {pipeline_mode = #tpu.pipeline_mode<synchronous>, transform_indices = @transform_1, window_bounds = array<i64: 8, 10240>}, {pipeline_mode = #tpu.pipeline_mode<synchronous>, transform_indices = @transform_2, window_bounds = array<i64: 1, 10240>}, {transform_indices = @transform_3, window_bounds = array<i64: 128, 16>}]} {
    %get3A = arith.constant 0 : index
    %get3A_0 = arith.constant 0 : index
    %get3A_1 = vector.load %arg1[%get3A, %get3A_0] : memref<128x8xf32, #tpu.memory_space<vmem>>, vector<128x8xf32>
    %convert_element_type3A = arith.truncf %get3A_1 : vector<128x8xf32> to vector<128x8xbf16>
    %get3A_2 = arith.constant 0 : index
    %get3A_3 = arith.constant 0 : index
    %get3A_4 = vector.load %arg2[%get3A_2, %get3A_3] : memref<8x10240xf32, #tpu.memory_space<vmem>>, vector<8x10240xf32>
    %convert_element_type3A_5 = arith.truncf %get3A_4 : vector<8x10240xf32> to vector<8x10240xbf16>
    %dot_general3A = arith.constant dense<0.000000e+00> : vector<128x10240xf32>
    %dot_general3A_6 = tpu.matmul %convert_element_type3A, %convert_element_type3A_5, %dot_general3A {dimension_numbers = #tpu.dot_dimension_numbers<[1], [0], [0], [1], [0, 0, 1, 1], [], []>, transpose_lhs_hint = false} : vector<128x8xbf16>, vector<8x10240xbf16>, vector<128x10240xf32> -> vector<128x10240xf32>
    %get3A_7 = arith.constant 0 : index
    %get3A_8 = arith.constant 0 : index
    %get3A_9 = vector.load %arg3[%get3A_7, %get3A_8] : memref<1x10240xf32, #tpu.memory_space<vmem>>, vector<1x10240xf32>
    %slice3A = vector.extract_strided_slice %get3A_9 {offsets = [0, 0], sizes = [1, 640], strides = [1, 1]} : vector<1x10240xf32> to vector<1x640xf32>
    %slice3A_10 = vector.extract_strided_slice %dot_general3A_6 {offsets = [0, 0], sizes = [128, 640], strides = [1, 1]} : vector<128x10240xf32> to vector<128x640xf32>
    %add3A = vector.broadcast %slice3A : vector<1x640xf32> to vector<128x640xf32>
    %add3A_11 = arith.addf %add3A, %slice3A_10 : vector<128x640xf32>
    %slice3A_12 = vector.extract_strided_slice %get3A_9 {offsets = [0, 640], sizes = [1, 640], strides = [1, 1]} : vector<1x10240xf32> to vector<1x640xf32>
    %slice3A_13 = vector.extract_strided_slice %dot_general3A_6 {offsets = [0, 640], sizes = [128, 640], strides = [1, 1]} : vector<128x10240xf32> to vector<128x640xf32>
    %add3A_14 = vector.broadcast %slice3A_12 : vector<1x640xf32> to vector<128x640xf32>
    %add3A_15 = arith.addf %add3A_14, %slice3A_13 : vector<128x640xf32>
    %min3A = arith.minimumf %add3A_11, %add3A_15 : vector<128x640xf32>
    %slice3A_16 = vector.extract_strided_slice %get3A_9 {offsets = [0, 1280], sizes = [1, 640], strides = [1, 1]} : vector<1x10240xf32> to vector<1x640xf32>
    %slice3A_17 = vector.extract_strided_slice %dot_general3A_6 {offsets = [0, 1280], sizes = [128, 640], strides = [1, 1]} : vector<128x10240xf32> to vector<128x640xf32>
    %add3A_18 = vector.broadcast %slice3A_16 : vector<1x640xf32> to vector<128x640xf32>
    %add3A_19 = arith.addf %add3A_18, %slice3A_17 : vector<128x640xf32>
    %min3A_20 = arith.minimumf %min3A, %add3A_19 : vector<128x640xf32>
    %slice3A_21 = vector.extract_strided_slice %get3A_9 {offsets = [0, 1920], sizes = [1, 640], strides = [1, 1]} : vector<1x10240xf32> to vector<1x640xf32>
    %slice3A_22 = vector.extract_strided_slice %dot_general3A_6 {offsets = [0, 1920], sizes = [128, 640], strides = [1, 1]} : vector<128x10240xf32> to vector<128x640xf32>
    %add3A_23 = vector.broadcast %slice3A_21 : vector<1x640xf32> to vector<128x640xf32>
    %add3A_24 = arith.addf %add3A_23, %slice3A_22 : vector<128x640xf32>
    %min3A_25 = arith.minimumf %min3A_20, %add3A_24 : vector<128x640xf32>
    %slice3A_26 = vector.extract_strided_slice %get3A_9 {offsets = [0, 2560], sizes = [1, 640], strides = [1, 1]} : vector<1x10240xf32> to vector<1x640xf32>
    %slice3A_27 = vector.extract_strided_slice %dot_general3A_6 {offsets = [0, 2560], sizes = [128, 640], strides = [1, 1]} : vector<128x10240xf32> to vector<128x640xf32>
    %add3A_28 = vector.broadcast %slice3A_26 : vector<1x640xf32> to vector<128x640xf32>
    %add3A_29 = arith.addf %add3A_28, %slice3A_27 : vector<128x640xf32>
    %min3A_30 = arith.minimumf %min3A_25, %add3A_29 : vector<128x640xf32>
    %slice3A_31 = vector.extract_strided_slice %get3A_9 {offsets = [0, 3200], sizes = [1, 640], strides = [1, 1]} : vector<1x10240xf32> to vector<1x640xf32>
    %slice3A_32 = vector.extract_strided_slice %dot_general3A_6 {offsets = [0, 3200], sizes = [128, 640], strides = [1, 1]} : vector<128x10240xf32> to vector<128x640xf32>
    %add3A_33 = vector.broadcast %slice3A_31 : vector<1x640xf32> to vector<128x640xf32>
    %add3A_34 = arith.addf %add3A_33, %slice3A_32 : vector<128x640xf32>
    %min3A_35 = arith.minimumf %min3A_30, %add3A_34 : vector<128x640xf32>
    %slice3A_36 = vector.extract_strided_slice %get3A_9 {offsets = [0, 3840], sizes = [1, 640], strides = [1, 1]} : vector<1x10240xf32> to vector<1x640xf32>
    %slice3A_37 = vector.extract_strided_slice %dot_general3A_6 {offsets = [0, 3840], sizes = [128, 640], strides = [1, 1]} : vector<128x10240xf32> to vector<128x640xf32>
    %add3A_38 = vector.broadcast %slice3A_36 : vector<1x640xf32> to vector<128x640xf32>
    %add3A_39 = arith.addf %add3A_38, %slice3A_37 : vector<128x640xf32>
    %min3A_40 = arith.minimumf %min3A_35, %add3A_39 : vector<128x640xf32>
    %slice3A_41 = vector.extract_strided_slice %get3A_9 {offsets = [0, 4480], sizes = [1, 640], strides = [1, 1]} : vector<1x10240xf32> to vector<1x640xf32>
    %slice3A_42 = vector.extract_strided_slice %dot_general3A_6 {offsets = [0, 4480], sizes = [128, 640], strides = [1, 1]} : vector<128x10240xf32> to vector<128x640xf32>
    %add3A_43 = vector.broadcast %slice3A_41 : vector<1x640xf32> to vector<128x640xf32>
    %add3A_44 = arith.addf %add3A_43, %slice3A_42 : vector<128x640xf32>
    %min3A_45 = arith.minimumf %min3A_40, %add3A_44 : vector<128x640xf32>
    %slice3A_46 = vector.extract_strided_slice %get3A_9 {offsets = [0, 5120], sizes = [1, 640], strides = [1, 1]} : vector<1x10240xf32> to vector<1x640xf32>
    %slice3A_47 = vector.extract_strided_slice %dot_general3A_6 {offsets = [0, 5120], sizes = [128, 640], strides = [1, 1]} : vector<128x10240xf32> to vector<128x640xf32>
    %add3A_48 = vector.broadcast %slice3A_46 : vector<1x640xf32> to vector<128x640xf32>
    %add3A_49 = arith.addf %add3A_48, %slice3A_47 : vector<128x640xf32>
    %min3A_50 = arith.minimumf %min3A_45, %add3A_49 : vector<128x640xf32>
    %slice3A_51 = vector.extract_strided_slice %get3A_9 {offsets = [0, 5760], sizes = [1, 640], strides = [1, 1]} : vector<1x10240xf32> to vector<1x640xf32>
    %slice3A_52 = vector.extract_strided_slice %dot_general3A_6 {offsets = [0, 5760], sizes = [128, 640], strides = [1, 1]} : vector<128x10240xf32> to vector<128x640xf32>
    %add3A_53 = vector.broadcast %slice3A_51 : vector<1x640xf32> to vector<128x640xf32>
    %add3A_54 = arith.addf %add3A_53, %slice3A_52 : vector<128x640xf32>
    %min3A_55 = arith.minimumf %min3A_50, %add3A_54 : vector<128x640xf32>
    %slice3A_56 = vector.extract_strided_slice %get3A_9 {offsets = [0, 6400], sizes = [1, 640], strides = [1, 1]} : vector<1x10240xf32> to vector<1x640xf32>
    %slice3A_57 = vector.extract_strided_slice %dot_general3A_6 {offsets = [0, 6400], sizes = [128, 640], strides = [1, 1]} : vector<128x10240xf32> to vector<128x640xf32>
    %add3A_58 = vector.broadcast %slice3A_56 : vector<1x640xf32> to vector<128x640xf32>
    %add3A_59 = arith.addf %add3A_58, %slice3A_57 : vector<128x640xf32>
    %min3A_60 = arith.minimumf %min3A_55, %add3A_59 : vector<128x640xf32>
    %slice3A_61 = vector.extract_strided_slice %get3A_9 {offsets = [0, 7040], sizes = [1, 640], strides = [1, 1]} : vector<1x10240xf32> to vector<1x640xf32>
    %slice3A_62 = vector.extract_strided_slice %dot_general3A_6 {offsets = [0, 7040], sizes = [128, 640], strides = [1, 1]} : vector<128x10240xf32> to vector<128x640xf32>
    %add3A_63 = vector.broadcast %slice3A_61 : vector<1x640xf32> to vector<128x640xf32>
    %add3A_64 = arith.addf %add3A_63, %slice3A_62 : vector<128x640xf32>
    %min3A_65 = arith.minimumf %min3A_60, %add3A_64 : vector<128x640xf32>
    %slice3A_66 = vector.extract_strided_slice %get3A_9 {offsets = [0, 7680], sizes = [1, 640], strides = [1, 1]} : vector<1x10240xf32> to vector<1x640xf32>
    %slice3A_67 = vector.extract_strided_slice %dot_general3A_6 {offsets = [0, 7680], sizes = [128, 640], strides = [1, 1]} : vector<128x10240xf32> to vector<128x640xf32>
    %add3A_68 = vector.broadcast %slice3A_66 : vector<1x640xf32> to vector<128x640xf32>
    %add3A_69 = arith.addf %add3A_68, %slice3A_67 : vector<128x640xf32>
    %min3A_70 = arith.minimumf %min3A_65, %add3A_69 : vector<128x640xf32>
    %slice3A_71 = vector.extract_strided_slice %get3A_9 {offsets = [0, 8320], sizes = [1, 640], strides = [1, 1]} : vector<1x10240xf32> to vector<1x640xf32>
    %slice3A_72 = vector.extract_strided_slice %dot_general3A_6 {offsets = [0, 8320], sizes = [128, 640], strides = [1, 1]} : vector<128x10240xf32> to vector<128x640xf32>
    %add3A_73 = vector.broadcast %slice3A_71 : vector<1x640xf32> to vector<128x640xf32>
    %add3A_74 = arith.addf %add3A_73, %slice3A_72 : vector<128x640xf32>
    %min3A_75 = arith.minimumf %min3A_70, %add3A_74 : vector<128x640xf32>
    %slice3A_76 = vector.extract_strided_slice %get3A_9 {offsets = [0, 8960], sizes = [1, 640], strides = [1, 1]} : vector<1x10240xf32> to vector<1x640xf32>
    %slice3A_77 = vector.extract_strided_slice %dot_general3A_6 {offsets = [0, 8960], sizes = [128, 640], strides = [1, 1]} : vector<128x10240xf32> to vector<128x640xf32>
    %add3A_78 = vector.broadcast %slice3A_76 : vector<1x640xf32> to vector<128x640xf32>
    %add3A_79 = arith.addf %add3A_78, %slice3A_77 : vector<128x640xf32>
    %min3A_80 = arith.minimumf %min3A_75, %add3A_79 : vector<128x640xf32>
    %slice3A_81 = vector.extract_strided_slice %get3A_9 {offsets = [0, 9600], sizes = [1, 640], strides = [1, 1]} : vector<1x10240xf32> to vector<1x640xf32>
    %slice3A_82 = vector.extract_strided_slice %dot_general3A_6 {offsets = [0, 9600], sizes = [128, 640], strides = [1, 1]} : vector<128x10240xf32> to vector<128x640xf32>
    %add3A_83 = vector.broadcast %slice3A_81 : vector<1x640xf32> to vector<128x640xf32>
    %add3A_84 = arith.addf %add3A_83, %slice3A_82 : vector<128x640xf32>
    %min3A_85 = arith.minimumf %min3A_80, %add3A_84 : vector<128x640xf32>
    %iota3A = tpu.iota {dimensions = array<i32: 1>} : vector<128x640xi32>
    %convert_element_type3A_86 = arith.sitofp %iota3A : vector<128x640xi32> to vector<128x640xf32>
    %reduce_min3A = arith.constant dense<0x7F800000> : vector<128xf32>
    %reduce_min3A_87 = vector.multi_reduction <minimumf>, %min3A_85, %reduce_min3A [1] : vector<128x640xf32> to vector<128xf32>
    %broadcast_in_dim3A = vector.shape_cast %reduce_min3A_87 : vector<128xf32> to vector<128x1xf32>
    %eq3A = vector.broadcast %broadcast_in_dim3A : vector<128x1xf32> to vector<128x640xf32>
    %eq3A_88 = arith.cmpf oeq, %min3A_85, %eq3A : vector<128x640xf32>
    %jit3A = arith.constant 1.000000e+30 : f32
    %broadcast_in_dim3A_89 = vector.broadcast %jit3A : f32 to vector<128x640xf32>
    %select_n3A = arith.select %eq3A_88, %convert_element_type3A_86, %broadcast_in_dim3A_89 : vector<128x640xi1>, vector<128x640xf32>
    %reduce_min3A_90 = arith.constant dense<0x7F800000> : vector<128xf32>
    %reduce_min3A_91 = vector.multi_reduction <minimumf>, %select_n3A, %reduce_min3A_90 [1] : vector<128x640xf32> to vector<128xf32>
    %broadcast_in_dim3A_92 = vector.shape_cast %reduce_min3A_91 : vector<128xf32> to vector<128x1xf32>
    %eq3A_93 = vector.broadcast %broadcast_in_dim3A_92 : vector<128x1xf32> to vector<128x640xf32>
    %eq3A_94 = arith.cmpf oeq, %convert_element_type3A_86, %eq3A_93 : vector<128x640xf32>
    %jit3A_95 = arith.constant 1.000000e+30 : f32
    %broadcast_in_dim3A_96 = vector.broadcast %jit3A_95 : f32 to vector<128x640xf32>
    %select_n3A_97 = arith.select %eq3A_94, %broadcast_in_dim3A_96, %min3A_85 : vector<128x640xi1>, vector<128x640xf32>
    %reduce_min3A_98 = arith.constant dense<0x7F800000> : vector<128xf32>
    %reduce_min3A_99 = vector.multi_reduction <minimumf>, %select_n3A_97, %reduce_min3A_98 [1] : vector<128x640xf32> to vector<128xf32>
    %broadcast_in_dim3A_100 = vector.shape_cast %reduce_min3A_99 : vector<128xf32> to vector<128x1xf32>
    %eq3A_101 = vector.broadcast %broadcast_in_dim3A_100 : vector<128x1xf32> to vector<128x640xf32>
    %eq3A_102 = arith.cmpf oeq, %select_n3A_97, %eq3A_101 : vector<128x640xf32>
    %jit3A_103 = arith.constant 1.000000e+30 : f32
    %broadcast_in_dim3A_104 = vector.broadcast %jit3A_103 : f32 to vector<128x640xf32>
    %select_n3A_105 = arith.select %eq3A_102, %convert_element_type3A_86, %broadcast_in_dim3A_104 : vector<128x640xi1>, vector<128x640xf32>
    %reduce_min3A_106 = arith.constant dense<0x7F800000> : vector<128xf32>
    %reduce_min3A_107 = vector.multi_reduction <minimumf>, %select_n3A_105, %reduce_min3A_106 [1] : vector<128x640xf32> to vector<128xf32>
    %broadcast_in_dim3A_108 = vector.shape_cast %reduce_min3A_107 : vector<128xf32> to vector<128x1xf32>
    %eq3A_109 = vector.broadcast %broadcast_in_dim3A_108 : vector<128x1xf32> to vector<128x640xf32>
    %eq3A_110 = arith.cmpf oeq, %convert_element_type3A_86, %eq3A_109 : vector<128x640xf32>
    %jit3A_111 = arith.constant 1.000000e+30 : f32
    %broadcast_in_dim3A_112 = vector.broadcast %jit3A_111 : f32 to vector<128x640xf32>
    %select_n3A_113 = arith.select %eq3A_110, %broadcast_in_dim3A_112, %select_n3A_97 : vector<128x640xi1>, vector<128x640xf32>
    %reduce_min3A_114 = arith.constant dense<0x7F800000> : vector<128xf32>
    %reduce_min3A_115 = vector.multi_reduction <minimumf>, %select_n3A_113, %reduce_min3A_114 [1] : vector<128x640xf32> to vector<128xf32>
    %broadcast_in_dim3A_116 = vector.shape_cast %reduce_min3A_115 : vector<128xf32> to vector<128x1xf32>
    %eq3A_117 = vector.broadcast %broadcast_in_dim3A_116 : vector<128x1xf32> to vector<128x640xf32>
    %eq3A_118 = arith.cmpf oeq, %select_n3A_113, %eq3A_117 : vector<128x640xf32>
    %jit3A_119 = arith.constant 1.000000e+30 : f32
    %broadcast_in_dim3A_120 = vector.broadcast %jit3A_119 : f32 to vector<128x640xf32>
    %select_n3A_121 = arith.select %eq3A_118, %convert_element_type3A_86, %broadcast_in_dim3A_120 : vector<128x640xi1>, vector<128x640xf32>
    %reduce_min3A_122 = arith.constant dense<0x7F800000> : vector<128xf32>
    %reduce_min3A_123 = vector.multi_reduction <minimumf>, %select_n3A_121, %reduce_min3A_122 [1] : vector<128x640xf32> to vector<128xf32>
    %broadcast_in_dim3A_124 = vector.shape_cast %reduce_min3A_123 : vector<128xf32> to vector<128x1xf32>
    %eq3A_125 = vector.broadcast %broadcast_in_dim3A_124 : vector<128x1xf32> to vector<128x640xf32>
    %eq3A_126 = arith.cmpf oeq, %convert_element_type3A_86, %eq3A_125 : vector<128x640xf32>
    %jit3A_127 = arith.constant 1.000000e+30 : f32
    %broadcast_in_dim3A_128 = vector.broadcast %jit3A_127 : f32 to vector<128x640xf32>
    %select_n3A_129 = arith.select %eq3A_126, %broadcast_in_dim3A_128, %select_n3A_113 : vector<128x640xi1>, vector<128x640xf32>
    %reduce_min3A_130 = arith.constant dense<0x7F800000> : vector<128xf32>
    %reduce_min3A_131 = vector.multi_reduction <minimumf>, %select_n3A_129, %reduce_min3A_130 [1] : vector<128x640xf32> to vector<128xf32>
    %broadcast_in_dim3A_132 = vector.shape_cast %reduce_min3A_131 : vector<128xf32> to vector<128x1xf32>
    %eq3A_133 = vector.broadcast %broadcast_in_dim3A_132 : vector<128x1xf32> to vector<128x640xf32>
    %eq3A_134 = arith.cmpf oeq, %select_n3A_129, %eq3A_133 : vector<128x640xf32>
    %jit3A_135 = arith.constant 1.000000e+30 : f32
    %broadcast_in_dim3A_136 = vector.broadcast %jit3A_135 : f32 to vector<128x640xf32>
    %select_n3A_137 = arith.select %eq3A_134, %convert_element_type3A_86, %broadcast_in_dim3A_136 : vector<128x640xi1>, vector<128x640xf32>
    %reduce_min3A_138 = arith.constant dense<0x7F800000> : vector<128xf32>
    %reduce_min3A_139 = vector.multi_reduction <minimumf>, %select_n3A_137, %reduce_min3A_138 [1] : vector<128x640xf32> to vector<128xf32>
    %broadcast_in_dim3A_140 = vector.shape_cast %reduce_min3A_139 : vector<128xf32> to vector<128x1xf32>
    %eq3A_141 = vector.broadcast %broadcast_in_dim3A_140 : vector<128x1xf32> to vector<128x640xf32>
    %eq3A_142 = arith.cmpf oeq, %convert_element_type3A_86, %eq3A_141 : vector<128x640xf32>
    %jit3A_143 = arith.constant 1.000000e+30 : f32
    %broadcast_in_dim3A_144 = vector.broadcast %jit3A_143 : f32 to vector<128x640xf32>
    %select_n3A_145 = arith.select %eq3A_142, %broadcast_in_dim3A_144, %select_n3A_129 : vector<128x640xi1>, vector<128x640xf32>
    %reduce_min3A_146 = arith.constant dense<0x7F800000> : vector<128xf32>
    %reduce_min3A_147 = vector.multi_reduction <minimumf>, %select_n3A_145, %reduce_min3A_146 [1] : vector<128x640xf32> to vector<128xf32>
    %broadcast_in_dim3A_148 = vector.shape_cast %reduce_min3A_147 : vector<128xf32> to vector<128x1xf32>
    %eq3A_149 = vector.broadcast %broadcast_in_dim3A_148 : vector<128x1xf32> to vector<128x640xf32>
    %eq3A_150 = arith.cmpf oeq, %select_n3A_145, %eq3A_149 : vector<128x640xf32>
    %jit3A_151 = arith.constant 1.000000e+30 : f32
    %broadcast_in_dim3A_152 = vector.broadcast %jit3A_151 : f32 to vector<128x640xf32>
    %select_n3A_153 = arith.select %eq3A_150, %convert_element_type3A_86, %broadcast_in_dim3A_152 : vector<128x640xi1>, vector<128x640xf32>
    %reduce_min3A_154 = arith.constant dense<0x7F800000> : vector<128xf32>
    %reduce_min3A_155 = vector.multi_reduction <minimumf>, %select_n3A_153, %reduce_min3A_154 [1] : vector<128x640xf32> to vector<128xf32>
    %broadcast_in_dim3A_156 = vector.shape_cast %reduce_min3A_155 : vector<128xf32> to vector<128x1xf32>
    %eq3A_157 = vector.broadcast %broadcast_in_dim3A_156 : vector<128x1xf32> to vector<128x640xf32>
    %eq3A_158 = arith.cmpf oeq, %convert_element_type3A_86, %eq3A_157 : vector<128x640xf32>
    %jit3A_159 = arith.constant 1.000000e+30 : f32
    %broadcast_in_dim3A_160 = vector.broadcast %jit3A_159 : f32 to vector<128x640xf32>
    %select_n3A_161 = arith.select %eq3A_158, %broadcast_in_dim3A_160, %select_n3A_145 : vector<128x640xi1>, vector<128x640xf32>
    %reduce_min3A_162 = arith.constant dense<0x7F800000> : vector<128xf32>
    %reduce_min3A_163 = vector.multi_reduction <minimumf>, %select_n3A_161, %reduce_min3A_162 [1] : vector<128x640xf32> to vector<128xf32>
    %broadcast_in_dim3A_164 = vector.shape_cast %reduce_min3A_163 : vector<128xf32> to vector<128x1xf32>
    %eq3A_165 = vector.broadcast %broadcast_in_dim3A_164 : vector<128x1xf32> to vector<128x640xf32>
    %eq3A_166 = arith.cmpf oeq, %select_n3A_161, %eq3A_165 : vector<128x640xf32>
    %jit3A_167 = arith.constant 1.000000e+30 : f32
    %broadcast_in_dim3A_168 = vector.broadcast %jit3A_167 : f32 to vector<128x640xf32>
    %select_n3A_169 = arith.select %eq3A_166, %convert_element_type3A_86, %broadcast_in_dim3A_168 : vector<128x640xi1>, vector<128x640xf32>
    %reduce_min3A_170 = arith.constant dense<0x7F800000> : vector<128xf32>
    %reduce_min3A_171 = vector.multi_reduction <minimumf>, %select_n3A_169, %reduce_min3A_170 [1] : vector<128x640xf32> to vector<128xf32>
    %broadcast_in_dim3A_172 = vector.shape_cast %reduce_min3A_171 : vector<128xf32> to vector<128x1xf32>
    %eq3A_173 = vector.broadcast %broadcast_in_dim3A_172 : vector<128x1xf32> to vector<128x640xf32>
    %eq3A_174 = arith.cmpf oeq, %convert_element_type3A_86, %eq3A_173 : vector<128x640xf32>
    %jit3A_175 = arith.constant 1.000000e+30 : f32
    %broadcast_in_dim3A_176 = vector.broadcast %jit3A_175 : f32 to vector<128x640xf32>
    %select_n3A_177 = arith.select %eq3A_174, %broadcast_in_dim3A_176, %select_n3A_161 : vector<128x640xi1>, vector<128x640xf32>
    %reduce_min3A_178 = arith.constant dense<0x7F800000> : vector<128xf32>
    %reduce_min3A_179 = vector.multi_reduction <minimumf>, %select_n3A_177, %reduce_min3A_178 [1] : vector<128x640xf32> to vector<128xf32>
    %broadcast_in_dim3A_180 = vector.shape_cast %reduce_min3A_179 : vector<128xf32> to vector<128x1xf32>
    %eq3A_181 = vector.broadcast %broadcast_in_dim3A_180 : vector<128x1xf32> to vector<128x640xf32>
    %eq3A_182 = arith.cmpf oeq, %select_n3A_177, %eq3A_181 : vector<128x640xf32>
    %jit3A_183 = arith.constant 1.000000e+30 : f32
    %broadcast_in_dim3A_184 = vector.broadcast %jit3A_183 : f32 to vector<128x640xf32>
    %select_n3A_185 = arith.select %eq3A_182, %convert_element_type3A_86, %broadcast_in_dim3A_184 : vector<128x640xi1>, vector<128x640xf32>
    %reduce_min3A_186 = arith.constant dense<0x7F800000> : vector<128xf32>
    %reduce_min3A_187 = vector.multi_reduction <minimumf>, %select_n3A_185, %reduce_min3A_186 [1] : vector<128x640xf32> to vector<128xf32>
    %broadcast_in_dim3A_188 = vector.shape_cast %reduce_min3A_187 : vector<128xf32> to vector<128x1xf32>
    %eq3A_189 = vector.broadcast %broadcast_in_dim3A_188 : vector<128x1xf32> to vector<128x640xf32>
    %eq3A_190 = arith.cmpf oeq, %convert_element_type3A_86, %eq3A_189 : vector<128x640xf32>
    %jit3A_191 = arith.constant 1.000000e+30 : f32
    %broadcast_in_dim3A_192 = vector.broadcast %jit3A_191 : f32 to vector<128x640xf32>
    %select_n3A_193 = arith.select %eq3A_190, %broadcast_in_dim3A_192, %select_n3A_177 : vector<128x640xi1>, vector<128x640xf32>
    %reduce_min3A_194 = arith.constant dense<0x7F800000> : vector<128xf32>
    %reduce_min3A_195 = vector.multi_reduction <minimumf>, %select_n3A_193, %reduce_min3A_194 [1] : vector<128x640xf32> to vector<128xf32>
    %broadcast_in_dim3A_196 = vector.shape_cast %reduce_min3A_195 : vector<128xf32> to vector<128x1xf32>
    %eq3A_197 = vector.broadcast %broadcast_in_dim3A_196 : vector<128x1xf32> to vector<128x640xf32>
    %eq3A_198 = arith.cmpf oeq, %select_n3A_193, %eq3A_197 : vector<128x640xf32>
    %jit3A_199 = arith.constant 1.000000e+30 : f32
    %broadcast_in_dim3A_200 = vector.broadcast %jit3A_199 : f32 to vector<128x640xf32>
    %select_n3A_201 = arith.select %eq3A_198, %convert_element_type3A_86, %broadcast_in_dim3A_200 : vector<128x640xi1>, vector<128x640xf32>
    %reduce_min3A_202 = arith.constant dense<0x7F800000> : vector<128xf32>
    %reduce_min3A_203 = vector.multi_reduction <minimumf>, %select_n3A_201, %reduce_min3A_202 [1] : vector<128x640xf32> to vector<128xf32>
    %broadcast_in_dim3A_204 = vector.shape_cast %reduce_min3A_203 : vector<128xf32> to vector<128x1xf32>
    %eq3A_205 = vector.broadcast %broadcast_in_dim3A_204 : vector<128x1xf32> to vector<128x640xf32>
    %eq3A_206 = arith.cmpf oeq, %convert_element_type3A_86, %eq3A_205 : vector<128x640xf32>
    %jit3A_207 = arith.constant 1.000000e+30 : f32
    %broadcast_in_dim3A_208 = vector.broadcast %jit3A_207 : f32 to vector<128x640xf32>
    %select_n3A_209 = arith.select %eq3A_206, %broadcast_in_dim3A_208, %select_n3A_193 : vector<128x640xi1>, vector<128x640xf32>
    %reduce_min3A_210 = arith.constant dense<0x7F800000> : vector<128xf32>
    %reduce_min3A_211 = vector.multi_reduction <minimumf>, %select_n3A_209, %reduce_min3A_210 [1] : vector<128x640xf32> to vector<128xf32>
    %broadcast_in_dim3A_212 = vector.shape_cast %reduce_min3A_211 : vector<128xf32> to vector<128x1xf32>
    %eq3A_213 = vector.broadcast %broadcast_in_dim3A_212 : vector<128x1xf32> to vector<128x640xf32>
    %eq3A_214 = arith.cmpf oeq, %select_n3A_209, %eq3A_213 : vector<128x640xf32>
    %jit3A_215 = arith.constant 1.000000e+30 : f32
    %broadcast_in_dim3A_216 = vector.broadcast %jit3A_215 : f32 to vector<128x640xf32>
    %select_n3A_217 = arith.select %eq3A_214, %convert_element_type3A_86, %broadcast_in_dim3A_216 : vector<128x640xi1>, vector<128x640xf32>
    %reduce_min3A_218 = arith.constant dense<0x7F800000> : vector<128xf32>
    %reduce_min3A_219 = vector.multi_reduction <minimumf>, %select_n3A_217, %reduce_min3A_218 [1] : vector<128x640xf32> to vector<128xf32>
    %broadcast_in_dim3A_220 = vector.shape_cast %reduce_min3A_219 : vector<128xf32> to vector<128x1xf32>
    %eq3A_221 = vector.broadcast %broadcast_in_dim3A_220 : vector<128x1xf32> to vector<128x640xf32>
    %eq3A_222 = arith.cmpf oeq, %convert_element_type3A_86, %eq3A_221 : vector<128x640xf32>
    %jit3A_223 = arith.constant 1.000000e+30 : f32
    %broadcast_in_dim3A_224 = vector.broadcast %jit3A_223 : f32 to vector<128x640xf32>
    %select_n3A_225 = arith.select %eq3A_222, %broadcast_in_dim3A_224, %select_n3A_209 : vector<128x640xi1>, vector<128x640xf32>
    %reduce_min3A_226 = arith.constant dense<0x7F800000> : vector<128xf32>
    %reduce_min3A_227 = vector.multi_reduction <minimumf>, %select_n3A_225, %reduce_min3A_226 [1] : vector<128x640xf32> to vector<128xf32>
    %broadcast_in_dim3A_228 = vector.shape_cast %reduce_min3A_227 : vector<128xf32> to vector<128x1xf32>
    %eq3A_229 = vector.broadcast %broadcast_in_dim3A_228 : vector<128x1xf32> to vector<128x640xf32>
    %eq3A_230 = arith.cmpf oeq, %select_n3A_225, %eq3A_229 : vector<128x640xf32>
    %jit3A_231 = arith.constant 1.000000e+30 : f32
    %broadcast_in_dim3A_232 = vector.broadcast %jit3A_231 : f32 to vector<128x640xf32>
    %select_n3A_233 = arith.select %eq3A_230, %convert_element_type3A_86, %broadcast_in_dim3A_232 : vector<128x640xi1>, vector<128x640xf32>
    %reduce_min3A_234 = arith.constant dense<0x7F800000> : vector<128xf32>
    %reduce_min3A_235 = vector.multi_reduction <minimumf>, %select_n3A_233, %reduce_min3A_234 [1] : vector<128x640xf32> to vector<128xf32>
    %broadcast_in_dim3A_236 = vector.shape_cast %reduce_min3A_235 : vector<128xf32> to vector<128x1xf32>
    %eq3A_237 = vector.broadcast %broadcast_in_dim3A_236 : vector<128x1xf32> to vector<128x640xf32>
    %eq3A_238 = arith.cmpf oeq, %convert_element_type3A_86, %eq3A_237 : vector<128x640xf32>
    %jit3A_239 = arith.constant 1.000000e+30 : f32
    %broadcast_in_dim3A_240 = vector.broadcast %jit3A_239 : f32 to vector<128x640xf32>
    %select_n3A_241 = arith.select %eq3A_238, %broadcast_in_dim3A_240, %select_n3A_225 : vector<128x640xi1>, vector<128x640xf32>
    %reduce_min3A_242 = arith.constant dense<0x7F800000> : vector<128xf32>
    %reduce_min3A_243 = vector.multi_reduction <minimumf>, %select_n3A_241, %reduce_min3A_242 [1] : vector<128x640xf32> to vector<128xf32>
    %broadcast_in_dim3A_244 = vector.shape_cast %reduce_min3A_243 : vector<128xf32> to vector<128x1xf32>
    %eq3A_245 = vector.broadcast %broadcast_in_dim3A_244 : vector<128x1xf32> to vector<128x640xf32>
    %eq3A_246 = arith.cmpf oeq, %select_n3A_241, %eq3A_245 : vector<128x640xf32>
    %jit3A_247 = arith.constant 1.000000e+30 : f32
    %broadcast_in_dim3A_248 = vector.broadcast %jit3A_247 : f32 to vector<128x640xf32>
    %select_n3A_249 = arith.select %eq3A_246, %convert_element_type3A_86, %broadcast_in_dim3A_248 : vector<128x640xi1>, vector<128x640xf32>
    %reduce_min3A_250 = arith.constant dense<0x7F800000> : vector<128xf32>
    %reduce_min3A_251 = vector.multi_reduction <minimumf>, %select_n3A_249, %reduce_min3A_250 [1] : vector<128x640xf32> to vector<128xf32>
    %broadcast_in_dim3A_252 = vector.shape_cast %reduce_min3A_251 : vector<128xf32> to vector<128x1xf32>
    %eq3A_253 = vector.broadcast %broadcast_in_dim3A_252 : vector<128x1xf32> to vector<128x640xf32>
    %eq3A_254 = arith.cmpf oeq, %convert_element_type3A_86, %eq3A_253 : vector<128x640xf32>
    %jit3A_255 = arith.constant 1.000000e+30 : f32
    %broadcast_in_dim3A_256 = vector.broadcast %jit3A_255 : f32 to vector<128x640xf32>
    %select_n3A_257 = arith.select %eq3A_254, %broadcast_in_dim3A_256, %select_n3A_241 : vector<128x640xi1>, vector<128x640xf32>
    %reduce_min3A_258 = arith.constant dense<0x7F800000> : vector<128xf32>
    %reduce_min3A_259 = vector.multi_reduction <minimumf>, %select_n3A_257, %reduce_min3A_258 [1] : vector<128x640xf32> to vector<128xf32>
    %broadcast_in_dim3A_260 = vector.shape_cast %reduce_min3A_259 : vector<128xf32> to vector<128x1xf32>
    %eq3A_261 = vector.broadcast %broadcast_in_dim3A_260 : vector<128x1xf32> to vector<128x640xf32>
    %eq3A_262 = arith.cmpf oeq, %select_n3A_257, %eq3A_261 : vector<128x640xf32>
    %jit3A_263 = arith.constant 1.000000e+30 : f32
    %broadcast_in_dim3A_264 = vector.broadcast %jit3A_263 : f32 to vector<128x640xf32>
    %select_n3A_265 = arith.select %eq3A_262, %convert_element_type3A_86, %broadcast_in_dim3A_264 : vector<128x640xi1>, vector<128x640xf32>
    %reduce_min3A_266 = arith.constant dense<0x7F800000> : vector<128xf32>
    %reduce_min3A_267 = vector.multi_reduction <minimumf>, %select_n3A_265, %reduce_min3A_266 [1] : vector<128x640xf32> to vector<128xf32>
    %broadcast_in_dim3A_268 = vector.shape_cast %reduce_min3A_267 : vector<128xf32> to vector<128x1xf32>
    %eq3A_269 = vector.broadcast %broadcast_in_dim3A_268 : vector<128x1xf32> to vector<128x640xf32>
    %eq3A_270 = arith.cmpf oeq, %convert_element_type3A_86, %eq3A_269 : vector<128x640xf32>
    %jit3A_271 = arith.constant 1.000000e+30 : f32
    %broadcast_in_dim3A_272 = vector.broadcast %jit3A_271 : f32 to vector<128x640xf32>
    %select_n3A_273 = arith.select %eq3A_270, %broadcast_in_dim3A_272, %select_n3A_257 : vector<128x640xi1>, vector<128x640xf32>
    %reduce_min3A_274 = arith.constant dense<0x7F800000> : vector<128xf32>
    %reduce_min3A_275 = vector.multi_reduction <minimumf>, %select_n3A_273, %reduce_min3A_274 [1] : vector<128x640xf32> to vector<128xf32>
    %broadcast_in_dim3A_276 = vector.shape_cast %reduce_min3A_275 : vector<128xf32> to vector<128x1xf32>
    %eq3A_277 = vector.broadcast %broadcast_in_dim3A_276 : vector<128x1xf32> to vector<128x640xf32>
    %eq3A_278 = arith.cmpf oeq, %select_n3A_273, %eq3A_277 : vector<128x640xf32>
    %jit3A_279 = arith.constant 1.000000e+30 : f32
    %broadcast_in_dim3A_280 = vector.broadcast %jit3A_279 : f32 to vector<128x640xf32>
    %select_n3A_281 = arith.select %eq3A_278, %convert_element_type3A_86, %broadcast_in_dim3A_280 : vector<128x640xi1>, vector<128x640xf32>
    %reduce_min3A_282 = arith.constant dense<0x7F800000> : vector<128xf32>
    %reduce_min3A_283 = vector.multi_reduction <minimumf>, %select_n3A_281, %reduce_min3A_282 [1] : vector<128x640xf32> to vector<128xf32>
    %broadcast_in_dim3A_284 = vector.shape_cast %reduce_min3A_283 : vector<128xf32> to vector<128x1xf32>
    %eq3A_285 = vector.broadcast %broadcast_in_dim3A_284 : vector<128x1xf32> to vector<128x640xf32>
    %eq3A_286 = arith.cmpf oeq, %convert_element_type3A_86, %eq3A_285 : vector<128x640xf32>
    %jit3A_287 = arith.constant 1.000000e+30 : f32
    %broadcast_in_dim3A_288 = vector.broadcast %jit3A_287 : f32 to vector<128x640xf32>
    %select_n3A_289 = arith.select %eq3A_286, %broadcast_in_dim3A_288, %select_n3A_273 : vector<128x640xi1>, vector<128x640xf32>
    %reduce_min3A_290 = arith.constant dense<0x7F800000> : vector<128xf32>
    %reduce_min3A_291 = vector.multi_reduction <minimumf>, %select_n3A_289, %reduce_min3A_290 [1] : vector<128x640xf32> to vector<128xf32>
    %broadcast_in_dim3A_292 = vector.shape_cast %reduce_min3A_291 : vector<128xf32> to vector<128x1xf32>
    %eq3A_293 = vector.broadcast %broadcast_in_dim3A_292 : vector<128x1xf32> to vector<128x640xf32>
    %eq3A_294 = arith.cmpf oeq, %select_n3A_289, %eq3A_293 : vector<128x640xf32>
    %jit3A_295 = arith.constant 1.000000e+30 : f32
    %broadcast_in_dim3A_296 = vector.broadcast %jit3A_295 : f32 to vector<128x640xf32>
    %select_n3A_297 = arith.select %eq3A_294, %convert_element_type3A_86, %broadcast_in_dim3A_296 : vector<128x640xi1>, vector<128x640xf32>
    %reduce_min3A_298 = arith.constant dense<0x7F800000> : vector<128xf32>
    %reduce_min3A_299 = vector.multi_reduction <minimumf>, %select_n3A_297, %reduce_min3A_298 [1] : vector<128x640xf32> to vector<128xf32>
    %broadcast_in_dim3A_300 = vector.shape_cast %reduce_min3A_299 : vector<128xf32> to vector<128x1xf32>
    %eq3A_301 = vector.broadcast %broadcast_in_dim3A_300 : vector<128x1xf32> to vector<128x640xf32>
    %eq3A_302 = arith.cmpf oeq, %convert_element_type3A_86, %eq3A_301 : vector<128x640xf32>
    %jit3A_303 = arith.constant 1.000000e+30 : f32
    %broadcast_in_dim3A_304 = vector.broadcast %jit3A_303 : f32 to vector<128x640xf32>
    %select_n3A_305 = arith.select %eq3A_302, %broadcast_in_dim3A_304, %select_n3A_289 : vector<128x640xi1>, vector<128x640xf32>
    %reduce_min3A_306 = arith.constant dense<0x7F800000> : vector<128xf32>
    %reduce_min3A_307 = vector.multi_reduction <minimumf>, %select_n3A_305, %reduce_min3A_306 [1] : vector<128x640xf32> to vector<128xf32>
    %broadcast_in_dim3A_308 = vector.shape_cast %reduce_min3A_307 : vector<128xf32> to vector<128x1xf32>
    %eq3A_309 = vector.broadcast %broadcast_in_dim3A_308 : vector<128x1xf32> to vector<128x640xf32>
    %eq3A_310 = arith.cmpf oeq, %select_n3A_305, %eq3A_309 : vector<128x640xf32>
    %jit3A_311 = arith.constant 1.000000e+30 : f32
    %broadcast_in_dim3A_312 = vector.broadcast %jit3A_311 : f32 to vector<128x640xf32>
    %select_n3A_313 = arith.select %eq3A_310, %convert_element_type3A_86, %broadcast_in_dim3A_312 : vector<128x640xi1>, vector<128x640xf32>
    %reduce_min3A_314 = arith.constant dense<0x7F800000> : vector<128xf32>
    %reduce_min3A_315 = vector.multi_reduction <minimumf>, %select_n3A_313, %reduce_min3A_314 [1] : vector<128x640xf32> to vector<128xf32>
    %broadcast_in_dim3A_316 = vector.shape_cast %reduce_min3A_315 : vector<128xf32> to vector<128x1xf32>
    %eq3A_317 = vector.broadcast %broadcast_in_dim3A_316 : vector<128x1xf32> to vector<128x640xf32>
    %eq3A_318 = arith.cmpf oeq, %convert_element_type3A_86, %eq3A_317 : vector<128x640xf32>
    %jit3A_319 = arith.constant 1.000000e+30 : f32
    %broadcast_in_dim3A_320 = vector.broadcast %jit3A_319 : f32 to vector<128x640xf32>
    %select_n3A_321 = arith.select %eq3A_318, %broadcast_in_dim3A_320, %select_n3A_305 : vector<128x640xi1>, vector<128x640xf32>
    %reduce_min3A_322 = arith.constant dense<0x7F800000> : vector<128xf32>
    %reduce_min3A_323 = vector.multi_reduction <minimumf>, %select_n3A_321, %reduce_min3A_322 [1] : vector<128x640xf32> to vector<128xf32>
    %broadcast_in_dim3A_324 = vector.shape_cast %reduce_min3A_323 : vector<128xf32> to vector<128x1xf32>
    %eq3A_325 = vector.broadcast %broadcast_in_dim3A_324 : vector<128x1xf32> to vector<128x640xf32>
    %eq3A_326 = arith.cmpf oeq, %select_n3A_321, %eq3A_325 : vector<128x640xf32>
    %jit3A_327 = arith.constant 1.000000e+30 : f32
    %broadcast_in_dim3A_328 = vector.broadcast %jit3A_327 : f32 to vector<128x640xf32>
    %select_n3A_329 = arith.select %eq3A_326, %convert_element_type3A_86, %broadcast_in_dim3A_328 : vector<128x640xi1>, vector<128x640xf32>
    %reduce_min3A_330 = arith.constant dense<0x7F800000> : vector<128xf32>
    %reduce_min3A_331 = vector.multi_reduction <minimumf>, %select_n3A_329, %reduce_min3A_330 [1] : vector<128x640xf32> to vector<128xf32>
    %broadcast_in_dim3A_332 = vector.shape_cast %reduce_min3A_331 : vector<128xf32> to vector<128x1xf32>
    %concatenate3A = tpu.concatenate %broadcast_in_dim3A_92, %broadcast_in_dim3A_108, %broadcast_in_dim3A_124, %broadcast_in_dim3A_140, %broadcast_in_dim3A_156, %broadcast_in_dim3A_172, %broadcast_in_dim3A_188, %broadcast_in_dim3A_204, %broadcast_in_dim3A_220, %broadcast_in_dim3A_236, %broadcast_in_dim3A_252, %broadcast_in_dim3A_268, %broadcast_in_dim3A_284, %broadcast_in_dim3A_300, %broadcast_in_dim3A_316, %broadcast_in_dim3A_332 in 1 : vector<128x1xf32>, vector<128x1xf32>, vector<128x1xf32>, vector<128x1xf32>, vector<128x1xf32>, vector<128x1xf32>, vector<128x1xf32>, vector<128x1xf32>, vector<128x1xf32>, vector<128x1xf32>, vector<128x1xf32>, vector<128x1xf32>, vector<128x1xf32>, vector<128x1xf32>, vector<128x1xf32>, vector<128x1xf32> -> vector<128x16xf32>
    %convert_element_type3A_333 = arith.fptosi %concatenate3A : vector<128x16xf32> to vector<128x16xi32>
    %swap3A = arith.constant 0 : index
    %swap3A_334 = arith.constant 0 : index
    %swap3A_335 = vector.load %arg4[%swap3A, %swap3A_334] : memref<128x16xi32, #tpu.memory_space<vmem>>, vector<128x16xi32>
    tpu.vector_store %arg4[%swap3A, %swap3A_334], %convert_element_type3A_333 {strides = array<i32>} : memref<128x16xi32, #tpu.memory_space<vmem>>, vector<128x16xi32>,
    return
  }
  func.func @transform_0(%arg0: i32) -> (i32, i32) {
    %add3A = arith.constant 40 : i32
    %add3A_0 = arith.addi %arg0, %add3A : i32
    %c0_i32 = arith.constant 0 : i32
    %c0_i32_1 = arith.constant 0 : i32
    return %add3A_0, %c0_i32 : i32, i32
  }
  func.func @transform_1(%arg0: i32) -> (i32, i32) {
    %c0_i32 = arith.constant 0 : i32
    %c0_i32_0 = arith.constant 0 : i32
    %c0_i32_1 = arith.constant 0 : i32
    return %c0_i32, %c0_i32_0 : i32, i32
  }
  func.func @transform_2(%arg0: i32) -> (i32, i32) {
    %c0_i32 = arith.constant 0 : i32
    %c0_i32_0 = arith.constant 0 : i32
    %c0_i32_1 = arith.constant 0 : i32
    return %c0_i32, %c0_i32_0 : i32, i32
  }
  func.func @transform_3(%arg0: i32) -> (i32, i32) {
    %c0_i32 = arith.constant 0 : i32
    %c0_i32_0 = arith.constant 0 : i32
    return %arg0, %c0_i32 : i32, i32
  }
}

module attributes {stable_mosaic.version = 14 : i64} {
  func.func @_kad_body(%arg0: i32, %arg1: memref<128x8xf32, #tpu.memory_space<vmem>>, %arg2: memref<8x10240xf32, #tpu.memory_space<vmem>>, %arg3: memref<1x10240xf32, #tpu.memory_space<vmem>>, %arg4: memref<128x16xi32, #tpu.memory_space<vmem>>) attributes {dimension_semantics = [#tpu.dimension_semantics<arbitrary>], iteration_bounds = array<i64: 40>, scalar_prefetch = 0 : i64, scratch_operands = 0 : i64, tpu.core_type = #tpu.core_type<tc>, window_params = [{transform_indices = @transform_0, window_bounds = array<i64: 128, 8>}, {pipeline_mode = #tpu.pipeline_mode<synchronous>, transform_indices = @transform_1, window_bounds = array<i64: 8, 10240>}, {pipeline_mode = #tpu.pipeline_mode<synchronous>, transform_indices = @transform_2, window_bounds = array<i64: 1, 10240>}, {transform_indices = @transform_3, window_bounds = array<i64: 128, 16>}]} {
    %get3A = arith.constant 0 : index
    %get3A_0 = arith.constant 0 : index
    %get3A_1 = vector.load %arg1[%get3A, %get3A_0] : memref<128x8xf32, #tpu.memory_space<vmem>>, vector<128x8xf32>
    %convert_element_type3A = arith.truncf %get3A_1 : vector<128x8xf32> to vector<128x8xbf16>
    %get3A_2 = arith.constant 0 : index
    %get3A_3 = arith.constant 0 : index
    %get3A_4 = vector.load %arg2[%get3A_2, %get3A_3] : memref<8x10240xf32, #tpu.memory_space<vmem>>, vector<8x10240xf32>
    %convert_element_type3A_5 = arith.truncf %get3A_4 : vector<8x10240xf32> to vector<8x10240xbf16>
    %dot_general3A = arith.constant dense<0.000000e+00> : vector<128x10240xf32>
    %dot_general3A_6 = tpu.matmul %convert_element_type3A, %convert_element_type3A_5, %dot_general3A {dimension_numbers = #tpu.dot_dimension_numbers<[1], [0], [0], [1], [0, 0, 1, 1], [], []>, transpose_lhs_hint = false} : vector<128x8xbf16>, vector<8x10240xbf16>, vector<128x10240xf32> -> vector<128x10240xf32>
    %get3A_7 = arith.constant 0 : index
    %get3A_8 = arith.constant 0 : index
    %get3A_9 = vector.load %arg3[%get3A_7, %get3A_8] : memref<1x10240xf32, #tpu.memory_space<vmem>>, vector<1x10240xf32>
    %slice3A = vector.extract_strided_slice %get3A_9 {offsets = [0, 0], sizes = [1, 640], strides = [1, 1]} : vector<1x10240xf32> to vector<1x640xf32>
    %slice3A_10 = vector.extract_strided_slice %dot_general3A_6 {offsets = [0, 0], sizes = [128, 640], strides = [1, 1]} : vector<128x10240xf32> to vector<128x640xf32>
    %add3A = vector.broadcast %slice3A : vector<1x640xf32> to vector<128x640xf32>
    %add3A_11 = arith.addf %add3A, %slice3A_10 : vector<128x640xf32>
    %slice3A_12 = vector.extract_strided_slice %get3A_9 {offsets = [0, 640], sizes = [1, 640], strides = [1, 1]} : vector<1x10240xf32> to vector<1x640xf32>
    %slice3A_13 = vector.extract_strided_slice %dot_general3A_6 {offsets = [0, 640], sizes = [128, 640], strides = [1, 1]} : vector<128x10240xf32> to vector<128x640xf32>
    %add3A_14 = vector.broadcast %slice3A_12 : vector<1x640xf32> to vector<128x640xf32>
    %add3A_15 = arith.addf %add3A_14, %slice3A_13 : vector<128x640xf32>
    %min3A = arith.minimumf %add3A_11, %add3A_15 : vector<128x640xf32>
    %slice3A_16 = vector.extract_strided_slice %get3A_9 {offsets = [0, 1280], sizes = [1, 640], strides = [1, 1]} : vector<1x10240xf32> to vector<1x640xf32>
    %slice3A_17 = vector.extract_strided_slice %dot_general3A_6 {offsets = [0, 1280], sizes = [128, 640], strides = [1, 1]} : vector<128x10240xf32> to vector<128x640xf32>
    %add3A_18 = vector.broadcast %slice3A_16 : vector<1x640xf32> to vector<128x640xf32>
    %add3A_19 = arith.addf %add3A_18, %slice3A_17 : vector<128x640xf32>
    %min3A_20 = arith.minimumf %min3A, %add3A_19 : vector<128x640xf32>
    %slice3A_21 = vector.extract_strided_slice %get3A_9 {offsets = [0, 1920], sizes = [1, 640], strides = [1, 1]} : vector<1x10240xf32> to vector<1x640xf32>
    %slice3A_22 = vector.extract_strided_slice %dot_general3A_6 {offsets = [0, 1920], sizes = [128, 640], strides = [1, 1]} : vector<128x10240xf32> to vector<128x640xf32>
    %add3A_23 = vector.broadcast %slice3A_21 : vector<1x640xf32> to vector<128x640xf32>
    %add3A_24 = arith.addf %add3A_23, %slice3A_22 : vector<128x640xf32>
    %min3A_25 = arith.minimumf %min3A_20, %add3A_24 : vector<128x640xf32>
    %slice3A_26 = vector.extract_strided_slice %get3A_9 {offsets = [0, 2560], sizes = [1, 640], strides = [1, 1]} : vector<1x10240xf32> to vector<1x640xf32>
    %slice3A_27 = vector.extract_strided_slice %dot_general3A_6 {offsets = [0, 2560], sizes = [128, 640], strides = [1, 1]} : vector<128x10240xf32> to vector<128x640xf32>
    %add3A_28 = vector.broadcast %slice3A_26 : vector<1x640xf32> to vector<128x640xf32>
    %add3A_29 = arith.addf %add3A_28, %slice3A_27 : vector<128x640xf32>
    %min3A_30 = arith.minimumf %min3A_25, %add3A_29 : vector<128x640xf32>
    %slice3A_31 = vector.extract_strided_slice %get3A_9 {offsets = [0, 3200], sizes = [1, 640], strides = [1, 1]} : vector<1x10240xf32> to vector<1x640xf32>
    %slice3A_32 = vector.extract_strided_slice %dot_general3A_6 {offsets = [0, 3200], sizes = [128, 640], strides = [1, 1]} : vector<128x10240xf32> to vector<128x640xf32>
    %add3A_33 = vector.broadcast %slice3A_31 : vector<1x640xf32> to vector<128x640xf32>
    %add3A_34 = arith.addf %add3A_33, %slice3A_32 : vector<128x640xf32>
    %min3A_35 = arith.minimumf %min3A_30, %add3A_34 : vector<128x640xf32>
    %slice3A_36 = vector.extract_strided_slice %get3A_9 {offsets = [0, 3840], sizes = [1, 640], strides = [1, 1]} : vector<1x10240xf32> to vector<1x640xf32>
    %slice3A_37 = vector.extract_strided_slice %dot_general3A_6 {offsets = [0, 3840], sizes = [128, 640], strides = [1, 1]} : vector<128x10240xf32> to vector<128x640xf32>
    %add3A_38 = vector.broadcast %slice3A_36 : vector<1x640xf32> to vector<128x640xf32>
    %add3A_39 = arith.addf %add3A_38, %slice3A_37 : vector<128x640xf32>
    %min3A_40 = arith.minimumf %min3A_35, %add3A_39 : vector<128x640xf32>
    %slice3A_41 = vector.extract_strided_slice %get3A_9 {offsets = [0, 4480], sizes = [1, 640], strides = [1, 1]} : vector<1x10240xf32> to vector<1x640xf32>
    %slice3A_42 = vector.extract_strided_slice %dot_general3A_6 {offsets = [0, 4480], sizes = [128, 640], strides = [1, 1]} : vector<128x10240xf32> to vector<128x640xf32>
    %add3A_43 = vector.broadcast %slice3A_41 : vector<1x640xf32> to vector<128x640xf32>
    %add3A_44 = arith.addf %add3A_43, %slice3A_42 : vector<128x640xf32>
    %min3A_45 = arith.minimumf %min3A_40, %add3A_44 : vector<128x640xf32>
    %slice3A_46 = vector.extract_strided_slice %get3A_9 {offsets = [0, 5120], sizes = [1, 640], strides = [1, 1]} : vector<1x10240xf32> to vector<1x640xf32>
    %slice3A_47 = vector.extract_strided_slice %dot_general3A_6 {offsets = [0, 5120], sizes = [128, 640], strides = [1, 1]} : vector<128x10240xf32> to vector<128x640xf32>
    %add3A_48 = vector.broadcast %slice3A_46 : vector<1x640xf32> to vector<128x640xf32>
    %add3A_49 = arith.addf %add3A_48, %slice3A_47 : vector<128x640xf32>
    %min3A_50 = arith.minimumf %min3A_45, %add3A_49 : vector<128x640xf32>
    %slice3A_51 = vector.extract_strided_slice %get3A_9 {offsets = [0, 5760], sizes = [1, 640], strides = [1, 1]} : vector<1x10240xf32> to vector<1x640xf32>
    %slice3A_52 = vector.extract_strided_slice %dot_general3A_6 {offsets = [0, 5760], sizes = [128, 640], strides = [1, 1]} : vector<128x10240xf32> to vector<128x640xf32>
    %add3A_53 = vector.broadcast %slice3A_51 : vector<1x640xf32> to vector<128x640xf32>
    %add3A_54 = arith.addf %add3A_53, %slice3A_52 : vector<128x640xf32>
    %min3A_55 = arith.minimumf %min3A_50, %add3A_54 : vector<128x640xf32>
    %slice3A_56 = vector.extract_strided_slice %get3A_9 {offsets = [0, 6400], sizes = [1, 640], strides = [1, 1]} : vector<1x10240xf32> to vector<1x640xf32>
    %slice3A_57 = vector.extract_strided_slice %dot_general3A_6 {offsets = [0, 6400], sizes = [128, 640], strides = [1, 1]} : vector<128x10240xf32> to vector<128x640xf32>
    %add3A_58 = vector.broadcast %slice3A_56 : vector<1x640xf32> to vector<128x640xf32>
    %add3A_59 = arith.addf %add3A_58, %slice3A_57 : vector<128x640xf32>
    %min3A_60 = arith.minimumf %min3A_55, %add3A_59 : vector<128x640xf32>
    %slice3A_61 = vector.extract_strided_slice %get3A_9 {offsets = [0, 7040], sizes = [1, 640], strides = [1, 1]} : vector<1x10240xf32> to vector<1x640xf32>
    %slice3A_62 = vector.extract_strided_slice %dot_general3A_6 {offsets = [0, 7040], sizes = [128, 640], strides = [1, 1]} : vector<128x10240xf32> to vector<128x640xf32>
    %add3A_63 = vector.broadcast %slice3A_61 : vector<1x640xf32> to vector<128x640xf32>
    %add3A_64 = arith.addf %add3A_63, %slice3A_62 : vector<128x640xf32>
    %min3A_65 = arith.minimumf %min3A_60, %add3A_64 : vector<128x640xf32>
    %slice3A_66 = vector.extract_strided_slice %get3A_9 {offsets = [0, 7680], sizes = [1, 640], strides = [1, 1]} : vector<1x10240xf32> to vector<1x640xf32>
    %slice3A_67 = vector.extract_strided_slice %dot_general3A_6 {offsets = [0, 7680], sizes = [128, 640], strides = [1, 1]} : vector<128x10240xf32> to vector<128x640xf32>
    %add3A_68 = vector.broadcast %slice3A_66 : vector<1x640xf32> to vector<128x640xf32>
    %add3A_69 = arith.addf %add3A_68, %slice3A_67 : vector<128x640xf32>
    %min3A_70 = arith.minimumf %min3A_65, %add3A_69 : vector<128x640xf32>
    %slice3A_71 = vector.extract_strided_slice %get3A_9 {offsets = [0, 8320], sizes = [1, 640], strides = [1, 1]} : vector<1x10240xf32> to vector<1x640xf32>
    %slice3A_72 = vector.extract_strided_slice %dot_general3A_6 {offsets = [0, 8320], sizes = [128, 640], strides = [1, 1]} : vector<128x10240xf32> to vector<128x640xf32>
    %add3A_73 = vector.broadcast %slice3A_71 : vector<1x640xf32> to vector<128x640xf32>
    %add3A_74 = arith.addf %add3A_73, %slice3A_72 : vector<128x640xf32>
    %min3A_75 = arith.minimumf %min3A_70, %add3A_74 : vector<128x640xf32>
    %slice3A_76 = vector.extract_strided_slice %get3A_9 {offsets = [0, 8960], sizes = [1, 640], strides = [1, 1]} : vector<1x10240xf32> to vector<1x640xf32>
    %slice3A_77 = vector.extract_strided_slice %dot_general3A_6 {offsets = [0, 8960], sizes = [128, 640], strides = [1, 1]} : vector<128x10240xf32> to vector<128x640xf32>
    %add3A_78 = vector.broadcast %slice3A_76 : vector<1x640xf32> to vector<128x640xf32>
    %add3A_79 = arith.addf %add3A_78, %slice3A_77 : vector<128x640xf32>
    %min3A_80 = arith.minimumf %min3A_75, %add3A_79 : vector<128x640xf32>
    %slice3A_81 = vector.extract_strided_slice %get3A_9 {offsets = [0, 9600], sizes = [1, 640], strides = [1, 1]} : vector<1x10240xf32> to vector<1x640xf32>
    %slice3A_82 = vector.extract_strided_slice %dot_general3A_6 {offsets = [0, 9600], sizes = [128, 640], strides = [1, 1]} : vector<128x10240xf32> to vector<128x640xf32>
    %add3A_83 = vector.broadcast %slice3A_81 : vector<1x640xf32> to vector<128x640xf32>
    %add3A_84 = arith.addf %add3A_83, %slice3A_82 : vector<128x640xf32>
    %min3A_85 = arith.minimumf %min3A_80, %add3A_84 : vector<128x640xf32>
    %iota3A = tpu.iota {dimensions = array<i32: 1>} : vector<128x640xi32>
    %convert_element_type3A_86 = arith.sitofp %iota3A : vector<128x640xi32> to vector<128x640xf32>
    %reduce_min3A = arith.constant dense<0x7F800000> : vector<128xf32>
    %reduce_min3A_87 = vector.multi_reduction <minimumf>, %min3A_85, %reduce_min3A [1] : vector<128x640xf32> to vector<128xf32>
    %broadcast_in_dim3A = vector.shape_cast %reduce_min3A_87 : vector<128xf32> to vector<128x1xf32>
    %eq3A = vector.broadcast %broadcast_in_dim3A : vector<128x1xf32> to vector<128x640xf32>
    %eq3A_88 = arith.cmpf oeq, %min3A_85, %eq3A : vector<128x640xf32>
    %jit3A = arith.constant 1.000000e+30 : f32
    %broadcast_in_dim3A_89 = vector.broadcast %jit3A : f32 to vector<128x640xf32>
    %select_n3A = arith.select %eq3A_88, %convert_element_type3A_86, %broadcast_in_dim3A_89 : vector<128x640xi1>, vector<128x640xf32>
    %reduce_min3A_90 = arith.constant dense<0x7F800000> : vector<128xf32>
    %reduce_min3A_91 = vector.multi_reduction <minimumf>, %select_n3A, %reduce_min3A_90 [1] : vector<128x640xf32> to vector<128xf32>
    %broadcast_in_dim3A_92 = vector.shape_cast %reduce_min3A_91 : vector<128xf32> to vector<128x1xf32>
    %eq3A_93 = vector.broadcast %broadcast_in_dim3A_92 : vector<128x1xf32> to vector<128x640xf32>
    %eq3A_94 = arith.cmpf oeq, %convert_element_type3A_86, %eq3A_93 : vector<128x640xf32>
    %jit3A_95 = arith.constant 1.000000e+30 : f32
    %broadcast_in_dim3A_96 = vector.broadcast %jit3A_95 : f32 to vector<128x640xf32>
    %select_n3A_97 = arith.select %eq3A_94, %broadcast_in_dim3A_96, %min3A_85 : vector<128x640xi1>, vector<128x640xf32>
    %reduce_min3A_98 = arith.constant dense<0x7F800000> : vector<128xf32>
    %reduce_min3A_99 = vector.multi_reduction <minimumf>, %select_n3A_97, %reduce_min3A_98 [1] : vector<128x640xf32> to vector<128xf32>
    %broadcast_in_dim3A_100 = vector.shape_cast %reduce_min3A_99 : vector<128xf32> to vector<128x1xf32>
    %eq3A_101 = vector.broadcast %broadcast_in_dim3A_100 : vector<128x1xf32> to vector<128x640xf32>
    %eq3A_102 = arith.cmpf oeq, %select_n3A_97, %eq3A_101 : vector<128x640xf32>
    %jit3A_103 = arith.constant 1.000000e+30 : f32
    %broadcast_in_dim3A_104 = vector.broadcast %jit3A_103 : f32 to vector<128x640xf32>
    %select_n3A_105 = arith.select %eq3A_102, %convert_element_type3A_86, %broadcast_in_dim3A_104 : vector<128x640xi1>, vector<128x640xf32>
    %reduce_min3A_106 = arith.constant dense<0x7F800000> : vector<128xf32>
    %reduce_min3A_107 = vector.multi_reduction <minimumf>, %select_n3A_105, %reduce_min3A_106 [1] : vector<128x640xf32> to vector<128xf32>
    %broadcast_in_dim3A_108 = vector.shape_cast %reduce_min3A_107 : vector<128xf32> to vector<128x1xf32>
    %eq3A_109 = vector.broadcast %broadcast_in_dim3A_108 : vector<128x1xf32> to vector<128x640xf32>
    %eq3A_110 = arith.cmpf oeq, %convert_element_type3A_86, %eq3A_109 : vector<128x640xf32>
    %jit3A_111 = arith.constant 1.000000e+30 : f32
    %broadcast_in_dim3A_112 = vector.broadcast %jit3A_111 : f32 to vector<128x640xf32>
    %select_n3A_113 = arith.select %eq3A_110, %broadcast_in_dim3A_112, %select_n3A_97 : vector<128x640xi1>, vector<128x640xf32>
    %reduce_min3A_114 = arith.constant dense<0x7F800000> : vector<128xf32>
    %reduce_min3A_115 = vector.multi_reduction <minimumf>, %select_n3A_113, %reduce_min3A_114 [1] : vector<128x640xf32> to vector<128xf32>
    %broadcast_in_dim3A_116 = vector.shape_cast %reduce_min3A_115 : vector<128xf32> to vector<128x1xf32>
    %eq3A_117 = vector.broadcast %broadcast_in_dim3A_116 : vector<128x1xf32> to vector<128x640xf32>
    %eq3A_118 = arith.cmpf oeq, %select_n3A_113, %eq3A_117 : vector<128x640xf32>
    %jit3A_119 = arith.constant 1.000000e+30 : f32
    %broadcast_in_dim3A_120 = vector.broadcast %jit3A_119 : f32 to vector<128x640xf32>
    %select_n3A_121 = arith.select %eq3A_118, %convert_element_type3A_86, %broadcast_in_dim3A_120 : vector<128x640xi1>, vector<128x640xf32>
    %reduce_min3A_122 = arith.constant dense<0x7F800000> : vector<128xf32>
    %reduce_min3A_123 = vector.multi_reduction <minimumf>, %select_n3A_121, %reduce_min3A_122 [1] : vector<128x640xf32> to vector<128xf32>
    %broadcast_in_dim3A_124 = vector.shape_cast %reduce_min3A_123 : vector<128xf32> to vector<128x1xf32>
    %eq3A_125 = vector.broadcast %broadcast_in_dim3A_124 : vector<128x1xf32> to vector<128x640xf32>
    %eq3A_126 = arith.cmpf oeq, %convert_element_type3A_86, %eq3A_125 : vector<128x640xf32>
    %jit3A_127 = arith.constant 1.000000e+30 : f32
    %broadcast_in_dim3A_128 = vector.broadcast %jit3A_127 : f32 to vector<128x640xf32>
    %select_n3A_129 = arith.select %eq3A_126, %broadcast_in_dim3A_128, %select_n3A_113 : vector<128x640xi1>, vector<128x640xf32>
    %reduce_min3A_130 = arith.constant dense<0x7F800000> : vector<128xf32>
    %reduce_min3A_131 = vector.multi_reduction <minimumf>, %select_n3A_129, %reduce_min3A_130 [1] : vector<128x640xf32> to vector<128xf32>
    %broadcast_in_dim3A_132 = vector.shape_cast %reduce_min3A_131 : vector<128xf32> to vector<128x1xf32>
    %eq3A_133 = vector.broadcast %broadcast_in_dim3A_132 : vector<128x1xf32> to vector<128x640xf32>
    %eq3A_134 = arith.cmpf oeq, %select_n3A_129, %eq3A_133 : vector<128x640xf32>
    %jit3A_135 = arith.constant 1.000000e+30 : f32
    %broadcast_in_dim3A_136 = vector.broadcast %jit3A_135 : f32 to vector<128x640xf32>
    %select_n3A_137 = arith.select %eq3A_134, %convert_element_type3A_86, %broadcast_in_dim3A_136 : vector<128x640xi1>, vector<128x640xf32>
    %reduce_min3A_138 = arith.constant dense<0x7F800000> : vector<128xf32>
    %reduce_min3A_139 = vector.multi_reduction <minimumf>, %select_n3A_137, %reduce_min3A_138 [1] : vector<128x640xf32> to vector<128xf32>
    %broadcast_in_dim3A_140 = vector.shape_cast %reduce_min3A_139 : vector<128xf32> to vector<128x1xf32>
    %eq3A_141 = vector.broadcast %broadcast_in_dim3A_140 : vector<128x1xf32> to vector<128x640xf32>
    %eq3A_142 = arith.cmpf oeq, %convert_element_type3A_86, %eq3A_141 : vector<128x640xf32>
    %jit3A_143 = arith.constant 1.000000e+30 : f32
    %broadcast_in_dim3A_144 = vector.broadcast %jit3A_143 : f32 to vector<128x640xf32>
    %select_n3A_145 = arith.select %eq3A_142, %broadcast_in_dim3A_144, %select_n3A_129 : vector<128x640xi1>, vector<128x640xf32>
    %reduce_min3A_146 = arith.constant dense<0x7F800000> : vector<128xf32>
    %reduce_min3A_147 = vector.multi_reduction <minimumf>, %select_n3A_145, %reduce_min3A_146 [1] : vector<128x640xf32> to vector<128xf32>
    %broadcast_in_dim3A_148 = vector.shape_cast %reduce_min3A_147 : vector<128xf32> to vector<128x1xf32>
    %eq3A_149 = vector.broadcast %broadcast_in_dim3A_148 : vector<128x1xf32> to vector<128x640xf32>
    %eq3A_150 = arith.cmpf oeq, %select_n3A_145, %eq3A_149 : vector<128x640xf32>
    %jit3A_151 = arith.constant 1.000000e+30 : f32
    %broadcast_in_dim3A_152 = vector.broadcast %jit3A_151 : f32 to vector<128x640xf32>
    %select_n3A_153 = arith.select %eq3A_150, %convert_element_type3A_86, %broadcast_in_dim3A_152 : vector<128x640xi1>, vector<128x640xf32>
    %reduce_min3A_154 = arith.constant dense<0x7F800000> : vector<128xf32>
    %reduce_min3A_155 = vector.multi_reduction <minimumf>, %select_n3A_153, %reduce_min3A_154 [1] : vector<128x640xf32> to vector<128xf32>
    %broadcast_in_dim3A_156 = vector.shape_cast %reduce_min3A_155 : vector<128xf32> to vector<128x1xf32>
    %eq3A_157 = vector.broadcast %broadcast_in_dim3A_156 : vector<128x1xf32> to vector<128x640xf32>
    %eq3A_158 = arith.cmpf oeq, %convert_element_type3A_86, %eq3A_157 : vector<128x640xf32>
    %jit3A_159 = arith.constant 1.000000e+30 : f32
    %broadcast_in_dim3A_160 = vector.broadcast %jit3A_159 : f32 to vector<128x640xf32>
    %select_n3A_161 = arith.select %eq3A_158, %broadcast_in_dim3A_160, %select_n3A_145 : vector<128x640xi1>, vector<128x640xf32>
    %reduce_min3A_162 = arith.constant dense<0x7F800000> : vector<128xf32>
    %reduce_min3A_163 = vector.multi_reduction <minimumf>, %select_n3A_161, %reduce_min3A_162 [1] : vector<128x640xf32> to vector<128xf32>
    %broadcast_in_dim3A_164 = vector.shape_cast %reduce_min3A_163 : vector<128xf32> to vector<128x1xf32>
    %eq3A_165 = vector.broadcast %broadcast_in_dim3A_164 : vector<128x1xf32> to vector<128x640xf32>
    %eq3A_166 = arith.cmpf oeq, %select_n3A_161, %eq3A_165 : vector<128x640xf32>
    %jit3A_167 = arith.constant 1.000000e+30 : f32
    %broadcast_in_dim3A_168 = vector.broadcast %jit3A_167 : f32 to vector<128x640xf32>
    %select_n3A_169 = arith.select %eq3A_166, %convert_element_type3A_86, %broadcast_in_dim3A_168 : vector<128x640xi1>, vector<128x640xf32>
    %reduce_min3A_170 = arith.constant dense<0x7F800000> : vector<128xf32>
    %reduce_min3A_171 = vector.multi_reduction <minimumf>, %select_n3A_169, %reduce_min3A_170 [1] : vector<128x640xf32> to vector<128xf32>
    %broadcast_in_dim3A_172 = vector.shape_cast %reduce_min3A_171 : vector<128xf32> to vector<128x1xf32>
    %eq3A_173 = vector.broadcast %broadcast_in_dim3A_172 : vector<128x1xf32> to vector<128x640xf32>
    %eq3A_174 = arith.cmpf oeq, %convert_element_type3A_86, %eq3A_173 : vector<128x640xf32>
    %jit3A_175 = arith.constant 1.000000e+30 : f32
    %broadcast_in_dim3A_176 = vector.broadcast %jit3A_175 : f32 to vector<128x640xf32>
    %select_n3A_177 = arith.select %eq3A_174, %broadcast_in_dim3A_176, %select_n3A_161 : vector<128x640xi1>, vector<128x640xf32>
    %reduce_min3A_178 = arith.constant dense<0x7F800000> : vector<128xf32>
    %reduce_min3A_179 = vector.multi_reduction <minimumf>, %select_n3A_177, %reduce_min3A_178 [1] : vector<128x640xf32> to vector<128xf32>
    %broadcast_in_dim3A_180 = vector.shape_cast %reduce_min3A_179 : vector<128xf32> to vector<128x1xf32>
    %eq3A_181 = vector.broadcast %broadcast_in_dim3A_180 : vector<128x1xf32> to vector<128x640xf32>
    %eq3A_182 = arith.cmpf oeq, %select_n3A_177, %eq3A_181 : vector<128x640xf32>
    %jit3A_183 = arith.constant 1.000000e+30 : f32
    %broadcast_in_dim3A_184 = vector.broadcast %jit3A_183 : f32 to vector<128x640xf32>
    %select_n3A_185 = arith.select %eq3A_182, %convert_element_type3A_86, %broadcast_in_dim3A_184 : vector<128x640xi1>, vector<128x640xf32>
    %reduce_min3A_186 = arith.constant dense<0x7F800000> : vector<128xf32>
    %reduce_min3A_187 = vector.multi_reduction <minimumf>, %select_n3A_185, %reduce_min3A_186 [1] : vector<128x640xf32> to vector<128xf32>
    %broadcast_in_dim3A_188 = vector.shape_cast %reduce_min3A_187 : vector<128xf32> to vector<128x1xf32>
    %eq3A_189 = vector.broadcast %broadcast_in_dim3A_188 : vector<128x1xf32> to vector<128x640xf32>
    %eq3A_190 = arith.cmpf oeq, %convert_element_type3A_86, %eq3A_189 : vector<128x640xf32>
    %jit3A_191 = arith.constant 1.000000e+30 : f32
    %broadcast_in_dim3A_192 = vector.broadcast %jit3A_191 : f32 to vector<128x640xf32>
    %select_n3A_193 = arith.select %eq3A_190, %broadcast_in_dim3A_192, %select_n3A_177 : vector<128x640xi1>, vector<128x640xf32>
    %reduce_min3A_194 = arith.constant dense<0x7F800000> : vector<128xf32>
    %reduce_min3A_195 = vector.multi_reduction <minimumf>, %select_n3A_193, %reduce_min3A_194 [1] : vector<128x640xf32> to vector<128xf32>
    %broadcast_in_dim3A_196 = vector.shape_cast %reduce_min3A_195 : vector<128xf32> to vector<128x1xf32>
    %eq3A_197 = vector.broadcast %broadcast_in_dim3A_196 : vector<128x1xf32> to vector<128x640xf32>
    %eq3A_198 = arith.cmpf oeq, %select_n3A_193, %eq3A_197 : vector<128x640xf32>
    %jit3A_199 = arith.constant 1.000000e+30 : f32
    %broadcast_in_dim3A_200 = vector.broadcast %jit3A_199 : f32 to vector<128x640xf32>
    %select_n3A_201 = arith.select %eq3A_198, %convert_element_type3A_86, %broadcast_in_dim3A_200 : vector<128x640xi1>, vector<128x640xf32>
    %reduce_min3A_202 = arith.constant dense<0x7F800000> : vector<128xf32>
    %reduce_min3A_203 = vector.multi_reduction <minimumf>, %select_n3A_201, %reduce_min3A_202 [1] : vector<128x640xf32> to vector<128xf32>
    %broadcast_in_dim3A_204 = vector.shape_cast %reduce_min3A_203 : vector<128xf32> to vector<128x1xf32>
    %eq3A_205 = vector.broadcast %broadcast_in_dim3A_204 : vector<128x1xf32> to vector<128x640xf32>
    %eq3A_206 = arith.cmpf oeq, %convert_element_type3A_86, %eq3A_205 : vector<128x640xf32>
    %jit3A_207 = arith.constant 1.000000e+30 : f32
    %broadcast_in_dim3A_208 = vector.broadcast %jit3A_207 : f32 to vector<128x640xf32>
    %select_n3A_209 = arith.select %eq3A_206, %broadcast_in_dim3A_208, %select_n3A_193 : vector<128x640xi1>, vector<128x640xf32>
    %reduce_min3A_210 = arith.constant dense<0x7F800000> : vector<128xf32>
    %reduce_min3A_211 = vector.multi_reduction <minimumf>, %select_n3A_209, %reduce_min3A_210 [1] : vector<128x640xf32> to vector<128xf32>
    %broadcast_in_dim3A_212 = vector.shape_cast %reduce_min3A_211 : vector<128xf32> to vector<128x1xf32>
    %eq3A_213 = vector.broadcast %broadcast_in_dim3A_212 : vector<128x1xf32> to vector<128x640xf32>
    %eq3A_214 = arith.cmpf oeq, %select_n3A_209, %eq3A_213 : vector<128x640xf32>
    %jit3A_215 = arith.constant 1.000000e+30 : f32
    %broadcast_in_dim3A_216 = vector.broadcast %jit3A_215 : f32 to vector<128x640xf32>
    %select_n3A_217 = arith.select %eq3A_214, %convert_element_type3A_86, %broadcast_in_dim3A_216 : vector<128x640xi1>, vector<128x640xf32>
    %reduce_min3A_218 = arith.constant dense<0x7F800000> : vector<128xf32>
    %reduce_min3A_219 = vector.multi_reduction <minimumf>, %select_n3A_217, %reduce_min3A_218 [1] : vector<128x640xf32> to vector<128xf32>
    %broadcast_in_dim3A_220 = vector.shape_cast %reduce_min3A_219 : vector<128xf32> to vector<128x1xf32>
    %eq3A_221 = vector.broadcast %broadcast_in_dim3A_220 : vector<128x1xf32> to vector<128x640xf32>
    %eq3A_222 = arith.cmpf oeq, %convert_element_type3A_86, %eq3A_221 : vector<128x640xf32>
    %jit3A_223 = arith.constant 1.000000e+30 : f32
    %broadcast_in_dim3A_224 = vector.broadcast %jit3A_223 : f32 to vector<128x640xf32>
    %select_n3A_225 = arith.select %eq3A_222, %broadcast_in_dim3A_224, %select_n3A_209 : vector<128x640xi1>, vector<128x640xf32>
    %reduce_min3A_226 = arith.constant dense<0x7F800000> : vector<128xf32>
    %reduce_min3A_227 = vector.multi_reduction <minimumf>, %select_n3A_225, %reduce_min3A_226 [1] : vector<128x640xf32> to vector<128xf32>
    %broadcast_in_dim3A_228 = vector.shape_cast %reduce_min3A_227 : vector<128xf32> to vector<128x1xf32>
    %eq3A_229 = vector.broadcast %broadcast_in_dim3A_228 : vector<128x1xf32> to vector<128x640xf32>
    %eq3A_230 = arith.cmpf oeq, %select_n3A_225, %eq3A_229 : vector<128x640xf32>
    %jit3A_231 = arith.constant 1.000000e+30 : f32
    %broadcast_in_dim3A_232 = vector.broadcast %jit3A_231 : f32 to vector<128x640xf32>
    %select_n3A_233 = arith.select %eq3A_230, %convert_element_type3A_86, %broadcast_in_dim3A_232 : vector<128x640xi1>, vector<128x640xf32>
    %reduce_min3A_234 = arith.constant dense<0x7F800000> : vector<128xf32>
    %reduce_min3A_235 = vector.multi_reduction <minimumf>, %select_n3A_233, %reduce_min3A_234 [1] : vector<128x640xf32> to vector<128xf32>
    %broadcast_in_dim3A_236 = vector.shape_cast %reduce_min3A_235 : vector<128xf32> to vector<128x1xf32>
    %eq3A_237 = vector.broadcast %broadcast_in_dim3A_236 : vector<128x1xf32> to vector<128x640xf32>
    %eq3A_238 = arith.cmpf oeq, %convert_element_type3A_86, %eq3A_237 : vector<128x640xf32>
    %jit3A_239 = arith.constant 1.000000e+30 : f32
    %broadcast_in_dim3A_240 = vector.broadcast %jit3A_239 : f32 to vector<128x640xf32>
    %select_n3A_241 = arith.select %eq3A_238, %broadcast_in_dim3A_240, %select_n3A_225 : vector<128x640xi1>, vector<128x640xf32>
    %reduce_min3A_242 = arith.constant dense<0x7F800000> : vector<128xf32>
    %reduce_min3A_243 = vector.multi_reduction <minimumf>, %select_n3A_241, %reduce_min3A_242 [1] : vector<128x640xf32> to vector<128xf32>
    %broadcast_in_dim3A_244 = vector.shape_cast %reduce_min3A_243 : vector<128xf32> to vector<128x1xf32>
    %eq3A_245 = vector.broadcast %broadcast_in_dim3A_244 : vector<128x1xf32> to vector<128x640xf32>
    %eq3A_246 = arith.cmpf oeq, %select_n3A_241, %eq3A_245 : vector<128x640xf32>
    %jit3A_247 = arith.constant 1.000000e+30 : f32
    %broadcast_in_dim3A_248 = vector.broadcast %jit3A_247 : f32 to vector<128x640xf32>
    %select_n3A_249 = arith.select %eq3A_246, %convert_element_type3A_86, %broadcast_in_dim3A_248 : vector<128x640xi1>, vector<128x640xf32>
    %reduce_min3A_250 = arith.constant dense<0x7F800000> : vector<128xf32>
    %reduce_min3A_251 = vector.multi_reduction <minimumf>, %select_n3A_249, %reduce_min3A_250 [1] : vector<128x640xf32> to vector<128xf32>
    %broadcast_in_dim3A_252 = vector.shape_cast %reduce_min3A_251 : vector<128xf32> to vector<128x1xf32>
    %eq3A_253 = vector.broadcast %broadcast_in_dim3A_252 : vector<128x1xf32> to vector<128x640xf32>
    %eq3A_254 = arith.cmpf oeq, %convert_element_type3A_86, %eq3A_253 : vector<128x640xf32>
    %jit3A_255 = arith.constant 1.000000e+30 : f32
    %broadcast_in_dim3A_256 = vector.broadcast %jit3A_255 : f32 to vector<128x640xf32>
    %select_n3A_257 = arith.select %eq3A_254, %broadcast_in_dim3A_256, %select_n3A_241 : vector<128x640xi1>, vector<128x640xf32>
    %reduce_min3A_258 = arith.constant dense<0x7F800000> : vector<128xf32>
    %reduce_min3A_259 = vector.multi_reduction <minimumf>, %select_n3A_257, %reduce_min3A_258 [1] : vector<128x640xf32> to vector<128xf32>
    %broadcast_in_dim3A_260 = vector.shape_cast %reduce_min3A_259 : vector<128xf32> to vector<128x1xf32>
    %eq3A_261 = vector.broadcast %broadcast_in_dim3A_260 : vector<128x1xf32> to vector<128x640xf32>
    %eq3A_262 = arith.cmpf oeq, %select_n3A_257, %eq3A_261 : vector<128x640xf32>
    %jit3A_263 = arith.constant 1.000000e+30 : f32
    %broadcast_in_dim3A_264 = vector.broadcast %jit3A_263 : f32 to vector<128x640xf32>
    %select_n3A_265 = arith.select %eq3A_262, %convert_element_type3A_86, %broadcast_in_dim3A_264 : vector<128x640xi1>, vector<128x640xf32>
    %reduce_min3A_266 = arith.constant dense<0x7F800000> : vector<128xf32>
    %reduce_min3A_267 = vector.multi_reduction <minimumf>, %select_n3A_265, %reduce_min3A_266 [1] : vector<128x640xf32> to vector<128xf32>
    %broadcast_in_dim3A_268 = vector.shape_cast %reduce_min3A_267 : vector<128xf32> to vector<128x1xf32>
    %eq3A_269 = vector.broadcast %broadcast_in_dim3A_268 : vector<128x1xf32> to vector<128x640xf32>
    %eq3A_270 = arith.cmpf oeq, %convert_element_type3A_86, %eq3A_269 : vector<128x640xf32>
    %jit3A_271 = arith.constant 1.000000e+30 : f32
    %broadcast_in_dim3A_272 = vector.broadcast %jit3A_271 : f32 to vector<128x640xf32>
    %select_n3A_273 = arith.select %eq3A_270, %broadcast_in_dim3A_272, %select_n3A_257 : vector<128x640xi1>, vector<128x640xf32>
    %reduce_min3A_274 = arith.constant dense<0x7F800000> : vector<128xf32>
    %reduce_min3A_275 = vector.multi_reduction <minimumf>, %select_n3A_273, %reduce_min3A_274 [1] : vector<128x640xf32> to vector<128xf32>
    %broadcast_in_dim3A_276 = vector.shape_cast %reduce_min3A_275 : vector<128xf32> to vector<128x1xf32>
    %eq3A_277 = vector.broadcast %broadcast_in_dim3A_276 : vector<128x1xf32> to vector<128x640xf32>
    %eq3A_278 = arith.cmpf oeq, %select_n3A_273, %eq3A_277 : vector<128x640xf32>
    %jit3A_279 = arith.constant 1.000000e+30 : f32
    %broadcast_in_dim3A_280 = vector.broadcast %jit3A_279 : f32 to vector<128x640xf32>
    %select_n3A_281 = arith.select %eq3A_278, %convert_element_type3A_86, %broadcast_in_dim3A_280 : vector<128x640xi1>, vector<128x640xf32>
    %reduce_min3A_282 = arith.constant dense<0x7F800000> : vector<128xf32>
    %reduce_min3A_283 = vector.multi_reduction <minimumf>, %select_n3A_281, %reduce_min3A_282 [1] : vector<128x640xf32> to vector<128xf32>
    %broadcast_in_dim3A_284 = vector.shape_cast %reduce_min3A_283 : vector<128xf32> to vector<128x1xf32>
    %eq3A_285 = vector.broadcast %broadcast_in_dim3A_284 : vector<128x1xf32> to vector<128x640xf32>
    %eq3A_286 = arith.cmpf oeq, %convert_element_type3A_86, %eq3A_285 : vector<128x640xf32>
    %jit3A_287 = arith.constant 1.000000e+30 : f32
    %broadcast_in_dim3A_288 = vector.broadcast %jit3A_287 : f32 to vector<128x640xf32>
    %select_n3A_289 = arith.select %eq3A_286, %broadcast_in_dim3A_288, %select_n3A_273 : vector<128x640xi1>, vector<128x640xf32>
    %reduce_min3A_290 = arith.constant dense<0x7F800000> : vector<128xf32>
    %reduce_min3A_291 = vector.multi_reduction <minimumf>, %select_n3A_289, %reduce_min3A_290 [1] : vector<128x640xf32> to vector<128xf32>
    %broadcast_in_dim3A_292 = vector.shape_cast %reduce_min3A_291 : vector<128xf32> to vector<128x1xf32>
    %eq3A_293 = vector.broadcast %broadcast_in_dim3A_292 : vector<128x1xf32> to vector<128x640xf32>
    %eq3A_294 = arith.cmpf oeq, %select_n3A_289, %eq3A_293 : vector<128x640xf32>
    %jit3A_295 = arith.constant 1.000000e+30 : f32
    %broadcast_in_dim3A_296 = vector.broadcast %jit3A_295 : f32 to vector<128x640xf32>
    %select_n3A_297 = arith.select %eq3A_294, %convert_element_type3A_86, %broadcast_in_dim3A_296 : vector<128x640xi1>, vector<128x640xf32>
    %reduce_min3A_298 = arith.constant dense<0x7F800000> : vector<128xf32>
    %reduce_min3A_299 = vector.multi_reduction <minimumf>, %select_n3A_297, %reduce_min3A_298 [1] : vector<128x640xf32> to vector<128xf32>
    %broadcast_in_dim3A_300 = vector.shape_cast %reduce_min3A_299 : vector<128xf32> to vector<128x1xf32>
    %eq3A_301 = vector.broadcast %broadcast_in_dim3A_300 : vector<128x1xf32> to vector<128x640xf32>
    %eq3A_302 = arith.cmpf oeq, %convert_element_type3A_86, %eq3A_301 : vector<128x640xf32>
    %jit3A_303 = arith.constant 1.000000e+30 : f32
    %broadcast_in_dim3A_304 = vector.broadcast %jit3A_303 : f32 to vector<128x640xf32>
    %select_n3A_305 = arith.select %eq3A_302, %broadcast_in_dim3A_304, %select_n3A_289 : vector<128x640xi1>, vector<128x640xf32>
    %reduce_min3A_306 = arith.constant dense<0x7F800000> : vector<128xf32>
    %reduce_min3A_307 = vector.multi_reduction <minimumf>, %select_n3A_305, %reduce_min3A_306 [1] : vector<128x640xf32> to vector<128xf32>
    %broadcast_in_dim3A_308 = vector.shape_cast %reduce_min3A_307 : vector<128xf32> to vector<128x1xf32>
    %eq3A_309 = vector.broadcast %broadcast_in_dim3A_308 : vector<128x1xf32> to vector<128x640xf32>
    %eq3A_310 = arith.cmpf oeq, %select_n3A_305, %eq3A_309 : vector<128x640xf32>
    %jit3A_311 = arith.constant 1.000000e+30 : f32
    %broadcast_in_dim3A_312 = vector.broadcast %jit3A_311 : f32 to vector<128x640xf32>
    %select_n3A_313 = arith.select %eq3A_310, %convert_element_type3A_86, %broadcast_in_dim3A_312 : vector<128x640xi1>, vector<128x640xf32>
    %reduce_min3A_314 = arith.constant dense<0x7F800000> : vector<128xf32>
    %reduce_min3A_315 = vector.multi_reduction <minimumf>, %select_n3A_313, %reduce_min3A_314 [1] : vector<128x640xf32> to vector<128xf32>
    %broadcast_in_dim3A_316 = vector.shape_cast %reduce_min3A_315 : vector<128xf32> to vector<128x1xf32>
    %eq3A_317 = vector.broadcast %broadcast_in_dim3A_316 : vector<128x1xf32> to vector<128x640xf32>
    %eq3A_318 = arith.cmpf oeq, %convert_element_type3A_86, %eq3A_317 : vector<128x640xf32>
    %jit3A_319 = arith.constant 1.000000e+30 : f32
    %broadcast_in_dim3A_320 = vector.broadcast %jit3A_319 : f32 to vector<128x640xf32>
    %select_n3A_321 = arith.select %eq3A_318, %broadcast_in_dim3A_320, %select_n3A_305 : vector<128x640xi1>, vector<128x640xf32>
    %reduce_min3A_322 = arith.constant dense<0x7F800000> : vector<128xf32>
    %reduce_min3A_323 = vector.multi_reduction <minimumf>, %select_n3A_321, %reduce_min3A_322 [1] : vector<128x640xf32> to vector<128xf32>
    %broadcast_in_dim3A_324 = vector.shape_cast %reduce_min3A_323 : vector<128xf32> to vector<128x1xf32>
    %eq3A_325 = vector.broadcast %broadcast_in_dim3A_324 : vector<128x1xf32> to vector<128x640xf32>
    %eq3A_326 = arith.cmpf oeq, %select_n3A_321, %eq3A_325 : vector<128x640xf32>
    %jit3A_327 = arith.constant 1.000000e+30 : f32
    %broadcast_in_dim3A_328 = vector.broadcast %jit3A_327 : f32 to vector<128x640xf32>
    %select_n3A_329 = arith.select %eq3A_326, %convert_element_type3A_86, %broadcast_in_dim3A_328 : vector<128x640xi1>, vector<128x640xf32>
    %reduce_min3A_330 = arith.constant dense<0x7F800000> : vector<128xf32>
    %reduce_min3A_331 = vector.multi_reduction <minimumf>, %select_n3A_329, %reduce_min3A_330 [1] : vector<128x640xf32> to vector<128xf32>
    %broadcast_in_dim3A_332 = vector.shape_cast %reduce_min3A_331 : vector<128xf32> to vector<128x1xf32>
    %concatenate3A = tpu.concatenate %broadcast_in_dim3A_92, %broadcast_in_dim3A_108, %broadcast_in_dim3A_124, %broadcast_in_dim3A_140, %broadcast_in_dim3A_156, %broadcast_in_dim3A_172, %broadcast_in_dim3A_188, %broadcast_in_dim3A_204, %broadcast_in_dim3A_220, %broadcast_in_dim3A_236, %broadcast_in_dim3A_252, %broadcast_in_dim3A_268, %broadcast_in_dim3A_284, %broadcast_in_dim3A_300, %broadcast_in_dim3A_316, %broadcast_in_dim3A_332 in 1 : vector<128x1xf32>, vector<128x1xf32>, vector<128x1xf32>, vector<128x1xf32>, vector<128x1xf32>, vector<128x1xf32>, vector<128x1xf32>, vector<128x1xf32>, vector<128x1xf32>, vector<128x1xf32>, vector<128x1xf32>, vector<128x1xf32>, vector<128x1xf32>, vector<128x1xf32>, vector<128x1xf32>, vector<128x1xf32> -> vector<128x16xf32>
    %convert_element_type3A_333 = arith.fptosi %concatenate3A : vector<128x16xf32> to vector<128x16xi32>
    %swap3A = arith.constant 0 : index
    %swap3A_334 = arith.constant 0 : index
    %swap3A_335 = vector.load %arg4[%swap3A, %swap3A_334] : memref<128x16xi32, #tpu.memory_space<vmem>>, vector<128x16xi32>
    tpu.vector_store %arg4[%swap3A, %swap3A_334], %convert_element_type3A_333 {strides = array<i32>} : memref<128x16xi32, #tpu.memory_space<vmem>>, vector<128x16xi32>,
    return
  }
  func.func @transform_0(%arg0: i32) -> (i32, i32) {
    %add3A = arith.constant 0 : i32
    %add3A_0 = arith.addi %arg0, %add3A : i32
    %c0_i32 = arith.constant 0 : i32
    %c0_i32_1 = arith.constant 0 : i32
    return %add3A_0, %c0_i32 : i32, i32
  }
  func.func @transform_1(%arg0: i32) -> (i32, i32) {
    %c0_i32 = arith.constant 0 : i32
    %c0_i32_0 = arith.constant 0 : i32
    %c0_i32_1 = arith.constant 0 : i32
    return %c0_i32, %c0_i32_0 : i32, i32
  }
  func.func @transform_2(%arg0: i32) -> (i32, i32) {
    %c0_i32 = arith.constant 0 : i32
    %c0_i32_0 = arith.constant 0 : i32
    %c0_i32_1 = arith.constant 0 : i32
    return %c0_i32, %c0_i32_0 : i32, i32
  }
  func.func @transform_3(%arg0: i32) -> (i32, i32) {
    %c0_i32 = arith.constant 0 : i32
    %c0_i32_0 = arith.constant 0 : i32
    return %arg0, %c0_i32 : i32, i32
  }
}

module attributes {stable_mosaic.version = 14 : i64} {
  func.func @_kqkv_body(%arg0: i32, %arg1: memref<128x8xf32, #tpu.memory_space<vmem>>, %arg2: memref<128x128xf32, #tpu.memory_space<vmem>>, %arg3: memref<128x128xf32, #tpu.memory_space<vmem>>, %arg4: memref<1x128xf32, #tpu.memory_space<vmem>>, %arg5: memref<128x128xf32, #tpu.memory_space<vmem>>, %arg6: memref<1x128xf32, #tpu.memory_space<vmem>>, %arg7: memref<128x128xf32, #tpu.memory_space<vmem>>, %arg8: memref<1x128xf32, #tpu.memory_space<vmem>>, %arg9: memref<128x128xf32, #tpu.memory_space<vmem>>, %arg10: memref<128x256xf32, #tpu.memory_space<vmem>>, %arg11: memref<128x128xf32, #tpu.memory_space<vmem>>) attributes {dimension_semantics = [#tpu.dimension_semantics<arbitrary>], iteration_bounds = array<i64: 80>, scalar_prefetch = 0 : i64, scratch_operands = 0 : i64, tpu.core_type = #tpu.core_type<tc>, window_params = [{transform_indices = @transform_0, window_bounds = array<i64: 128, 8>}, {transform_indices = @transform_1, window_bounds = array<i64: 128, 128>}, {pipeline_mode = #tpu.pipeline_mode<synchronous>, transform_indices = @transform_2, window_bounds = array<i64: 128, 128>}, {pipeline_mode = #tpu.pipeline_mode<synchronous>, transform_indices = @transform_3, window_bounds = array<i64: 1, 128>}, {pipeline_mode = #tpu.pipeline_mode<synchronous>, transform_indices = @transform_4, window_bounds = array<i64: 128, 128>}, {pipeline_mode = #tpu.pipeline_mode<synchronous>, transform_indices = @transform_5, window_bounds = array<i64: 1, 128>}, {pipeline_mode = #tpu.pipeline_mode<synchronous>, transform_indices = @transform_6, window_bounds = array<i64: 128, 128>}, {pipeline_mode = #tpu.pipeline_mode<synchronous>, transform_indices = @transform_7, window_bounds = array<i64: 1, 128>}, {transform_indices = @transform_8, window_bounds = array<i64: 128, 128>}, {transform_indices = @transform_9, window_bounds = array<i64: 128, 256>}, {transform_indices = @transform_10, window_bounds = array<i64: 128, 128>}]} {
    %get3A = arith.constant 0 : index
    %get3A_0 = arith.constant 0 : index
    %get3A_1 = vector.load %arg2[%get3A, %get3A_0] : memref<128x128xf32, #tpu.memory_space<vmem>>, vector<128x128xf32>
    %convert_element_type3A = arith.truncf %get3A_1 : vector<128x128xf32> to vector<128x128xbf16>
    %get3A_2 = arith.constant 0 : index
    %get3A_3 = arith.constant 0 : index
    %get3A_4 = vector.load %arg3[%get3A_2, %get3A_3] : memref<128x128xf32, #tpu.memory_space<vmem>>, vector<128x128xf32>
    %convert_element_type3A_5 = arith.truncf %get3A_4 : vector<128x128xf32> to vector<128x128xbf16>
    %dot_general3A = arith.constant dense<0.000000e+00> : vector<128x128xf32>
    %dot_general3A_6 = tpu.matmul %convert_element_type3A, %convert_element_type3A_5, %dot_general3A {dimension_numbers = #tpu.dot_dimension_numbers<[1], [0], [0], [1], [0, 0, 1, 1], [], []>, transpose_lhs_hint = false} : vector<128x128xbf16>, vector<128x128xbf16>, vector<128x128xf32> -> vector<128x128xf32>
    %get3A_7 = arith.constant 0 : index
    %get3A_8 = arith.constant 0 : index
    %get3A_9 = vector.load %arg4[%get3A_7, %get3A_8] : memref<1x128xf32, #tpu.memory_space<vmem>>, vector<1x128xf32>
    %add3A = vector.broadcast %get3A_9 : vector<1x128xf32> to vector<128x128xf32>
    %add3A_10 = arith.addf %dot_general3A_6, %add3A : vector<128x128xf32>
    %swap3A = arith.constant 0 : index
    %swap3A_11 = arith.constant 0 : index
    %swap3A_12 = vector.load %arg9[%swap3A, %swap3A_11] : memref<128x128xf32, #tpu.memory_space<vmem>>, vector<128x128xf32>
    tpu.vector_store %arg9[%swap3A, %swap3A_11], %add3A_10 {strides = array<i32>} : memref<128x128xf32, #tpu.memory_space<vmem>>, vector<128x128xf32>,
    %get3A_13 = arith.constant 0 : index
    %get3A_14 = arith.constant 0 : index
    %get3A_15 = vector.load %arg5[%get3A_13, %get3A_14] : memref<128x128xf32, #tpu.memory_space<vmem>>, vector<128x128xf32>
    %convert_element_type3A_16 = arith.truncf %get3A_15 : vector<128x128xf32> to vector<128x128xbf16>
    %dot_general3A_17 = arith.constant dense<0.000000e+00> : vector<128x128xf32>
    %dot_general3A_18 = tpu.matmul %convert_element_type3A, %convert_element_type3A_16, %dot_general3A_17 {dimension_numbers = #tpu.dot_dimension_numbers<[1], [0], [0], [1], [0, 0, 1, 1], [], []>, transpose_lhs_hint = false} : vector<128x128xbf16>, vector<128x128xbf16>, vector<128x128xf32> -> vector<128x128xf32>
    %get3A_19 = arith.constant 0 : index
    %get3A_20 = arith.constant 0 : index
    %get3A_21 = vector.load %arg6[%get3A_19, %get3A_20] : memref<1x128xf32, #tpu.memory_space<vmem>>, vector<1x128xf32>
    %add3A_22 = vector.broadcast %get3A_21 : vector<1x128xf32> to vector<128x128xf32>
    %add3A_23 = arith.addf %dot_general3A_18, %add3A_22 : vector<128x128xf32>
    %swap3A_24 = arith.constant 0 : index
    %swap3A_25 = arith.constant 0 : index
    %swap3A_26 = vector.load %arg10[%swap3A_24, %swap3A_25] : memref<128x256xf32, #tpu.memory_space<vmem>>, vector<128x128xf32>
    tpu.vector_store %arg10[%swap3A_24, %swap3A_25], %add3A_23 {strides = array<i32>} : memref<128x256xf32, #tpu.memory_space<vmem>>, vector<128x128xf32>,
    %get3A_27 = arith.constant 0 : index
    %get3A_28 = arith.constant 0 : index
    %get3A_29 = vector.load %arg1[%get3A_27, %get3A_28] : memref<128x8xf32, #tpu.memory_space<vmem>>, vector<128x8xf32>
    %swap3A_30 = arith.constant 0 : index
    %swap3A_31 = arith.constant 128 : index
    %swap3A_32 = vector.load %arg10[%swap3A_30, %swap3A_31] : memref<128x256xf32, #tpu.memory_space<vmem>>, vector<128x8xf32>
    tpu.vector_store %arg10[%swap3A_30, %swap3A_31], %get3A_29 {strides = array<i32>} : memref<128x256xf32, #tpu.memory_space<vmem>>, vector<128x8xf32>,
    %broadcast_in_dim3A = arith.constant 0.000000e+00 : f32
    %broadcast_in_dim3A_33 = vector.broadcast %broadcast_in_dim3A : f32 to vector<128x120xf32>
    %swap3A_34 = arith.constant 0 : index
    %swap3A_35 = arith.constant 136 : index
    %swap3A_36 = vector.load %arg10[%swap3A_34, %swap3A_35] : memref<128x256xf32, #tpu.memory_space<vmem>>, vector<128x120xf32>
    tpu.vector_store %arg10[%swap3A_34, %swap3A_35], %broadcast_in_dim3A_33 {strides = array<i32>} : memref<128x256xf32, #tpu.memory_space<vmem>>, vector<128x120xf32>,
    %get3A_37 = arith.constant 0 : index
    %get3A_38 = arith.constant 0 : index
    %get3A_39 = vector.load %arg7[%get3A_37, %get3A_38] : memref<128x128xf32, #tpu.memory_space<vmem>>, vector<128x128xf32>
    %convert_element_type3A_40 = arith.truncf %get3A_39 : vector<128x128xf32> to vector<128x128xbf16>
    %dot_general3A_41 = arith.constant dense<0.000000e+00> : vector<128x128xf32>
    %dot_general3A_42 = tpu.matmul %convert_element_type3A, %convert_element_type3A_40, %dot_general3A_41 {dimension_numbers = #tpu.dot_dimension_numbers<[1], [0], [0], [1], [0, 0, 1, 1], [], []>, transpose_lhs_hint = false} : vector<128x128xbf16>, vector<128x128xbf16>, vector<128x128xf32> -> vector<128x128xf32>
    %get3A_43 = arith.constant 0 : index
    %get3A_44 = arith.constant 0 : index
    %get3A_45 = vector.load %arg8[%get3A_43, %get3A_44] : memref<1x128xf32, #tpu.memory_space<vmem>>, vector<1x128xf32>
    %add3A_46 = vector.broadcast %get3A_45 : vector<1x128xf32> to vector<128x128xf32>
    %add3A_47 = arith.addf %dot_general3A_42, %add3A_46 : vector<128x128xf32>
    %swap3A_48 = arith.constant 0 : index
    %swap3A_49 = arith.constant 0 : index
    %swap3A_50 = vector.load %arg11[%swap3A_48, %swap3A_49] : memref<128x128xf32, #tpu.memory_space<vmem>>, vector<128x128xf32>
    tpu.vector_store %arg11[%swap3A_48, %swap3A_49], %add3A_47 {strides = array<i32>} : memref<128x128xf32, #tpu.memory_space<vmem>>, vector<128x128xf32>,
    return
  }
  func.func @transform_0(%arg0: i32) -> (i32, i32) {
    %c0_i32 = arith.constant 0 : i32
    %c0_i32_0 = arith.constant 0 : i32
    return %arg0, %c0_i32 : i32, i32
  }
  func.func @transform_1(%arg0: i32) -> (i32, i32) {
    %c0_i32 = arith.constant 0 : i32
    %c0_i32_0 = arith.constant 0 : i32
    return %arg0, %c0_i32 : i32, i32
  }
  func.func @transform_2(%arg0: i32) -> (i32, i32) {
    %c0_i32 = arith.constant 0 : i32
    %c0_i32_0 = arith.constant 0 : i32
    %c0_i32_1 = arith.constant 0 : i32
    return %c0_i32, %c0_i32_0 : i32, i32
  }
  func.func @transform_3(%arg0: i32) -> (i32, i32) {
    %c0_i32 = arith.constant 0 : i32
    %c0_i32_0 = arith.constant 0 : i32
    %c0_i32_1 = arith.constant 0 : i32
    return %c0_i32, %c0_i32_0 : i32, i32
  }
  func.func @transform_4(%arg0: i32) -> (i32, i32) {
    %c0_i32 = arith.constant 0 : i32
    %c0_i32_0 = arith.constant 0 : i32
    %c0_i32_1 = arith.constant 0 : i32
    return %c0_i32, %c0_i32_0 : i32, i32
  }
  func.func @transform_5(%arg0: i32) -> (i32, i32) {
    %c0_i32 = arith.constant 0 : i32
    %c0_i32_0 = arith.constant 0 : i32
    %c0_i32_1 = arith.constant 0 : i32
    return %c0_i32, %c0_i32_0 : i32, i32
  }
  func.func @transform_6(%arg0: i32) -> (i32, i32) {
    %c0_i32 = arith.constant 0 : i32
    %c0_i32_0 = arith.constant 0 : i32
    %c0_i32_1 = arith.constant 0 : i32
    return %c0_i32, %c0_i32_0 : i32, i32
  }
  func.func @transform_7(%arg0: i32) -> (i32, i32) {
    %c0_i32 = arith.constant 0 : i32
    %c0_i32_0 = arith.constant 0 : i32
    %c0_i32_1 = arith.constant 0 : i32
    return %c0_i32, %c0_i32_0 : i32, i32
  }
  func.func @transform_8(%arg0: i32) -> (i32, i32) {
    %c0_i32 = arith.constant 0 : i32
    %c0_i32_0 = arith.constant 0 : i32
    return %arg0, %c0_i32 : i32, i32
  }
  func.func @transform_9(%arg0: i32) -> (i32, i32) {
    %c0_i32 = arith.constant 0 : i32
    %c0_i32_0 = arith.constant 0 : i32
    return %arg0, %c0_i32 : i32, i32
  }
  func.func @transform_10(%arg0: i32) -> (i32, i32) {
    %c0_i32 = arith.constant 0 : i32
    %c0_i32_0 = arith.constant 0 : i32
    return %arg0, %c0_i32 : i32, i32
  }
}

module attributes {stable_mosaic.version = 14 : i64} {
  func.func @_kc_body(%arg0: i32, %arg1: memref<128x2048xf32, #tpu.memory_space<vmem>>, %arg2: memref<128x8xf32, #tpu.memory_space<vmem>>, %arg3: memref<128x1xf32, #tpu.memory_space<vmem>>, %arg4: memref<128x16xi32, #tpu.memory_space<vmem>>, %arg5: memref<128x16xi32, #tpu.memory_space<vmem>>) attributes {dimension_semantics = [#tpu.dimension_semantics<arbitrary>], iteration_bounds = array<i64: 40>, scalar_prefetch = 0 : i64, scratch_operands = 0 : i64, tpu.core_type = #tpu.core_type<tc>, window_params = [{transform_indices = @transform_0, window_bounds = array<i64: 128, 2048>}, {transform_indices = @transform_1, window_bounds = array<i64: 128, 8>}, {transform_indices = @transform_2, window_bounds = array<i64: 128, 1>}, {transform_indices = @transform_3, window_bounds = array<i64: 128, 16>}, {transform_indices = @transform_4, window_bounds = array<i64: 128, 16>}]} {
    %get3A = arith.constant 0 : index
    %get3A_0 = arith.constant 0 : index
    %get3A_1 = vector.load %arg1[%get3A, %get3A_0] : memref<128x2048xf32, #tpu.memory_space<vmem>>, vector<128x2048xf32>
    %slice3A = vector.extract_strided_slice %get3A_1 {offsets = [0, 0], sizes = [128, 16], strides = [1, 1]} : vector<128x2048xf32> to vector<128x16xf32>
    %slice3A_2 = vector.extract_strided_slice %get3A_1 {offsets = [0, 128], sizes = [128, 16], strides = [1, 1]} : vector<128x2048xf32> to vector<128x16xf32>
    %slice3A_3 = vector.extract_strided_slice %get3A_1 {offsets = [0, 256], sizes = [128, 16], strides = [1, 1]} : vector<128x2048xf32> to vector<128x16xf32>
    %slice3A_4 = vector.extract_strided_slice %get3A_1 {offsets = [0, 384], sizes = [128, 16], strides = [1, 1]} : vector<128x2048xf32> to vector<128x16xf32>
    %slice3A_5 = vector.extract_strided_slice %get3A_1 {offsets = [0, 512], sizes = [128, 16], strides = [1, 1]} : vector<128x2048xf32> to vector<128x16xf32>
    %slice3A_6 = vector.extract_strided_slice %get3A_1 {offsets = [0, 640], sizes = [128, 16], strides = [1, 1]} : vector<128x2048xf32> to vector<128x16xf32>
    %slice3A_7 = vector.extract_strided_slice %get3A_1 {offsets = [0, 768], sizes = [128, 16], strides = [1, 1]} : vector<128x2048xf32> to vector<128x16xf32>
    %slice3A_8 = vector.extract_strided_slice %get3A_1 {offsets = [0, 896], sizes = [128, 16], strides = [1, 1]} : vector<128x2048xf32> to vector<128x16xf32>
    %slice3A_9 = vector.extract_strided_slice %get3A_1 {offsets = [0, 1024], sizes = [128, 16], strides = [1, 1]} : vector<128x2048xf32> to vector<128x16xf32>
    %slice3A_10 = vector.extract_strided_slice %get3A_1 {offsets = [0, 1152], sizes = [128, 16], strides = [1, 1]} : vector<128x2048xf32> to vector<128x16xf32>
    %slice3A_11 = vector.extract_strided_slice %get3A_1 {offsets = [0, 1280], sizes = [128, 16], strides = [1, 1]} : vector<128x2048xf32> to vector<128x16xf32>
    %slice3A_12 = vector.extract_strided_slice %get3A_1 {offsets = [0, 1408], sizes = [128, 16], strides = [1, 1]} : vector<128x2048xf32> to vector<128x16xf32>
    %slice3A_13 = vector.extract_strided_slice %get3A_1 {offsets = [0, 1536], sizes = [128, 16], strides = [1, 1]} : vector<128x2048xf32> to vector<128x16xf32>
    %slice3A_14 = vector.extract_strided_slice %get3A_1 {offsets = [0, 1664], sizes = [128, 16], strides = [1, 1]} : vector<128x2048xf32> to vector<128x16xf32>
    %slice3A_15 = vector.extract_strided_slice %get3A_1 {offsets = [0, 1792], sizes = [128, 16], strides = [1, 1]} : vector<128x2048xf32> to vector<128x16xf32>
    %slice3A_16 = vector.extract_strided_slice %get3A_1 {offsets = [0, 1920], sizes = [128, 16], strides = [1, 1]} : vector<128x2048xf32> to vector<128x16xf32>
    %concatenate3A = tpu.concatenate %slice3A, %slice3A_2, %slice3A_3, %slice3A_4, %slice3A_5, %slice3A_6, %slice3A_7, %slice3A_8, %slice3A_9, %slice3A_10, %slice3A_11, %slice3A_12, %slice3A_13, %slice3A_14, %slice3A_15, %slice3A_16 in 1 : vector<128x16xf32>, vector<128x16xf32>, vector<128x16xf32>, vector<128x16xf32>, vector<128x16xf32>, vector<128x16xf32>, vector<128x16xf32>, vector<128x16xf32>, vector<128x16xf32>, vector<128x16xf32>, vector<128x16xf32>, vector<128x16xf32>, vector<128x16xf32>, vector<128x16xf32>, vector<128x16xf32>, vector<128x16xf32> -> vector<128x256xf32>
    %slice3A_17 = vector.extract_strided_slice %get3A_1 {offsets = [0, 16], sizes = [128, 16], strides = [1, 1]} : vector<128x2048xf32> to vector<128x16xf32>
    %slice3A_18 = vector.extract_strided_slice %get3A_1 {offsets = [0, 144], sizes = [128, 16], strides = [1, 1]} : vector<128x2048xf32> to vector<128x16xf32>
    %slice3A_19 = vector.extract_strided_slice %get3A_1 {offsets = [0, 272], sizes = [128, 16], strides = [1, 1]} : vector<128x2048xf32> to vector<128x16xf32>
    %slice3A_20 = vector.extract_strided_slice %get3A_1 {offsets = [0, 400], sizes = [128, 16], strides = [1, 1]} : vector<128x2048xf32> to vector<128x16xf32>
    %slice3A_21 = vector.extract_strided_slice %get3A_1 {offsets = [0, 528], sizes = [128, 16], strides = [1, 1]} : vector<128x2048xf32> to vector<128x16xf32>
    %slice3A_22 = vector.extract_strided_slice %get3A_1 {offsets = [0, 656], sizes = [128, 16], strides = [1, 1]} : vector<128x2048xf32> to vector<128x16xf32>
    %slice3A_23 = vector.extract_strided_slice %get3A_1 {offsets = [0, 784], sizes = [128, 16], strides = [1, 1]} : vector<128x2048xf32> to vector<128x16xf32>
    %slice3A_24 = vector.extract_strided_slice %get3A_1 {offsets = [0, 912], sizes = [128, 16], strides = [1, 1]} : vector<128x2048xf32> to vector<128x16xf32>
    %slice3A_25 = vector.extract_strided_slice %get3A_1 {offsets = [0, 1040], sizes = [128, 16], strides = [1, 1]} : vector<128x2048xf32> to vector<128x16xf32>
    %slice3A_26 = vector.extract_strided_slice %get3A_1 {offsets = [0, 1168], sizes = [128, 16], strides = [1, 1]} : vector<128x2048xf32> to vector<128x16xf32>
    %slice3A_27 = vector.extract_strided_slice %get3A_1 {offsets = [0, 1296], sizes = [128, 16], strides = [1, 1]} : vector<128x2048xf32> to vector<128x16xf32>
    %slice3A_28 = vector.extract_strided_slice %get3A_1 {offsets = [0, 1424], sizes = [128, 16], strides = [1, 1]} : vector<128x2048xf32> to vector<128x16xf32>
    %slice3A_29 = vector.extract_strided_slice %get3A_1 {offsets = [0, 1552], sizes = [128, 16], strides = [1, 1]} : vector<128x2048xf32> to vector<128x16xf32>
    %slice3A_30 = vector.extract_strided_slice %get3A_1 {offsets = [0, 1680], sizes = [128, 16], strides = [1, 1]} : vector<128x2048xf32> to vector<128x16xf32>
    %slice3A_31 = vector.extract_strided_slice %get3A_1 {offsets = [0, 1808], sizes = [128, 16], strides = [1, 1]} : vector<128x2048xf32> to vector<128x16xf32>
    %slice3A_32 = vector.extract_strided_slice %get3A_1 {offsets = [0, 1936], sizes = [128, 16], strides = [1, 1]} : vector<128x2048xf32> to vector<128x16xf32>
    %concatenate3A_33 = tpu.concatenate %slice3A_17, %slice3A_18, %slice3A_19, %slice3A_20, %slice3A_21, %slice3A_22, %slice3A_23, %slice3A_24, %slice3A_25, %slice3A_26, %slice3A_27, %slice3A_28, %slice3A_29, %slice3A_30, %slice3A_31, %slice3A_32 in 1 : vector<128x16xf32>, vector<128x16xf32>, vector<128x16xf32>, vector<128x16xf32>, vector<128x16xf32>, vector<128x16xf32>, vector<128x16xf32>, vector<128x16xf32>, vector<128x16xf32>, vector<128x16xf32>, vector<128x16xf32>, vector<128x16xf32>, vector<128x16xf32>, vector<128x16xf32>, vector<128x16xf32>, vector<128x16xf32> -> vector<128x256xf32>
    %slice3A_34 = vector.extract_strided_slice %get3A_1 {offsets = [0, 32], sizes = [128, 16], strides = [1, 1]} : vector<128x2048xf32> to vector<128x16xf32>
    %slice3A_35 = vector.extract_strided_slice %get3A_1 {offsets = [0, 160], sizes = [128, 16], strides = [1, 1]} : vector<128x2048xf32> to vector<128x16xf32>
    %slice3A_36 = vector.extract_strided_slice %get3A_1 {offsets = [0, 288], sizes = [128, 16], strides = [1, 1]} : vector<128x2048xf32> to vector<128x16xf32>
    %slice3A_37 = vector.extract_strided_slice %get3A_1 {offsets = [0, 416], sizes = [128, 16], strides = [1, 1]} : vector<128x2048xf32> to vector<128x16xf32>
    %slice3A_38 = vector.extract_strided_slice %get3A_1 {offsets = [0, 544], sizes = [128, 16], strides = [1, 1]} : vector<128x2048xf32> to vector<128x16xf32>
    %slice3A_39 = vector.extract_strided_slice %get3A_1 {offsets = [0, 672], sizes = [128, 16], strides = [1, 1]} : vector<128x2048xf32> to vector<128x16xf32>
    %slice3A_40 = vector.extract_strided_slice %get3A_1 {offsets = [0, 800], sizes = [128, 16], strides = [1, 1]} : vector<128x2048xf32> to vector<128x16xf32>
    %slice3A_41 = vector.extract_strided_slice %get3A_1 {offsets = [0, 928], sizes = [128, 16], strides = [1, 1]} : vector<128x2048xf32> to vector<128x16xf32>
    %slice3A_42 = vector.extract_strided_slice %get3A_1 {offsets = [0, 1056], sizes = [128, 16], strides = [1, 1]} : vector<128x2048xf32> to vector<128x16xf32>
    %slice3A_43 = vector.extract_strided_slice %get3A_1 {offsets = [0, 1184], sizes = [128, 16], strides = [1, 1]} : vector<128x2048xf32> to vector<128x16xf32>
    %slice3A_44 = vector.extract_strided_slice %get3A_1 {offsets = [0, 1312], sizes = [128, 16], strides = [1, 1]} : vector<128x2048xf32> to vector<128x16xf32>
    %slice3A_45 = vector.extract_strided_slice %get3A_1 {offsets = [0, 1440], sizes = [128, 16], strides = [1, 1]} : vector<128x2048xf32> to vector<128x16xf32>
    %slice3A_46 = vector.extract_strided_slice %get3A_1 {offsets = [0, 1568], sizes = [128, 16], strides = [1, 1]} : vector<128x2048xf32> to vector<128x16xf32>
    %slice3A_47 = vector.extract_strided_slice %get3A_1 {offsets = [0, 1696], sizes = [128, 16], strides = [1, 1]} : vector<128x2048xf32> to vector<128x16xf32>
    %slice3A_48 = vector.extract_strided_slice %get3A_1 {offsets = [0, 1824], sizes = [128, 16], strides = [1, 1]} : vector<128x2048xf32> to vector<128x16xf32>
    %slice3A_49 = vector.extract_strided_slice %get3A_1 {offsets = [0, 1952], sizes = [128, 16], strides = [1, 1]} : vector<128x2048xf32> to vector<128x16xf32>
    %concatenate3A_50 = tpu.concatenate %slice3A_34, %slice3A_35, %slice3A_36, %slice3A_37, %slice3A_38, %slice3A_39, %slice3A_40, %slice3A_41, %slice3A_42, %slice3A_43, %slice3A_44, %slice3A_45, %slice3A_46, %slice3A_47, %slice3A_48, %slice3A_49 in 1 : vector<128x16xf32>, vector<128x16xf32>, vector<128x16xf32>, vector<128x16xf32>, vector<128x16xf32>, vector<128x16xf32>, vector<128x16xf32>, vector<128x16xf32>, vector<128x16xf32>, vector<128x16xf32>, vector<128x16xf32>, vector<128x16xf32>, vector<128x16xf32>, vector<128x16xf32>, vector<128x16xf32>, vector<128x16xf32> -> vector<128x256xf32>
    %slice3A_51 = vector.extract_strided_slice %get3A_1 {offsets = [0, 48], sizes = [128, 16], strides = [1, 1]} : vector<128x2048xf32> to vector<128x16xf32>
    %slice3A_52 = vector.extract_strided_slice %get3A_1 {offsets = [0, 176], sizes = [128, 16], strides = [1, 1]} : vector<128x2048xf32> to vector<128x16xf32>
    %slice3A_53 = vector.extract_strided_slice %get3A_1 {offsets = [0, 304], sizes = [128, 16], strides = [1, 1]} : vector<128x2048xf32> to vector<128x16xf32>
    %slice3A_54 = vector.extract_strided_slice %get3A_1 {offsets = [0, 432], sizes = [128, 16], strides = [1, 1]} : vector<128x2048xf32> to vector<128x16xf32>
    %slice3A_55 = vector.extract_strided_slice %get3A_1 {offsets = [0, 560], sizes = [128, 16], strides = [1, 1]} : vector<128x2048xf32> to vector<128x16xf32>
    %slice3A_56 = vector.extract_strided_slice %get3A_1 {offsets = [0, 688], sizes = [128, 16], strides = [1, 1]} : vector<128x2048xf32> to vector<128x16xf32>
    %slice3A_57 = vector.extract_strided_slice %get3A_1 {offsets = [0, 816], sizes = [128, 16], strides = [1, 1]} : vector<128x2048xf32> to vector<128x16xf32>
    %slice3A_58 = vector.extract_strided_slice %get3A_1 {offsets = [0, 944], sizes = [128, 16], strides = [1, 1]} : vector<128x2048xf32> to vector<128x16xf32>
    %slice3A_59 = vector.extract_strided_slice %get3A_1 {offsets = [0, 1072], sizes = [128, 16], strides = [1, 1]} : vector<128x2048xf32> to vector<128x16xf32>
    %slice3A_60 = vector.extract_strided_slice %get3A_1 {offsets = [0, 1200], sizes = [128, 16], strides = [1, 1]} : vector<128x2048xf32> to vector<128x16xf32>
    %slice3A_61 = vector.extract_strided_slice %get3A_1 {offsets = [0, 1328], sizes = [128, 16], strides = [1, 1]} : vector<128x2048xf32> to vector<128x16xf32>
    %slice3A_62 = vector.extract_strided_slice %get3A_1 {offsets = [0, 1456], sizes = [128, 16], strides = [1, 1]} : vector<128x2048xf32> to vector<128x16xf32>
    %slice3A_63 = vector.extract_strided_slice %get3A_1 {offsets = [0, 1584], sizes = [128, 16], strides = [1, 1]} : vector<128x2048xf32> to vector<128x16xf32>
    %slice3A_64 = vector.extract_strided_slice %get3A_1 {offsets = [0, 1712], sizes = [128, 16], strides = [1, 1]} : vector<128x2048xf32> to vector<128x16xf32>
    %slice3A_65 = vector.extract_strided_slice %get3A_1 {offsets = [0, 1840], sizes = [128, 16], strides = [1, 1]} : vector<128x2048xf32> to vector<128x16xf32>
    %slice3A_66 = vector.extract_strided_slice %get3A_1 {offsets = [0, 1968], sizes = [128, 16], strides = [1, 1]} : vector<128x2048xf32> to vector<128x16xf32>
    %concatenate3A_67 = tpu.concatenate %slice3A_51, %slice3A_52, %slice3A_53, %slice3A_54, %slice3A_55, %slice3A_56, %slice3A_57, %slice3A_58, %slice3A_59, %slice3A_60, %slice3A_61, %slice3A_62, %slice3A_63, %slice3A_64, %slice3A_65, %slice3A_66 in 1 : vector<128x16xf32>, vector<128x16xf32>, vector<128x16xf32>, vector<128x16xf32>, vector<128x16xf32>, vector<128x16xf32>, vector<128x16xf32>, vector<128x16xf32>, vector<128x16xf32>, vector<128x16xf32>, vector<128x16xf32>, vector<128x16xf32>, vector<128x16xf32>, vector<128x16xf32>, vector<128x16xf32>, vector<128x16xf32> -> vector<128x256xf32>
    %get3A_68 = arith.constant 0 : index
    %get3A_69 = arith.constant 0 : index
    %get3A_70 = vector.load %arg2[%get3A_68, %get3A_69] : memref<128x8xf32, #tpu.memory_space<vmem>>, vector<128x8xf32>
    %slice3A_71 = vector.extract_strided_slice %get3A_70 {offsets = [0, 0], sizes = [128, 1], strides = [1, 1]} : vector<128x8xf32> to vector<128x1xf32>
    %slice3A_72 = vector.extract_strided_slice %get3A_70 {offsets = [0, 1], sizes = [128, 1], strides = [1, 1]} : vector<128x8xf32> to vector<128x1xf32>
    %slice3A_73 = vector.extract_strided_slice %get3A_70 {offsets = [0, 2], sizes = [128, 1], strides = [1, 1]} : vector<128x8xf32> to vector<128x1xf32>
    %convert_element_type3A = arith.truncf %slice3A_71 : vector<128x1xf32> to vector<128x1xbf16>
    %convert_element_type3A_74 = arith.extf %convert_element_type3A : vector<128x1xbf16> to vector<128x1xf32>
    %convert_element_type3A_75 = arith.truncf %concatenate3A : vector<128x256xf32> to vector<128x256xbf16>
    %convert_element_type3A_76 = arith.extf %convert_element_type3A_75 : vector<128x256xbf16> to vector<128x256xf32>
    %mul3A = vector.broadcast %convert_element_type3A_74 : vector<128x1xf32> to vector<128x256xf32>
    %mul3A_77 = arith.mulf %mul3A, %convert_element_type3A_76 : vector<128x256xf32>
    %convert_element_type3A_78 = arith.truncf %slice3A_72 : vector<128x1xf32> to vector<128x1xbf16>
    %convert_element_type3A_79 = arith.extf %convert_element_type3A_78 : vector<128x1xbf16> to vector<128x1xf32>
    %convert_element_type3A_80 = arith.truncf %concatenate3A_33 : vector<128x256xf32> to vector<128x256xbf16>
    %convert_element_type3A_81 = arith.extf %convert_element_type3A_80 : vector<128x256xbf16> to vector<128x256xf32>
    %mul3A_82 = vector.broadcast %convert_element_type3A_79 : vector<128x1xf32> to vector<128x256xf32>
    %mul3A_83 = arith.mulf %mul3A_82, %convert_element_type3A_81 : vector<128x256xf32>
    %add3A = arith.addf %mul3A_77, %mul3A_83 : vector<128x256xf32>
    %convert_element_type3A_84 = arith.truncf %slice3A_73 : vector<128x1xf32> to vector<128x1xbf16>
    %convert_element_type3A_85 = arith.extf %convert_element_type3A_84 : vector<128x1xbf16> to vector<128x1xf32>
    %convert_element_type3A_86 = arith.truncf %concatenate3A_50 : vector<128x256xf32> to vector<128x256xbf16>
    %convert_element_type3A_87 = arith.extf %convert_element_type3A_86 : vector<128x256xbf16> to vector<128x256xf32>
    %mul3A_88 = vector.broadcast %convert_element_type3A_85 : vector<128x1xf32> to vector<128x256xf32>
    %mul3A_89 = arith.mulf %mul3A_88, %convert_element_type3A_87 : vector<128x256xf32>
    %add3A_90 = arith.addf %add3A, %mul3A_89 : vector<128x256xf32>
    %get3A_91 = arith.constant 0 : index
    %get3A_92 = arith.constant 0 : index
    %get3A_93 = vector.load %arg3[%get3A_91, %get3A_92] : memref<128x1xf32, #tpu.memory_space<vmem>>, vector<128x1xf32>
    %add3A_94 = vector.broadcast %get3A_93 : vector<128x1xf32> to vector<128x256xf32>
    %add3A_95 = arith.addf %add3A_94, %concatenate3A_67 : vector<128x256xf32>
    %mul3A_96 = arith.constant 2.000000e+00 : f32
    %mul3A_97 = vector.broadcast %mul3A_96 : f32 to vector<128x256xf32>
    %mul3A_98 = arith.mulf %mul3A_97, %add3A_90 : vector<128x256xf32>
    %sub3A = arith.subf %add3A_95, %mul3A_98 : vector<128x256xf32>
    %get3A_99 = arith.constant 0 : index
    %get3A_100 = arith.constant 0 : index
    %get3A_101 = vector.load %arg4[%get3A_99, %get3A_100] : memref<128x16xi32, #tpu.memory_space<vmem>>, vector<128x16xi32>
    %convert_element_type3A_102 = arith.sitofp %get3A_101 : vector<128x16xi32> to vector<128x16xf32>
    %iota3A = tpu.iota {dimensions = array<i32: 1>} : vector<1x16xi32>
    %convert_element_type3A_103 = arith.sitofp %iota3A : vector<1x16xi32> to vector<1x16xf32>
    %mul3A_104 = arith.constant 6.400000e+02 : f32
    %mul3A_105 = vector.broadcast %mul3A_104 : f32 to vector<1x16xf32>
    %mul3A_106 = arith.mulf %convert_element_type3A_103, %mul3A_105 : vector<1x16xf32>
    %slice3A_107 = vector.extract_strided_slice %convert_element_type3A_102 {offsets = [0, 0], sizes = [128, 1], strides = [1, 1]} : vector<128x16xf32> to vector<128x1xf32>
    %add3A_108 = vector.broadcast %slice3A_107 : vector<128x1xf32> to vector<128x16xf32>
    %add3A_109 = vector.broadcast %mul3A_106 : vector<1x16xf32> to vector<128x16xf32>
    %add3A_110 = arith.addf %add3A_108, %add3A_109 : vector<128x16xf32>
    %slice3A_111 = vector.extract_strided_slice %convert_element_type3A_102 {offsets = [0, 1], sizes = [128, 1], strides = [1, 1]} : vector<128x16xf32> to vector<128x1xf32>
    %add3A_112 = vector.broadcast %slice3A_111 : vector<128x1xf32> to vector<128x16xf32>
    %add3A_113 = vector.broadcast %mul3A_106 : vector<1x16xf32> to vector<128x16xf32>
    %add3A_114 = arith.addf %add3A_112, %add3A_113 : vector<128x16xf32>
    %slice3A_115 = vector.extract_strided_slice %convert_element_type3A_102 {offsets = [0, 2], sizes = [128, 1], strides = [1, 1]} : vector<128x16xf32> to vector<128x1xf32>
    %add3A_116 = vector.broadcast %slice3A_115 : vector<128x1xf32> to vector<128x16xf32>
    %add3A_117 = vector.broadcast %mul3A_106 : vector<1x16xf32> to vector<128x16xf32>
    %add3A_118 = arith.addf %add3A_116, %add3A_117 : vector<128x16xf32>
    %slice3A_119 = vector.extract_strided_slice %convert_element_type3A_102 {offsets = [0, 3], sizes = [128, 1], strides = [1, 1]} : vector<128x16xf32> to vector<128x1xf32>
    %add3A_120 = vector.broadcast %slice3A_119 : vector<128x1xf32> to vector<128x16xf32>
    %add3A_121 = vector.broadcast %mul3A_106 : vector<1x16xf32> to vector<128x16xf32>
    %add3A_122 = arith.addf %add3A_120, %add3A_121 : vector<128x16xf32>
    %slice3A_123 = vector.extract_strided_slice %convert_element_type3A_102 {offsets = [0, 4], sizes = [128, 1], strides = [1, 1]} : vector<128x16xf32> to vector<128x1xf32>
    %add3A_124 = vector.broadcast %slice3A_123 : vector<128x1xf32> to vector<128x16xf32>
    %add3A_125 = vector.broadcast %mul3A_106 : vector<1x16xf32> to vector<128x16xf32>
    %add3A_126 = arith.addf %add3A_124, %add3A_125 : vector<128x16xf32>
    %slice3A_127 = vector.extract_strided_slice %convert_element_type3A_102 {offsets = [0, 5], sizes = [128, 1], strides = [1, 1]} : vector<128x16xf32> to vector<128x1xf32>
    %add3A_128 = vector.broadcast %slice3A_127 : vector<128x1xf32> to vector<128x16xf32>
    %add3A_129 = vector.broadcast %mul3A_106 : vector<1x16xf32> to vector<128x16xf32>
    %add3A_130 = arith.addf %add3A_128, %add3A_129 : vector<128x16xf32>
    %slice3A_131 = vector.extract_strided_slice %convert_element_type3A_102 {offsets = [0, 6], sizes = [128, 1], strides = [1, 1]} : vector<128x16xf32> to vector<128x1xf32>
    %add3A_132 = vector.broadcast %slice3A_131 : vector<128x1xf32> to vector<128x16xf32>
    %add3A_133 = vector.broadcast %mul3A_106 : vector<1x16xf32> to vector<128x16xf32>
    %add3A_134 = arith.addf %add3A_132, %add3A_133 : vector<128x16xf32>
    %slice3A_135 = vector.extract_strided_slice %convert_element_type3A_102 {offsets = [0, 7], sizes = [128, 1], strides = [1, 1]} : vector<128x16xf32> to vector<128x1xf32>
    %add3A_136 = vector.broadcast %slice3A_135 : vector<128x1xf32> to vector<128x16xf32>
    %add3A_137 = vector.broadcast %mul3A_106 : vector<1x16xf32> to vector<128x16xf32>
    %add3A_138 = arith.addf %add3A_136, %add3A_137 : vector<128x16xf32>
    %slice3A_139 = vector.extract_strided_slice %convert_element_type3A_102 {offsets = [0, 8], sizes = [128, 1], strides = [1, 1]} : vector<128x16xf32> to vector<128x1xf32>
    %add3A_140 = vector.broadcast %slice3A_139 : vector<128x1xf32> to vector<128x16xf32>
    %add3A_141 = vector.broadcast %mul3A_106 : vector<1x16xf32> to vector<128x16xf32>
    %add3A_142 = arith.addf %add3A_140, %add3A_141 : vector<128x16xf32>
    %slice3A_143 = vector.extract_strided_slice %convert_element_type3A_102 {offsets = [0, 9], sizes = [128, 1], strides = [1, 1]} : vector<128x16xf32> to vector<128x1xf32>
    %add3A_144 = vector.broadcast %slice3A_143 : vector<128x1xf32> to vector<128x16xf32>
    %add3A_145 = vector.broadcast %mul3A_106 : vector<1x16xf32> to vector<128x16xf32>
    %add3A_146 = arith.addf %add3A_144, %add3A_145 : vector<128x16xf32>
    %slice3A_147 = vector.extract_strided_slice %convert_element_type3A_102 {offsets = [0, 10], sizes = [128, 1], strides = [1, 1]} : vector<128x16xf32> to vector<128x1xf32>
    %add3A_148 = vector.broadcast %slice3A_147 : vector<128x1xf32> to vector<128x16xf32>
    %add3A_149 = vector.broadcast %mul3A_106 : vector<1x16xf32> to vector<128x16xf32>
    %add3A_150 = arith.addf %add3A_148, %add3A_149 : vector<128x16xf32>
    %slice3A_151 = vector.extract_strided_slice %convert_element_type3A_102 {offsets = [0, 11], sizes = [128, 1], strides = [1, 1]} : vector<128x16xf32> to vector<128x1xf32>
    %add3A_152 = vector.broadcast %slice3A_151 : vector<128x1xf32> to vector<128x16xf32>
    %add3A_153 = vector.broadcast %mul3A_106 : vector<1x16xf32> to vector<128x16xf32>
    %add3A_154 = arith.addf %add3A_152, %add3A_153 : vector<128x16xf32>
    %slice3A_155 = vector.extract_strided_slice %convert_element_type3A_102 {offsets = [0, 12], sizes = [128, 1], strides = [1, 1]} : vector<128x16xf32> to vector<128x1xf32>
    %add3A_156 = vector.broadcast %slice3A_155 : vector<128x1xf32> to vector<128x16xf32>
    %add3A_157 = vector.broadcast %mul3A_106 : vector<1x16xf32> to vector<128x16xf32>
    %add3A_158 = arith.addf %add3A_156, %add3A_157 : vector<128x16xf32>
    %slice3A_159 = vector.extract_strided_slice %convert_element_type3A_102 {offsets = [0, 13], sizes = [128, 1], strides = [1, 1]} : vector<128x16xf32> to vector<128x1xf32>
    %add3A_160 = vector.broadcast %slice3A_159 : vector<128x1xf32> to vector<128x16xf32>
    %add3A_161 = vector.broadcast %mul3A_106 : vector<1x16xf32> to vector<128x16xf32>
    %add3A_162 = arith.addf %add3A_160, %add3A_161 : vector<128x16xf32>
    %slice3A_163 = vector.extract_strided_slice %convert_element_type3A_102 {offsets = [0, 14], sizes = [128, 1], strides = [1, 1]} : vector<128x16xf32> to vector<128x1xf32>
    %add3A_164 = vector.broadcast %slice3A_163 : vector<128x1xf32> to vector<128x16xf32>
    %add3A_165 = vector.broadcast %mul3A_106 : vector<1x16xf32> to vector<128x16xf32>
    %add3A_166 = arith.addf %add3A_164, %add3A_165 : vector<128x16xf32>
    %slice3A_167 = vector.extract_strided_slice %convert_element_type3A_102 {offsets = [0, 15], sizes = [128, 1], strides = [1, 1]} : vector<128x16xf32> to vector<128x1xf32>
    %add3A_168 = vector.broadcast %slice3A_167 : vector<128x1xf32> to vector<128x16xf32>
    %add3A_169 = vector.broadcast %mul3A_106 : vector<1x16xf32> to vector<128x16xf32>
    %add3A_170 = arith.addf %add3A_168, %add3A_169 : vector<128x16xf32>
    %concatenate3A_171 = tpu.concatenate %add3A_110, %add3A_114, %add3A_118, %add3A_122, %add3A_126, %add3A_130, %add3A_134, %add3A_138, %add3A_142, %add3A_146, %add3A_150, %add3A_154, %add3A_158, %add3A_162, %add3A_166, %add3A_170 in 1 : vector<128x16xf32>, vector<128x16xf32>, vector<128x16xf32>, vector<128x16xf32>, vector<128x16xf32>, vector<128x16xf32>, vector<128x16xf32>, vector<128x16xf32>, vector<128x16xf32>, vector<128x16xf32>, vector<128x16xf32>, vector<128x16xf32>, vector<128x16xf32>, vector<128x16xf32>, vector<128x16xf32>, vector<128x16xf32> -> vector<128x256xf32>
    %reduce_min3A = arith.constant dense<0x7F800000> : vector<128xf32>
    %reduce_min3A_172 = vector.multi_reduction <minimumf>, %sub3A, %reduce_min3A [1] : vector<128x256xf32> to vector<128xf32>
    %broadcast_in_dim3A = vector.shape_cast %reduce_min3A_172 : vector<128xf32> to vector<128x1xf32>
    %eq3A = vector.broadcast %broadcast_in_dim3A : vector<128x1xf32> to vector<128x256xf32>
    %eq3A_173 = arith.cmpf oeq, %sub3A, %eq3A : vector<128x256xf32>
    %jit3A = arith.constant 1.000000e+30 : f32
    %broadcast_in_dim3A_174 = vector.broadcast %jit3A : f32 to vector<128x256xf32>
    %select_n3A = arith.select %eq3A_173, %concatenate3A_171, %broadcast_in_dim3A_174 : vector<128x256xi1>, vector<128x256xf32>
    %reduce_min3A_175 = arith.constant dense<0x7F800000> : vector<128xf32>
    %reduce_min3A_176 = vector.multi_reduction <minimumf>, %select_n3A, %reduce_min3A_175 [1] : vector<128x256xf32> to vector<128xf32>
    %broadcast_in_dim3A_177 = vector.shape_cast %reduce_min3A_176 : vector<128xf32> to vector<128x1xf32>
    %eq3A_178 = vector.broadcast %broadcast_in_dim3A_177 : vector<128x1xf32> to vector<128x256xf32>
    %eq3A_179 = arith.cmpf oeq, %concatenate3A_171, %eq3A_178 : vector<128x256xf32>
    %jit3A_180 = arith.constant 1.000000e+30 : f32
    %broadcast_in_dim3A_181 = vector.broadcast %jit3A_180 : f32 to vector<128x256xf32>
    %select_n3A_182 = arith.select %eq3A_179, %broadcast_in_dim3A_181, %sub3A : vector<128x256xi1>, vector<128x256xf32>
    %reduce_min3A_183 = arith.constant dense<0x7F800000> : vector<128xf32>
    %reduce_min3A_184 = vector.multi_reduction <minimumf>, %select_n3A_182, %reduce_min3A_183 [1] : vector<128x256xf32> to vector<128xf32>
    %broadcast_in_dim3A_185 = vector.shape_cast %reduce_min3A_184 : vector<128xf32> to vector<128x1xf32>
    %eq3A_186 = vector.broadcast %broadcast_in_dim3A_185 : vector<128x1xf32> to vector<128x256xf32>
    %eq3A_187 = arith.cmpf oeq, %select_n3A_182, %eq3A_186 : vector<128x256xf32>
    %jit3A_188 = arith.constant 1.000000e+30 : f32
    %broadcast_in_dim3A_189 = vector.broadcast %jit3A_188 : f32 to vector<128x256xf32>
    %select_n3A_190 = arith.select %eq3A_187, %concatenate3A_171, %broadcast_in_dim3A_189 : vector<128x256xi1>, vector<128x256xf32>
    %reduce_min3A_191 = arith.constant dense<0x7F800000> : vector<128xf32>
    %reduce_min3A_192 = vector.multi_reduction <minimumf>, %select_n3A_190, %reduce_min3A_191 [1] : vector<128x256xf32> to vector<128xf32>
    %broadcast_in_dim3A_193 = vector.shape_cast %reduce_min3A_192 : vector<128xf32> to vector<128x1xf32>
    %eq3A_194 = vector.broadcast %broadcast_in_dim3A_193 : vector<128x1xf32> to vector<128x256xf32>
    %eq3A_195 = arith.cmpf oeq, %concatenate3A_171, %eq3A_194 : vector<128x256xf32>
    %jit3A_196 = arith.constant 1.000000e+30 : f32
    %broadcast_in_dim3A_197 = vector.broadcast %jit3A_196 : f32 to vector<128x256xf32>
    %select_n3A_198 = arith.select %eq3A_195, %broadcast_in_dim3A_197, %select_n3A_182 : vector<128x256xi1>, vector<128x256xf32>
    %reduce_min3A_199 = arith.constant dense<0x7F800000> : vector<128xf32>
    %reduce_min3A_200 = vector.multi_reduction <minimumf>, %select_n3A_198, %reduce_min3A_199 [1] : vector<128x256xf32> to vector<128xf32>
    %broadcast_in_dim3A_201 = vector.shape_cast %reduce_min3A_200 : vector<128xf32> to vector<128x1xf32>
    %eq3A_202 = vector.broadcast %broadcast_in_dim3A_201 : vector<128x1xf32> to vector<128x256xf32>
    %eq3A_203 = arith.cmpf oeq, %select_n3A_198, %eq3A_202 : vector<128x256xf32>
    %jit3A_204 = arith.constant 1.000000e+30 : f32
    %broadcast_in_dim3A_205 = vector.broadcast %jit3A_204 : f32 to vector<128x256xf32>
    %select_n3A_206 = arith.select %eq3A_203, %concatenate3A_171, %broadcast_in_dim3A_205 : vector<128x256xi1>, vector<128x256xf32>
    %reduce_min3A_207 = arith.constant dense<0x7F800000> : vector<128xf32>
    %reduce_min3A_208 = vector.multi_reduction <minimumf>, %select_n3A_206, %reduce_min3A_207 [1] : vector<128x256xf32> to vector<128xf32>
    %broadcast_in_dim3A_209 = vector.shape_cast %reduce_min3A_208 : vector<128xf32> to vector<128x1xf32>
    %eq3A_210 = vector.broadcast %broadcast_in_dim3A_209 : vector<128x1xf32> to vector<128x256xf32>
    %eq3A_211 = arith.cmpf oeq, %concatenate3A_171, %eq3A_210 : vector<128x256xf32>
    %jit3A_212 = arith.constant 1.000000e+30 : f32
    %broadcast_in_dim3A_213 = vector.broadcast %jit3A_212 : f32 to vector<128x256xf32>
    %select_n3A_214 = arith.select %eq3A_211, %broadcast_in_dim3A_213, %select_n3A_198 : vector<128x256xi1>, vector<128x256xf32>
    %reduce_min3A_215 = arith.constant dense<0x7F800000> : vector<128xf32>
    %reduce_min3A_216 = vector.multi_reduction <minimumf>, %select_n3A_214, %reduce_min3A_215 [1] : vector<128x256xf32> to vector<128xf32>
    %broadcast_in_dim3A_217 = vector.shape_cast %reduce_min3A_216 : vector<128xf32> to vector<128x1xf32>
    %eq3A_218 = vector.broadcast %broadcast_in_dim3A_217 : vector<128x1xf32> to vector<128x256xf32>
    %eq3A_219 = arith.cmpf oeq, %select_n3A_214, %eq3A_218 : vector<128x256xf32>
    %jit3A_220 = arith.constant 1.000000e+30 : f32
    %broadcast_in_dim3A_221 = vector.broadcast %jit3A_220 : f32 to vector<128x256xf32>
    %select_n3A_222 = arith.select %eq3A_219, %concatenate3A_171, %broadcast_in_dim3A_221 : vector<128x256xi1>, vector<128x256xf32>
    %reduce_min3A_223 = arith.constant dense<0x7F800000> : vector<128xf32>
    %reduce_min3A_224 = vector.multi_reduction <minimumf>, %select_n3A_222, %reduce_min3A_223 [1] : vector<128x256xf32> to vector<128xf32>
    %broadcast_in_dim3A_225 = vector.shape_cast %reduce_min3A_224 : vector<128xf32> to vector<128x1xf32>
    %eq3A_226 = vector.broadcast %broadcast_in_dim3A_225 : vector<128x1xf32> to vector<128x256xf32>
    %eq3A_227 = arith.cmpf oeq, %concatenate3A_171, %eq3A_226 : vector<128x256xf32>
    %jit3A_228 = arith.constant 1.000000e+30 : f32
    %broadcast_in_dim3A_229 = vector.broadcast %jit3A_228 : f32 to vector<128x256xf32>
    %select_n3A_230 = arith.select %eq3A_227, %broadcast_in_dim3A_229, %select_n3A_214 : vector<128x256xi1>, vector<128x256xf32>
    %reduce_min3A_231 = arith.constant dense<0x7F800000> : vector<128xf32>
    %reduce_min3A_232 = vector.multi_reduction <minimumf>, %select_n3A_230, %reduce_min3A_231 [1] : vector<128x256xf32> to vector<128xf32>
    %broadcast_in_dim3A_233 = vector.shape_cast %reduce_min3A_232 : vector<128xf32> to vector<128x1xf32>
    %eq3A_234 = vector.broadcast %broadcast_in_dim3A_233 : vector<128x1xf32> to vector<128x256xf32>
    %eq3A_235 = arith.cmpf oeq, %select_n3A_230, %eq3A_234 : vector<128x256xf32>
    %jit3A_236 = arith.constant 1.000000e+30 : f32
    %broadcast_in_dim3A_237 = vector.broadcast %jit3A_236 : f32 to vector<128x256xf32>
    %select_n3A_238 = arith.select %eq3A_235, %concatenate3A_171, %broadcast_in_dim3A_237 : vector<128x256xi1>, vector<128x256xf32>
    %reduce_min3A_239 = arith.constant dense<0x7F800000> : vector<128xf32>
    %reduce_min3A_240 = vector.multi_reduction <minimumf>, %select_n3A_238, %reduce_min3A_239 [1] : vector<128x256xf32> to vector<128xf32>
    %broadcast_in_dim3A_241 = vector.shape_cast %reduce_min3A_240 : vector<128xf32> to vector<128x1xf32>
    %eq3A_242 = vector.broadcast %broadcast_in_dim3A_241 : vector<128x1xf32> to vector<128x256xf32>
    %eq3A_243 = arith.cmpf oeq, %concatenate3A_171, %eq3A_242 : vector<128x256xf32>
    %jit3A_244 = arith.constant 1.000000e+30 : f32
    %broadcast_in_dim3A_245 = vector.broadcast %jit3A_244 : f32 to vector<128x256xf32>
    %select_n3A_246 = arith.select %eq3A_243, %broadcast_in_dim3A_245, %select_n3A_230 : vector<128x256xi1>, vector<128x256xf32>
    %reduce_min3A_247 = arith.constant dense<0x7F800000> : vector<128xf32>
    %reduce_min3A_248 = vector.multi_reduction <minimumf>, %select_n3A_246, %reduce_min3A_247 [1] : vector<128x256xf32> to vector<128xf32>
    %broadcast_in_dim3A_249 = vector.shape_cast %reduce_min3A_248 : vector<128xf32> to vector<128x1xf32>
    %eq3A_250 = vector.broadcast %broadcast_in_dim3A_249 : vector<128x1xf32> to vector<128x256xf32>
    %eq3A_251 = arith.cmpf oeq, %select_n3A_246, %eq3A_250 : vector<128x256xf32>
    %jit3A_252 = arith.constant 1.000000e+30 : f32
    %broadcast_in_dim3A_253 = vector.broadcast %jit3A_252 : f32 to vector<128x256xf32>
    %select_n3A_254 = arith.select %eq3A_251, %concatenate3A_171, %broadcast_in_dim3A_253 : vector<128x256xi1>, vector<128x256xf32>
    %reduce_min3A_255 = arith.constant dense<0x7F800000> : vector<128xf32>
    %reduce_min3A_256 = vector.multi_reduction <minimumf>, %select_n3A_254, %reduce_min3A_255 [1] : vector<128x256xf32> to vector<128xf32>
    %broadcast_in_dim3A_257 = vector.shape_cast %reduce_min3A_256 : vector<128xf32> to vector<128x1xf32>
    %eq3A_258 = vector.broadcast %broadcast_in_dim3A_257 : vector<128x1xf32> to vector<128x256xf32>
    %eq3A_259 = arith.cmpf oeq, %concatenate3A_171, %eq3A_258 : vector<128x256xf32>
    %jit3A_260 = arith.constant 1.000000e+30 : f32
    %broadcast_in_dim3A_261 = vector.broadcast %jit3A_260 : f32 to vector<128x256xf32>
    %select_n3A_262 = arith.select %eq3A_259, %broadcast_in_dim3A_261, %select_n3A_246 : vector<128x256xi1>, vector<128x256xf32>
    %reduce_min3A_263 = arith.constant dense<0x7F800000> : vector<128xf32>
    %reduce_min3A_264 = vector.multi_reduction <minimumf>, %select_n3A_262, %reduce_min3A_263 [1] : vector<128x256xf32> to vector<128xf32>
    %broadcast_in_dim3A_265 = vector.shape_cast %reduce_min3A_264 : vector<128xf32> to vector<128x1xf32>
    %eq3A_266 = vector.broadcast %broadcast_in_dim3A_265 : vector<128x1xf32> to vector<128x256xf32>
    %eq3A_267 = arith.cmpf oeq, %select_n3A_262, %eq3A_266 : vector<128x256xf32>
    %jit3A_268 = arith.constant 1.000000e+30 : f32
    %broadcast_in_dim3A_269 = vector.broadcast %jit3A_268 : f32 to vector<128x256xf32>
    %select_n3A_270 = arith.select %eq3A_267, %concatenate3A_171, %broadcast_in_dim3A_269 : vector<128x256xi1>, vector<128x256xf32>
    %reduce_min3A_271 = arith.constant dense<0x7F800000> : vector<128xf32>
    %reduce_min3A_272 = vector.multi_reduction <minimumf>, %select_n3A_270, %reduce_min3A_271 [1] : vector<128x256xf32> to vector<128xf32>
    %broadcast_in_dim3A_273 = vector.shape_cast %reduce_min3A_272 : vector<128xf32> to vector<128x1xf32>
    %eq3A_274 = vector.broadcast %broadcast_in_dim3A_273 : vector<128x1xf32> to vector<128x256xf32>
    %eq3A_275 = arith.cmpf oeq, %concatenate3A_171, %eq3A_274 : vector<128x256xf32>
    %jit3A_276 = arith.constant 1.000000e+30 : f32
    %broadcast_in_dim3A_277 = vector.broadcast %jit3A_276 : f32 to vector<128x256xf32>
    %select_n3A_278 = arith.select %eq3A_275, %broadcast_in_dim3A_277, %select_n3A_262 : vector<128x256xi1>, vector<128x256xf32>
    %reduce_min3A_279 = arith.constant dense<0x7F800000> : vector<128xf32>
    %reduce_min3A_280 = vector.multi_reduction <minimumf>, %select_n3A_278, %reduce_min3A_279 [1] : vector<128x256xf32> to vector<128xf32>
    %broadcast_in_dim3A_281 = vector.shape_cast %reduce_min3A_280 : vector<128xf32> to vector<128x1xf32>
    %eq3A_282 = vector.broadcast %broadcast_in_dim3A_281 : vector<128x1xf32> to vector<128x256xf32>
    %eq3A_283 = arith.cmpf oeq, %select_n3A_278, %eq3A_282 : vector<128x256xf32>
    %jit3A_284 = arith.constant 1.000000e+30 : f32
    %broadcast_in_dim3A_285 = vector.broadcast %jit3A_284 : f32 to vector<128x256xf32>
    %select_n3A_286 = arith.select %eq3A_283, %concatenate3A_171, %broadcast_in_dim3A_285 : vector<128x256xi1>, vector<128x256xf32>
    %reduce_min3A_287 = arith.constant dense<0x7F800000> : vector<128xf32>
    %reduce_min3A_288 = vector.multi_reduction <minimumf>, %select_n3A_286, %reduce_min3A_287 [1] : vector<128x256xf32> to vector<128xf32>
    %broadcast_in_dim3A_289 = vector.shape_cast %reduce_min3A_288 : vector<128xf32> to vector<128x1xf32>
    %eq3A_290 = vector.broadcast %broadcast_in_dim3A_289 : vector<128x1xf32> to vector<128x256xf32>
    %eq3A_291 = arith.cmpf oeq, %concatenate3A_171, %eq3A_290 : vector<128x256xf32>
    %jit3A_292 = arith.constant 1.000000e+30 : f32
    %broadcast_in_dim3A_293 = vector.broadcast %jit3A_292 : f32 to vector<128x256xf32>
    %select_n3A_294 = arith.select %eq3A_291, %broadcast_in_dim3A_293, %select_n3A_278 : vector<128x256xi1>, vector<128x256xf32>
    %reduce_min3A_295 = arith.constant dense<0x7F800000> : vector<128xf32>
    %reduce_min3A_296 = vector.multi_reduction <minimumf>, %select_n3A_294, %reduce_min3A_295 [1] : vector<128x256xf32> to vector<128xf32>
    %broadcast_in_dim3A_297 = vector.shape_cast %reduce_min3A_296 : vector<128xf32> to vector<128x1xf32>
    %eq3A_298 = vector.broadcast %broadcast_in_dim3A_297 : vector<128x1xf32> to vector<128x256xf32>
    %eq3A_299 = arith.cmpf oeq, %select_n3A_294, %eq3A_298 : vector<128x256xf32>
    %jit3A_300 = arith.constant 1.000000e+30 : f32
    %broadcast_in_dim3A_301 = vector.broadcast %jit3A_300 : f32 to vector<128x256xf32>
    %select_n3A_302 = arith.select %eq3A_299, %concatenate3A_171, %broadcast_in_dim3A_301 : vector<128x256xi1>, vector<128x256xf32>
    %reduce_min3A_303 = arith.constant dense<0x7F800000> : vector<128xf32>
    %reduce_min3A_304 = vector.multi_reduction <minimumf>, %select_n3A_302, %reduce_min3A_303 [1] : vector<128x256xf32> to vector<128xf32>
    %broadcast_in_dim3A_305 = vector.shape_cast %reduce_min3A_304 : vector<128xf32> to vector<128x1xf32>
    %eq3A_306 = vector.broadcast %broadcast_in_dim3A_305 : vector<128x1xf32> to vector<128x256xf32>
    %eq3A_307 = arith.cmpf oeq, %concatenate3A_171, %eq3A_306 : vector<128x256xf32>
    %jit3A_308 = arith.constant 1.000000e+30 : f32
    %broadcast_in_dim3A_309 = vector.broadcast %jit3A_308 : f32 to vector<128x256xf32>
    %select_n3A_310 = arith.select %eq3A_307, %broadcast_in_dim3A_309, %select_n3A_294 : vector<128x256xi1>, vector<128x256xf32>
    %reduce_min3A_311 = arith.constant dense<0x7F800000> : vector<128xf32>
    %reduce_min3A_312 = vector.multi_reduction <minimumf>, %select_n3A_310, %reduce_min3A_311 [1] : vector<128x256xf32> to vector<128xf32>
    %broadcast_in_dim3A_313 = vector.shape_cast %reduce_min3A_312 : vector<128xf32> to vector<128x1xf32>
    %eq3A_314 = vector.broadcast %broadcast_in_dim3A_313 : vector<128x1xf32> to vector<128x256xf32>
    %eq3A_315 = arith.cmpf oeq, %select_n3A_310, %eq3A_314 : vector<128x256xf32>
    %jit3A_316 = arith.constant 1.000000e+30 : f32
    %broadcast_in_dim3A_317 = vector.broadcast %jit3A_316 : f32 to vector<128x256xf32>
    %select_n3A_318 = arith.select %eq3A_315, %concatenate3A_171, %broadcast_in_dim3A_317 : vector<128x256xi1>, vector<128x256xf32>
    %reduce_min3A_319 = arith.constant dense<0x7F800000> : vector<128xf32>
    %reduce_min3A_320 = vector.multi_reduction <minimumf>, %select_n3A_318, %reduce_min3A_319 [1] : vector<128x256xf32> to vector<128xf32>
    %broadcast_in_dim3A_321 = vector.shape_cast %reduce_min3A_320 : vector<128xf32> to vector<128x1xf32>
    %eq3A_322 = vector.broadcast %broadcast_in_dim3A_321 : vector<128x1xf32> to vector<128x256xf32>
    %eq3A_323 = arith.cmpf oeq, %concatenate3A_171, %eq3A_322 : vector<128x256xf32>
    %jit3A_324 = arith.constant 1.000000e+30 : f32
    %broadcast_in_dim3A_325 = vector.broadcast %jit3A_324 : f32 to vector<128x256xf32>
    %select_n3A_326 = arith.select %eq3A_323, %broadcast_in_dim3A_325, %select_n3A_310 : vector<128x256xi1>, vector<128x256xf32>
    %reduce_min3A_327 = arith.constant dense<0x7F800000> : vector<128xf32>
    %reduce_min3A_328 = vector.multi_reduction <minimumf>, %select_n3A_326, %reduce_min3A_327 [1] : vector<128x256xf32> to vector<128xf32>
    %broadcast_in_dim3A_329 = vector.shape_cast %reduce_min3A_328 : vector<128xf32> to vector<128x1xf32>
    %eq3A_330 = vector.broadcast %broadcast_in_dim3A_329 : vector<128x1xf32> to vector<128x256xf32>
    %eq3A_331 = arith.cmpf oeq, %select_n3A_326, %eq3A_330 : vector<128x256xf32>
    %jit3A_332 = arith.constant 1.000000e+30 : f32
    %broadcast_in_dim3A_333 = vector.broadcast %jit3A_332 : f32 to vector<128x256xf32>
    %select_n3A_334 = arith.select %eq3A_331, %concatenate3A_171, %broadcast_in_dim3A_333 : vector<128x256xi1>, vector<128x256xf32>
    %reduce_min3A_335 = arith.constant dense<0x7F800000> : vector<128xf32>
    %reduce_min3A_336 = vector.multi_reduction <minimumf>, %select_n3A_334, %reduce_min3A_335 [1] : vector<128x256xf32> to vector<128xf32>
    %broadcast_in_dim3A_337 = vector.shape_cast %reduce_min3A_336 : vector<128xf32> to vector<128x1xf32>
    %eq3A_338 = vector.broadcast %broadcast_in_dim3A_337 : vector<128x1xf32> to vector<128x256xf32>
    %eq3A_339 = arith.cmpf oeq, %concatenate3A_171, %eq3A_338 : vector<128x256xf32>
    %jit3A_340 = arith.constant 1.000000e+30 : f32
    %broadcast_in_dim3A_341 = vector.broadcast %jit3A_340 : f32 to vector<128x256xf32>
    %select_n3A_342 = arith.select %eq3A_339, %broadcast_in_dim3A_341, %select_n3A_326 : vector<128x256xi1>, vector<128x256xf32>
    %reduce_min3A_343 = arith.constant dense<0x7F800000> : vector<128xf32>
    %reduce_min3A_344 = vector.multi_reduction <minimumf>, %select_n3A_342, %reduce_min3A_343 [1] : vector<128x256xf32> to vector<128xf32>
    %broadcast_in_dim3A_345 = vector.shape_cast %reduce_min3A_344 : vector<128xf32> to vector<128x1xf32>
    %eq3A_346 = vector.broadcast %broadcast_in_dim3A_345 : vector<128x1xf32> to vector<128x256xf32>
    %eq3A_347 = arith.cmpf oeq, %select_n3A_342, %eq3A_346 : vector<128x256xf32>
    %jit3A_348 = arith.constant 1.000000e+30 : f32
    %broadcast_in_dim3A_349 = vector.broadcast %jit3A_348 : f32 to vector<128x256xf32>
    %select_n3A_350 = arith.select %eq3A_347, %concatenate3A_171, %broadcast_in_dim3A_349 : vector<128x256xi1>, vector<128x256xf32>
    %reduce_min3A_351 = arith.constant dense<0x7F800000> : vector<128xf32>
    %reduce_min3A_352 = vector.multi_reduction <minimumf>, %select_n3A_350, %reduce_min3A_351 [1] : vector<128x256xf32> to vector<128xf32>
    %broadcast_in_dim3A_353 = vector.shape_cast %reduce_min3A_352 : vector<128xf32> to vector<128x1xf32>
    %eq3A_354 = vector.broadcast %broadcast_in_dim3A_353 : vector<128x1xf32> to vector<128x256xf32>
    %eq3A_355 = arith.cmpf oeq, %concatenate3A_171, %eq3A_354 : vector<128x256xf32>
    %jit3A_356 = arith.constant 1.000000e+30 : f32
    %broadcast_in_dim3A_357 = vector.broadcast %jit3A_356 : f32 to vector<128x256xf32>
    %select_n3A_358 = arith.select %eq3A_355, %broadcast_in_dim3A_357, %select_n3A_342 : vector<128x256xi1>, vector<128x256xf32>
    %reduce_min3A_359 = arith.constant dense<0x7F800000> : vector<128xf32>
    %reduce_min3A_360 = vector.multi_reduction <minimumf>, %select_n3A_358, %reduce_min3A_359 [1] : vector<128x256xf32> to vector<128xf32>
    %broadcast_in_dim3A_361 = vector.shape_cast %reduce_min3A_360 : vector<128xf32> to vector<128x1xf32>
    %eq3A_362 = vector.broadcast %broadcast_in_dim3A_361 : vector<128x1xf32> to vector<128x256xf32>
    %eq3A_363 = arith.cmpf oeq, %select_n3A_358, %eq3A_362 : vector<128x256xf32>
    %jit3A_364 = arith.constant 1.000000e+30 : f32
    %broadcast_in_dim3A_365 = vector.broadcast %jit3A_364 : f32 to vector<128x256xf32>
    %select_n3A_366 = arith.select %eq3A_363, %concatenate3A_171, %broadcast_in_dim3A_365 : vector<128x256xi1>, vector<128x256xf32>
    %reduce_min3A_367 = arith.constant dense<0x7F800000> : vector<128xf32>
    %reduce_min3A_368 = vector.multi_reduction <minimumf>, %select_n3A_366, %reduce_min3A_367 [1] : vector<128x256xf32> to vector<128xf32>
    %broadcast_in_dim3A_369 = vector.shape_cast %reduce_min3A_368 : vector<128xf32> to vector<128x1xf32>
    %eq3A_370 = vector.broadcast %broadcast_in_dim3A_369 : vector<128x1xf32> to vector<128x256xf32>
    %eq3A_371 = arith.cmpf oeq, %concatenate3A_171, %eq3A_370 : vector<128x256xf32>
    %jit3A_372 = arith.constant 1.000000e+30 : f32
    %broadcast_in_dim3A_373 = vector.broadcast %jit3A_372 : f32 to vector<128x256xf32>
    %select_n3A_374 = arith.select %eq3A_371, %broadcast_in_dim3A_373, %select_n3A_358 : vector<128x256xi1>, vector<128x256xf32>
    %reduce_min3A_375 = arith.constant dense<0x7F800000> : vector<128xf32>
    %reduce_min3A_376 = vector.multi_reduction <minimumf>, %select_n3A_374, %reduce_min3A_375 [1] : vector<128x256xf32> to vector<128xf32>
    %broadcast_in_dim3A_377 = vector.shape_cast %reduce_min3A_376 : vector<128xf32> to vector<128x1xf32>
    %eq3A_378 = vector.broadcast %broadcast_in_dim3A_377 : vector<128x1xf32> to vector<128x256xf32>
    %eq3A_379 = arith.cmpf oeq, %select_n3A_374, %eq3A_378 : vector<128x256xf32>
    %jit3A_380 = arith.constant 1.000000e+30 : f32
    %broadcast_in_dim3A_381 = vector.broadcast %jit3A_380 : f32 to vector<128x256xf32>
    %select_n3A_382 = arith.select %eq3A_379, %concatenate3A_171, %broadcast_in_dim3A_381 : vector<128x256xi1>, vector<128x256xf32>
    %reduce_min3A_383 = arith.constant dense<0x7F800000> : vector<128xf32>
    %reduce_min3A_384 = vector.multi_reduction <minimumf>, %select_n3A_382, %reduce_min3A_383 [1] : vector<128x256xf32> to vector<128xf32>
    %broadcast_in_dim3A_385 = vector.shape_cast %reduce_min3A_384 : vector<128xf32> to vector<128x1xf32>
    %eq3A_386 = vector.broadcast %broadcast_in_dim3A_385 : vector<128x1xf32> to vector<128x256xf32>
    %eq3A_387 = arith.cmpf oeq, %concatenate3A_171, %eq3A_386 : vector<128x256xf32>
    %jit3A_388 = arith.constant 1.000000e+30 : f32
    %broadcast_in_dim3A_389 = vector.broadcast %jit3A_388 : f32 to vector<128x256xf32>
    %select_n3A_390 = arith.select %eq3A_387, %broadcast_in_dim3A_389, %select_n3A_374 : vector<128x256xi1>, vector<128x256xf32>
    %reduce_min3A_391 = arith.constant dense<0x7F800000> : vector<128xf32>
    %reduce_min3A_392 = vector.multi_reduction <minimumf>, %select_n3A_390, %reduce_min3A_391 [1] : vector<128x256xf32> to vector<128xf32>
    %broadcast_in_dim3A_393 = vector.shape_cast %reduce_min3A_392 : vector<128xf32> to vector<128x1xf32>
    %eq3A_394 = vector.broadcast %broadcast_in_dim3A_393 : vector<128x1xf32> to vector<128x256xf32>
    %eq3A_395 = arith.cmpf oeq, %select_n3A_390, %eq3A_394 : vector<128x256xf32>
    %jit3A_396 = arith.constant 1.000000e+30 : f32
    %broadcast_in_dim3A_397 = vector.broadcast %jit3A_396 : f32 to vector<128x256xf32>
    %select_n3A_398 = arith.select %eq3A_395, %concatenate3A_171, %broadcast_in_dim3A_397 : vector<128x256xi1>, vector<128x256xf32>
    %reduce_min3A_399 = arith.constant dense<0x7F800000> : vector<128xf32>
    %reduce_min3A_400 = vector.multi_reduction <minimumf>, %select_n3A_398, %reduce_min3A_399 [1] : vector<128x256xf32> to vector<128xf32>
    %broadcast_in_dim3A_401 = vector.shape_cast %reduce_min3A_400 : vector<128xf32> to vector<128x1xf32>
    %eq3A_402 = vector.broadcast %broadcast_in_dim3A_401 : vector<128x1xf32> to vector<128x256xf32>
    %eq3A_403 = arith.cmpf oeq, %concatenate3A_171, %eq3A_402 : vector<128x256xf32>
    %jit3A_404 = arith.constant 1.000000e+30 : f32
    %broadcast_in_dim3A_405 = vector.broadcast %jit3A_404 : f32 to vector<128x256xf32>
    %select_n3A_406 = arith.select %eq3A_403, %broadcast_in_dim3A_405, %select_n3A_390 : vector<128x256xi1>, vector<128x256xf32>
    %reduce_min3A_407 = arith.constant dense<0x7F800000> : vector<128xf32>
    %reduce_min3A_408 = vector.multi_reduction <minimumf>, %select_n3A_406, %reduce_min3A_407 [1] : vector<128x256xf32> to vector<128xf32>
    %broadcast_in_dim3A_409 = vector.shape_cast %reduce_min3A_408 : vector<128xf32> to vector<128x1xf32>
    %eq3A_410 = vector.broadcast %broadcast_in_dim3A_409 : vector<128x1xf32> to vector<128x256xf32>
    %eq3A_411 = arith.cmpf oeq, %select_n3A_406, %eq3A_410 : vector<128x256xf32>
    %jit3A_412 = arith.constant 1.000000e+30 : f32
    %broadcast_in_dim3A_413 = vector.broadcast %jit3A_412 : f32 to vector<128x256xf32>
    %select_n3A_414 = arith.select %eq3A_411, %concatenate3A_171, %broadcast_in_dim3A_413 : vector<128x256xi1>, vector<128x256xf32>
    %reduce_min3A_415 = arith.constant dense<0x7F800000> : vector<128xf32>
    %reduce_min3A_416 = vector.multi_reduction <minimumf>, %select_n3A_414, %reduce_min3A_415 [1] : vector<128x256xf32> to vector<128xf32>
    %broadcast_in_dim3A_417 = vector.shape_cast %reduce_min3A_416 : vector<128xf32> to vector<128x1xf32>
    %concatenate3A_418 = tpu.concatenate %broadcast_in_dim3A_177, %broadcast_in_dim3A_193, %broadcast_in_dim3A_209, %broadcast_in_dim3A_225, %broadcast_in_dim3A_241, %broadcast_in_dim3A_257, %broadcast_in_dim3A_273, %broadcast_in_dim3A_289, %broadcast_in_dim3A_305, %broadcast_in_dim3A_321, %broadcast_in_dim3A_337, %broadcast_in_dim3A_353, %broadcast_in_dim3A_369, %broadcast_in_dim3A_385, %broadcast_in_dim3A_401, %broadcast_in_dim3A_417 in 1 : vector<128x1xf32>, vector<128x1xf32>, vector<128x1xf32>, vector<128x1xf32>, vector<128x1xf32>, vector<128x1xf32>, vector<128x1xf32>, vector<128x1xf32>, vector<128x1xf32>, vector<128x1xf32>, vector<128x1xf32>, vector<128x1xf32>, vector<128x1xf32>, vector<128x1xf32>, vector<128x1xf32>, vector<128x1xf32> -> vector<128x16xf32>
    %convert_element_type3A_419 = arith.fptosi %concatenate3A_418 : vector<128x16xf32> to vector<128x16xi32>
    %swap3A = arith.constant 0 : index
    %swap3A_420 = arith.constant 0 : index
    %swap3A_421 = vector.load %arg5[%swap3A, %swap3A_420] : memref<128x16xi32, #tpu.memory_space<vmem>>, vector<128x16xi32>
    tpu.vector_store %arg5[%swap3A, %swap3A_420], %convert_element_type3A_419 {strides = array<i32>} : memref<128x16xi32, #tpu.memory_space<vmem>>, vector<128x16xi32>,
    return
  }
  func.func @transform_0(%arg0: i32) -> (i32, i32) {
    %c0_i32 = arith.constant 0 : i32
    %c0_i32_0 = arith.constant 0 : i32
    return %arg0, %c0_i32 : i32, i32
  }
  func.func @transform_1(%arg0: i32) -> (i32, i32) {
    %add3A = arith.constant 40 : i32
    %add3A_0 = arith.addi %arg0, %add3A : i32
    %c0_i32 = arith.constant 0 : i32
    %c0_i32_1 = arith.constant 0 : i32
    return %add3A_0, %c0_i32 : i32, i32
  }
  func.func @transform_2(%arg0: i32) -> (i32, i32) {
    %add3A = arith.constant 40 : i32
    %add3A_0 = arith.addi %arg0, %add3A : i32
    %c0_i32 = arith.constant 0 : i32
    %c0_i32_1 = arith.constant 0 : i32
    return %add3A_0, %c0_i32 : i32, i32
  }
  func.func @transform_3(%arg0: i32) -> (i32, i32) {
    %c0_i32 = arith.constant 0 : i32
    %c0_i32_0 = arith.constant 0 : i32
    return %arg0, %c0_i32 : i32, i32
  }
  func.func @transform_4(%arg0: i32) -> (i32, i32) {
    %c0_i32 = arith.constant 0 : i32
    %c0_i32_0 = arith.constant 0 : i32
    return %arg0, %c0_i32 : i32, i32
  }
}

module attributes {stable_mosaic.version = 14 : i64} {
  func.func @_kc_body(%arg0: i32, %arg1: memref<128x2048xf32, #tpu.memory_space<vmem>>, %arg2: memref<128x8xf32, #tpu.memory_space<vmem>>, %arg3: memref<128x1xf32, #tpu.memory_space<vmem>>, %arg4: memref<128x16xi32, #tpu.memory_space<vmem>>, %arg5: memref<128x16xi32, #tpu.memory_space<vmem>>) attributes {dimension_semantics = [#tpu.dimension_semantics<arbitrary>], iteration_bounds = array<i64: 40>, scalar_prefetch = 0 : i64, scratch_operands = 0 : i64, tpu.core_type = #tpu.core_type<tc>, window_params = [{transform_indices = @transform_0, window_bounds = array<i64: 128, 2048>}, {transform_indices = @transform_1, window_bounds = array<i64: 128, 8>}, {transform_indices = @transform_2, window_bounds = array<i64: 128, 1>}, {transform_indices = @transform_3, window_bounds = array<i64: 128, 16>}, {transform_indices = @transform_4, window_bounds = array<i64: 128, 16>}]} {
    %get3A = arith.constant 0 : index
    %get3A_0 = arith.constant 0 : index
    %get3A_1 = vector.load %arg1[%get3A, %get3A_0] : memref<128x2048xf32, #tpu.memory_space<vmem>>, vector<128x2048xf32>
    %slice3A = vector.extract_strided_slice %get3A_1 {offsets = [0, 0], sizes = [128, 16], strides = [1, 1]} : vector<128x2048xf32> to vector<128x16xf32>
    %slice3A_2 = vector.extract_strided_slice %get3A_1 {offsets = [0, 128], sizes = [128, 16], strides = [1, 1]} : vector<128x2048xf32> to vector<128x16xf32>
    %slice3A_3 = vector.extract_strided_slice %get3A_1 {offsets = [0, 256], sizes = [128, 16], strides = [1, 1]} : vector<128x2048xf32> to vector<128x16xf32>
    %slice3A_4 = vector.extract_strided_slice %get3A_1 {offsets = [0, 384], sizes = [128, 16], strides = [1, 1]} : vector<128x2048xf32> to vector<128x16xf32>
    %slice3A_5 = vector.extract_strided_slice %get3A_1 {offsets = [0, 512], sizes = [128, 16], strides = [1, 1]} : vector<128x2048xf32> to vector<128x16xf32>
    %slice3A_6 = vector.extract_strided_slice %get3A_1 {offsets = [0, 640], sizes = [128, 16], strides = [1, 1]} : vector<128x2048xf32> to vector<128x16xf32>
    %slice3A_7 = vector.extract_strided_slice %get3A_1 {offsets = [0, 768], sizes = [128, 16], strides = [1, 1]} : vector<128x2048xf32> to vector<128x16xf32>
    %slice3A_8 = vector.extract_strided_slice %get3A_1 {offsets = [0, 896], sizes = [128, 16], strides = [1, 1]} : vector<128x2048xf32> to vector<128x16xf32>
    %slice3A_9 = vector.extract_strided_slice %get3A_1 {offsets = [0, 1024], sizes = [128, 16], strides = [1, 1]} : vector<128x2048xf32> to vector<128x16xf32>
    %slice3A_10 = vector.extract_strided_slice %get3A_1 {offsets = [0, 1152], sizes = [128, 16], strides = [1, 1]} : vector<128x2048xf32> to vector<128x16xf32>
    %slice3A_11 = vector.extract_strided_slice %get3A_1 {offsets = [0, 1280], sizes = [128, 16], strides = [1, 1]} : vector<128x2048xf32> to vector<128x16xf32>
    %slice3A_12 = vector.extract_strided_slice %get3A_1 {offsets = [0, 1408], sizes = [128, 16], strides = [1, 1]} : vector<128x2048xf32> to vector<128x16xf32>
    %slice3A_13 = vector.extract_strided_slice %get3A_1 {offsets = [0, 1536], sizes = [128, 16], strides = [1, 1]} : vector<128x2048xf32> to vector<128x16xf32>
    %slice3A_14 = vector.extract_strided_slice %get3A_1 {offsets = [0, 1664], sizes = [128, 16], strides = [1, 1]} : vector<128x2048xf32> to vector<128x16xf32>
    %slice3A_15 = vector.extract_strided_slice %get3A_1 {offsets = [0, 1792], sizes = [128, 16], strides = [1, 1]} : vector<128x2048xf32> to vector<128x16xf32>
    %slice3A_16 = vector.extract_strided_slice %get3A_1 {offsets = [0, 1920], sizes = [128, 16], strides = [1, 1]} : vector<128x2048xf32> to vector<128x16xf32>
    %concatenate3A = tpu.concatenate %slice3A, %slice3A_2, %slice3A_3, %slice3A_4, %slice3A_5, %slice3A_6, %slice3A_7, %slice3A_8, %slice3A_9, %slice3A_10, %slice3A_11, %slice3A_12, %slice3A_13, %slice3A_14, %slice3A_15, %slice3A_16 in 1 : vector<128x16xf32>, vector<128x16xf32>, vector<128x16xf32>, vector<128x16xf32>, vector<128x16xf32>, vector<128x16xf32>, vector<128x16xf32>, vector<128x16xf32>, vector<128x16xf32>, vector<128x16xf32>, vector<128x16xf32>, vector<128x16xf32>, vector<128x16xf32>, vector<128x16xf32>, vector<128x16xf32>, vector<128x16xf32> -> vector<128x256xf32>
    %slice3A_17 = vector.extract_strided_slice %get3A_1 {offsets = [0, 16], sizes = [128, 16], strides = [1, 1]} : vector<128x2048xf32> to vector<128x16xf32>
    %slice3A_18 = vector.extract_strided_slice %get3A_1 {offsets = [0, 144], sizes = [128, 16], strides = [1, 1]} : vector<128x2048xf32> to vector<128x16xf32>
    %slice3A_19 = vector.extract_strided_slice %get3A_1 {offsets = [0, 272], sizes = [128, 16], strides = [1, 1]} : vector<128x2048xf32> to vector<128x16xf32>
    %slice3A_20 = vector.extract_strided_slice %get3A_1 {offsets = [0, 400], sizes = [128, 16], strides = [1, 1]} : vector<128x2048xf32> to vector<128x16xf32>
    %slice3A_21 = vector.extract_strided_slice %get3A_1 {offsets = [0, 528], sizes = [128, 16], strides = [1, 1]} : vector<128x2048xf32> to vector<128x16xf32>
    %slice3A_22 = vector.extract_strided_slice %get3A_1 {offsets = [0, 656], sizes = [128, 16], strides = [1, 1]} : vector<128x2048xf32> to vector<128x16xf32>
    %slice3A_23 = vector.extract_strided_slice %get3A_1 {offsets = [0, 784], sizes = [128, 16], strides = [1, 1]} : vector<128x2048xf32> to vector<128x16xf32>
    %slice3A_24 = vector.extract_strided_slice %get3A_1 {offsets = [0, 912], sizes = [128, 16], strides = [1, 1]} : vector<128x2048xf32> to vector<128x16xf32>
    %slice3A_25 = vector.extract_strided_slice %get3A_1 {offsets = [0, 1040], sizes = [128, 16], strides = [1, 1]} : vector<128x2048xf32> to vector<128x16xf32>
    %slice3A_26 = vector.extract_strided_slice %get3A_1 {offsets = [0, 1168], sizes = [128, 16], strides = [1, 1]} : vector<128x2048xf32> to vector<128x16xf32>
    %slice3A_27 = vector.extract_strided_slice %get3A_1 {offsets = [0, 1296], sizes = [128, 16], strides = [1, 1]} : vector<128x2048xf32> to vector<128x16xf32>
    %slice3A_28 = vector.extract_strided_slice %get3A_1 {offsets = [0, 1424], sizes = [128, 16], strides = [1, 1]} : vector<128x2048xf32> to vector<128x16xf32>
    %slice3A_29 = vector.extract_strided_slice %get3A_1 {offsets = [0, 1552], sizes = [128, 16], strides = [1, 1]} : vector<128x2048xf32> to vector<128x16xf32>
    %slice3A_30 = vector.extract_strided_slice %get3A_1 {offsets = [0, 1680], sizes = [128, 16], strides = [1, 1]} : vector<128x2048xf32> to vector<128x16xf32>
    %slice3A_31 = vector.extract_strided_slice %get3A_1 {offsets = [0, 1808], sizes = [128, 16], strides = [1, 1]} : vector<128x2048xf32> to vector<128x16xf32>
    %slice3A_32 = vector.extract_strided_slice %get3A_1 {offsets = [0, 1936], sizes = [128, 16], strides = [1, 1]} : vector<128x2048xf32> to vector<128x16xf32>
    %concatenate3A_33 = tpu.concatenate %slice3A_17, %slice3A_18, %slice3A_19, %slice3A_20, %slice3A_21, %slice3A_22, %slice3A_23, %slice3A_24, %slice3A_25, %slice3A_26, %slice3A_27, %slice3A_28, %slice3A_29, %slice3A_30, %slice3A_31, %slice3A_32 in 1 : vector<128x16xf32>, vector<128x16xf32>, vector<128x16xf32>, vector<128x16xf32>, vector<128x16xf32>, vector<128x16xf32>, vector<128x16xf32>, vector<128x16xf32>, vector<128x16xf32>, vector<128x16xf32>, vector<128x16xf32>, vector<128x16xf32>, vector<128x16xf32>, vector<128x16xf32>, vector<128x16xf32>, vector<128x16xf32> -> vector<128x256xf32>
    %slice3A_34 = vector.extract_strided_slice %get3A_1 {offsets = [0, 32], sizes = [128, 16], strides = [1, 1]} : vector<128x2048xf32> to vector<128x16xf32>
    %slice3A_35 = vector.extract_strided_slice %get3A_1 {offsets = [0, 160], sizes = [128, 16], strides = [1, 1]} : vector<128x2048xf32> to vector<128x16xf32>
    %slice3A_36 = vector.extract_strided_slice %get3A_1 {offsets = [0, 288], sizes = [128, 16], strides = [1, 1]} : vector<128x2048xf32> to vector<128x16xf32>
    %slice3A_37 = vector.extract_strided_slice %get3A_1 {offsets = [0, 416], sizes = [128, 16], strides = [1, 1]} : vector<128x2048xf32> to vector<128x16xf32>
    %slice3A_38 = vector.extract_strided_slice %get3A_1 {offsets = [0, 544], sizes = [128, 16], strides = [1, 1]} : vector<128x2048xf32> to vector<128x16xf32>
    %slice3A_39 = vector.extract_strided_slice %get3A_1 {offsets = [0, 672], sizes = [128, 16], strides = [1, 1]} : vector<128x2048xf32> to vector<128x16xf32>
    %slice3A_40 = vector.extract_strided_slice %get3A_1 {offsets = [0, 800], sizes = [128, 16], strides = [1, 1]} : vector<128x2048xf32> to vector<128x16xf32>
    %slice3A_41 = vector.extract_strided_slice %get3A_1 {offsets = [0, 928], sizes = [128, 16], strides = [1, 1]} : vector<128x2048xf32> to vector<128x16xf32>
    %slice3A_42 = vector.extract_strided_slice %get3A_1 {offsets = [0, 1056], sizes = [128, 16], strides = [1, 1]} : vector<128x2048xf32> to vector<128x16xf32>
    %slice3A_43 = vector.extract_strided_slice %get3A_1 {offsets = [0, 1184], sizes = [128, 16], strides = [1, 1]} : vector<128x2048xf32> to vector<128x16xf32>
    %slice3A_44 = vector.extract_strided_slice %get3A_1 {offsets = [0, 1312], sizes = [128, 16], strides = [1, 1]} : vector<128x2048xf32> to vector<128x16xf32>
    %slice3A_45 = vector.extract_strided_slice %get3A_1 {offsets = [0, 1440], sizes = [128, 16], strides = [1, 1]} : vector<128x2048xf32> to vector<128x16xf32>
    %slice3A_46 = vector.extract_strided_slice %get3A_1 {offsets = [0, 1568], sizes = [128, 16], strides = [1, 1]} : vector<128x2048xf32> to vector<128x16xf32>
    %slice3A_47 = vector.extract_strided_slice %get3A_1 {offsets = [0, 1696], sizes = [128, 16], strides = [1, 1]} : vector<128x2048xf32> to vector<128x16xf32>
    %slice3A_48 = vector.extract_strided_slice %get3A_1 {offsets = [0, 1824], sizes = [128, 16], strides = [1, 1]} : vector<128x2048xf32> to vector<128x16xf32>
    %slice3A_49 = vector.extract_strided_slice %get3A_1 {offsets = [0, 1952], sizes = [128, 16], strides = [1, 1]} : vector<128x2048xf32> to vector<128x16xf32>
    %concatenate3A_50 = tpu.concatenate %slice3A_34, %slice3A_35, %slice3A_36, %slice3A_37, %slice3A_38, %slice3A_39, %slice3A_40, %slice3A_41, %slice3A_42, %slice3A_43, %slice3A_44, %slice3A_45, %slice3A_46, %slice3A_47, %slice3A_48, %slice3A_49 in 1 : vector<128x16xf32>, vector<128x16xf32>, vector<128x16xf32>, vector<128x16xf32>, vector<128x16xf32>, vector<128x16xf32>, vector<128x16xf32>, vector<128x16xf32>, vector<128x16xf32>, vector<128x16xf32>, vector<128x16xf32>, vector<128x16xf32>, vector<128x16xf32>, vector<128x16xf32>, vector<128x16xf32>, vector<128x16xf32> -> vector<128x256xf32>
    %slice3A_51 = vector.extract_strided_slice %get3A_1 {offsets = [0, 48], sizes = [128, 16], strides = [1, 1]} : vector<128x2048xf32> to vector<128x16xf32>
    %slice3A_52 = vector.extract_strided_slice %get3A_1 {offsets = [0, 176], sizes = [128, 16], strides = [1, 1]} : vector<128x2048xf32> to vector<128x16xf32>
    %slice3A_53 = vector.extract_strided_slice %get3A_1 {offsets = [0, 304], sizes = [128, 16], strides = [1, 1]} : vector<128x2048xf32> to vector<128x16xf32>
    %slice3A_54 = vector.extract_strided_slice %get3A_1 {offsets = [0, 432], sizes = [128, 16], strides = [1, 1]} : vector<128x2048xf32> to vector<128x16xf32>
    %slice3A_55 = vector.extract_strided_slice %get3A_1 {offsets = [0, 560], sizes = [128, 16], strides = [1, 1]} : vector<128x2048xf32> to vector<128x16xf32>
    %slice3A_56 = vector.extract_strided_slice %get3A_1 {offsets = [0, 688], sizes = [128, 16], strides = [1, 1]} : vector<128x2048xf32> to vector<128x16xf32>
    %slice3A_57 = vector.extract_strided_slice %get3A_1 {offsets = [0, 816], sizes = [128, 16], strides = [1, 1]} : vector<128x2048xf32> to vector<128x16xf32>
    %slice3A_58 = vector.extract_strided_slice %get3A_1 {offsets = [0, 944], sizes = [128, 16], strides = [1, 1]} : vector<128x2048xf32> to vector<128x16xf32>
    %slice3A_59 = vector.extract_strided_slice %get3A_1 {offsets = [0, 1072], sizes = [128, 16], strides = [1, 1]} : vector<128x2048xf32> to vector<128x16xf32>
    %slice3A_60 = vector.extract_strided_slice %get3A_1 {offsets = [0, 1200], sizes = [128, 16], strides = [1, 1]} : vector<128x2048xf32> to vector<128x16xf32>
    %slice3A_61 = vector.extract_strided_slice %get3A_1 {offsets = [0, 1328], sizes = [128, 16], strides = [1, 1]} : vector<128x2048xf32> to vector<128x16xf32>
    %slice3A_62 = vector.extract_strided_slice %get3A_1 {offsets = [0, 1456], sizes = [128, 16], strides = [1, 1]} : vector<128x2048xf32> to vector<128x16xf32>
    %slice3A_63 = vector.extract_strided_slice %get3A_1 {offsets = [0, 1584], sizes = [128, 16], strides = [1, 1]} : vector<128x2048xf32> to vector<128x16xf32>
    %slice3A_64 = vector.extract_strided_slice %get3A_1 {offsets = [0, 1712], sizes = [128, 16], strides = [1, 1]} : vector<128x2048xf32> to vector<128x16xf32>
    %slice3A_65 = vector.extract_strided_slice %get3A_1 {offsets = [0, 1840], sizes = [128, 16], strides = [1, 1]} : vector<128x2048xf32> to vector<128x16xf32>
    %slice3A_66 = vector.extract_strided_slice %get3A_1 {offsets = [0, 1968], sizes = [128, 16], strides = [1, 1]} : vector<128x2048xf32> to vector<128x16xf32>
    %concatenate3A_67 = tpu.concatenate %slice3A_51, %slice3A_52, %slice3A_53, %slice3A_54, %slice3A_55, %slice3A_56, %slice3A_57, %slice3A_58, %slice3A_59, %slice3A_60, %slice3A_61, %slice3A_62, %slice3A_63, %slice3A_64, %slice3A_65, %slice3A_66 in 1 : vector<128x16xf32>, vector<128x16xf32>, vector<128x16xf32>, vector<128x16xf32>, vector<128x16xf32>, vector<128x16xf32>, vector<128x16xf32>, vector<128x16xf32>, vector<128x16xf32>, vector<128x16xf32>, vector<128x16xf32>, vector<128x16xf32>, vector<128x16xf32>, vector<128x16xf32>, vector<128x16xf32>, vector<128x16xf32> -> vector<128x256xf32>
    %get3A_68 = arith.constant 0 : index
    %get3A_69 = arith.constant 0 : index
    %get3A_70 = vector.load %arg2[%get3A_68, %get3A_69] : memref<128x8xf32, #tpu.memory_space<vmem>>, vector<128x8xf32>
    %slice3A_71 = vector.extract_strided_slice %get3A_70 {offsets = [0, 0], sizes = [128, 1], strides = [1, 1]} : vector<128x8xf32> to vector<128x1xf32>
    %slice3A_72 = vector.extract_strided_slice %get3A_70 {offsets = [0, 1], sizes = [128, 1], strides = [1, 1]} : vector<128x8xf32> to vector<128x1xf32>
    %slice3A_73 = vector.extract_strided_slice %get3A_70 {offsets = [0, 2], sizes = [128, 1], strides = [1, 1]} : vector<128x8xf32> to vector<128x1xf32>
    %convert_element_type3A = arith.truncf %slice3A_71 : vector<128x1xf32> to vector<128x1xbf16>
    %convert_element_type3A_74 = arith.extf %convert_element_type3A : vector<128x1xbf16> to vector<128x1xf32>
    %convert_element_type3A_75 = arith.truncf %concatenate3A : vector<128x256xf32> to vector<128x256xbf16>
    %convert_element_type3A_76 = arith.extf %convert_element_type3A_75 : vector<128x256xbf16> to vector<128x256xf32>
    %mul3A = vector.broadcast %convert_element_type3A_74 : vector<128x1xf32> to vector<128x256xf32>
    %mul3A_77 = arith.mulf %mul3A, %convert_element_type3A_76 : vector<128x256xf32>
    %convert_element_type3A_78 = arith.truncf %slice3A_72 : vector<128x1xf32> to vector<128x1xbf16>
    %convert_element_type3A_79 = arith.extf %convert_element_type3A_78 : vector<128x1xbf16> to vector<128x1xf32>
    %convert_element_type3A_80 = arith.truncf %concatenate3A_33 : vector<128x256xf32> to vector<128x256xbf16>
    %convert_element_type3A_81 = arith.extf %convert_element_type3A_80 : vector<128x256xbf16> to vector<128x256xf32>
    %mul3A_82 = vector.broadcast %convert_element_type3A_79 : vector<128x1xf32> to vector<128x256xf32>
    %mul3A_83 = arith.mulf %mul3A_82, %convert_element_type3A_81 : vector<128x256xf32>
    %add3A = arith.addf %mul3A_77, %mul3A_83 : vector<128x256xf32>
    %convert_element_type3A_84 = arith.truncf %slice3A_73 : vector<128x1xf32> to vector<128x1xbf16>
    %convert_element_type3A_85 = arith.extf %convert_element_type3A_84 : vector<128x1xbf16> to vector<128x1xf32>
    %convert_element_type3A_86 = arith.truncf %concatenate3A_50 : vector<128x256xf32> to vector<128x256xbf16>
    %convert_element_type3A_87 = arith.extf %convert_element_type3A_86 : vector<128x256xbf16> to vector<128x256xf32>
    %mul3A_88 = vector.broadcast %convert_element_type3A_85 : vector<128x1xf32> to vector<128x256xf32>
    %mul3A_89 = arith.mulf %mul3A_88, %convert_element_type3A_87 : vector<128x256xf32>
    %add3A_90 = arith.addf %add3A, %mul3A_89 : vector<128x256xf32>
    %get3A_91 = arith.constant 0 : index
    %get3A_92 = arith.constant 0 : index
    %get3A_93 = vector.load %arg3[%get3A_91, %get3A_92] : memref<128x1xf32, #tpu.memory_space<vmem>>, vector<128x1xf32>
    %add3A_94 = vector.broadcast %get3A_93 : vector<128x1xf32> to vector<128x256xf32>
    %add3A_95 = arith.addf %add3A_94, %concatenate3A_67 : vector<128x256xf32>
    %mul3A_96 = arith.constant 2.000000e+00 : f32
    %mul3A_97 = vector.broadcast %mul3A_96 : f32 to vector<128x256xf32>
    %mul3A_98 = arith.mulf %mul3A_97, %add3A_90 : vector<128x256xf32>
    %sub3A = arith.subf %add3A_95, %mul3A_98 : vector<128x256xf32>
    %get3A_99 = arith.constant 0 : index
    %get3A_100 = arith.constant 0 : index
    %get3A_101 = vector.load %arg4[%get3A_99, %get3A_100] : memref<128x16xi32, #tpu.memory_space<vmem>>, vector<128x16xi32>
    %convert_element_type3A_102 = arith.sitofp %get3A_101 : vector<128x16xi32> to vector<128x16xf32>
    %iota3A = tpu.iota {dimensions = array<i32: 1>} : vector<1x16xi32>
    %convert_element_type3A_103 = arith.sitofp %iota3A : vector<1x16xi32> to vector<1x16xf32>
    %mul3A_104 = arith.constant 6.400000e+02 : f32
    %mul3A_105 = vector.broadcast %mul3A_104 : f32 to vector<1x16xf32>
    %mul3A_106 = arith.mulf %convert_element_type3A_103, %mul3A_105 : vector<1x16xf32>
    %slice3A_107 = vector.extract_strided_slice %convert_element_type3A_102 {offsets = [0, 0], sizes = [128, 1], strides = [1, 1]} : vector<128x16xf32> to vector<128x1xf32>
    %add3A_108 = vector.broadcast %slice3A_107 : vector<128x1xf32> to vector<128x16xf32>
    %add3A_109 = vector.broadcast %mul3A_106 : vector<1x16xf32> to vector<128x16xf32>
    %add3A_110 = arith.addf %add3A_108, %add3A_109 : vector<128x16xf32>
    %slice3A_111 = vector.extract_strided_slice %convert_element_type3A_102 {offsets = [0, 1], sizes = [128, 1], strides = [1, 1]} : vector<128x16xf32> to vector<128x1xf32>
    %add3A_112 = vector.broadcast %slice3A_111 : vector<128x1xf32> to vector<128x16xf32>
    %add3A_113 = vector.broadcast %mul3A_106 : vector<1x16xf32> to vector<128x16xf32>
    %add3A_114 = arith.addf %add3A_112, %add3A_113 : vector<128x16xf32>
    %slice3A_115 = vector.extract_strided_slice %convert_element_type3A_102 {offsets = [0, 2], sizes = [128, 1], strides = [1, 1]} : vector<128x16xf32> to vector<128x1xf32>
    %add3A_116 = vector.broadcast %slice3A_115 : vector<128x1xf32> to vector<128x16xf32>
    %add3A_117 = vector.broadcast %mul3A_106 : vector<1x16xf32> to vector<128x16xf32>
    %add3A_118 = arith.addf %add3A_116, %add3A_117 : vector<128x16xf32>
    %slice3A_119 = vector.extract_strided_slice %convert_element_type3A_102 {offsets = [0, 3], sizes = [128, 1], strides = [1, 1]} : vector<128x16xf32> to vector<128x1xf32>
    %add3A_120 = vector.broadcast %slice3A_119 : vector<128x1xf32> to vector<128x16xf32>
    %add3A_121 = vector.broadcast %mul3A_106 : vector<1x16xf32> to vector<128x16xf32>
    %add3A_122 = arith.addf %add3A_120, %add3A_121 : vector<128x16xf32>
    %slice3A_123 = vector.extract_strided_slice %convert_element_type3A_102 {offsets = [0, 4], sizes = [128, 1], strides = [1, 1]} : vector<128x16xf32> to vector<128x1xf32>
    %add3A_124 = vector.broadcast %slice3A_123 : vector<128x1xf32> to vector<128x16xf32>
    %add3A_125 = vector.broadcast %mul3A_106 : vector<1x16xf32> to vector<128x16xf32>
    %add3A_126 = arith.addf %add3A_124, %add3A_125 : vector<128x16xf32>
    %slice3A_127 = vector.extract_strided_slice %convert_element_type3A_102 {offsets = [0, 5], sizes = [128, 1], strides = [1, 1]} : vector<128x16xf32> to vector<128x1xf32>
    %add3A_128 = vector.broadcast %slice3A_127 : vector<128x1xf32> to vector<128x16xf32>
    %add3A_129 = vector.broadcast %mul3A_106 : vector<1x16xf32> to vector<128x16xf32>
    %add3A_130 = arith.addf %add3A_128, %add3A_129 : vector<128x16xf32>
    %slice3A_131 = vector.extract_strided_slice %convert_element_type3A_102 {offsets = [0, 6], sizes = [128, 1], strides = [1, 1]} : vector<128x16xf32> to vector<128x1xf32>
    %add3A_132 = vector.broadcast %slice3A_131 : vector<128x1xf32> to vector<128x16xf32>
    %add3A_133 = vector.broadcast %mul3A_106 : vector<1x16xf32> to vector<128x16xf32>
    %add3A_134 = arith.addf %add3A_132, %add3A_133 : vector<128x16xf32>
    %slice3A_135 = vector.extract_strided_slice %convert_element_type3A_102 {offsets = [0, 7], sizes = [128, 1], strides = [1, 1]} : vector<128x16xf32> to vector<128x1xf32>
    %add3A_136 = vector.broadcast %slice3A_135 : vector<128x1xf32> to vector<128x16xf32>
    %add3A_137 = vector.broadcast %mul3A_106 : vector<1x16xf32> to vector<128x16xf32>
    %add3A_138 = arith.addf %add3A_136, %add3A_137 : vector<128x16xf32>
    %slice3A_139 = vector.extract_strided_slice %convert_element_type3A_102 {offsets = [0, 8], sizes = [128, 1], strides = [1, 1]} : vector<128x16xf32> to vector<128x1xf32>
    %add3A_140 = vector.broadcast %slice3A_139 : vector<128x1xf32> to vector<128x16xf32>
    %add3A_141 = vector.broadcast %mul3A_106 : vector<1x16xf32> to vector<128x16xf32>
    %add3A_142 = arith.addf %add3A_140, %add3A_141 : vector<128x16xf32>
    %slice3A_143 = vector.extract_strided_slice %convert_element_type3A_102 {offsets = [0, 9], sizes = [128, 1], strides = [1, 1]} : vector<128x16xf32> to vector<128x1xf32>
    %add3A_144 = vector.broadcast %slice3A_143 : vector<128x1xf32> to vector<128x16xf32>
    %add3A_145 = vector.broadcast %mul3A_106 : vector<1x16xf32> to vector<128x16xf32>
    %add3A_146 = arith.addf %add3A_144, %add3A_145 : vector<128x16xf32>
    %slice3A_147 = vector.extract_strided_slice %convert_element_type3A_102 {offsets = [0, 10], sizes = [128, 1], strides = [1, 1]} : vector<128x16xf32> to vector<128x1xf32>
    %add3A_148 = vector.broadcast %slice3A_147 : vector<128x1xf32> to vector<128x16xf32>
    %add3A_149 = vector.broadcast %mul3A_106 : vector<1x16xf32> to vector<128x16xf32>
    %add3A_150 = arith.addf %add3A_148, %add3A_149 : vector<128x16xf32>
    %slice3A_151 = vector.extract_strided_slice %convert_element_type3A_102 {offsets = [0, 11], sizes = [128, 1], strides = [1, 1]} : vector<128x16xf32> to vector<128x1xf32>
    %add3A_152 = vector.broadcast %slice3A_151 : vector<128x1xf32> to vector<128x16xf32>
    %add3A_153 = vector.broadcast %mul3A_106 : vector<1x16xf32> to vector<128x16xf32>
    %add3A_154 = arith.addf %add3A_152, %add3A_153 : vector<128x16xf32>
    %slice3A_155 = vector.extract_strided_slice %convert_element_type3A_102 {offsets = [0, 12], sizes = [128, 1], strides = [1, 1]} : vector<128x16xf32> to vector<128x1xf32>
    %add3A_156 = vector.broadcast %slice3A_155 : vector<128x1xf32> to vector<128x16xf32>
    %add3A_157 = vector.broadcast %mul3A_106 : vector<1x16xf32> to vector<128x16xf32>
    %add3A_158 = arith.addf %add3A_156, %add3A_157 : vector<128x16xf32>
    %slice3A_159 = vector.extract_strided_slice %convert_element_type3A_102 {offsets = [0, 13], sizes = [128, 1], strides = [1, 1]} : vector<128x16xf32> to vector<128x1xf32>
    %add3A_160 = vector.broadcast %slice3A_159 : vector<128x1xf32> to vector<128x16xf32>
    %add3A_161 = vector.broadcast %mul3A_106 : vector<1x16xf32> to vector<128x16xf32>
    %add3A_162 = arith.addf %add3A_160, %add3A_161 : vector<128x16xf32>
    %slice3A_163 = vector.extract_strided_slice %convert_element_type3A_102 {offsets = [0, 14], sizes = [128, 1], strides = [1, 1]} : vector<128x16xf32> to vector<128x1xf32>
    %add3A_164 = vector.broadcast %slice3A_163 : vector<128x1xf32> to vector<128x16xf32>
    %add3A_165 = vector.broadcast %mul3A_106 : vector<1x16xf32> to vector<128x16xf32>
    %add3A_166 = arith.addf %add3A_164, %add3A_165 : vector<128x16xf32>
    %slice3A_167 = vector.extract_strided_slice %convert_element_type3A_102 {offsets = [0, 15], sizes = [128, 1], strides = [1, 1]} : vector<128x16xf32> to vector<128x1xf32>
    %add3A_168 = vector.broadcast %slice3A_167 : vector<128x1xf32> to vector<128x16xf32>
    %add3A_169 = vector.broadcast %mul3A_106 : vector<1x16xf32> to vector<128x16xf32>
    %add3A_170 = arith.addf %add3A_168, %add3A_169 : vector<128x16xf32>
    %concatenate3A_171 = tpu.concatenate %add3A_110, %add3A_114, %add3A_118, %add3A_122, %add3A_126, %add3A_130, %add3A_134, %add3A_138, %add3A_142, %add3A_146, %add3A_150, %add3A_154, %add3A_158, %add3A_162, %add3A_166, %add3A_170 in 1 : vector<128x16xf32>, vector<128x16xf32>, vector<128x16xf32>, vector<128x16xf32>, vector<128x16xf32>, vector<128x16xf32>, vector<128x16xf32>, vector<128x16xf32>, vector<128x16xf32>, vector<128x16xf32>, vector<128x16xf32>, vector<128x16xf32>, vector<128x16xf32>, vector<128x16xf32>, vector<128x16xf32>, vector<128x16xf32> -> vector<128x256xf32>
    %reduce_min3A = arith.constant dense<0x7F800000> : vector<128xf32>
    %reduce_min3A_172 = vector.multi_reduction <minimumf>, %sub3A, %reduce_min3A [1] : vector<128x256xf32> to vector<128xf32>
    %broadcast_in_dim3A = vector.shape_cast %reduce_min3A_172 : vector<128xf32> to vector<128x1xf32>
    %eq3A = vector.broadcast %broadcast_in_dim3A : vector<128x1xf32> to vector<128x256xf32>
    %eq3A_173 = arith.cmpf oeq, %sub3A, %eq3A : vector<128x256xf32>
    %jit3A = arith.constant 1.000000e+30 : f32
    %broadcast_in_dim3A_174 = vector.broadcast %jit3A : f32 to vector<128x256xf32>
    %select_n3A = arith.select %eq3A_173, %concatenate3A_171, %broadcast_in_dim3A_174 : vector<128x256xi1>, vector<128x256xf32>
    %reduce_min3A_175 = arith.constant dense<0x7F800000> : vector<128xf32>
    %reduce_min3A_176 = vector.multi_reduction <minimumf>, %select_n3A, %reduce_min3A_175 [1] : vector<128x256xf32> to vector<128xf32>
    %broadcast_in_dim3A_177 = vector.shape_cast %reduce_min3A_176 : vector<128xf32> to vector<128x1xf32>
    %eq3A_178 = vector.broadcast %broadcast_in_dim3A_177 : vector<128x1xf32> to vector<128x256xf32>
    %eq3A_179 = arith.cmpf oeq, %concatenate3A_171, %eq3A_178 : vector<128x256xf32>
    %jit3A_180 = arith.constant 1.000000e+30 : f32
    %broadcast_in_dim3A_181 = vector.broadcast %jit3A_180 : f32 to vector<128x256xf32>
    %select_n3A_182 = arith.select %eq3A_179, %broadcast_in_dim3A_181, %sub3A : vector<128x256xi1>, vector<128x256xf32>
    %reduce_min3A_183 = arith.constant dense<0x7F800000> : vector<128xf32>
    %reduce_min3A_184 = vector.multi_reduction <minimumf>, %select_n3A_182, %reduce_min3A_183 [1] : vector<128x256xf32> to vector<128xf32>
    %broadcast_in_dim3A_185 = vector.shape_cast %reduce_min3A_184 : vector<128xf32> to vector<128x1xf32>
    %eq3A_186 = vector.broadcast %broadcast_in_dim3A_185 : vector<128x1xf32> to vector<128x256xf32>
    %eq3A_187 = arith.cmpf oeq, %select_n3A_182, %eq3A_186 : vector<128x256xf32>
    %jit3A_188 = arith.constant 1.000000e+30 : f32
    %broadcast_in_dim3A_189 = vector.broadcast %jit3A_188 : f32 to vector<128x256xf32>
    %select_n3A_190 = arith.select %eq3A_187, %concatenate3A_171, %broadcast_in_dim3A_189 : vector<128x256xi1>, vector<128x256xf32>
    %reduce_min3A_191 = arith.constant dense<0x7F800000> : vector<128xf32>
    %reduce_min3A_192 = vector.multi_reduction <minimumf>, %select_n3A_190, %reduce_min3A_191 [1] : vector<128x256xf32> to vector<128xf32>
    %broadcast_in_dim3A_193 = vector.shape_cast %reduce_min3A_192 : vector<128xf32> to vector<128x1xf32>
    %eq3A_194 = vector.broadcast %broadcast_in_dim3A_193 : vector<128x1xf32> to vector<128x256xf32>
    %eq3A_195 = arith.cmpf oeq, %concatenate3A_171, %eq3A_194 : vector<128x256xf32>
    %jit3A_196 = arith.constant 1.000000e+30 : f32
    %broadcast_in_dim3A_197 = vector.broadcast %jit3A_196 : f32 to vector<128x256xf32>
    %select_n3A_198 = arith.select %eq3A_195, %broadcast_in_dim3A_197, %select_n3A_182 : vector<128x256xi1>, vector<128x256xf32>
    %reduce_min3A_199 = arith.constant dense<0x7F800000> : vector<128xf32>
    %reduce_min3A_200 = vector.multi_reduction <minimumf>, %select_n3A_198, %reduce_min3A_199 [1] : vector<128x256xf32> to vector<128xf32>
    %broadcast_in_dim3A_201 = vector.shape_cast %reduce_min3A_200 : vector<128xf32> to vector<128x1xf32>
    %eq3A_202 = vector.broadcast %broadcast_in_dim3A_201 : vector<128x1xf32> to vector<128x256xf32>
    %eq3A_203 = arith.cmpf oeq, %select_n3A_198, %eq3A_202 : vector<128x256xf32>
    %jit3A_204 = arith.constant 1.000000e+30 : f32
    %broadcast_in_dim3A_205 = vector.broadcast %jit3A_204 : f32 to vector<128x256xf32>
    %select_n3A_206 = arith.select %eq3A_203, %concatenate3A_171, %broadcast_in_dim3A_205 : vector<128x256xi1>, vector<128x256xf32>
    %reduce_min3A_207 = arith.constant dense<0x7F800000> : vector<128xf32>
    %reduce_min3A_208 = vector.multi_reduction <minimumf>, %select_n3A_206, %reduce_min3A_207 [1] : vector<128x256xf32> to vector<128xf32>
    %broadcast_in_dim3A_209 = vector.shape_cast %reduce_min3A_208 : vector<128xf32> to vector<128x1xf32>
    %eq3A_210 = vector.broadcast %broadcast_in_dim3A_209 : vector<128x1xf32> to vector<128x256xf32>
    %eq3A_211 = arith.cmpf oeq, %concatenate3A_171, %eq3A_210 : vector<128x256xf32>
    %jit3A_212 = arith.constant 1.000000e+30 : f32
    %broadcast_in_dim3A_213 = vector.broadcast %jit3A_212 : f32 to vector<128x256xf32>
    %select_n3A_214 = arith.select %eq3A_211, %broadcast_in_dim3A_213, %select_n3A_198 : vector<128x256xi1>, vector<128x256xf32>
    %reduce_min3A_215 = arith.constant dense<0x7F800000> : vector<128xf32>
    %reduce_min3A_216 = vector.multi_reduction <minimumf>, %select_n3A_214, %reduce_min3A_215 [1] : vector<128x256xf32> to vector<128xf32>
    %broadcast_in_dim3A_217 = vector.shape_cast %reduce_min3A_216 : vector<128xf32> to vector<128x1xf32>
    %eq3A_218 = vector.broadcast %broadcast_in_dim3A_217 : vector<128x1xf32> to vector<128x256xf32>
    %eq3A_219 = arith.cmpf oeq, %select_n3A_214, %eq3A_218 : vector<128x256xf32>
    %jit3A_220 = arith.constant 1.000000e+30 : f32
    %broadcast_in_dim3A_221 = vector.broadcast %jit3A_220 : f32 to vector<128x256xf32>
    %select_n3A_222 = arith.select %eq3A_219, %concatenate3A_171, %broadcast_in_dim3A_221 : vector<128x256xi1>, vector<128x256xf32>
    %reduce_min3A_223 = arith.constant dense<0x7F800000> : vector<128xf32>
    %reduce_min3A_224 = vector.multi_reduction <minimumf>, %select_n3A_222, %reduce_min3A_223 [1] : vector<128x256xf32> to vector<128xf32>
    %broadcast_in_dim3A_225 = vector.shape_cast %reduce_min3A_224 : vector<128xf32> to vector<128x1xf32>
    %eq3A_226 = vector.broadcast %broadcast_in_dim3A_225 : vector<128x1xf32> to vector<128x256xf32>
    %eq3A_227 = arith.cmpf oeq, %concatenate3A_171, %eq3A_226 : vector<128x256xf32>
    %jit3A_228 = arith.constant 1.000000e+30 : f32
    %broadcast_in_dim3A_229 = vector.broadcast %jit3A_228 : f32 to vector<128x256xf32>
    %select_n3A_230 = arith.select %eq3A_227, %broadcast_in_dim3A_229, %select_n3A_214 : vector<128x256xi1>, vector<128x256xf32>
    %reduce_min3A_231 = arith.constant dense<0x7F800000> : vector<128xf32>
    %reduce_min3A_232 = vector.multi_reduction <minimumf>, %select_n3A_230, %reduce_min3A_231 [1] : vector<128x256xf32> to vector<128xf32>
    %broadcast_in_dim3A_233 = vector.shape_cast %reduce_min3A_232 : vector<128xf32> to vector<128x1xf32>
    %eq3A_234 = vector.broadcast %broadcast_in_dim3A_233 : vector<128x1xf32> to vector<128x256xf32>
    %eq3A_235 = arith.cmpf oeq, %select_n3A_230, %eq3A_234 : vector<128x256xf32>
    %jit3A_236 = arith.constant 1.000000e+30 : f32
    %broadcast_in_dim3A_237 = vector.broadcast %jit3A_236 : f32 to vector<128x256xf32>
    %select_n3A_238 = arith.select %eq3A_235, %concatenate3A_171, %broadcast_in_dim3A_237 : vector<128x256xi1>, vector<128x256xf32>
    %reduce_min3A_239 = arith.constant dense<0x7F800000> : vector<128xf32>
    %reduce_min3A_240 = vector.multi_reduction <minimumf>, %select_n3A_238, %reduce_min3A_239 [1] : vector<128x256xf32> to vector<128xf32>
    %broadcast_in_dim3A_241 = vector.shape_cast %reduce_min3A_240 : vector<128xf32> to vector<128x1xf32>
    %eq3A_242 = vector.broadcast %broadcast_in_dim3A_241 : vector<128x1xf32> to vector<128x256xf32>
    %eq3A_243 = arith.cmpf oeq, %concatenate3A_171, %eq3A_242 : vector<128x256xf32>
    %jit3A_244 = arith.constant 1.000000e+30 : f32
    %broadcast_in_dim3A_245 = vector.broadcast %jit3A_244 : f32 to vector<128x256xf32>
    %select_n3A_246 = arith.select %eq3A_243, %broadcast_in_dim3A_245, %select_n3A_230 : vector<128x256xi1>, vector<128x256xf32>
    %reduce_min3A_247 = arith.constant dense<0x7F800000> : vector<128xf32>
    %reduce_min3A_248 = vector.multi_reduction <minimumf>, %select_n3A_246, %reduce_min3A_247 [1] : vector<128x256xf32> to vector<128xf32>
    %broadcast_in_dim3A_249 = vector.shape_cast %reduce_min3A_248 : vector<128xf32> to vector<128x1xf32>
    %eq3A_250 = vector.broadcast %broadcast_in_dim3A_249 : vector<128x1xf32> to vector<128x256xf32>
    %eq3A_251 = arith.cmpf oeq, %select_n3A_246, %eq3A_250 : vector<128x256xf32>
    %jit3A_252 = arith.constant 1.000000e+30 : f32
    %broadcast_in_dim3A_253 = vector.broadcast %jit3A_252 : f32 to vector<128x256xf32>
    %select_n3A_254 = arith.select %eq3A_251, %concatenate3A_171, %broadcast_in_dim3A_253 : vector<128x256xi1>, vector<128x256xf32>
    %reduce_min3A_255 = arith.constant dense<0x7F800000> : vector<128xf32>
    %reduce_min3A_256 = vector.multi_reduction <minimumf>, %select_n3A_254, %reduce_min3A_255 [1] : vector<128x256xf32> to vector<128xf32>
    %broadcast_in_dim3A_257 = vector.shape_cast %reduce_min3A_256 : vector<128xf32> to vector<128x1xf32>
    %eq3A_258 = vector.broadcast %broadcast_in_dim3A_257 : vector<128x1xf32> to vector<128x256xf32>
    %eq3A_259 = arith.cmpf oeq, %concatenate3A_171, %eq3A_258 : vector<128x256xf32>
    %jit3A_260 = arith.constant 1.000000e+30 : f32
    %broadcast_in_dim3A_261 = vector.broadcast %jit3A_260 : f32 to vector<128x256xf32>
    %select_n3A_262 = arith.select %eq3A_259, %broadcast_in_dim3A_261, %select_n3A_246 : vector<128x256xi1>, vector<128x256xf32>
    %reduce_min3A_263 = arith.constant dense<0x7F800000> : vector<128xf32>
    %reduce_min3A_264 = vector.multi_reduction <minimumf>, %select_n3A_262, %reduce_min3A_263 [1] : vector<128x256xf32> to vector<128xf32>
    %broadcast_in_dim3A_265 = vector.shape_cast %reduce_min3A_264 : vector<128xf32> to vector<128x1xf32>
    %eq3A_266 = vector.broadcast %broadcast_in_dim3A_265 : vector<128x1xf32> to vector<128x256xf32>
    %eq3A_267 = arith.cmpf oeq, %select_n3A_262, %eq3A_266 : vector<128x256xf32>
    %jit3A_268 = arith.constant 1.000000e+30 : f32
    %broadcast_in_dim3A_269 = vector.broadcast %jit3A_268 : f32 to vector<128x256xf32>
    %select_n3A_270 = arith.select %eq3A_267, %concatenate3A_171, %broadcast_in_dim3A_269 : vector<128x256xi1>, vector<128x256xf32>
    %reduce_min3A_271 = arith.constant dense<0x7F800000> : vector<128xf32>
    %reduce_min3A_272 = vector.multi_reduction <minimumf>, %select_n3A_270, %reduce_min3A_271 [1] : vector<128x256xf32> to vector<128xf32>
    %broadcast_in_dim3A_273 = vector.shape_cast %reduce_min3A_272 : vector<128xf32> to vector<128x1xf32>
    %eq3A_274 = vector.broadcast %broadcast_in_dim3A_273 : vector<128x1xf32> to vector<128x256xf32>
    %eq3A_275 = arith.cmpf oeq, %concatenate3A_171, %eq3A_274 : vector<128x256xf32>
    %jit3A_276 = arith.constant 1.000000e+30 : f32
    %broadcast_in_dim3A_277 = vector.broadcast %jit3A_276 : f32 to vector<128x256xf32>
    %select_n3A_278 = arith.select %eq3A_275, %broadcast_in_dim3A_277, %select_n3A_262 : vector<128x256xi1>, vector<128x256xf32>
    %reduce_min3A_279 = arith.constant dense<0x7F800000> : vector<128xf32>
    %reduce_min3A_280 = vector.multi_reduction <minimumf>, %select_n3A_278, %reduce_min3A_279 [1] : vector<128x256xf32> to vector<128xf32>
    %broadcast_in_dim3A_281 = vector.shape_cast %reduce_min3A_280 : vector<128xf32> to vector<128x1xf32>
    %eq3A_282 = vector.broadcast %broadcast_in_dim3A_281 : vector<128x1xf32> to vector<128x256xf32>
    %eq3A_283 = arith.cmpf oeq, %select_n3A_278, %eq3A_282 : vector<128x256xf32>
    %jit3A_284 = arith.constant 1.000000e+30 : f32
    %broadcast_in_dim3A_285 = vector.broadcast %jit3A_284 : f32 to vector<128x256xf32>
    %select_n3A_286 = arith.select %eq3A_283, %concatenate3A_171, %broadcast_in_dim3A_285 : vector<128x256xi1>, vector<128x256xf32>
    %reduce_min3A_287 = arith.constant dense<0x7F800000> : vector<128xf32>
    %reduce_min3A_288 = vector.multi_reduction <minimumf>, %select_n3A_286, %reduce_min3A_287 [1] : vector<128x256xf32> to vector<128xf32>
    %broadcast_in_dim3A_289 = vector.shape_cast %reduce_min3A_288 : vector<128xf32> to vector<128x1xf32>
    %eq3A_290 = vector.broadcast %broadcast_in_dim3A_289 : vector<128x1xf32> to vector<128x256xf32>
    %eq3A_291 = arith.cmpf oeq, %concatenate3A_171, %eq3A_290 : vector<128x256xf32>
    %jit3A_292 = arith.constant 1.000000e+30 : f32
    %broadcast_in_dim3A_293 = vector.broadcast %jit3A_292 : f32 to vector<128x256xf32>
    %select_n3A_294 = arith.select %eq3A_291, %broadcast_in_dim3A_293, %select_n3A_278 : vector<128x256xi1>, vector<128x256xf32>
    %reduce_min3A_295 = arith.constant dense<0x7F800000> : vector<128xf32>
    %reduce_min3A_296 = vector.multi_reduction <minimumf>, %select_n3A_294, %reduce_min3A_295 [1] : vector<128x256xf32> to vector<128xf32>
    %broadcast_in_dim3A_297 = vector.shape_cast %reduce_min3A_296 : vector<128xf32> to vector<128x1xf32>
    %eq3A_298 = vector.broadcast %broadcast_in_dim3A_297 : vector<128x1xf32> to vector<128x256xf32>
    %eq3A_299 = arith.cmpf oeq, %select_n3A_294, %eq3A_298 : vector<128x256xf32>
    %jit3A_300 = arith.constant 1.000000e+30 : f32
    %broadcast_in_dim3A_301 = vector.broadcast %jit3A_300 : f32 to vector<128x256xf32>
    %select_n3A_302 = arith.select %eq3A_299, %concatenate3A_171, %broadcast_in_dim3A_301 : vector<128x256xi1>, vector<128x256xf32>
    %reduce_min3A_303 = arith.constant dense<0x7F800000> : vector<128xf32>
    %reduce_min3A_304 = vector.multi_reduction <minimumf>, %select_n3A_302, %reduce_min3A_303 [1] : vector<128x256xf32> to vector<128xf32>
    %broadcast_in_dim3A_305 = vector.shape_cast %reduce_min3A_304 : vector<128xf32> to vector<128x1xf32>
    %eq3A_306 = vector.broadcast %broadcast_in_dim3A_305 : vector<128x1xf32> to vector<128x256xf32>
    %eq3A_307 = arith.cmpf oeq, %concatenate3A_171, %eq3A_306 : vector<128x256xf32>
    %jit3A_308 = arith.constant 1.000000e+30 : f32
    %broadcast_in_dim3A_309 = vector.broadcast %jit3A_308 : f32 to vector<128x256xf32>
    %select_n3A_310 = arith.select %eq3A_307, %broadcast_in_dim3A_309, %select_n3A_294 : vector<128x256xi1>, vector<128x256xf32>
    %reduce_min3A_311 = arith.constant dense<0x7F800000> : vector<128xf32>
    %reduce_min3A_312 = vector.multi_reduction <minimumf>, %select_n3A_310, %reduce_min3A_311 [1] : vector<128x256xf32> to vector<128xf32>
    %broadcast_in_dim3A_313 = vector.shape_cast %reduce_min3A_312 : vector<128xf32> to vector<128x1xf32>
    %eq3A_314 = vector.broadcast %broadcast_in_dim3A_313 : vector<128x1xf32> to vector<128x256xf32>
    %eq3A_315 = arith.cmpf oeq, %select_n3A_310, %eq3A_314 : vector<128x256xf32>
    %jit3A_316 = arith.constant 1.000000e+30 : f32
    %broadcast_in_dim3A_317 = vector.broadcast %jit3A_316 : f32 to vector<128x256xf32>
    %select_n3A_318 = arith.select %eq3A_315, %concatenate3A_171, %broadcast_in_dim3A_317 : vector<128x256xi1>, vector<128x256xf32>
    %reduce_min3A_319 = arith.constant dense<0x7F800000> : vector<128xf32>
    %reduce_min3A_320 = vector.multi_reduction <minimumf>, %select_n3A_318, %reduce_min3A_319 [1] : vector<128x256xf32> to vector<128xf32>
    %broadcast_in_dim3A_321 = vector.shape_cast %reduce_min3A_320 : vector<128xf32> to vector<128x1xf32>
    %eq3A_322 = vector.broadcast %broadcast_in_dim3A_321 : vector<128x1xf32> to vector<128x256xf32>
    %eq3A_323 = arith.cmpf oeq, %concatenate3A_171, %eq3A_322 : vector<128x256xf32>
    %jit3A_324 = arith.constant 1.000000e+30 : f32
    %broadcast_in_dim3A_325 = vector.broadcast %jit3A_324 : f32 to vector<128x256xf32>
    %select_n3A_326 = arith.select %eq3A_323, %broadcast_in_dim3A_325, %select_n3A_310 : vector<128x256xi1>, vector<128x256xf32>
    %reduce_min3A_327 = arith.constant dense<0x7F800000> : vector<128xf32>
    %reduce_min3A_328 = vector.multi_reduction <minimumf>, %select_n3A_326, %reduce_min3A_327 [1] : vector<128x256xf32> to vector<128xf32>
    %broadcast_in_dim3A_329 = vector.shape_cast %reduce_min3A_328 : vector<128xf32> to vector<128x1xf32>
    %eq3A_330 = vector.broadcast %broadcast_in_dim3A_329 : vector<128x1xf32> to vector<128x256xf32>
    %eq3A_331 = arith.cmpf oeq, %select_n3A_326, %eq3A_330 : vector<128x256xf32>
    %jit3A_332 = arith.constant 1.000000e+30 : f32
    %broadcast_in_dim3A_333 = vector.broadcast %jit3A_332 : f32 to vector<128x256xf32>
    %select_n3A_334 = arith.select %eq3A_331, %concatenate3A_171, %broadcast_in_dim3A_333 : vector<128x256xi1>, vector<128x256xf32>
    %reduce_min3A_335 = arith.constant dense<0x7F800000> : vector<128xf32>
    %reduce_min3A_336 = vector.multi_reduction <minimumf>, %select_n3A_334, %reduce_min3A_335 [1] : vector<128x256xf32> to vector<128xf32>
    %broadcast_in_dim3A_337 = vector.shape_cast %reduce_min3A_336 : vector<128xf32> to vector<128x1xf32>
    %eq3A_338 = vector.broadcast %broadcast_in_dim3A_337 : vector<128x1xf32> to vector<128x256xf32>
    %eq3A_339 = arith.cmpf oeq, %concatenate3A_171, %eq3A_338 : vector<128x256xf32>
    %jit3A_340 = arith.constant 1.000000e+30 : f32
    %broadcast_in_dim3A_341 = vector.broadcast %jit3A_340 : f32 to vector<128x256xf32>
    %select_n3A_342 = arith.select %eq3A_339, %broadcast_in_dim3A_341, %select_n3A_326 : vector<128x256xi1>, vector<128x256xf32>
    %reduce_min3A_343 = arith.constant dense<0x7F800000> : vector<128xf32>
    %reduce_min3A_344 = vector.multi_reduction <minimumf>, %select_n3A_342, %reduce_min3A_343 [1] : vector<128x256xf32> to vector<128xf32>
    %broadcast_in_dim3A_345 = vector.shape_cast %reduce_min3A_344 : vector<128xf32> to vector<128x1xf32>
    %eq3A_346 = vector.broadcast %broadcast_in_dim3A_345 : vector<128x1xf32> to vector<128x256xf32>
    %eq3A_347 = arith.cmpf oeq, %select_n3A_342, %eq3A_346 : vector<128x256xf32>
    %jit3A_348 = arith.constant 1.000000e+30 : f32
    %broadcast_in_dim3A_349 = vector.broadcast %jit3A_348 : f32 to vector<128x256xf32>
    %select_n3A_350 = arith.select %eq3A_347, %concatenate3A_171, %broadcast_in_dim3A_349 : vector<128x256xi1>, vector<128x256xf32>
    %reduce_min3A_351 = arith.constant dense<0x7F800000> : vector<128xf32>
    %reduce_min3A_352 = vector.multi_reduction <minimumf>, %select_n3A_350, %reduce_min3A_351 [1] : vector<128x256xf32> to vector<128xf32>
    %broadcast_in_dim3A_353 = vector.shape_cast %reduce_min3A_352 : vector<128xf32> to vector<128x1xf32>
    %eq3A_354 = vector.broadcast %broadcast_in_dim3A_353 : vector<128x1xf32> to vector<128x256xf32>
    %eq3A_355 = arith.cmpf oeq, %concatenate3A_171, %eq3A_354 : vector<128x256xf32>
    %jit3A_356 = arith.constant 1.000000e+30 : f32
    %broadcast_in_dim3A_357 = vector.broadcast %jit3A_356 : f32 to vector<128x256xf32>
    %select_n3A_358 = arith.select %eq3A_355, %broadcast_in_dim3A_357, %select_n3A_342 : vector<128x256xi1>, vector<128x256xf32>
    %reduce_min3A_359 = arith.constant dense<0x7F800000> : vector<128xf32>
    %reduce_min3A_360 = vector.multi_reduction <minimumf>, %select_n3A_358, %reduce_min3A_359 [1] : vector<128x256xf32> to vector<128xf32>
    %broadcast_in_dim3A_361 = vector.shape_cast %reduce_min3A_360 : vector<128xf32> to vector<128x1xf32>
    %eq3A_362 = vector.broadcast %broadcast_in_dim3A_361 : vector<128x1xf32> to vector<128x256xf32>
    %eq3A_363 = arith.cmpf oeq, %select_n3A_358, %eq3A_362 : vector<128x256xf32>
    %jit3A_364 = arith.constant 1.000000e+30 : f32
    %broadcast_in_dim3A_365 = vector.broadcast %jit3A_364 : f32 to vector<128x256xf32>
    %select_n3A_366 = arith.select %eq3A_363, %concatenate3A_171, %broadcast_in_dim3A_365 : vector<128x256xi1>, vector<128x256xf32>
    %reduce_min3A_367 = arith.constant dense<0x7F800000> : vector<128xf32>
    %reduce_min3A_368 = vector.multi_reduction <minimumf>, %select_n3A_366, %reduce_min3A_367 [1] : vector<128x256xf32> to vector<128xf32>
    %broadcast_in_dim3A_369 = vector.shape_cast %reduce_min3A_368 : vector<128xf32> to vector<128x1xf32>
    %eq3A_370 = vector.broadcast %broadcast_in_dim3A_369 : vector<128x1xf32> to vector<128x256xf32>
    %eq3A_371 = arith.cmpf oeq, %concatenate3A_171, %eq3A_370 : vector<128x256xf32>
    %jit3A_372 = arith.constant 1.000000e+30 : f32
    %broadcast_in_dim3A_373 = vector.broadcast %jit3A_372 : f32 to vector<128x256xf32>
    %select_n3A_374 = arith.select %eq3A_371, %broadcast_in_dim3A_373, %select_n3A_358 : vector<128x256xi1>, vector<128x256xf32>
    %reduce_min3A_375 = arith.constant dense<0x7F800000> : vector<128xf32>
    %reduce_min3A_376 = vector.multi_reduction <minimumf>, %select_n3A_374, %reduce_min3A_375 [1] : vector<128x256xf32> to vector<128xf32>
    %broadcast_in_dim3A_377 = vector.shape_cast %reduce_min3A_376 : vector<128xf32> to vector<128x1xf32>
    %eq3A_378 = vector.broadcast %broadcast_in_dim3A_377 : vector<128x1xf32> to vector<128x256xf32>
    %eq3A_379 = arith.cmpf oeq, %select_n3A_374, %eq3A_378 : vector<128x256xf32>
    %jit3A_380 = arith.constant 1.000000e+30 : f32
    %broadcast_in_dim3A_381 = vector.broadcast %jit3A_380 : f32 to vector<128x256xf32>
    %select_n3A_382 = arith.select %eq3A_379, %concatenate3A_171, %broadcast_in_dim3A_381 : vector<128x256xi1>, vector<128x256xf32>
    %reduce_min3A_383 = arith.constant dense<0x7F800000> : vector<128xf32>
    %reduce_min3A_384 = vector.multi_reduction <minimumf>, %select_n3A_382, %reduce_min3A_383 [1] : vector<128x256xf32> to vector<128xf32>
    %broadcast_in_dim3A_385 = vector.shape_cast %reduce_min3A_384 : vector<128xf32> to vector<128x1xf32>
    %eq3A_386 = vector.broadcast %broadcast_in_dim3A_385 : vector<128x1xf32> to vector<128x256xf32>
    %eq3A_387 = arith.cmpf oeq, %concatenate3A_171, %eq3A_386 : vector<128x256xf32>
    %jit3A_388 = arith.constant 1.000000e+30 : f32
    %broadcast_in_dim3A_389 = vector.broadcast %jit3A_388 : f32 to vector<128x256xf32>
    %select_n3A_390 = arith.select %eq3A_387, %broadcast_in_dim3A_389, %select_n3A_374 : vector<128x256xi1>, vector<128x256xf32>
    %reduce_min3A_391 = arith.constant dense<0x7F800000> : vector<128xf32>
    %reduce_min3A_392 = vector.multi_reduction <minimumf>, %select_n3A_390, %reduce_min3A_391 [1] : vector<128x256xf32> to vector<128xf32>
    %broadcast_in_dim3A_393 = vector.shape_cast %reduce_min3A_392 : vector<128xf32> to vector<128x1xf32>
    %eq3A_394 = vector.broadcast %broadcast_in_dim3A_393 : vector<128x1xf32> to vector<128x256xf32>
    %eq3A_395 = arith.cmpf oeq, %select_n3A_390, %eq3A_394 : vector<128x256xf32>
    %jit3A_396 = arith.constant 1.000000e+30 : f32
    %broadcast_in_dim3A_397 = vector.broadcast %jit3A_396 : f32 to vector<128x256xf32>
    %select_n3A_398 = arith.select %eq3A_395, %concatenate3A_171, %broadcast_in_dim3A_397 : vector<128x256xi1>, vector<128x256xf32>
    %reduce_min3A_399 = arith.constant dense<0x7F800000> : vector<128xf32>
    %reduce_min3A_400 = vector.multi_reduction <minimumf>, %select_n3A_398, %reduce_min3A_399 [1] : vector<128x256xf32> to vector<128xf32>
    %broadcast_in_dim3A_401 = vector.shape_cast %reduce_min3A_400 : vector<128xf32> to vector<128x1xf32>
    %eq3A_402 = vector.broadcast %broadcast_in_dim3A_401 : vector<128x1xf32> to vector<128x256xf32>
    %eq3A_403 = arith.cmpf oeq, %concatenate3A_171, %eq3A_402 : vector<128x256xf32>
    %jit3A_404 = arith.constant 1.000000e+30 : f32
    %broadcast_in_dim3A_405 = vector.broadcast %jit3A_404 : f32 to vector<128x256xf32>
    %select_n3A_406 = arith.select %eq3A_403, %broadcast_in_dim3A_405, %select_n3A_390 : vector<128x256xi1>, vector<128x256xf32>
    %reduce_min3A_407 = arith.constant dense<0x7F800000> : vector<128xf32>
    %reduce_min3A_408 = vector.multi_reduction <minimumf>, %select_n3A_406, %reduce_min3A_407 [1] : vector<128x256xf32> to vector<128xf32>
    %broadcast_in_dim3A_409 = vector.shape_cast %reduce_min3A_408 : vector<128xf32> to vector<128x1xf32>
    %eq3A_410 = vector.broadcast %broadcast_in_dim3A_409 : vector<128x1xf32> to vector<128x256xf32>
    %eq3A_411 = arith.cmpf oeq, %select_n3A_406, %eq3A_410 : vector<128x256xf32>
    %jit3A_412 = arith.constant 1.000000e+30 : f32
    %broadcast_in_dim3A_413 = vector.broadcast %jit3A_412 : f32 to vector<128x256xf32>
    %select_n3A_414 = arith.select %eq3A_411, %concatenate3A_171, %broadcast_in_dim3A_413 : vector<128x256xi1>, vector<128x256xf32>
    %reduce_min3A_415 = arith.constant dense<0x7F800000> : vector<128xf32>
    %reduce_min3A_416 = vector.multi_reduction <minimumf>, %select_n3A_414, %reduce_min3A_415 [1] : vector<128x256xf32> to vector<128xf32>
    %broadcast_in_dim3A_417 = vector.shape_cast %reduce_min3A_416 : vector<128xf32> to vector<128x1xf32>
    %concatenate3A_418 = tpu.concatenate %broadcast_in_dim3A_177, %broadcast_in_dim3A_193, %broadcast_in_dim3A_209, %broadcast_in_dim3A_225, %broadcast_in_dim3A_241, %broadcast_in_dim3A_257, %broadcast_in_dim3A_273, %broadcast_in_dim3A_289, %broadcast_in_dim3A_305, %broadcast_in_dim3A_321, %broadcast_in_dim3A_337, %broadcast_in_dim3A_353, %broadcast_in_dim3A_369, %broadcast_in_dim3A_385, %broadcast_in_dim3A_401, %broadcast_in_dim3A_417 in 1 : vector<128x1xf32>, vector<128x1xf32>, vector<128x1xf32>, vector<128x1xf32>, vector<128x1xf32>, vector<128x1xf32>, vector<128x1xf32>, vector<128x1xf32>, vector<128x1xf32>, vector<128x1xf32>, vector<128x1xf32>, vector<128x1xf32>, vector<128x1xf32>, vector<128x1xf32>, vector<128x1xf32>, vector<128x1xf32> -> vector<128x16xf32>
    %convert_element_type3A_419 = arith.fptosi %concatenate3A_418 : vector<128x16xf32> to vector<128x16xi32>
    %swap3A = arith.constant 0 : index
    %swap3A_420 = arith.constant 0 : index
    %swap3A_421 = vector.load %arg5[%swap3A, %swap3A_420] : memref<128x16xi32, #tpu.memory_space<vmem>>, vector<128x16xi32>
    tpu.vector_store %arg5[%swap3A, %swap3A_420], %convert_element_type3A_419 {strides = array<i32>} : memref<128x16xi32, #tpu.memory_space<vmem>>, vector<128x16xi32>,
    return
  }
  func.func @transform_0(%arg0: i32) -> (i32, i32) {
    %c0_i32 = arith.constant 0 : i32
    %c0_i32_0 = arith.constant 0 : i32
    return %arg0, %c0_i32 : i32, i32
  }
  func.func @transform_1(%arg0: i32) -> (i32, i32) {
    %add3A = arith.constant 0 : i32
    %add3A_0 = arith.addi %arg0, %add3A : i32
    %c0_i32 = arith.constant 0 : i32
    %c0_i32_1 = arith.constant 0 : i32
    return %add3A_0, %c0_i32 : i32, i32
  }
  func.func @transform_2(%arg0: i32) -> (i32, i32) {
    %add3A = arith.constant 0 : i32
    %add3A_0 = arith.addi %arg0, %add3A : i32
    %c0_i32 = arith.constant 0 : i32
    %c0_i32_1 = arith.constant 0 : i32
    return %add3A_0, %c0_i32 : i32, i32
  }
  func.func @transform_3(%arg0: i32) -> (i32, i32) {
    %c0_i32 = arith.constant 0 : i32
    %c0_i32_0 = arith.constant 0 : i32
    return %arg0, %c0_i32 : i32, i32
  }
  func.func @transform_4(%arg0: i32) -> (i32, i32) {
    %c0_i32 = arith.constant 0 : i32
    %c0_i32_0 = arith.constant 0 : i32
    return %arg0, %c0_i32 : i32, i32
  }
}

module attributes {stable_mosaic.version = 14 : i64} {
  func.func @_ke_body(%arg0: i32, %arg1: memref<128x128xf32, #tpu.memory_space<vmem>>, %arg2: memref<128x128xf32, #tpu.memory_space<vmem>>, %arg3: memref<128x8xf32, #tpu.memory_space<vmem>>, %arg4: memref<2048x256xf32, #tpu.memory_space<vmem>>, %arg5: memref<2048x128xf32, #tpu.memory_space<vmem>>, %arg6: memref<8x128xf32, #tpu.memory_space<vmem>>, %arg7: memref<1x128xf32, #tpu.memory_space<vmem>>, %arg8: memref<1x128xf32, #tpu.memory_space<vmem>>, %arg9: memref<1x128xf32, #tpu.memory_space<vmem>>, %arg10: memref<128x128xf32, #tpu.memory_space<vmem>>, %arg11: memref<1x128xf32, #tpu.memory_space<vmem>>, %arg12: memref<1x128xf32, #tpu.memory_space<vmem>>, %arg13: memref<1x128xf32, #tpu.memory_space<vmem>>, %arg14: memref<128x128xf32, #tpu.memory_space<vmem>>, %arg15: memref<1x128xf32, #tpu.memory_space<vmem>>, %arg16: memref<128x128xf32, #tpu.memory_space<vmem>>, %arg17: memref<1x128xf32, #tpu.memory_space<vmem>>, %arg18: memref<128x128xf32, #tpu.memory_space<vmem>>) attributes {dimension_semantics = [#tpu.dimension_semantics<arbitrary>], iteration_bounds = array<i64: 40>, scalar_prefetch = 0 : i64, scratch_operands = 0 : i64, tpu.core_type = #tpu.core_type<tc>, window_params = [{transform_indices = @transform_0, window_bounds = array<i64: 128, 128>}, {transform_indices = @transform_1, window_bounds = array<i64: 128, 128>}, {transform_indices = @transform_2, window_bounds = array<i64: 128, 8>}, {transform_indices = @transform_3, window_bounds = array<i64: 2048, 256>}, {transform_indices = @transform_4, window_bounds = array<i64: 2048, 128>}, {pipeline_mode = #tpu.pipeline_mode<synchronous>, transform_indices = @transform_5, window_bounds = array<i64: 8, 128>}, {pipeline_mode = #tpu.pipeline_mode<synchronous>, transform_indices = @transform_6, window_bounds = array<i64: 1, 128>}, {pipeline_mode = #tpu.pipeline_mode<synchronous>, transform_indices = @transform_7, window_bounds = array<i64: 1, 128>}, {pipeline_mode = #tpu.pipeline_mode<synchronous>, transform_indices = @transform_8, window_bounds = array<i64: 1, 128>}, {pipeline_mode = #tpu.pipeline_mode<synchronous>, transform_indices = @transform_9, window_bounds = array<i64: 128, 128>}, {pipeline_mode = #tpu.pipeline_mode<synchronous>, transform_indices = @transform_10, window_bounds = array<i64: 1, 128>}, {pipeline_mode = #tpu.pipeline_mode<synchronous>, transform_indices = @transform_11, window_bounds = array<i64: 1, 128>}, {pipeline_mode = #tpu.pipeline_mode<synchronous>, transform_indices = @transform_12, window_bounds = array<i64: 1, 128>}, {pipeline_mode = #tpu.pipeline_mode<synchronous>, transform_indices = @transform_13, window_bounds = array<i64: 128, 128>}, {pipeline_mode = #tpu.pipeline_mode<synchronous>, transform_indices = @transform_14, window_bounds = array<i64: 1, 128>}, {pipeline_mode = #tpu.pipeline_mode<synchronous>, transform_indices = @transform_15, window_bounds = array<i64: 128, 128>}, {pipeline_mode = #tpu.pipeline_mode<synchronous>, transform_indices = @transform_16, window_bounds = array<i64: 1, 128>}, {transform_indices = @transform_17, window_bounds = array<i64: 128, 128>}]} {
    %get3A = arith.constant 0 : index
    %get3A_0 = arith.constant 0 : index
    %get3A_1 = vector.load %arg4[%get3A, %get3A_0] : memref<2048x256xf32, #tpu.memory_space<vmem>>, vector<2048x256xf32>
    %reshape3A = vector.shape_cast %get3A_1 : vector<2048x256xf32> to vector<128x16x256xf32>
    %slice3A = vector.extract_strided_slice %reshape3A {offsets = [0, 0, 128], sizes = [128, 16, 8], strides = [1, 1, 1]} : vector<128x16x256xf32> to vector<128x16x8xf32>
    %get3A_2 = arith.constant 0 : index
    %get3A_3 = arith.constant 0 : index
    %get3A_4 = vector.load %arg3[%get3A_2, %get3A_3] : memref<128x8xf32, #tpu.memory_space<vmem>>, vector<128x8xf32>
    %reshape3A_5 = vector.shape_cast %get3A_4 : vector<128x8xf32> to vector<128x1x8xf32>
    %sub3A = vector.broadcast %reshape3A_5 : vector<128x1x8xf32> to vector<128x16x8xf32>
    %sub3A_6 = arith.subf %slice3A, %sub3A : vector<128x16x8xf32>
    %reshape3A_7 = vector.shape_cast %sub3A_6 : vector<128x16x8xf32> to vector<2048x8xf32>
    %convert_element_type3A = arith.truncf %reshape3A_7 : vector<2048x8xf32> to vector<2048x8xbf16>
    %get3A_8 = arith.constant 0 : index
    %get3A_9 = arith.constant 0 : index
    %get3A_10 = vector.load %arg6[%get3A_8, %get3A_9] : memref<8x128xf32, #tpu.memory_space<vmem>>, vector<8x128xf32>
    %convert_element_type3A_11 = arith.truncf %get3A_10 : vector<8x128xf32> to vector<8x128xbf16>
    %dot_general3A = arith.constant dense<0.000000e+00> : vector<2048x128xf32>
    %dot_general3A_12 = tpu.matmul %convert_element_type3A, %convert_element_type3A_11, %dot_general3A {dimension_numbers = #tpu.dot_dimension_numbers<[1], [0], [0], [1], [0, 0, 1, 1], [], []>, transpose_lhs_hint = false} : vector<2048x8xbf16>, vector<8x128xbf16>, vector<2048x128xf32> -> vector<2048x128xf32>
    %get3A_13 = arith.constant 0 : index
    %get3A_14 = arith.constant 0 : index
    %get3A_15 = vector.load %arg7[%get3A_13, %get3A_14] : memref<1x128xf32, #tpu.memory_space<vmem>>, vector<1x128xf32>
    %add3A = vector.broadcast %get3A_15 : vector<1x128xf32> to vector<2048x128xf32>
    %add3A_16 = arith.addf %dot_general3A_12, %add3A : vector<2048x128xf32>
    %get3A_17 = arith.constant 0 : index
    %get3A_18 = arith.constant 0 : index
    %get3A_19 = vector.load %arg8[%get3A_17, %get3A_18] : memref<1x128xf32, #tpu.memory_space<vmem>>, vector<1x128xf32>
    %get3A_20 = arith.constant 0 : index
    %get3A_21 = arith.constant 0 : index
    %get3A_22 = vector.load %arg9[%get3A_20, %get3A_21] : memref<1x128xf32, #tpu.memory_space<vmem>>, vector<1x128xf32>
    %reduce_sum3A = arith.constant dense<0.000000e+00> : vector<2048xf32>
    %reduce_sum3A_23 = vector.multi_reduction <add>, %add3A_16, %reduce_sum3A [1] : vector<2048x128xf32> to vector<2048xf32>
    %broadcast_in_dim3A = vector.shape_cast %reduce_sum3A_23 : vector<2048xf32> to vector<2048x1xf32>
    %div3A = arith.constant 1.280000e+02 : f32
    %div3A_24 = vector.broadcast %div3A : f32 to vector<2048x1xf32>
    %div3A_25 = arith.divf %broadcast_in_dim3A, %div3A_24 : vector<2048x1xf32>
    %sub3A_26 = vector.broadcast %div3A_25 : vector<2048x1xf32> to vector<2048x128xf32>
    %sub3A_27 = arith.subf %add3A_16, %sub3A_26 : vector<2048x128xf32>
    %mul3A = arith.mulf %sub3A_27, %sub3A_27 : vector<2048x128xf32>
    %reduce_sum3A_28 = arith.constant dense<0.000000e+00> : vector<2048xf32>
    %reduce_sum3A_29 = vector.multi_reduction <add>, %mul3A, %reduce_sum3A_28 [1] : vector<2048x128xf32> to vector<2048xf32>
    %broadcast_in_dim3A_30 = vector.shape_cast %reduce_sum3A_29 : vector<2048xf32> to vector<2048x1xf32>
    %div3A_31 = arith.constant 1.280000e+02 : f32
    %div3A_32 = vector.broadcast %div3A_31 : f32 to vector<2048x1xf32>
    %div3A_33 = arith.divf %broadcast_in_dim3A_30, %div3A_32 : vector<2048x1xf32>
    %add3A_34 = arith.constant 9.99999974E-6 : f32
    %add3A_35 = vector.broadcast %add3A_34 : f32 to vector<2048x1xf32>
    %add3A_36 = arith.addf %div3A_33, %add3A_35 : vector<2048x1xf32>
    %rsqrt3A = math.rsqrt %add3A_36 : vector<2048x1xf32>
    %mul3A_37 = vector.broadcast %rsqrt3A : vector<2048x1xf32> to vector<2048x128xf32>
    %mul3A_38 = arith.mulf %sub3A_27, %mul3A_37 : vector<2048x128xf32>
    %mul3A_39 = vector.broadcast %get3A_19 : vector<1x128xf32> to vector<2048x128xf32>
    %mul3A_40 = arith.mulf %mul3A_38, %mul3A_39 : vector<2048x128xf32>
    %add3A_41 = vector.broadcast %get3A_22 : vector<1x128xf32> to vector<2048x128xf32>
    %add3A_42 = arith.addf %mul3A_40, %add3A_41 : vector<2048x128xf32>
    %max3A = arith.constant 0.000000e+00 : f32
    %max3A_43 = vector.broadcast %max3A : f32 to vector<2048x128xf32>
    %max3A_44 = arith.maximumf %add3A_42, %max3A_43 : vector<2048x128xf32>
    %get3A_45 = arith.constant 0 : index
    %get3A_46 = arith.constant 0 : index
    %get3A_47 = vector.load %arg1[%get3A_45, %get3A_46] : memref<128x128xf32, #tpu.memory_space<vmem>>, vector<128x128xf32>
    %reshape3A_48 = vector.shape_cast %get3A_47 : vector<128x128xf32> to vector<128x1x128xf32>
    %slice3A_49 = vector.extract_strided_slice %reshape3A {offsets = [0, 0, 0], sizes = [128, 16, 128], strides = [1, 1, 1]} : vector<128x16x256xf32> to vector<128x16x128xf32>
    %sub3A_50 = vector.broadcast %reshape3A_48 : vector<128x1x128xf32> to vector<128x16x128xf32>
    %sub3A_51 = arith.subf %sub3A_50, %slice3A_49 : vector<128x16x128xf32>
    %reshape3A_52 = vector.shape_cast %max3A_44 : vector<2048x128xf32> to vector<128x16x128xf32>
    %add3A_53 = arith.addf %sub3A_51, %reshape3A_52 : vector<128x16x128xf32>
    %reshape3A_54 = vector.shape_cast %add3A_53 : vector<128x16x128xf32> to vector<2048x128xf32>
    %convert_element_type3A_55 = arith.truncf %reshape3A_54 : vector<2048x128xf32> to vector<2048x128xbf16>
    %get3A_56 = arith.constant 0 : index
    %get3A_57 = arith.constant 0 : index
    %get3A_58 = vector.load %arg10[%get3A_56, %get3A_57] : memref<128x128xf32, #tpu.memory_space<vmem>>, vector<128x128xf32>
    %convert_element_type3A_59 = arith.truncf %get3A_58 : vector<128x128xf32> to vector<128x128xbf16>
    %dot_general3A_60 = arith.constant dense<0.000000e+00> : vector<2048x128xf32>
    %dot_general3A_61 = tpu.matmul %convert_element_type3A_55, %convert_element_type3A_59, %dot_general3A_60 {dimension_numbers = #tpu.dot_dimension_numbers<[1], [0], [0], [1], [0, 0, 1, 1], [], []>, transpose_lhs_hint = false} : vector<2048x128xbf16>, vector<128x128xbf16>, vector<2048x128xf32> -> vector<2048x128xf32>
    %get3A_62 = arith.constant 0 : index
    %get3A_63 = arith.constant 0 : index
    %get3A_64 = vector.load %arg11[%get3A_62, %get3A_63] : memref<1x128xf32, #tpu.memory_space<vmem>>, vector<1x128xf32>
    %add3A_65 = vector.broadcast %get3A_64 : vector<1x128xf32> to vector<2048x128xf32>
    %add3A_66 = arith.addf %dot_general3A_61, %add3A_65 : vector<2048x128xf32>
    %get3A_67 = arith.constant 0 : index
    %get3A_68 = arith.constant 0 : index
    %get3A_69 = vector.load %arg12[%get3A_67, %get3A_68] : memref<1x128xf32, #tpu.memory_space<vmem>>, vector<1x128xf32>
    %get3A_70 = arith.constant 0 : index
    %get3A_71 = arith.constant 0 : index
    %get3A_72 = vector.load %arg13[%get3A_70, %get3A_71] : memref<1x128xf32, #tpu.memory_space<vmem>>, vector<1x128xf32>
    %reduce_sum3A_73 = arith.constant dense<0.000000e+00> : vector<2048xf32>
    %reduce_sum3A_74 = vector.multi_reduction <add>, %add3A_66, %reduce_sum3A_73 [1] : vector<2048x128xf32> to vector<2048xf32>
    %broadcast_in_dim3A_75 = vector.shape_cast %reduce_sum3A_74 : vector<2048xf32> to vector<2048x1xf32>
    %div3A_76 = arith.constant 1.280000e+02 : f32
    %div3A_77 = vector.broadcast %div3A_76 : f32 to vector<2048x1xf32>
    %div3A_78 = arith.divf %broadcast_in_dim3A_75, %div3A_77 : vector<2048x1xf32>
    %sub3A_79 = vector.broadcast %div3A_78 : vector<2048x1xf32> to vector<2048x128xf32>
    %sub3A_80 = arith.subf %add3A_66, %sub3A_79 : vector<2048x128xf32>
    %mul3A_81 = arith.mulf %sub3A_80, %sub3A_80 : vector<2048x128xf32>
    %reduce_sum3A_82 = arith.constant dense<0.000000e+00> : vector<2048xf32>
    %reduce_sum3A_83 = vector.multi_reduction <add>, %mul3A_81, %reduce_sum3A_82 [1] : vector<2048x128xf32> to vector<2048xf32>
    %broadcast_in_dim3A_84 = vector.shape_cast %reduce_sum3A_83 : vector<2048xf32> to vector<2048x1xf32>
    %div3A_85 = arith.constant 1.280000e+02 : f32
    %div3A_86 = vector.broadcast %div3A_85 : f32 to vector<2048x1xf32>
    %div3A_87 = arith.divf %broadcast_in_dim3A_84, %div3A_86 : vector<2048x1xf32>
    %add3A_88 = arith.constant 9.99999974E-6 : f32
    %add3A_89 = vector.broadcast %add3A_88 : f32 to vector<2048x1xf32>
    %add3A_90 = arith.addf %div3A_87, %add3A_89 : vector<2048x1xf32>
    %rsqrt3A_91 = math.rsqrt %add3A_90 : vector<2048x1xf32>
    %mul3A_92 = vector.broadcast %rsqrt3A_91 : vector<2048x1xf32> to vector<2048x128xf32>
    %mul3A_93 = arith.mulf %sub3A_80, %mul3A_92 : vector<2048x128xf32>
    %mul3A_94 = vector.broadcast %get3A_69 : vector<1x128xf32> to vector<2048x128xf32>
    %mul3A_95 = arith.mulf %mul3A_93, %mul3A_94 : vector<2048x128xf32>
    %add3A_96 = vector.broadcast %get3A_72 : vector<1x128xf32> to vector<2048x128xf32>
    %add3A_97 = arith.addf %mul3A_95, %add3A_96 : vector<2048x128xf32>
    %max3A_98 = arith.constant 0.000000e+00 : f32
    %max3A_99 = vector.broadcast %max3A_98 : f32 to vector<2048x128xf32>
    %max3A_100 = arith.maximumf %add3A_97, %max3A_99 : vector<2048x128xf32>
    %convert_element_type3A_101 = arith.truncf %max3A_100 : vector<2048x128xf32> to vector<2048x128xbf16>
    %get3A_102 = arith.constant 0 : index
    %get3A_103 = arith.constant 0 : index
    %get3A_104 = vector.load %arg14[%get3A_102, %get3A_103] : memref<128x128xf32, #tpu.memory_space<vmem>>, vector<128x128xf32>
    %convert_element_type3A_105 = arith.truncf %get3A_104 : vector<128x128xf32> to vector<128x128xbf16>
    %dot_general3A_106 = arith.constant dense<0.000000e+00> : vector<2048x128xf32>
    %dot_general3A_107 = tpu.matmul %convert_element_type3A_101, %convert_element_type3A_105, %dot_general3A_106 {dimension_numbers = #tpu.dot_dimension_numbers<[1], [0], [0], [1], [0, 0, 1, 1], [], []>, transpose_lhs_hint = false} : vector<2048x128xbf16>, vector<128x128xbf16>, vector<2048x128xf32> -> vector<2048x128xf32>
    %get3A_108 = arith.constant 0 : index
    %get3A_109 = arith.constant 0 : index
    %get3A_110 = vector.load %arg15[%get3A_108, %get3A_109] : memref<1x128xf32, #tpu.memory_space<vmem>>, vector<1x128xf32>
    %add3A_111 = vector.broadcast %get3A_110 : vector<1x128xf32> to vector<2048x128xf32>
    %add3A_112 = arith.addf %dot_general3A_107, %add3A_111 : vector<2048x128xf32>
    %reshape3A_113 = vector.shape_cast %add3A_112 : vector<2048x128xf32> to vector<128x16x128xf32>
    %reduce_max3A = arith.constant dense<0xFF800000> : vector<128x128xf32>
    %reduce_max3A_114 = vector.multi_reduction <maximumf>, %reshape3A_113, %reduce_max3A [1] : vector<128x16x128xf32> to vector<128x128xf32>
    %broadcast_in_dim3A_115 = vector.shape_cast %reduce_max3A_114 : vector<128x128xf32> to vector<128x1x128xf32>
    %sub3A_116 = vector.broadcast %broadcast_in_dim3A_115 : vector<128x1x128xf32> to vector<128x16x128xf32>
    %sub3A_117 = arith.subf %reshape3A_113, %sub3A_116 : vector<128x16x128xf32>
    %exp3A = math.exp %sub3A_117 : vector<128x16x128xf32>
    %reduce_sum3A_118 = arith.constant dense<0.000000e+00> : vector<128x128xf32>
    %reduce_sum3A_119 = vector.multi_reduction <add>, %exp3A, %reduce_sum3A_118 [1] : vector<128x16x128xf32> to vector<128x128xf32>
    %div3A_120 = arith.constant 1.000000e+00 : f32
    %div3A_121 = vector.broadcast %div3A_120 : f32 to vector<128x128xf32>
    %div3A_122 = arith.divf %div3A_121, %reduce_sum3A_119 : vector<128x128xf32>
    %get3A_123 = arith.constant 0 : index
    %get3A_124 = arith.constant 0 : index
    %get3A_125 = vector.load %arg5[%get3A_123, %get3A_124] : memref<2048x128xf32, #tpu.memory_space<vmem>>, vector<2048x128xf32>
    %reshape3A_126 = vector.shape_cast %get3A_125 : vector<2048x128xf32> to vector<128x16x128xf32>
    %reshape3A_127 = vector.shape_cast %max3A_44 : vector<2048x128xf32> to vector<128x16x128xf32>
    %add3A_128 = arith.addf %reshape3A_126, %reshape3A_127 : vector<128x16x128xf32>
    %mul3A_129 = arith.mulf %add3A_128, %exp3A : vector<128x16x128xf32>
    %reduce_sum3A_130 = arith.constant dense<0.000000e+00> : vector<128x128xf32>
    %reduce_sum3A_131 = vector.multi_reduction <add>, %mul3A_129, %reduce_sum3A_130 [1] : vector<128x16x128xf32> to vector<128x128xf32>
    %mul3A_132 = arith.mulf %reduce_sum3A_131, %div3A_122 : vector<128x128xf32>
    %convert_element_type3A_133 = arith.truncf %mul3A_132 : vector<128x128xf32> to vector<128x128xbf16>
    %get3A_134 = arith.constant 0 : index
    %get3A_135 = arith.constant 0 : index
    %get3A_136 = vector.load %arg16[%get3A_134, %get3A_135] : memref<128x128xf32, #tpu.memory_space<vmem>>, vector<128x128xf32>
    %convert_element_type3A_137 = arith.truncf %get3A_136 : vector<128x128xf32> to vector<128x128xbf16>
    %dot_general3A_138 = arith.constant dense<0.000000e+00> : vector<128x128xf32>
    %dot_general3A_139 = tpu.matmul %convert_element_type3A_133, %convert_element_type3A_137, %dot_general3A_138 {dimension_numbers = #tpu.dot_dimension_numbers<[1], [0], [0], [1], [0, 0, 1, 1], [], []>, transpose_lhs_hint = false} : vector<128x128xbf16>, vector<128x128xbf16>, vector<128x128xf32> -> vector<128x128xf32>
    %get3A_140 = arith.constant 0 : index
    %get3A_141 = arith.constant 0 : index
    %get3A_142 = vector.load %arg17[%get3A_140, %get3A_141] : memref<1x128xf32, #tpu.memory_space<vmem>>, vector<1x128xf32>
    %add3A_143 = vector.broadcast %get3A_142 : vector<1x128xf32> to vector<128x128xf32>
    %add3A_144 = arith.addf %dot_general3A_139, %add3A_143 : vector<128x128xf32>
    %get3A_145 = arith.constant 0 : index
    %get3A_146 = arith.constant 0 : index
    %get3A_147 = vector.load %arg2[%get3A_145, %get3A_146] : memref<128x128xf32, #tpu.memory_space<vmem>>, vector<128x128xf32>
    %add3A_148 = arith.addf %add3A_144, %get3A_147 : vector<128x128xf32>
    %swap3A = arith.constant 0 : index
    %swap3A_149 = arith.constant 0 : index
    %swap3A_150 = vector.load %arg18[%swap3A, %swap3A_149] : memref<128x128xf32, #tpu.memory_space<vmem>>, vector<128x128xf32>
    tpu.vector_store %arg18[%swap3A, %swap3A_149], %add3A_148 {strides = array<i32>} : memref<128x128xf32, #tpu.memory_space<vmem>>, vector<128x128xf32>,
    return
  }
  func.func @transform_0(%arg0: i32) -> (i32, i32) {
    %add3A = arith.constant 40 : i32
    %add3A_0 = arith.addi %arg0, %add3A : i32
    %c0_i32 = arith.constant 0 : i32
    %c0_i32_1 = arith.constant 0 : i32
    return %add3A_0, %c0_i32 : i32, i32
  }
  func.func @transform_1(%arg0: i32) -> (i32, i32) {
    %add3A = arith.constant 40 : i32
    %add3A_0 = arith.addi %arg0, %add3A : i32
    %c0_i32 = arith.constant 0 : i32
    %c0_i32_1 = arith.constant 0 : i32
    return %add3A_0, %c0_i32 : i32, i32
  }
  func.func @transform_2(%arg0: i32) -> (i32, i32) {
    %add3A = arith.constant 40 : i32
    %add3A_0 = arith.addi %arg0, %add3A : i32
    %c0_i32 = arith.constant 0 : i32
    %c0_i32_1 = arith.constant 0 : i32
    return %add3A_0, %c0_i32 : i32, i32
  }
  func.func @transform_3(%arg0: i32) -> (i32, i32) {
    %c0_i32 = arith.constant 0 : i32
    %c0_i32_0 = arith.constant 0 : i32
    return %arg0, %c0_i32 : i32, i32
  }
  func.func @transform_4(%arg0: i32) -> (i32, i32) {
    %c0_i32 = arith.constant 0 : i32
    %c0_i32_0 = arith.constant 0 : i32
    return %arg0, %c0_i32 : i32, i32
  }
  func.func @transform_5(%arg0: i32) -> (i32, i32) {
    %c0_i32 = arith.constant 0 : i32
    %c0_i32_0 = arith.constant 0 : i32
    %c0_i32_1 = arith.constant 0 : i32
    return %c0_i32, %c0_i32_0 : i32, i32
  }
  func.func @transform_6(%arg0: i32) -> (i32, i32) {
    %c0_i32 = arith.constant 0 : i32
    %c0_i32_0 = arith.constant 0 : i32
    %c0_i32_1 = arith.constant 0 : i32
    return %c0_i32, %c0_i32_0 : i32, i32
  }
  func.func @transform_7(%arg0: i32) -> (i32, i32) {
    %c0_i32 = arith.constant 0 : i32
    %c0_i32_0 = arith.constant 0 : i32
    %c0_i32_1 = arith.constant 0 : i32
    return %c0_i32, %c0_i32_0 : i32, i32
  }
  func.func @transform_8(%arg0: i32) -> (i32, i32) {
    %c0_i32 = arith.constant 0 : i32
    %c0_i32_0 = arith.constant 0 : i32
    %c0_i32_1 = arith.constant 0 : i32
    return %c0_i32, %c0_i32_0 : i32, i32
  }
  func.func @transform_9(%arg0: i32) -> (i32, i32) {
    %c0_i32 = arith.constant 0 : i32
    %c0_i32_0 = arith.constant 0 : i32
    %c0_i32_1 = arith.constant 0 : i32
    return %c0_i32, %c0_i32_0 : i32, i32
  }
  func.func @transform_10(%arg0: i32) -> (i32, i32) {
    %c0_i32 = arith.constant 0 : i32
    %c0_i32_0 = arith.constant 0 : i32
    %c0_i32_1 = arith.constant 0 : i32
    return %c0_i32, %c0_i32_0 : i32, i32
  }
  func.func @transform_11(%arg0: i32) -> (i32, i32) {
    %c0_i32 = arith.constant 0 : i32
    %c0_i32_0 = arith.constant 0 : i32
    %c0_i32_1 = arith.constant 0 : i32
    return %c0_i32, %c0_i32_0 : i32, i32
  }
  func.func @transform_12(%arg0: i32) -> (i32, i32) {
    %c0_i32 = arith.constant 0 : i32
    %c0_i32_0 = arith.constant 0 : i32
    %c0_i32_1 = arith.constant 0 : i32
    return %c0_i32, %c0_i32_0 : i32, i32
  }
  func.func @transform_13(%arg0: i32) -> (i32, i32) {
    %c0_i32 = arith.constant 0 : i32
    %c0_i32_0 = arith.constant 0 : i32
    %c0_i32_1 = arith.constant 0 : i32
    return %c0_i32, %c0_i32_0 : i32, i32
  }
  func.func @transform_14(%arg0: i32) -> (i32, i32) {
    %c0_i32 = arith.constant 0 : i32
    %c0_i32_0 = arith.constant 0 : i32
    %c0_i32_1 = arith.constant 0 : i32
    return %c0_i32, %c0_i32_0 : i32, i32
  }
  func.func @transform_15(%arg0: i32) -> (i32, i32) {
    %c0_i32 = arith.constant 0 : i32
    %c0_i32_0 = arith.constant 0 : i32
    %c0_i32_1 = arith.constant 0 : i32
    return %c0_i32, %c0_i32_0 : i32, i32
  }
  func.func @transform_16(%arg0: i32) -> (i32, i32) {
    %c0_i32 = arith.constant 0 : i32
    %c0_i32_0 = arith.constant 0 : i32
    %c0_i32_1 = arith.constant 0 : i32
    return %c0_i32, %c0_i32_0 : i32, i32
  }
  func.func @transform_17(%arg0: i32) -> (i32, i32) {
    %c0_i32 = arith.constant 0 : i32
    %c0_i32_0 = arith.constant 0 : i32
    return %arg0, %c0_i32 : i32, i32
  }
}

module attributes {stable_mosaic.version = 14 : i64} {
  func.func @_ke_body(%arg0: i32, %arg1: memref<128x128xf32, #tpu.memory_space<vmem>>, %arg2: memref<128x128xf32, #tpu.memory_space<vmem>>, %arg3: memref<128x8xf32, #tpu.memory_space<vmem>>, %arg4: memref<2048x256xf32, #tpu.memory_space<vmem>>, %arg5: memref<2048x128xf32, #tpu.memory_space<vmem>>, %arg6: memref<8x128xf32, #tpu.memory_space<vmem>>, %arg7: memref<1x128xf32, #tpu.memory_space<vmem>>, %arg8: memref<1x128xf32, #tpu.memory_space<vmem>>, %arg9: memref<1x128xf32, #tpu.memory_space<vmem>>, %arg10: memref<128x128xf32, #tpu.memory_space<vmem>>, %arg11: memref<1x128xf32, #tpu.memory_space<vmem>>, %arg12: memref<1x128xf32, #tpu.memory_space<vmem>>, %arg13: memref<1x128xf32, #tpu.memory_space<vmem>>, %arg14: memref<128x128xf32, #tpu.memory_space<vmem>>, %arg15: memref<1x128xf32, #tpu.memory_space<vmem>>, %arg16: memref<128x128xf32, #tpu.memory_space<vmem>>, %arg17: memref<1x128xf32, #tpu.memory_space<vmem>>, %arg18: memref<128x128xf32, #tpu.memory_space<vmem>>) attributes {dimension_semantics = [#tpu.dimension_semantics<arbitrary>], iteration_bounds = array<i64: 40>, scalar_prefetch = 0 : i64, scratch_operands = 0 : i64, tpu.core_type = #tpu.core_type<tc>, window_params = [{transform_indices = @transform_0, window_bounds = array<i64: 128, 128>}, {transform_indices = @transform_1, window_bounds = array<i64: 128, 128>}, {transform_indices = @transform_2, window_bounds = array<i64: 128, 8>}, {transform_indices = @transform_3, window_bounds = array<i64: 2048, 256>}, {transform_indices = @transform_4, window_bounds = array<i64: 2048, 128>}, {pipeline_mode = #tpu.pipeline_mode<synchronous>, transform_indices = @transform_5, window_bounds = array<i64: 8, 128>}, {pipeline_mode = #tpu.pipeline_mode<synchronous>, transform_indices = @transform_6, window_bounds = array<i64: 1, 128>}, {pipeline_mode = #tpu.pipeline_mode<synchronous>, transform_indices = @transform_7, window_bounds = array<i64: 1, 128>}, {pipeline_mode = #tpu.pipeline_mode<synchronous>, transform_indices = @transform_8, window_bounds = array<i64: 1, 128>}, {pipeline_mode = #tpu.pipeline_mode<synchronous>, transform_indices = @transform_9, window_bounds = array<i64: 128, 128>}, {pipeline_mode = #tpu.pipeline_mode<synchronous>, transform_indices = @transform_10, window_bounds = array<i64: 1, 128>}, {pipeline_mode = #tpu.pipeline_mode<synchronous>, transform_indices = @transform_11, window_bounds = array<i64: 1, 128>}, {pipeline_mode = #tpu.pipeline_mode<synchronous>, transform_indices = @transform_12, window_bounds = array<i64: 1, 128>}, {pipeline_mode = #tpu.pipeline_mode<synchronous>, transform_indices = @transform_13, window_bounds = array<i64: 128, 128>}, {pipeline_mode = #tpu.pipeline_mode<synchronous>, transform_indices = @transform_14, window_bounds = array<i64: 1, 128>}, {pipeline_mode = #tpu.pipeline_mode<synchronous>, transform_indices = @transform_15, window_bounds = array<i64: 128, 128>}, {pipeline_mode = #tpu.pipeline_mode<synchronous>, transform_indices = @transform_16, window_bounds = array<i64: 1, 128>}, {transform_indices = @transform_17, window_bounds = array<i64: 128, 128>}]} {
    %get3A = arith.constant 0 : index
    %get3A_0 = arith.constant 0 : index
    %get3A_1 = vector.load %arg4[%get3A, %get3A_0] : memref<2048x256xf32, #tpu.memory_space<vmem>>, vector<2048x256xf32>
    %reshape3A = vector.shape_cast %get3A_1 : vector<2048x256xf32> to vector<128x16x256xf32>
    %slice3A = vector.extract_strided_slice %reshape3A {offsets = [0, 0, 128], sizes = [128, 16, 8], strides = [1, 1, 1]} : vector<128x16x256xf32> to vector<128x16x8xf32>
    %get3A_2 = arith.constant 0 : index
    %get3A_3 = arith.constant 0 : index
    %get3A_4 = vector.load %arg3[%get3A_2, %get3A_3] : memref<128x8xf32, #tpu.memory_space<vmem>>, vector<128x8xf32>
    %reshape3A_5 = vector.shape_cast %get3A_4 : vector<128x8xf32> to vector<128x1x8xf32>
    %sub3A = vector.broadcast %reshape3A_5 : vector<128x1x8xf32> to vector<128x16x8xf32>
    %sub3A_6 = arith.subf %slice3A, %sub3A : vector<128x16x8xf32>
    %reshape3A_7 = vector.shape_cast %sub3A_6 : vector<128x16x8xf32> to vector<2048x8xf32>
    %convert_element_type3A = arith.truncf %reshape3A_7 : vector<2048x8xf32> to vector<2048x8xbf16>
    %get3A_8 = arith.constant 0 : index
    %get3A_9 = arith.constant 0 : index
    %get3A_10 = vector.load %arg6[%get3A_8, %get3A_9] : memref<8x128xf32, #tpu.memory_space<vmem>>, vector<8x128xf32>
    %convert_element_type3A_11 = arith.truncf %get3A_10 : vector<8x128xf32> to vector<8x128xbf16>
    %dot_general3A = arith.constant dense<0.000000e+00> : vector<2048x128xf32>
    %dot_general3A_12 = tpu.matmul %convert_element_type3A, %convert_element_type3A_11, %dot_general3A {dimension_numbers = #tpu.dot_dimension_numbers<[1], [0], [0], [1], [0, 0, 1, 1], [], []>, transpose_lhs_hint = false} : vector<2048x8xbf16>, vector<8x128xbf16>, vector<2048x128xf32> -> vector<2048x128xf32>
    %get3A_13 = arith.constant 0 : index
    %get3A_14 = arith.constant 0 : index
    %get3A_15 = vector.load %arg7[%get3A_13, %get3A_14] : memref<1x128xf32, #tpu.memory_space<vmem>>, vector<1x128xf32>
    %add3A = vector.broadcast %get3A_15 : vector<1x128xf32> to vector<2048x128xf32>
    %add3A_16 = arith.addf %dot_general3A_12, %add3A : vector<2048x128xf32>
    %get3A_17 = arith.constant 0 : index
    %get3A_18 = arith.constant 0 : index
    %get3A_19 = vector.load %arg8[%get3A_17, %get3A_18] : memref<1x128xf32, #tpu.memory_space<vmem>>, vector<1x128xf32>
    %get3A_20 = arith.constant 0 : index
    %get3A_21 = arith.constant 0 : index
    %get3A_22 = vector.load %arg9[%get3A_20, %get3A_21] : memref<1x128xf32, #tpu.memory_space<vmem>>, vector<1x128xf32>
    %reduce_sum3A = arith.constant dense<0.000000e+00> : vector<2048xf32>
    %reduce_sum3A_23 = vector.multi_reduction <add>, %add3A_16, %reduce_sum3A [1] : vector<2048x128xf32> to vector<2048xf32>
    %broadcast_in_dim3A = vector.shape_cast %reduce_sum3A_23 : vector<2048xf32> to vector<2048x1xf32>
    %div3A = arith.constant 1.280000e+02 : f32
    %div3A_24 = vector.broadcast %div3A : f32 to vector<2048x1xf32>
    %div3A_25 = arith.divf %broadcast_in_dim3A, %div3A_24 : vector<2048x1xf32>
    %sub3A_26 = vector.broadcast %div3A_25 : vector<2048x1xf32> to vector<2048x128xf32>
    %sub3A_27 = arith.subf %add3A_16, %sub3A_26 : vector<2048x128xf32>
    %mul3A = arith.mulf %sub3A_27, %sub3A_27 : vector<2048x128xf32>
    %reduce_sum3A_28 = arith.constant dense<0.000000e+00> : vector<2048xf32>
    %reduce_sum3A_29 = vector.multi_reduction <add>, %mul3A, %reduce_sum3A_28 [1] : vector<2048x128xf32> to vector<2048xf32>
    %broadcast_in_dim3A_30 = vector.shape_cast %reduce_sum3A_29 : vector<2048xf32> to vector<2048x1xf32>
    %div3A_31 = arith.constant 1.280000e+02 : f32
    %div3A_32 = vector.broadcast %div3A_31 : f32 to vector<2048x1xf32>
    %div3A_33 = arith.divf %broadcast_in_dim3A_30, %div3A_32 : vector<2048x1xf32>
    %add3A_34 = arith.constant 9.99999974E-6 : f32
    %add3A_35 = vector.broadcast %add3A_34 : f32 to vector<2048x1xf32>
    %add3A_36 = arith.addf %div3A_33, %add3A_35 : vector<2048x1xf32>
    %rsqrt3A = math.rsqrt %add3A_36 : vector<2048x1xf32>
    %mul3A_37 = vector.broadcast %rsqrt3A : vector<2048x1xf32> to vector<2048x128xf32>
    %mul3A_38 = arith.mulf %sub3A_27, %mul3A_37 : vector<2048x128xf32>
    %mul3A_39 = vector.broadcast %get3A_19 : vector<1x128xf32> to vector<2048x128xf32>
    %mul3A_40 = arith.mulf %mul3A_38, %mul3A_39 : vector<2048x128xf32>
    %add3A_41 = vector.broadcast %get3A_22 : vector<1x128xf32> to vector<2048x128xf32>
    %add3A_42 = arith.addf %mul3A_40, %add3A_41 : vector<2048x128xf32>
    %max3A = arith.constant 0.000000e+00 : f32
    %max3A_43 = vector.broadcast %max3A : f32 to vector<2048x128xf32>
    %max3A_44 = arith.maximumf %add3A_42, %max3A_43 : vector<2048x128xf32>
    %get3A_45 = arith.constant 0 : index
    %get3A_46 = arith.constant 0 : index
    %get3A_47 = vector.load %arg1[%get3A_45, %get3A_46] : memref<128x128xf32, #tpu.memory_space<vmem>>, vector<128x128xf32>
    %reshape3A_48 = vector.shape_cast %get3A_47 : vector<128x128xf32> to vector<128x1x128xf32>
    %slice3A_49 = vector.extract_strided_slice %reshape3A {offsets = [0, 0, 0], sizes = [128, 16, 128], strides = [1, 1, 1]} : vector<128x16x256xf32> to vector<128x16x128xf32>
    %sub3A_50 = vector.broadcast %reshape3A_48 : vector<128x1x128xf32> to vector<128x16x128xf32>
    %sub3A_51 = arith.subf %sub3A_50, %slice3A_49 : vector<128x16x128xf32>
    %reshape3A_52 = vector.shape_cast %max3A_44 : vector<2048x128xf32> to vector<128x16x128xf32>
    %add3A_53 = arith.addf %sub3A_51, %reshape3A_52 : vector<128x16x128xf32>
    %reshape3A_54 = vector.shape_cast %add3A_53 : vector<128x16x128xf32> to vector<2048x128xf32>
    %convert_element_type3A_55 = arith.truncf %reshape3A_54 : vector<2048x128xf32> to vector<2048x128xbf16>
    %get3A_56 = arith.constant 0 : index
    %get3A_57 = arith.constant 0 : index
    %get3A_58 = vector.load %arg10[%get3A_56, %get3A_57] : memref<128x128xf32, #tpu.memory_space<vmem>>, vector<128x128xf32>
    %convert_element_type3A_59 = arith.truncf %get3A_58 : vector<128x128xf32> to vector<128x128xbf16>
    %dot_general3A_60 = arith.constant dense<0.000000e+00> : vector<2048x128xf32>
    %dot_general3A_61 = tpu.matmul %convert_element_type3A_55, %convert_element_type3A_59, %dot_general3A_60 {dimension_numbers = #tpu.dot_dimension_numbers<[1], [0], [0], [1], [0, 0, 1, 1], [], []>, transpose_lhs_hint = false} : vector<2048x128xbf16>, vector<128x128xbf16>, vector<2048x128xf32> -> vector<2048x128xf32>
    %get3A_62 = arith.constant 0 : index
    %get3A_63 = arith.constant 0 : index
    %get3A_64 = vector.load %arg11[%get3A_62, %get3A_63] : memref<1x128xf32, #tpu.memory_space<vmem>>, vector<1x128xf32>
    %add3A_65 = vector.broadcast %get3A_64 : vector<1x128xf32> to vector<2048x128xf32>
    %add3A_66 = arith.addf %dot_general3A_61, %add3A_65 : vector<2048x128xf32>
    %get3A_67 = arith.constant 0 : index
    %get3A_68 = arith.constant 0 : index
    %get3A_69 = vector.load %arg12[%get3A_67, %get3A_68] : memref<1x128xf32, #tpu.memory_space<vmem>>, vector<1x128xf32>
    %get3A_70 = arith.constant 0 : index
    %get3A_71 = arith.constant 0 : index
    %get3A_72 = vector.load %arg13[%get3A_70, %get3A_71] : memref<1x128xf32, #tpu.memory_space<vmem>>, vector<1x128xf32>
    %reduce_sum3A_73 = arith.constant dense<0.000000e+00> : vector<2048xf32>
    %reduce_sum3A_74 = vector.multi_reduction <add>, %add3A_66, %reduce_sum3A_73 [1] : vector<2048x128xf32> to vector<2048xf32>
    %broadcast_in_dim3A_75 = vector.shape_cast %reduce_sum3A_74 : vector<2048xf32> to vector<2048x1xf32>
    %div3A_76 = arith.constant 1.280000e+02 : f32
    %div3A_77 = vector.broadcast %div3A_76 : f32 to vector<2048x1xf32>
    %div3A_78 = arith.divf %broadcast_in_dim3A_75, %div3A_77 : vector<2048x1xf32>
    %sub3A_79 = vector.broadcast %div3A_78 : vector<2048x1xf32> to vector<2048x128xf32>
    %sub3A_80 = arith.subf %add3A_66, %sub3A_79 : vector<2048x128xf32>
    %mul3A_81 = arith.mulf %sub3A_80, %sub3A_80 : vector<2048x128xf32>
    %reduce_sum3A_82 = arith.constant dense<0.000000e+00> : vector<2048xf32>
    %reduce_sum3A_83 = vector.multi_reduction <add>, %mul3A_81, %reduce_sum3A_82 [1] : vector<2048x128xf32> to vector<2048xf32>
    %broadcast_in_dim3A_84 = vector.shape_cast %reduce_sum3A_83 : vector<2048xf32> to vector<2048x1xf32>
    %div3A_85 = arith.constant 1.280000e+02 : f32
    %div3A_86 = vector.broadcast %div3A_85 : f32 to vector<2048x1xf32>
    %div3A_87 = arith.divf %broadcast_in_dim3A_84, %div3A_86 : vector<2048x1xf32>
    %add3A_88 = arith.constant 9.99999974E-6 : f32
    %add3A_89 = vector.broadcast %add3A_88 : f32 to vector<2048x1xf32>
    %add3A_90 = arith.addf %div3A_87, %add3A_89 : vector<2048x1xf32>
    %rsqrt3A_91 = math.rsqrt %add3A_90 : vector<2048x1xf32>
    %mul3A_92 = vector.broadcast %rsqrt3A_91 : vector<2048x1xf32> to vector<2048x128xf32>
    %mul3A_93 = arith.mulf %sub3A_80, %mul3A_92 : vector<2048x128xf32>
    %mul3A_94 = vector.broadcast %get3A_69 : vector<1x128xf32> to vector<2048x128xf32>
    %mul3A_95 = arith.mulf %mul3A_93, %mul3A_94 : vector<2048x128xf32>
    %add3A_96 = vector.broadcast %get3A_72 : vector<1x128xf32> to vector<2048x128xf32>
    %add3A_97 = arith.addf %mul3A_95, %add3A_96 : vector<2048x128xf32>
    %max3A_98 = arith.constant 0.000000e+00 : f32
    %max3A_99 = vector.broadcast %max3A_98 : f32 to vector<2048x128xf32>
    %max3A_100 = arith.maximumf %add3A_97, %max3A_99 : vector<2048x128xf32>
    %convert_element_type3A_101 = arith.truncf %max3A_100 : vector<2048x128xf32> to vector<2048x128xbf16>
    %get3A_102 = arith.constant 0 : index
    %get3A_103 = arith.constant 0 : index
    %get3A_104 = vector.load %arg14[%get3A_102, %get3A_103] : memref<128x128xf32, #tpu.memory_space<vmem>>, vector<128x128xf32>
    %convert_element_type3A_105 = arith.truncf %get3A_104 : vector<128x128xf32> to vector<128x128xbf16>
    %dot_general3A_106 = arith.constant dense<0.000000e+00> : vector<2048x128xf32>
    %dot_general3A_107 = tpu.matmul %convert_element_type3A_101, %convert_element_type3A_105, %dot_general3A_106 {dimension_numbers = #tpu.dot_dimension_numbers<[1], [0], [0], [1], [0, 0, 1, 1], [], []>, transpose_lhs_hint = false} : vector<2048x128xbf16>, vector<128x128xbf16>, vector<2048x128xf32> -> vector<2048x128xf32>
    %get3A_108 = arith.constant 0 : index
    %get3A_109 = arith.constant 0 : index
    %get3A_110 = vector.load %arg15[%get3A_108, %get3A_109] : memref<1x128xf32, #tpu.memory_space<vmem>>, vector<1x128xf32>
    %add3A_111 = vector.broadcast %get3A_110 : vector<1x128xf32> to vector<2048x128xf32>
    %add3A_112 = arith.addf %dot_general3A_107, %add3A_111 : vector<2048x128xf32>
    %reshape3A_113 = vector.shape_cast %add3A_112 : vector<2048x128xf32> to vector<128x16x128xf32>
    %reduce_max3A = arith.constant dense<0xFF800000> : vector<128x128xf32>
    %reduce_max3A_114 = vector.multi_reduction <maximumf>, %reshape3A_113, %reduce_max3A [1] : vector<128x16x128xf32> to vector<128x128xf32>
    %broadcast_in_dim3A_115 = vector.shape_cast %reduce_max3A_114 : vector<128x128xf32> to vector<128x1x128xf32>
    %sub3A_116 = vector.broadcast %broadcast_in_dim3A_115 : vector<128x1x128xf32> to vector<128x16x128xf32>
    %sub3A_117 = arith.subf %reshape3A_113, %sub3A_116 : vector<128x16x128xf32>
    %exp3A = math.exp %sub3A_117 : vector<128x16x128xf32>
    %reduce_sum3A_118 = arith.constant dense<0.000000e+00> : vector<128x128xf32>
    %reduce_sum3A_119 = vector.multi_reduction <add>, %exp3A, %reduce_sum3A_118 [1] : vector<128x16x128xf32> to vector<128x128xf32>
    %div3A_120 = arith.constant 1.000000e+00 : f32
    %div3A_121 = vector.broadcast %div3A_120 : f32 to vector<128x128xf32>
    %div3A_122 = arith.divf %div3A_121, %reduce_sum3A_119 : vector<128x128xf32>
    %get3A_123 = arith.constant 0 : index
    %get3A_124 = arith.constant 0 : index
    %get3A_125 = vector.load %arg5[%get3A_123, %get3A_124] : memref<2048x128xf32, #tpu.memory_space<vmem>>, vector<2048x128xf32>
    %reshape3A_126 = vector.shape_cast %get3A_125 : vector<2048x128xf32> to vector<128x16x128xf32>
    %reshape3A_127 = vector.shape_cast %max3A_44 : vector<2048x128xf32> to vector<128x16x128xf32>
    %add3A_128 = arith.addf %reshape3A_126, %reshape3A_127 : vector<128x16x128xf32>
    %mul3A_129 = arith.mulf %add3A_128, %exp3A : vector<128x16x128xf32>
    %reduce_sum3A_130 = arith.constant dense<0.000000e+00> : vector<128x128xf32>
    %reduce_sum3A_131 = vector.multi_reduction <add>, %mul3A_129, %reduce_sum3A_130 [1] : vector<128x16x128xf32> to vector<128x128xf32>
    %mul3A_132 = arith.mulf %reduce_sum3A_131, %div3A_122 : vector<128x128xf32>
    %convert_element_type3A_133 = arith.truncf %mul3A_132 : vector<128x128xf32> to vector<128x128xbf16>
    %get3A_134 = arith.constant 0 : index
    %get3A_135 = arith.constant 0 : index
    %get3A_136 = vector.load %arg16[%get3A_134, %get3A_135] : memref<128x128xf32, #tpu.memory_space<vmem>>, vector<128x128xf32>
    %convert_element_type3A_137 = arith.truncf %get3A_136 : vector<128x128xf32> to vector<128x128xbf16>
    %dot_general3A_138 = arith.constant dense<0.000000e+00> : vector<128x128xf32>
    %dot_general3A_139 = tpu.matmul %convert_element_type3A_133, %convert_element_type3A_137, %dot_general3A_138 {dimension_numbers = #tpu.dot_dimension_numbers<[1], [0], [0], [1], [0, 0, 1, 1], [], []>, transpose_lhs_hint = false} : vector<128x128xbf16>, vector<128x128xbf16>, vector<128x128xf32> -> vector<128x128xf32>
    %get3A_140 = arith.constant 0 : index
    %get3A_141 = arith.constant 0 : index
    %get3A_142 = vector.load %arg17[%get3A_140, %get3A_141] : memref<1x128xf32, #tpu.memory_space<vmem>>, vector<1x128xf32>
    %add3A_143 = vector.broadcast %get3A_142 : vector<1x128xf32> to vector<128x128xf32>
    %add3A_144 = arith.addf %dot_general3A_139, %add3A_143 : vector<128x128xf32>
    %get3A_145 = arith.constant 0 : index
    %get3A_146 = arith.constant 0 : index
    %get3A_147 = vector.load %arg2[%get3A_145, %get3A_146] : memref<128x128xf32, #tpu.memory_space<vmem>>, vector<128x128xf32>
    %add3A_148 = arith.addf %add3A_144, %get3A_147 : vector<128x128xf32>
    %swap3A = arith.constant 0 : index
    %swap3A_149 = arith.constant 0 : index
    %swap3A_150 = vector.load %arg18[%swap3A, %swap3A_149] : memref<128x128xf32, #tpu.memory_space<vmem>>, vector<128x128xf32>
    tpu.vector_store %arg18[%swap3A, %swap3A_149], %add3A_148 {strides = array<i32>} : memref<128x128xf32, #tpu.memory_space<vmem>>, vector<128x128xf32>,
    return
  }
  func.func @transform_0(%arg0: i32) -> (i32, i32) {
    %add3A = arith.constant 0 : i32
    %add3A_0 = arith.addi %arg0, %add3A : i32
    %c0_i32 = arith.constant 0 : i32
    %c0_i32_1 = arith.constant 0 : i32
    return %add3A_0, %c0_i32 : i32, i32
  }
  func.func @transform_1(%arg0: i32) -> (i32, i32) {
    %add3A = arith.constant 0 : i32
    %add3A_0 = arith.addi %arg0, %add3A : i32
    %c0_i32 = arith.constant 0 : i32
    %c0_i32_1 = arith.constant 0 : i32
    return %add3A_0, %c0_i32 : i32, i32
  }
  func.func @transform_2(%arg0: i32) -> (i32, i32) {
    %add3A = arith.constant 0 : i32
    %add3A_0 = arith.addi %arg0, %add3A : i32
    %c0_i32 = arith.constant 0 : i32
    %c0_i32_1 = arith.constant 0 : i32
    return %add3A_0, %c0_i32 : i32, i32
  }
  func.func @transform_3(%arg0: i32) -> (i32, i32) {
    %c0_i32 = arith.constant 0 : i32
    %c0_i32_0 = arith.constant 0 : i32
    return %arg0, %c0_i32 : i32, i32
  }
  func.func @transform_4(%arg0: i32) -> (i32, i32) {
    %c0_i32 = arith.constant 0 : i32
    %c0_i32_0 = arith.constant 0 : i32
    return %arg0, %c0_i32 : i32, i32
  }
  func.func @transform_5(%arg0: i32) -> (i32, i32) {
    %c0_i32 = arith.constant 0 : i32
    %c0_i32_0 = arith.constant 0 : i32
    %c0_i32_1 = arith.constant 0 : i32
    return %c0_i32, %c0_i32_0 : i32, i32
  }
  func.func @transform_6(%arg0: i32) -> (i32, i32) {
    %c0_i32 = arith.constant 0 : i32
    %c0_i32_0 = arith.constant 0 : i32
    %c0_i32_1 = arith.constant 0 : i32
    return %c0_i32, %c0_i32_0 : i32, i32
  }
  func.func @transform_7(%arg0: i32) -> (i32, i32) {
    %c0_i32 = arith.constant 0 : i32
    %c0_i32_0 = arith.constant 0 : i32
    %c0_i32_1 = arith.constant 0 : i32
    return %c0_i32, %c0_i32_0 : i32, i32
  }
  func.func @transform_8(%arg0: i32) -> (i32, i32) {
    %c0_i32 = arith.constant 0 : i32
    %c0_i32_0 = arith.constant 0 : i32
    %c0_i32_1 = arith.constant 0 : i32
    return %c0_i32, %c0_i32_0 : i32, i32
  }
  func.func @transform_9(%arg0: i32) -> (i32, i32) {
    %c0_i32 = arith.constant 0 : i32
    %c0_i32_0 = arith.constant 0 : i32
    %c0_i32_1 = arith.constant 0 : i32
    return %c0_i32, %c0_i32_0 : i32, i32
  }
  func.func @transform_10(%arg0: i32) -> (i32, i32) {
    %c0_i32 = arith.constant 0 : i32
    %c0_i32_0 = arith.constant 0 : i32
    %c0_i32_1 = arith.constant 0 : i32
    return %c0_i32, %c0_i32_0 : i32, i32
  }
  func.func @transform_11(%arg0: i32) -> (i32, i32) {
    %c0_i32 = arith.constant 0 : i32
    %c0_i32_0 = arith.constant 0 : i32
    %c0_i32_1 = arith.constant 0 : i32
    return %c0_i32, %c0_i32_0 : i32, i32
  }
  func.func @transform_12(%arg0: i32) -> (i32, i32) {
    %c0_i32 = arith.constant 0 : i32
    %c0_i32_0 = arith.constant 0 : i32
    %c0_i32_1 = arith.constant 0 : i32
    return %c0_i32, %c0_i32_0 : i32, i32
  }
  func.func @transform_13(%arg0: i32) -> (i32, i32) {
    %c0_i32 = arith.constant 0 : i32
    %c0_i32_0 = arith.constant 0 : i32
    %c0_i32_1 = arith.constant 0 : i32
    return %c0_i32, %c0_i32_0 : i32, i32
  }
  func.func @transform_14(%arg0: i32) -> (i32, i32) {
    %c0_i32 = arith.constant 0 : i32
    %c0_i32_0 = arith.constant 0 : i32
    %c0_i32_1 = arith.constant 0 : i32
    return %c0_i32, %c0_i32_0 : i32, i32
  }
  func.func @transform_15(%arg0: i32) -> (i32, i32) {
    %c0_i32 = arith.constant 0 : i32
    %c0_i32_0 = arith.constant 0 : i32
    %c0_i32_1 = arith.constant 0 : i32
    return %c0_i32, %c0_i32_0 : i32, i32
  }
  func.func @transform_16(%arg0: i32) -> (i32, i32) {
    %c0_i32 = arith.constant 0 : i32
    %c0_i32_0 = arith.constant 0 : i32
    %c0_i32_1 = arith.constant 0 : i32
    return %c0_i32, %c0_i32_0 : i32, i32
  }
  func.func @transform_17(%arg0: i32) -> (i32, i32) {
    %c0_i32 = arith.constant 0 : i32
    %c0_i32_0 = arith.constant 0 : i32
    return %arg0, %c0_i32 : i32, i32
  }
}

</mosaic_0001>

<sc_bundles>
// kernel: kernel.13.cloned.1.call-start
scs
__scs_entry_jumppad:
0x0: {  	(pc) =	sbr.rel $0x88, $3  }
0x1: {  	(tag) =	ssettag $0x0;
	lr =	simm.s32 $0x1  }
0x2: {  	[smem:$0x3F8D] =	sst lr;
	_ =	strace $0xD0000000  }
0x3: {  	_ = 	snop  }
0x4: {  	_ = 	snop  }
0x5: {  	_ = 	snop  }
0x6: {  	_ = 	snop  }
0x7: {  	_ = 	snop  }
__scs_overlays_trampoline_lowered:
0x8: {  	[smem:$0x3F9C] =	sst s0  }
0x9: {  	[smem:$0x3F9D] =	sst s1  }
0xa: {  	[smem:$0x3F9E] =	sst s2  }
0xb: {  	[smem:$0x3F9F] =	sst s3  }
0xc: {  	[smem:$0x3FA0] =	sst s4  }
0xd: {  	[smem:$0x3FA1] =	sst s5  }
0xe: {  	[smem:$0x3FA2] =	sst s6  }
0xf: {  	[smem:$0x3FA3] =	sst s7  }
0x10: {  	[smem:$0x3FA4] =	sst s8  }
0x11: {  	[smem:$0x3FA5] =	sst s9;
	s0 =	simm.s32 @!p0 $0x0  }
0x12: {  	s1 =	sld [smem:$0x3F8B];
	s0 =	simm.s32 @p0 $0x1  }
0x13: {  	[smem:$0x3FA6] =	sst s0;
	s0 =	simm.s32 @!p1 $0x0  }
0x14: {  	s2 =	sld [smem:$0x3F8A];
	s0 =	simm.s32 @p1 $0x1  }
0x15: {  	[smem:$0x3FA7] =	sst s0;
	s0 =	simm.s32 @!p2 $0x0  }
0x16: {  	s3 =	sld [smem:$0x3FDB];
	s0 =	simm.s32 @p2 $0x1  }
0x17: {  	s4 =	simm.s32 $0x1BF5;
	[smem:$0x3FA9] =	sst s0  }
0x18: {  	s0 =	sld [smem:$0x3F8C];
	_ =	swait.ge [sflag:s4], $0x0  }
0x19: {  	s7 =	sld [smem:$0x3F8D]  }
0x1a: {  	s8 =	sadd.s32 $0xFFFFE003, lr  }
0x1b: {  	s9 =	sadd.s32 $0xFFFFFEF7, lr;
	s5 =	simm.s32 $0xFFFFFFFF;
	p2 =	slt.u32 s8, $0xFFFFF086  }
0x1c: {  	p1 =	slt.u32 s9, $0xF7A;
	s5 =	simm.s32 @!p2 $0x0  }
0x1d: {  	s5 =	simm.s32 @p1 $0x1;
	p0 =	seq.s32 s7, s2  }
0x1e: {  	s7 =	smul.u32 @!p0 $0xF7A, s2;
	p2 =	seq.s32 @!p0 s5, $0x0  }
0x1f: {  	s9 =	smul.u32 $0xF7A, s1;
	s8 =	simm.s32 @!p0 $0x1BF5;
	p2 =	por !p2, p0  }
0x20: {  	[sflag:s8] =	ssyncset.s32 @!p0 $0xFFFFF086;
	s6 =	sadd.s32 @!p0 s3, s7;
	s7 =	simm.s32 @!p0 $0x108  }
0x21: {  	s3 =	sadd.s32 s3, s9;
	s6 =	sadd.s32 @!p0 $0x88, s6;
	s7 =	simm.s32 @p2 $0x1082  }
0x22: {  	[simem:s7], [sflag:s8] =	dma.local @!p0 [hbm:s6], $0xF7A  }
0x23: {  	s9 =	sor.u32 $0xD0000000, s2;
	s6 =	simm.s32 $0x108;
	_ =	swait.ge @!p0 [sflag:s8], $0x0  }
0x24: {  	s3 =	sadd.s32 $0x88, s3;
	s6 =	simm.s32 @!p1 $0x1082;
	[sflag:s4] =	ssyncset.s32 $0xFFFFF086  }
0x25: {  	[simem:s6], [sflag:s4] =	dma.local [hbm:s3], $0xF7A  }
0x26: {  	[smem:$0x3F8D] =	sst s1;
	(tag) =	ssettag s2;
	_ =	strace s9  }
0x27: {  	s1 =	sld [smem:$0x3F9D]  }
0x28: {  	s2 =	sld [smem:$0x3F9E]  }
0x29: {  	s4 =	sld [smem:$0x3FA0]  }
0x2a: {  	p0 =	seq.s32 s5, $0x0;
	s5 =	sld [smem:$0x3FA1]  }
0x2b: {  	s6 =	sld [smem:$0x3FA2]  }
0x2c: {  	s7 =	sld [smem:$0x3FA3]  }
0x2d: {  	s3 =	simm.s32 $0x108;
	s8 =	sld [smem:$0x3FA4]  }
0x2e: {  	s3 =	simm.s32 @!p0 $0x1082;
	s9 =	sld [smem:$0x3FA5]  }
0x2f: {  	lr =	sadd.s32 s0, s3;
	s0 =	sld [smem:$0x3F9C]  }
0x30: {  	s3 =	sld [smem:$0x3F9F]  }
0x31: {  	[smem:$0x3FA8] =	sst s10  }
0x32: {  	s10 =	sld [smem:$0x3FA6];
	_ =	sdelay $0x3  }
0x33: {  	p0 =	seq.s32 s10, $0x1;
	s10 =	sld [smem:$0x3FA8];
	_ =	sdelay $0x3  }
0x34: {  	[smem:$0x3FA8] =	sst s10  }
0x35: {  	s10 =	sld [smem:$0x3FA7];
	_ =	sdelay $0x3  }
0x36: {  	p1 =	seq.s32 s10, $0x1;
	s10 =	sld [smem:$0x3FA8];
	_ =	sdelay $0x3  }
0x37: {  	[smem:$0x3FA8] =	sst s10  }
0x38: {  	s10 =	sld [smem:$0x3FA9]  }
0x39: {  	_ = 	snop;
	(pc) =	sbr.ind lr, $3  }
0x3a: {  	_ = 	snop  }
0x3b: {  	_ = 	snop  }
0x3c: {  	p2 =	seq.s32 s10, $0x1;
	s10 =	sld [smem:$0x3FA8]  }
0x3d: {  	_ =	shalt  }
0x3e: {  	_ =	shalt  }
0x3f: {  	_ =	shalt  }
0x40: {  	_ =	shalt  }
0x41: {  	_ =	shalt  }
0x42: {  	_ =	shalt  }
0x43: {  	_ =	shalt  }
0x44: {  	_ =	shalt  }
0x45: {  	_ =	shalt  }
0x46: {  	_ =	shalt  }
0x47: {  	_ =	shalt  }
0x48: {  	_ =	shalt  }
0x49: {  	_ =	shalt  }
0x4a: {  	_ =	shalt  }
0x4b: {  	_ =	shalt  }
0x4c: {  	_ =	shalt  }
0x4d: {  	_ =	shalt  }
0x4e: {  	_ =	shalt  }
0x4f: {  	_ =	shalt  }
0x50: {  	_ =	shalt  }
0x51: {  	_ =	shalt  }
0x52: {  	_ =	shalt  }
0x53: {  	_ =	shalt  }
0x54: {  	_ =	shalt  }
0x55: {  	_ =	shalt  }
0x56: {  	_ =	shalt  }
0x57: {  	_ =	shalt  }
0x58: {  	_ =	shalt  }
0x59: {  	_ =	shalt  }
0x5a: {  	_ =	shalt  }
0x5b: {  	_ =	shalt  }
0x5c: {  	_ =	shalt  }
0x5d: {  	_ =	shalt  }
0x5e: {  	_ =	shalt  }
0x5f: {  	_ =	shalt  }
0x60: {  	_ =	shalt  }
0x61: {  	_ =	shalt  }
0x62: {  	_ =	shalt  }
0x63: {  	_ =	shalt  }
0x64: {  	_ =	shalt  }
0x65: {  	_ =	shalt  }
0x66: {  	_ =	shalt  }
0x67: {  	_ =	shalt  }
0x68: {  	_ =	shalt  }
0x69: {  	_ =	shalt  }
0x6a: {  	_ =	shalt  }
0x6b: {  	_ =	shalt  }
0x6c: {  	_ =	shalt  }
0x6d: {  	_ =	shalt  }
0x6e: {  	_ =	shalt  }
0x6f: {  	_ =	shalt  }
0x70: {  	_ =	shalt  }
0x71: {  	_ =	shalt  }
0x72: {  	_ =	shalt  }
0x73: {  	_ =	shalt  }
0x74: {  	_ =	shalt  }
0x75: {  	_ =	shalt  }
0x76: {  	_ =	shalt  }
0x77: {  	_ =	shalt  }
0x78: {  	_ =	shalt  }
0x79: {  	_ =	shalt  }
0x7a: {  	_ =	shalt  }
0x7b: {  	_ =	shalt  }
0x7c: {  	_ =	shalt  }
0x7d: {  	_ =	shalt  }
0x7e: {  	_ =	shalt  }
0x7f: {  	_ =	shalt  }
0x80: {  	_ =	shalt  }
0x81: {  	_ =	shalt  }
0x82: {  	_ =	shalt  }
0x83: {  	_ =	shalt  }
0x84: {  	_ =	shalt  }
0x85: {  	_ =	shalt  }
0x86: {  	_ =	shalt  }
0x87: {  	_ =	shalt  }
.Lfunc_end0:
.L_simem_size_0:
called_computation_lowered:
.L_overlay_start_0:
0x88: {  	s2 =	sld [smem:$0x3FD9]  }
0x89: {  	s3 =	sld [smem:$0x3FFE];
	_ =	sdelay $0x1  }
0x8a: {  	s1 =	srdreg.scid  }
0x8b: {  	s0 =	sand.u32 $0x1, s1  }
0x8c: {  	s17 =	sshll.u32 s0, $0xA;
	s2 =	sadd.s32 s3, s2  }
0x8d: {  	s2 =	sadd.s32 s2, s17  }
0x8e: {  	[smem:$0x3FB4] =	sst s2  }
0x8f: {  	_ = 	snop  }
0x90: {  	(tm) =	ssettm $0x1  }
0x91: {  	s18 =	sld [smem:$0x3FFB];
	_ =	sdelay $0x3  }
0x92: {  	_ =	strace s18  }
0x93: {  	s2 =	sld [smem:$0x3FFC];
	_ =	sdelay $0x3  }
0x94: {  	_ =	strace s2  }
0x95: {  	s2 =	sld [smem:$0x3FFD];
	_ =	sdelay $0x3  }
0x96: {  	_ =	strace s2  }
0x97: {  	_ =	strace $0x8FFFFFFF  }
0x98: {  	s19 =	sld [smem:$0x3FDB];
	_ =	sdelay $0x1  }
0x99: {  	s20 =	simm.s32 $_scs_section_size  }
0x9a: {  	s4 =	simm.s32 $_size__tile_overlayer_lowered;
	s5 =	simm.s32 $_tile_overlayer_lowered  }
0x9b: {  	s6 =	simm.s32 $0x1BFF;
	s21 =	sshll.u32 s5, $0x1;
	s3 =	sadd.s32 s20, s19  }
0x9c: {  	s22 =	simm.s32 $0x0;
	s4 =	sshll.u32 s4, $0x1;
	s5 =	sadd.s32 s21, s3  }
0x9d: {  	[timem:s22], [sflag:s6] =	dma.local [hbm:s5], s4  }
0x9e: {  	_ =	swait.ge [sflag:s6], s4  }
0x9f: {  	s4 =	ssub.s32 $0x0, s4;
	[sflag:s6] =	ssyncset.done $0x0  }
0xa0: {  	[sflag:s6] =	ssyncadd.s32 s4;
	_ =	sdelay $0x1  }
0xa1: {  	s23 =	simm.s32 $0x1B8B  }
0xa2: {  	_ =	swait.ge [sflag:s23], $0x1  }
0xa3: {  	[sflag:s23] =	ssyncset.done $0x0  }
0xa4: {  	[sflag:s23] =	ssyncadd.s32 $0xFFFFFFFF  }
0xa5: {  	s4 =	sld [smem:$0x0]  }
0xa6: {  	s5 =	sand.u32 $0xFFFFFFFE, s1  }
0xa7: {  	p0 =	sne.s32 s1, s5  }
0xa8: {  	s5 =	sshll.u32 @p0 s5, $0xE  }
0xa9: {  	s5 =	sadd.s32 @p0 $0x11B8D, s5;
	s6 =	sshll.u32 @p0 s4, $0x11  }
0xaa: {  	s5 =	sor.u32 @p0 s6, s5  }
0xab: {  	[sflag:s5] =	ssyncadd.remote.s32 @p0 $0x1;
	_ =	sdelay $0x1  }
0xac: {  	s5 =	simm.s32 @p0 $0x1B8D  }
0xad: {  	_ =	swait.eq @p0 [sflag:s5], $0x1  }
0xae: {  	[sflag:s5] =	ssyncadd.s32 @p0 $0xFFFFFFFF  }
0xaf: {  	s6 =	sshll.u32 @!p0 s1, $0xE  }
0xb0: {  	s6 =	sor.u32 @!p0 $0x4000, s6;
	s5 =	simm.s32 @!p0 $0x1B8D  }
0xb1: {  	s4 =	sshll.u32 @!p0 s4, $0x11;
	s6 =	sadd.s32 @!p0 $0x11B8D, s6;
	_ =	swait.eq @!p0 [sflag:s5], $0x1  }
0xb2: {  	s4 =	sor.u32 @!p0 s4, s6;
	[sflag:s5] =	ssyncadd.s32 @!p0 $0xFFFFFFFF  }
0xb3: {  	s25 =	simm.s32 $0x1B8E;
	s24 =	sld [smem:$0x3FFE];
	[sflag:s4] =	ssyncadd.remote.s32 @!p0 $0x1  }
0xb4: {  	s26 =	simm.s32 $execute0_lowered;
	[smem:$0x3FD2] =	sst s25  }
0xb5: {  	s5 =	sshll.u32 s26, $0x1;
	_ =	strace $0x80000049;
	[dreg:$0x1] =	wrdreg $0xFFFFFFFF  }
0xb6: {  	s28 =	simm.s32 $_size_execute0_lowered;
	s3 =	sadd.s32 s3, s5;
	[dreg:$0x0] =	wrdreg $0x0  }
0xb7: {  	s5 =	sshll.u32 s28, $0x1;
	[dreg:$0x2] =	wrdreg s3  }
0xb8: {  	[dreg:$0x3] =	wrdreg s5  }
0xb9: {  	[dreg:$0x4] =	wrdreg $0xC0  }
0xba: {  	_ =	task [dreg:s22], $0x5FFFF  }
0xbb: {  	[dreg:$0x1] =	wrdreg $0xFFFFFFFF  }
0xbc: {  	[dreg:$0x0] =	wrdreg $0x60  }
0xbd: {  	[dreg:$0x2] =	wrdreg s24  }
0xbe: {  	[dreg:$0x3] =	wrdreg $0x9  }
0xbf: {  	_ =	task.clear_ibuf [dreg:s22], $0x4FFFF;
	_ =	strace $0x90000049  }
0xc0: {  	s29 =	simm.s32 $0x9;
	_ =	strace $0x8000004B  }
0xc1: {  	_ =	swait.ge [sflag:s29], $0x1  }
0xc2: {  	[sflag:s29] =	ssyncadd.s32 $0xFFFFFFFF  }
0xc3: {  	_ =	strace $0x9000004B  }
0xc4: {  	_ =	sfence  }
0xc5: {  	s30 =	sld [smem:$0x0];
	_ =	sdelay $0x2  }
0xc6: {  	s31 =	sshll.u32 s1, $0xD;
	s1 =	sshrl.u32 s1, $0x2  }
0xc7: {  	s4 =	sand.u32 $0x4000, s31;
	s1 =	sadd.s32 s1, s30  }
0xc8: {  	s0 =	sor.u32 s4, s0;
	s1 =	sshll.u32 s1, $0x11  }
0xc9: {  	s0 =	sor.u32 s1, s0  }
0xca: {  	s0 =	sadd.s32 $0x8F2B, s0  }
0xcb: {  	[sflag:s0] =	ssyncadd.remote.s32 $0x1  }
0xcc: {  	_ =	sfence.sel $0xFFFF  }
0xcd: {  	[dreg:$0x0] =	wrdreg $0xFFFFFFFF;
	(pc) =	sbr.abs _section_cstart, $3  }
0xce: {  	[dreg:$0x1] =	wrdreg $0xFFFFFFFF  }
0xcf: {  	_ =	task.clear_ibuf [dreg:s22], $0x2FFFF;
	_ =	strace $0x9FFFFFFF  }
0xd0: {  	(tm) =	ssettm $0x7FFFFFFF  }
0xd1: {  	_ =	shalt  }
tec
execute0_lowered:
.L_overlay_start_1:
0x0: {  	(tag) =	ssettag $0x1  }
0x1: {  	s4 =	rddreg [dreg:$0x0]  }
0x2: {  	s0 =	rddreg [dreg:$0x1];
	s2 =	simm.s32 $0x0;
	s1 =	stileid.u32  }
0x3: {  	s3 =	srdreg.scid;
	s10 =	simm.s32 $0x0;
	s6 =	smul.u32 $0x1400, s1  }
0x4: {  	[smem:$0x7FF] =	sst s2;
	s5 =	sand.u32 $0x1, s3;
	s8 =	smul.u32 $0x14000, s1  }
0x5: {  	s3 =	sadd.s32 $0x6E00, s4;
	s7 =	smul.u32 $0xA00, s5;
	s9 =	ssub.s32 $0x2, s5  }
0x6: {  	_ =	strace $0x8000004A;
	s5 =	smul.u32 $0xA000, s5;
	s31 =	sshrl.u32 s9, $0x1  }
0x7: {  	s8 =	sadd.s32 s8, s4;
	s6 =	sadd.s32 s7, s6;
	s7 =	ssub.s32 s9, s31  }
0x8: {  	s5 =	sadd.s32 s5, s8;
	s8 =	simm.s32 $0x100;
	s6 =	sshrl.u32 s6, $0x3  }
0x9: {  	s9 =	simm.s32 $0x1;
	s5 =	sadd.s32 $0x15FE00, s5;
	s6 =	sadd.s32 s6, s4  }
0xa: {  	s4 =	smax.u32 s7, $0x1;
	s7 =	simm.s32 $0x2;
	s6 =	sadd.s32 $0x15D600, s6  }
.LBB2_1:
0xb: {  	s11 =	sadd.s32 $0x0, s6  }
0xc: {  	[tilespmem:s2], [sflag:$0x2] =	stream.linear.gather [hbm4b:s11+s2], $0x100, $0x38;
	[tilespmem:$0x8100] =	vst v63  }
0xd: {  	_ =	swait.ge [sflag:s7], $0x100  }
0xe: {  	[sflag:s7] =	ssyncset.done $0x0  }
0xf: {  	[sflag:s7] =	ssyncadd.s32 $0xFFFFFF00  }
0x10: {  	[tilespmem:s8], [sflag:$0x1] =	stream.indirect.gather [hbm4b:s3+s8], $0x80, s2, s8, $0xb8;
	[tilespmem:$0x8100] =	vst v63  }
0x11: {  	_ =	swait.ge [sflag:s9], $0x8000  }
0x12: {  	[sflag:s9] =	ssyncset.done $0x0  }
0x13: {  	[sflag:s9] =	ssyncadd.s32 $0xFFFF8000  }
0x14: {  	[hbm4b:s5+s2] =	stream.linear.scatter [tilespmem:s8], [sflag:$0x2], $0x8000, $0x38;
	[tilespmem:$0x8100] =	vst v63  }
0x15: {  	s12 =	simm.s32 $0x20;
	_ =	swait.ge [sflag:s7], $0x8000  }
0x16: {  	s13 =	simm.s32 $0x40;
	s11 =	sadd.s32 $0x1000, s5;
	[sflag:s7] =	ssyncset.done $0x0  }
.LBB2_2:
0x17: {  	s14 =	sadd.s32 s12, s6  }
0x18: {  	[sflag:s7] =	ssyncadd.s32 $0xFFFF8000;
	s12 =	smov.u32 s13;
	s15 =	sadd.s32 $0x20, s13  }
0x19: {  	[tilespmem:s2], [sflag:$0x2] =	stream.linear.gather [hbm4b:s14+s2], $0x100, $0x38;
	[tilespmem:$0x8100] =	vst v63  }
0x1a: {  	p0 =	sne.s32 s13, $0x120;
	_ =	swait.ge [sflag:s7], $0x100  }
0x1b: {  	[sflag:s7] =	ssyncset.done $0x0  }
0x1c: {  	[sflag:s7] =	ssyncadd.s32 $0xFFFFFF00  }
0x1d: {  	[tilespmem:s8], [sflag:$0x1] =	stream.indirect.gather [hbm4b:s3+s8], $0x80, s2, s8, $0xb8;
	[tilespmem:$0x8100] =	vst v63  }
0x1e: {  	_ =	swait.ge [sflag:s9], $0x8000  }
.Ltmp0:
0x1f: {  	[sflag:s9] =	ssyncset.done $0x0;
	(pc) =	sbr.rel @p0 .LBB2_2-.Ltmp0, $4  }
0x20: {  	[sflag:s9] =	ssyncadd.s32 $0xFFFF8000  }
0x21: {  	[hbm4b:s11+s2] =	stream.linear.scatter [tilespmem:s8], [sflag:$0x2], $0x8000, $0x38;
	[tilespmem:$0x8100] =	vst v63  }
0x22: {  	_ =	swait.ge [sflag:s7], $0x8000  }
0x23: {  	s13 =	smov.u32 s15;
	s11 =	sadd.s32 $0x1000, s11;
	[sflag:s7] =	ssyncset.done $0x0  }
0x24: {  	s12 =	sadd.s32 s12, s6;
	[sflag:s7] =	ssyncadd.s32 $0xFFFF8000  }
0x25: {  	[tilespmem:s2], [sflag:$0x2] =	stream.linear.gather [hbm4b:s12+s2], $0x100, $0x38;
	[tilespmem:$0x8100] =	vst v63  }
0x26: {  	_ =	swait.ge [sflag:s7], $0x100  }
0x27: {  	[sflag:s7] =	ssyncset.done $0x0  }
0x28: {  	[sflag:s7] =	ssyncadd.s32 $0xFFFFFF00  }
0x29: {  	[tilespmem:s8], [sflag:$0x1] =	stream.indirect.gather [hbm4b:s3+s8], $0x80, s2, s8, $0xb8;
	[tilespmem:$0x8100] =	vst v63  }
0x2a: {  	s10 =	sadd.s32 $0x1, s10;
	_ =	swait.ge [sflag:s9], $0x8000  }
0x2b: {  	p0 =	sne.s32 s10, s4;
	[sflag:s9] =	ssyncset.done $0x0  }
.Ltmp1:
0x2c: {  	[sflag:s9] =	ssyncadd.s32 $0xFFFF8000;
	(pc) =	sbr.rel @p0 .LBB2_1-.Ltmp1, $4  }
0x2d: {  	[hbm4b:s11+s2] =	stream.linear.scatter [tilespmem:s8], [sflag:$0x2], $0x8000, $0x38;
	[tilespmem:$0x8100] =	vst v63  }
0x2e: {  	_ =	swait.ge [sflag:s7], $0x8000  }
0x2f: {  	[sflag:s7] =	ssyncset.done $0x0  }
0x30: {  	[sflag:s7] =	ssyncadd.s32 $0xFFFF8000  }
0x31: {  	_ =	sfence.sel $0x180000  }
0x32: {  	[bflag:$0x0] =	sbarrier.arrive $0xFFFF  }
0x33: {  	p0 =	sne.s32 s1, $0x0;
	_ =	strace $0x9000004A  }
0x34: {  	s0 =	sadd.s32 @!p0 $0x100000, s0;
	[bflag:$0x2] =	sbarrier.arrive $0xFFFF  }
0x35: {  	[sflag:s0] =	ssyncadd.tile.s32 @!p0 $0x1;
	_ =	shalt  }
.Lfunc_end2:
_tile_overlayer_lowered:
.L_overlay_start_2:
0x36: {  	(tag) =	ssettag $0x2  }
0x37: {  	s0 =	rddreg [dreg:$0x0];
	s2 =	stileid.u32  }
0x38: {  	s1 =	rddreg [dreg:$0x1];
	p0 =	sne.s32 s2, $0x0  }
0x39: {  	s3 =	rddreg [dreg:$0x2];
	[bflag:$0x3] =	sbarrier.arrive $0xFFFF;
	s2 =	simm.s32 @!p0 $0x1C02  }
0x3a: {  	[timem:s3], [sflag:s2] =	dma.local @!p0 [hbm:s0], s1  }
0x3b: {  	s0 =	simm.s32 @!p0 $0x2  }
0x3c: {  	_ =	swait.ge @!p0 [sflag:s0], s1  }
0x3d: {  	s1 =	ssub.s32 @!p0 $0x0, s1;
	[sflag:s0] =	ssyncset.done @!p0 $0x0  }
0x3e: {  	[sflag:s0] =	ssyncadd.s32 @!p0 s1  }
0x3f: {  	[bflag:$0x3] =	sbarrier.arrive $0xFFFF  }
0x40: {  	_ =	shalt  }

// kernel: kernel.16.cloned.1.call-start
scs
__scs_entry_jumppad:
0x0: {  	(pc) =	sbr.rel $0x88, $3  }
0x1: {  	(tag) =	ssettag $0x0;
	lr =	simm.s32 $0x1  }
0x2: {  	[smem:$0x3F8D] =	sst lr;
	_ =	strace $0xD0000000  }
0x3: {  	_ = 	snop  }
0x4: {  	_ = 	snop  }
0x5: {  	_ = 	snop  }
0x6: {  	_ = 	snop  }
0x7: {  	_ = 	snop  }
__scs_overlays_trampoline_lowered:
0x8: {  	[smem:$0x3F9C] =	sst s0  }
0x9: {  	[smem:$0x3F9D] =	sst s1  }
0xa: {  	[smem:$0x3F9E] =	sst s2  }
0xb: {  	[smem:$0x3F9F] =	sst s3  }
0xc: {  	[smem:$0x3FA0] =	sst s4  }
0xd: {  	[smem:$0x3FA1] =	sst s5  }
0xe: {  	[smem:$0x3FA2] =	sst s6  }
0xf: {  	[smem:$0x3FA3] =	sst s7  }
0x10: {  	[smem:$0x3FA4] =	sst s8  }
0x11: {  	[smem:$0x3FA5] =	sst s9;
	s0 =	simm.s32 @!p0 $0x0  }
0x12: {  	s1 =	sld [smem:$0x3F8B];
	s0 =	simm.s32 @p0 $0x1  }
0x13: {  	[smem:$0x3FA6] =	sst s0;
	s0 =	simm.s32 @!p1 $0x0  }
0x14: {  	s2 =	sld [smem:$0x3F8A];
	s0 =	simm.s32 @p1 $0x1  }
0x15: {  	[smem:$0x3FA7] =	sst s0;
	s0 =	simm.s32 @!p2 $0x0  }
0x16: {  	s3 =	sld [smem:$0x3FDB];
	s0 =	simm.s32 @p2 $0x1  }
0x17: {  	s4 =	simm.s32 $0x1BF5;
	[smem:$0x3FA9] =	sst s0  }
0x18: {  	s0 =	sld [smem:$0x3F8C];
	_ =	swait.ge [sflag:s4], $0x0  }
0x19: {  	s7 =	sld [smem:$0x3F8D]  }
0x1a: {  	s8 =	sadd.s32 $0xFFFFE003, lr  }
0x1b: {  	s9 =	sadd.s32 $0xFFFFFEF7, lr;
	s5 =	simm.s32 $0xFFFFFFFF;
	p2 =	slt.u32 s8, $0xFFFFF086  }
0x1c: {  	p1 =	slt.u32 s9, $0xF7A;
	s5 =	simm.s32 @!p2 $0x0  }
0x1d: {  	s5 =	simm.s32 @p1 $0x1;
	p0 =	seq.s32 s7, s2  }
0x1e: {  	s7 =	smul.u32 @!p0 $0xF7A, s2;
	p2 =	seq.s32 @!p0 s5, $0x0  }
0x1f: {  	s9 =	smul.u32 $0xF7A, s1;
	s8 =	simm.s32 @!p0 $0x1BF5;
	p2 =	por !p2, p0  }
0x20: {  	[sflag:s8] =	ssyncset.s32 @!p0 $0xFFFFF086;
	s6 =	sadd.s32 @!p0 s3, s7;
	s7 =	simm.s32 @!p0 $0x108  }
0x21: {  	s3 =	sadd.s32 s3, s9;
	s6 =	sadd.s32 @!p0 $0x88, s6;
	s7 =	simm.s32 @p2 $0x1082  }
0x22: {  	[simem:s7], [sflag:s8] =	dma.local @!p0 [hbm:s6], $0xF7A  }
0x23: {  	s9 =	sor.u32 $0xD0000000, s2;
	s6 =	simm.s32 $0x108;
	_ =	swait.ge @!p0 [sflag:s8], $0x0  }
0x24: {  	s3 =	sadd.s32 $0x88, s3;
	s6 =	simm.s32 @!p1 $0x1082;
	[sflag:s4] =	ssyncset.s32 $0xFFFFF086  }
0x25: {  	[simem:s6], [sflag:s4] =	dma.local [hbm:s3], $0xF7A  }
0x26: {  	[smem:$0x3F8D] =	sst s1;
	(tag) =	ssettag s2;
	_ =	strace s9  }
0x27: {  	s1 =	sld [smem:$0x3F9D]  }
0x28: {  	s2 =	sld [smem:$0x3F9E]  }
0x29: {  	s4 =	sld [smem:$0x3FA0]  }
0x2a: {  	p0 =	seq.s32 s5, $0x0;
	s5 =	sld [smem:$0x3FA1]  }
0x2b: {  	s6 =	sld [smem:$0x3FA2]  }
0x2c: {  	s7 =	sld [smem:$0x3FA3]  }
0x2d: {  	s3 =	simm.s32 $0x108;
	s8 =	sld [smem:$0x3FA4]  }
0x2e: {  	s3 =	simm.s32 @!p0 $0x1082;
	s9 =	sld [smem:$0x3FA5]  }
0x2f: {  	lr =	sadd.s32 s0, s3;
	s0 =	sld [smem:$0x3F9C]  }
0x30: {  	s3 =	sld [smem:$0x3F9F]  }
0x31: {  	[smem:$0x3FA8] =	sst s10  }
0x32: {  	s10 =	sld [smem:$0x3FA6];
	_ =	sdelay $0x3  }
0x33: {  	p0 =	seq.s32 s10, $0x1;
	s10 =	sld [smem:$0x3FA8];
	_ =	sdelay $0x3  }
0x34: {  	[smem:$0x3FA8] =	sst s10  }
0x35: {  	s10 =	sld [smem:$0x3FA7];
	_ =	sdelay $0x3  }
0x36: {  	p1 =	seq.s32 s10, $0x1;
	s10 =	sld [smem:$0x3FA8];
	_ =	sdelay $0x3  }
0x37: {  	[smem:$0x3FA8] =	sst s10  }
0x38: {  	s10 =	sld [smem:$0x3FA9]  }
0x39: {  	_ = 	snop;
	(pc) =	sbr.ind lr, $3  }
0x3a: {  	_ = 	snop  }
0x3b: {  	_ = 	snop  }
0x3c: {  	p2 =	seq.s32 s10, $0x1;
	s10 =	sld [smem:$0x3FA8]  }
0x3d: {  	_ =	shalt  }
0x3e: {  	_ =	shalt  }
0x3f: {  	_ =	shalt  }
0x40: {  	_ =	shalt  }
0x41: {  	_ =	shalt  }
0x42: {  	_ =	shalt  }
0x43: {  	_ =	shalt  }
0x44: {  	_ =	shalt  }
0x45: {  	_ =	shalt  }
0x46: {  	_ =	shalt  }
0x47: {  	_ =	shalt  }
0x48: {  	_ =	shalt  }
0x49: {  	_ =	shalt  }
0x4a: {  	_ =	shalt  }
0x4b: {  	_ =	shalt  }
0x4c: {  	_ =	shalt  }
0x4d: {  	_ =	shalt  }
0x4e: {  	_ =	shalt  }
0x4f: {  	_ =	shalt  }
0x50: {  	_ =	shalt  }
0x51: {  	_ =	shalt  }
0x52: {  	_ =	shalt  }
0x53: {  	_ =	shalt  }
0x54: {  	_ =	shalt  }
0x55: {  	_ =	shalt  }
0x56: {  	_ =	shalt  }
0x57: {  	_ =	shalt  }
0x58: {  	_ =	shalt  }
0x59: {  	_ =	shalt  }
0x5a: {  	_ =	shalt  }
0x5b: {  	_ =	shalt  }
0x5c: {  	_ =	shalt  }
0x5d: {  	_ =	shalt  }
0x5e: {  	_ =	shalt  }
0x5f: {  	_ =	shalt  }
0x60: {  	_ =	shalt  }
0x61: {  	_ =	shalt  }
0x62: {  	_ =	shalt  }
0x63: {  	_ =	shalt  }
0x64: {  	_ =	shalt  }
0x65: {  	_ =	shalt  }
0x66: {  	_ =	shalt  }
0x67: {  	_ =	shalt  }
0x68: {  	_ =	shalt  }
0x69: {  	_ =	shalt  }
0x6a: {  	_ =	shalt  }
0x6b: {  	_ =	shalt  }
0x6c: {  	_ =	shalt  }
0x6d: {  	_ =	shalt  }
0x6e: {  	_ =	shalt  }
0x6f: {  	_ =	shalt  }
0x70: {  	_ =	shalt  }
0x71: {  	_ =	shalt  }
0x72: {  	_ =	shalt  }
0x73: {  	_ =	shalt  }
0x74: {  	_ =	shalt  }
0x75: {  	_ =	shalt  }
0x76: {  	_ =	shalt  }
0x77: {  	_ =	shalt  }
0x78: {  	_ =	shalt  }
0x79: {  	_ =	shalt  }
0x7a: {  	_ =	shalt  }
0x7b: {  	_ =	shalt  }
0x7c: {  	_ =	shalt  }
0x7d: {  	_ =	shalt  }
0x7e: {  	_ =	shalt  }
0x7f: {  	_ =	shalt  }
0x80: {  	_ =	shalt  }
0x81: {  	_ =	shalt  }
0x82: {  	_ =	shalt  }
0x83: {  	_ =	shalt  }
0x84: {  	_ =	shalt  }
0x85: {  	_ =	shalt  }
0x86: {  	_ =	shalt  }
0x87: {  	_ =	shalt  }
.Lfunc_end0:
.L_simem_size_0:
called_computation.1_lowered:
.L_overlay_start_0:
0x88: {  	s2 =	sld [smem:$0x3FD9]  }
0x89: {  	s3 =	sld [smem:$0x3FFE];
	_ =	sdelay $0x1  }
0x8a: {  	s1 =	srdreg.scid  }
0x8b: {  	s0 =	sand.u32 $0x1, s1  }
0x8c: {  	s17 =	sshll.u32 s0, $0xA;
	s2 =	sadd.s32 s3, s2  }
0x8d: {  	s2 =	sadd.s32 s2, s17  }
0x8e: {  	[smem:$0x3FB4] =	sst s2  }
0x8f: {  	_ = 	snop  }
0x90: {  	(tm) =	ssettm $0x1  }
0x91: {  	s18 =	sld [smem:$0x3FFB];
	_ =	sdelay $0x3  }
0x92: {  	_ =	strace s18  }
0x93: {  	s2 =	sld [smem:$0x3FFC];
	_ =	sdelay $0x3  }
0x94: {  	_ =	strace s2  }
0x95: {  	s2 =	sld [smem:$0x3FFD];
	_ =	sdelay $0x3  }
0x96: {  	_ =	strace s2  }
0x97: {  	_ =	strace $0x8FFFFFFF  }
0x98: {  	s19 =	sld [smem:$0x3FDB];
	_ =	sdelay $0x1  }
0x99: {  	s20 =	simm.s32 $_scs_section_size  }
0x9a: {  	s4 =	simm.s32 $_size__tile_overlayer_lowered;
	s5 =	simm.s32 $_tile_overlayer_lowered  }
0x9b: {  	s6 =	simm.s32 $0x1BFF;
	s21 =	sshll.u32 s5, $0x1;
	s3 =	sadd.s32 s20, s19  }
0x9c: {  	s22 =	simm.s32 $0x0;
	s4 =	sshll.u32 s4, $0x1;
	s5 =	sadd.s32 s21, s3  }
0x9d: {  	[timem:s22], [sflag:s6] =	dma.local [hbm:s5], s4  }
0x9e: {  	_ =	swait.ge [sflag:s6], s4  }
0x9f: {  	s4 =	ssub.s32 $0x0, s4;
	[sflag:s6] =	ssyncset.done $0x0  }
0xa0: {  	[sflag:s6] =	ssyncadd.s32 s4;
	_ =	sdelay $0x1  }
0xa1: {  	s23 =	simm.s32 $0x1B8B  }
0xa2: {  	_ =	swait.ge [sflag:s23], $0x1  }
0xa3: {  	[sflag:s23] =	ssyncset.done $0x0  }
0xa4: {  	[sflag:s23] =	ssyncadd.s32 $0xFFFFFFFF  }
0xa5: {  	s4 =	sld [smem:$0x0]  }
0xa6: {  	s5 =	sand.u32 $0xFFFFFFFE, s1  }
0xa7: {  	p0 =	sne.s32 s1, s5  }
0xa8: {  	s5 =	sshll.u32 @p0 s5, $0xE  }
0xa9: {  	s5 =	sadd.s32 @p0 $0x11B8D, s5;
	s6 =	sshll.u32 @p0 s4, $0x11  }
0xaa: {  	s5 =	sor.u32 @p0 s6, s5  }
0xab: {  	[sflag:s5] =	ssyncadd.remote.s32 @p0 $0x1;
	_ =	sdelay $0x1  }
0xac: {  	s5 =	simm.s32 @p0 $0x1B8D  }
0xad: {  	_ =	swait.eq @p0 [sflag:s5], $0x1  }
0xae: {  	[sflag:s5] =	ssyncadd.s32 @p0 $0xFFFFFFFF  }
0xaf: {  	s6 =	sshll.u32 @!p0 s1, $0xE  }
0xb0: {  	s6 =	sor.u32 @!p0 $0x4000, s6;
	s5 =	simm.s32 @!p0 $0x1B8D  }
0xb1: {  	s4 =	sshll.u32 @!p0 s4, $0x11;
	s6 =	sadd.s32 @!p0 $0x11B8D, s6;
	_ =	swait.eq @!p0 [sflag:s5], $0x1  }
0xb2: {  	s4 =	sor.u32 @!p0 s4, s6;
	[sflag:s5] =	ssyncadd.s32 @!p0 $0xFFFFFFFF  }
0xb3: {  	s25 =	simm.s32 $0x1B8E;
	s24 =	sld [smem:$0x3FFE];
	[sflag:s4] =	ssyncadd.remote.s32 @!p0 $0x1  }
0xb4: {  	s26 =	simm.s32 $execute0_lowered;
	[smem:$0x3FD2] =	sst s25  }
0xb5: {  	s5 =	sshll.u32 s26, $0x1;
	_ =	strace $0x8000004F;
	[dreg:$0x1] =	wrdreg $0xFFFFFFFF  }
0xb6: {  	s28 =	simm.s32 $_size_execute0_lowered;
	s3 =	sadd.s32 s3, s5;
	[dreg:$0x0] =	wrdreg $0x0  }
0xb7: {  	s5 =	sshll.u32 s28, $0x1;
	[dreg:$0x2] =	wrdreg s3  }
0xb8: {  	[dreg:$0x3] =	wrdreg s5  }
0xb9: {  	[dreg:$0x4] =	wrdreg $0xC0  }
0xba: {  	_ =	task [dreg:s22], $0x5FFFF  }
0xbb: {  	[dreg:$0x1] =	wrdreg $0xFFFFFFFF  }
0xbc: {  	[dreg:$0x0] =	wrdreg $0x60  }
0xbd: {  	[dreg:$0x2] =	wrdreg s24  }
0xbe: {  	[dreg:$0x3] =	wrdreg $0x9  }
0xbf: {  	_ =	task.clear_ibuf [dreg:s22], $0x4FFFF;
	_ =	strace $0x9000004F  }
0xc0: {  	s29 =	simm.s32 $0x9;
	_ =	strace $0x80000051  }
0xc1: {  	_ =	swait.ge [sflag:s29], $0x1  }
0xc2: {  	[sflag:s29] =	ssyncadd.s32 $0xFFFFFFFF  }
0xc3: {  	_ =	strace $0x90000051  }
0xc4: {  	_ =	sfence  }
0xc5: {  	s30 =	sld [smem:$0x0];
	_ =	sdelay $0x2  }
0xc6: {  	s31 =	sshll.u32 s1, $0xD;
	s1 =	sshrl.u32 s1, $0x2  }
0xc7: {  	s4 =	sand.u32 $0x4000, s31;
	s1 =	sadd.s32 s1, s30  }
0xc8: {  	s0 =	sor.u32 s4, s0;
	s1 =	sshll.u32 s1, $0x11  }
0xc9: {  	s0 =	sor.u32 s1, s0  }
0xca: {  	s0 =	sadd.s32 $0x8F2B, s0  }
0xcb: {  	[sflag:s0] =	ssyncadd.remote.s32 $0x1  }
0xcc: {  	_ =	sfence.sel $0xFFFF  }
0xcd: {  	[dreg:$0x0] =	wrdreg $0xFFFFFFFF;
	(pc) =	sbr.abs _section_cstart, $3  }
0xce: {  	[dreg:$0x1] =	wrdreg $0xFFFFFFFF  }
0xcf: {  	_ =	task.clear_ibuf [dreg:s22], $0x2FFFF;
	_ =	strace $0x9FFFFFFF  }
0xd0: {  	(tm) =	ssettm $0x7FFFFFFF  }
0xd1: {  	_ =	shalt  }
tec
execute0_lowered:
.L_overlay_start_1:
0x0: {  	(tag) =	ssettag $0x1  }
0x1: {  	s0 =	srdreg.scid  }
0x2: {  	s6 =	stileid.u32;
	s4 =	rddreg [dreg:$0x0];
	s2 =	simm.s32 $0x0  }
0x3: {  	s12 =	simm.s32 $0x900;
	[smem:$0x7FF] =	sst s2;
	s5 =	sadd.s32 $0x2EFE00, s4  }
0x4: {  	s13 =	simm.s32 $0x1100;
	_ =	strace $0x80000050;
	[dreg:$0x2] =	wrdreg s5  }
0x5: {  	s14 =	simm.s32 $0x1900;
	s16 =	simm.s32 $0x2100;
	[dreg:$0x4] =	wrdreg s12  }
0x6: {  	s17 =	simm.s32 $0x2900;
	s18 =	simm.s32 $0x3100;
	[dreg:$0x5] =	wrdreg s13  }
0x7: {  	s20 =	simm.s32 $0x3900;
	s21 =	simm.s32 $0x4100;
	[dreg:$0x6] =	wrdreg s14  }
0x8: {  	s22 =	simm.s32 $0x4900;
	s23 =	simm.s32 $0x5100;
	[dreg:$0x7] =	wrdreg s16  }
0x9: {  	s25 =	simm.s32 $0x5900;
	s26 =	simm.s32 $0x6100;
	[dreg:$0x8] =	wrdreg s17  }
0xa: {  	s31 =	simm.s32 $0x6900;
	s8 =	simm.s32 $0x100;
	[dreg:$0x9] =	wrdreg s18  }
0xb: {  	s9 =	simm.s32 $0x7100;
	s10 =	simm.s32 $0x7900;
	[dreg:$0xa] =	wrdreg s20  }
0xc: {  	s28 =	simm.s32 $0x10100;
	s1 =	smul.u32 $0x1400, s6;
	[dreg:$0xb] =	wrdreg s21  }
0xd: {  	s29 =	simm.s32 $0x1;
	s11 =	smul.u32 $0x28000, s6;
	[dreg:$0xc] =	wrdreg s22  }
0xe: {  	s0 =	sand.u32 $0x1, s0;
	s6 =	smul.u32 $0x14000, s6;
	[dreg:$0xd] =	wrdreg s23  }
0xf: {  	s30 =	simm.s32 $0x0;
	s3 =	smul.u32 $0xA00, s0;
	[dreg:$0xe] =	wrdreg s25  }
0x10: {  	s15 =	ssub.s32 $0x2, s0;
	s19 =	smul.u32 $0xA000, s0;
	[dreg:$0xf] =	wrdreg s26  }
0x11: {  	s0 =	smul.u32 $0x14000, s0;
	[dreg:$0x10] =	wrdreg s31;
	s12 =	simm.s32 $0x8900  }
0x12: {  	s13 =	simm.s32 $0x9100;
	s14 =	simm.s32 $0x9900;
	s16 =	simm.s32 $0xA900  }
0x13: {  	s17 =	simm.s32 $0xB100;
	s18 =	simm.s32 $0xB900;
	s20 =	simm.s32 $0xC900  }
0x14: {  	s21 =	simm.s32 $0xD100;
	s22 =	simm.s32 $0xD900;
	s23 =	simm.s32 $0xE100  }
0x15: {  	s25 =	simm.s32 $0xF100;
	s26 =	simm.s32 $0xF900;
	s5 =	sadd.s32 s11, s4  }
0x16: {  	s6 =	sadd.s32 s6, s4;
	s7 =	sshrl.u32 s15, $0x1;
	s11 =	simm.s32 $0x8100  }
0x17: {  	s1 =	sadd.s32 s3, s1;
	s3 =	sadd.s32 $0x29FE00, s4;
	s6 =	sadd.s32 s19, s6  }
0x18: {  	s0 =	sadd.s32 s0, s5;
	s19 =	simm.s32 $0xC100;
	s1 =	sshrl.u32 s1, $0x3  }
0x19: {  	s24 =	sadd.s32 $0x149600, s6;
	s6 =	sadd.s32 $0x5BFE00, s0;
	s1 =	sadd.s32 s1, s4  }
0x1a: {  	v2 =	vlaneseq.u32;
	s4 =	ssub.s32 s15, s7;
	[dreg:$0x12] =	wrdreg s24;
	s1 =	sadd.s32 $0x4600, s1  }
0x1b: {  	vm0 =	vmmov $0xffff;
	v1 =	vshrl.u32 v2, $0x3;
	s7 =	simm.s32 $0x2;
	s4 =	smax.u32 s4, $0x1;
	[dreg:$0x3] =	wrdreg s1  }
0x1c: {  	v0 =	vand.u32 $0x7, v2;
	v2 =	vor.u32 $0x8, v2;
	v1 =	vmul.u32 $0x8, v1;
	s15 =	simm.s32 $0xA100;
	s24 =	simm.s32 $0xE900;
	[dreg:$0x11] =	wrdreg s4  }
.LBB2_1:
0x1d: {  	s31 =	smov.u32 s6;
	s5 =	rddreg [dreg:$0x12];
	s0 =	simm.s32 $0x0  }
.LBB2_2:
0x1e: {  	s4 =	rddreg [dreg:$0x3]  }
0x1f: {  	s4 =	sadd.s32 s0, s4  }
0x20: {  	[tilespmem:s2], [sflag:$0x2] =	stream.linear.gather [hbm4b:s4+s2], $0x100, $0x38;
	[tilespmem:$0x18100] =	vst v63  }
0x21: {  	_ =	swait.ge [sflag:s7], $0x100  }
0x22: {  	[sflag:s7] =	ssyncset.done $0x0  }
0x23: {  	[sflag:s7] =	ssyncadd.s32 $0xFFFFFF00  }
0x24: {  	v3 =	vld [tilespmem:$0x0];
	_ =	sdelay $0x4  }
0x25: {  	v4 =	vshll.u32 v3, $0x1  }
0x26: {  	v3 =	vand.u32 $0x7, v3;
	v4 =	vand.u32 $0xFFFFFFF0, v4  }
0x27: {  	v3 =	vor.u32 v3, v4  }
0x28: {  	v4 =	vperm.xlane v3, v0;
	_ =	sdelay $0x1  }
0x29: {  	v3 =	vperm.xlane v3, v2;
	v4 =	vadd.s32 v1, v4;
	_ =	sdelay $0x1  }
0x2a: {  	v3 =	vadd.s32 v1, v3;
	_ =	sdelay $0x2  }
0x2b: {  	[tilespmem:s8], [sflag:$0x1] =	stream.indirect_vreg.gather [hbm4b:s3+s2], $0x80, v4, vm0, $0xb8;
	[tilespmem:$0x18100] =	vst v63  }
0x2c: {  	s1 =	rddreg [dreg:$0x4]  }
0x2d: {  	[tilespmem:s1], [sflag:$0x1] =	stream.indirect_vreg.gather [hbm4b:s3+s2], $0x80, v3, vm0, $0xb8;
	[tilespmem:$0x18100] =	vst v63  }
0x2e: {  	v3 =	vld [tilespmem:$0x10];
	_ =	sdelay $0x4  }
0x2f: {  	v49 =	vshll.u32 v3, $0x1  }
0x30: {  	v3 =	vand.u32 $0x7, v3;
	v4 =	vand.u32 $0xFFFFFFF0, v49  }
0x31: {  	v3 =	vor.u32 v3, v4  }
0x32: {  	v4 =	vperm.xlane v3, v0;
	_ =	sdelay $0x1  }
0x33: {  	v3 =	vperm.xlane v3, v2;
	v4 =	vadd.s32 v1, v4;
	_ =	sdelay $0x1  }
0x34: {  	v3 =	vadd.s32 v1, v3;
	_ =	sdelay $0x1  }
0x35: {  	s4 =	rddreg [dreg:$0x5]  }
0x36: {  	[tilespmem:s4], [sflag:$0x1] =	stream.indirect_vreg.gather [hbm4b:s3+s2], $0x80, v4, vm0, $0xb8;
	[tilespmem:$0x18100] =	vst v63  }
0x37: {  	s1 =	rddreg [dreg:$0x6]  }
0x38: {  	[tilespmem:s1], [sflag:$0x1] =	stream.indirect_vreg.gather [hbm4b:s3+s2], $0x80, v3, vm0, $0xb8;
	[tilespmem:$0x18100] =	vst v63  }
0x39: {  	v3 =	vld [tilespmem:$0x20];
	_ =	sdelay $0x4  }
0x3a: {  	v50 =	vshll.u32 v3, $0x1  }
0x3b: {  	v3 =	vand.u32 $0x7, v3;
	v4 =	vand.u32 $0xFFFFFFF0, v50  }
0x3c: {  	v3 =	vor.u32 v3, v4  }
0x3d: {  	v4 =	vperm.xlane v3, v0;
	_ =	sdelay $0x1  }
0x3e: {  	v3 =	vperm.xlane v3, v2;
	v4 =	vadd.s32 v1, v4;
	_ =	sdelay $0x1  }
0x3f: {  	v3 =	vadd.s32 v1, v3;
	_ =	sdelay $0x1  }
0x40: {  	s1 =	rddreg [dreg:$0x7]  }
0x41: {  	[tilespmem:s1], [sflag:$0x1] =	stream.indirect_vreg.gather [hbm4b:s3+s2], $0x80, v4, vm0, $0xb8;
	[tilespmem:$0x18100] =	vst v63  }
0x42: {  	s4 =	rddreg [dreg:$0x8]  }
0x43: {  	[tilespmem:s4], [sflag:$0x1] =	stream.indirect_vreg.gather [hbm4b:s3+s2], $0x80, v3, vm0, $0xb8;
	[tilespmem:$0x18100] =	vst v63  }
0x44: {  	v3 =	vld [tilespmem:$0x30];
	_ =	sdelay $0x4  }
0x45: {  	v51 =	vshll.u32 v3, $0x1  }
0x46: {  	v3 =	vand.u32 $0x7, v3;
	v4 =	vand.u32 $0xFFFFFFF0, v51  }
0x47: {  	v3 =	vor.u32 v3, v4  }
0x48: {  	v4 =	vperm.xlane v3, v0;
	_ =	sdelay $0x1  }
0x49: {  	v3 =	vperm.xlane v3, v2;
	v4 =	vadd.s32 v1, v4;
	_ =	sdelay $0x1  }
0x4a: {  	v3 =	vadd.s32 v1, v3;
	_ =	sdelay $0x1  }
0x4b: {  	s1 =	rddreg [dreg:$0x9]  }
0x4c: {  	[tilespmem:s1], [sflag:$0x1] =	stream.indirect_vreg.gather [hbm4b:s3+s2], $0x80, v4, vm0, $0xb8;
	[tilespmem:$0x18100] =	vst v63  }
0x4d: {  	s4 =	rddreg [dreg:$0xa]  }
0x4e: {  	[tilespmem:s4], [sflag:$0x1] =	stream.indirect_vreg.gather [hbm4b:s3+s2], $0x80, v3, vm0, $0xb8;
	[tilespmem:$0x18100] =	vst v63  }
0x4f: {  	v3 =	vld [tilespmem:$0x40];
	_ =	sdelay $0x4  }
0x50: {  	v52 =	vshll.u32 v3, $0x1  }
0x51: {  	v3 =	vand.u32 $0x7, v3;
	v4 =	vand.u32 $0xFFFFFFF0, v52  }
0x52: {  	v3 =	vor.u32 v3, v4  }
0x53: {  	v4 =	vperm.xlane v3, v0;
	_ =	sdelay $0x1  }
0x54: {  	v3 =	vperm.xlane v3, v2;
	v4 =	vadd.s32 v1, v4;
	_ =	sdelay $0x1  }
0x55: {  	v3 =	vadd.s32 v1, v3;
	_ =	sdelay $0x1  }
0x56: {  	s1 =	rddreg [dreg:$0xb]  }
0x57: {  	[tilespmem:s1], [sflag:$0x1] =	stream.indirect_vreg.gather [hbm4b:s3+s2], $0x80, v4, vm0, $0xb8;
	[tilespmem:$0x18100] =	vst v63  }
0x58: {  	s4 =	rddreg [dreg:$0xc]  }
0x59: {  	[tilespmem:s4], [sflag:$0x1] =	stream.indirect_vreg.gather [hbm4b:s3+s2], $0x80, v3, vm0, $0xb8;
	[tilespmem:$0x18100] =	vst v63  }
0x5a: {  	v3 =	vld [tilespmem:$0x50];
	_ =	sdelay $0x4  }
0x5b: {  	v53 =	vshll.u32 v3, $0x1  }
0x5c: {  	v3 =	vand.u32 $0x7, v3;
	v4 =	vand.u32 $0xFFFFFFF0, v53  }
0x5d: {  	v3 =	vor.u32 v3, v4  }
0x5e: {  	v4 =	vperm.xlane v3, v0;
	_ =	sdelay $0x1  }
0x5f: {  	v3 =	vperm.xlane v3, v2;
	v4 =	vadd.s32 v1, v4;
	_ =	sdelay $0x1  }
0x60: {  	v3 =	vadd.s32 v1, v3;
	_ =	sdelay $0x1  }
0x61: {  	s1 =	rddreg [dreg:$0xd]  }
0x62: {  	[tilespmem:s1], [sflag:$0x1] =	stream.indirect_vreg.gather [hbm4b:s3+s2], $0x80, v4, vm0, $0xb8;
	[tilespmem:$0x18100] =	vst v63  }
0x63: {  	s4 =	rddreg [dreg:$0xe]  }
0x64: {  	[tilespmem:s4], [sflag:$0x1] =	stream.indirect_vreg.gather [hbm4b:s3+s2], $0x80, v3, vm0, $0xb8;
	[tilespmem:$0x18100] =	vst v63  }
0x65: {  	v3 =	vld [tilespmem:$0x60];
	_ =	sdelay $0x4  }
0x66: {  	v54 =	vshll.u32 v3, $0x1  }
0x67: {  	v3 =	vand.u32 $0x7, v3;
	v4 =	vand.u32 $0xFFFFFFF0, v54  }
0x68: {  	v3 =	vor.u32 v3, v4  }
0x69: {  	v4 =	vperm.xlane v3, v0;
	_ =	sdelay $0x1  }
0x6a: {  	v3 =	vperm.xlane v3, v2;
	v4 =	vadd.s32 v1, v4;
	_ =	sdelay $0x1  }
0x6b: {  	v3 =	vadd.s32 v1, v3;
	_ =	sdelay $0x1  }
0x6c: {  	s1 =	rddreg [dreg:$0xf]  }
0x6d: {  	[tilespmem:s1], [sflag:$0x1] =	stream.indirect_vreg.gather [hbm4b:s3+s2], $0x80, v4, vm0, $0xb8;
	[tilespmem:$0x18100] =	vst v63  }
0x6e: {  	s4 =	rddreg [dreg:$0x10]  }
0x6f: {  	[tilespmem:s4], [sflag:$0x1] =	stream.indirect_vreg.gather [hbm4b:s3+s2], $0x80, v3, vm0, $0xb8;
	[tilespmem:$0x18100] =	vst v63  }
0x70: {  	v3 =	vld [tilespmem:$0x70];
	_ =	sdelay $0x4  }
0x71: {  	v55 =	vshll.u32 v3, $0x1  }
0x72: {  	v3 =	vand.u32 $0x7, v3;
	v4 =	vand.u32 $0xFFFFFFF0, v55  }
0x73: {  	v3 =	vor.u32 v3, v4  }
0x74: {  	v4 =	vperm.xlane v3, v0;
	_ =	sdelay $0x1  }
0x75: {  	v3 =	vperm.xlane v3, v2;
	v4 =	vadd.s32 v1, v4;
	_ =	sdelay $0x1  }
0x76: {  	v3 =	vadd.s32 v1, v3;
	_ =	sdelay $0x2  }
0x77: {  	[tilespmem:s9], [sflag:$0x1] =	stream.indirect_vreg.gather [hbm4b:s3+s2], $0x80, v4, vm0, $0xb8;
	[tilespmem:$0x18100] =	vst v63  }
0x78: {  	_ = 	snop  }
0x79: {  	[tilespmem:s10], [sflag:$0x1] =	stream.indirect_vreg.gather [hbm4b:s3+s2], $0x80, v3, vm0, $0xb8;
	[tilespmem:$0x18100] =	vst v63  }
0x7a: {  	v3 =	vld [tilespmem:$0x80];
	_ =	sdelay $0x4  }
0x7b: {  	v56 =	vshll.u32 v3, $0x1  }
0x7c: {  	v3 =	vand.u32 $0x7, v3;
	v4 =	vand.u32 $0xFFFFFFF0, v56  }
0x7d: {  	v3 =	vor.u32 v3, v4  }
0x7e: {  	v4 =	vperm.xlane v3, v0;
	_ =	sdelay $0x1  }
0x7f: {  	v3 =	vperm.xlane v3, v2;
	v4 =	vadd.s32 v1, v4;
	_ =	sdelay $0x1  }
0x80: {  	v3 =	vadd.s32 v1, v3;
	_ =	sdelay $0x2  }
0x81: {  	[tilespmem:s11], [sflag:$0x1] =	stream.indirect_vreg.gather [hbm4b:s3+s2], $0x80, v4, vm0, $0xb8;
	[tilespmem:$0x18100] =	vst v63  }
0x82: {  	_ = 	snop  }
0x83: {  	[tilespmem:s12], [sflag:$0x1] =	stream.indirect_vreg.gather [hbm4b:s3+s2], $0x80, v3, vm0, $0xb8;
	[tilespmem:$0x18100] =	vst v63  }
0x84: {  	v3 =	vld [tilespmem:$0x90];
	_ =	sdelay $0x4  }
0x85: {  	v57 =	vshll.u32 v3, $0x1  }
0x86: {  	v3 =	vand.u32 $0x7, v3;
	v4 =	vand.u32 $0xFFFFFFF0, v57  }
0x87: {  	v3 =	vor.u32 v3, v4  }
0x88: {  	v4 =	vperm.xlane v3, v0;
	_ =	sdelay $0x1  }
0x89: {  	v3 =	vperm.xlane v3, v2;
	v4 =	vadd.s32 v1, v4;
	_ =	sdelay $0x1  }
0x8a: {  	v3 =	vadd.s32 v1, v3;
	_ =	sdelay $0x2  }
0x8b: {  	[tilespmem:s13], [sflag:$0x1] =	stream.indirect_vreg.gather [hbm4b:s3+s2], $0x80, v4, vm0, $0xb8;
	[tilespmem:$0x18100] =	vst v63  }
0x8c: {  	_ = 	snop  }
0x8d: {  	[tilespmem:s14], [sflag:$0x1] =	stream.indirect_vreg.gather [hbm4b:s3+s2], $0x80, v3, vm0, $0xb8;
	[tilespmem:$0x18100] =	vst v63  }
0x8e: {  	v3 =	vld [tilespmem:$0xA0];
	_ =	sdelay $0x4  }
0x8f: {  	v58 =	vshll.u32 v3, $0x1  }
0x90: {  	v3 =	vand.u32 $0x7, v3;
	v4 =	vand.u32 $0xFFFFFFF0, v58  }
0x91: {  	v3 =	vor.u32 v3, v4  }
0x92: {  	v4 =	vperm.xlane v3, v0;
	_ =	sdelay $0x1  }
0x93: {  	v3 =	vperm.xlane v3, v2;
	v4 =	vadd.s32 v1, v4;
	_ =	sdelay $0x1  }
0x94: {  	v3 =	vadd.s32 v1, v3;
	_ =	sdelay $0x2  }
0x95: {  	[tilespmem:s15], [sflag:$0x1] =	stream.indirect_vreg.gather [hbm4b:s3+s2], $0x80, v4, vm0, $0xb8;
	[tilespmem:$0x18100] =	vst v63  }
0x96: {  	_ = 	snop  }
0x97: {  	[tilespmem:s16], [sflag:$0x1] =	stream.indirect_vreg.gather [hbm4b:s3+s2], $0x80, v3, vm0, $0xb8;
	[tilespmem:$0x18100] =	vst v63  }
0x98: {  	v3 =	vld [tilespmem:$0xB0];
	_ =	sdelay $0x4  }
0x99: {  	v59 =	vshll.u32 v3, $0x1  }
0x9a: {  	v3 =	vand.u32 $0x7, v3;
	v4 =	vand.u32 $0xFFFFFFF0, v59  }
0x9b: {  	v3 =	vor.u32 v3, v4  }
0x9c: {  	v4 =	vperm.xlane v3, v0;
	_ =	sdelay $0x1  }
0x9d: {  	v3 =	vperm.xlane v3, v2;
	v4 =	vadd.s32 v1, v4;
	_ =	sdelay $0x1  }
0x9e: {  	v3 =	vadd.s32 v1, v3;
	_ =	sdelay $0x2  }
0x9f: {  	[tilespmem:s17], [sflag:$0x1] =	stream.indirect_vreg.gather [hbm4b:s3+s2], $0x80, v4, vm0, $0xb8;
	[tilespmem:$0x18100] =	vst v63  }
0xa0: {  	_ = 	snop  }
0xa1: {  	[tilespmem:s18], [sflag:$0x1] =	stream.indirect_vreg.gather [hbm4b:s3+s2], $0x80, v3, vm0, $0xb8;
	[tilespmem:$0x18100] =	vst v63  }
0xa2: {  	v3 =	vld [tilespmem:$0xC0];
	_ =	sdelay $0x4  }
0xa3: {  	v60 =	vshll.u32 v3, $0x1  }
0xa4: {  	v3 =	vand.u32 $0x7, v3;
	v4 =	vand.u32 $0xFFFFFFF0, v60  }
0xa5: {  	v3 =	vor.u32 v3, v4  }
0xa6: {  	v4 =	vperm.xlane v3, v0;
	_ =	sdelay $0x1  }
0xa7: {  	v3 =	vperm.xlane v3, v2;
	v4 =	vadd.s32 v1, v4;
	_ =	sdelay $0x1  }
0xa8: {  	v3 =	vadd.s32 v1, v3;
	_ =	sdelay $0x2  }
0xa9: {  	[tilespmem:s19], [sflag:$0x1] =	stream.indirect_vreg.gather [hbm4b:s3+s2], $0x80, v4, vm0, $0xb8;
	[tilespmem:$0x18100] =	vst v63  }
0xaa: {  	_ = 	snop  }
0xab: {  	[tilespmem:s20], [sflag:$0x1] =	stream.indirect_vreg.gather [hbm4b:s3+s2], $0x80, v3, vm0, $0xb8;
	[tilespmem:$0x18100] =	vst v63  }
0xac: {  	v3 =	vld [tilespmem:$0xD0];
	_ =	sdelay $0x4  }
0xad: {  	v61 =	vshll.u32 v3, $0x1  }
0xae: {  	v3 =	vand.u32 $0x7, v3;
	v4 =	vand.u32 $0xFFFFFFF0, v61  }
0xaf: {  	v3 =	vor.u32 v3, v4  }
0xb0: {  	v4 =	vperm.xlane v3, v0;
	_ =	sdelay $0x1  }
0xb1: {  	v3 =	vperm.xlane v3, v2;
	v4 =	vadd.s32 v1, v4;
	_ =	sdelay $0x1  }
0xb2: {  	v3 =	vadd.s32 v1, v3;
	_ =	sdelay $0x2  }
0xb3: {  	[tilespmem:s21], [sflag:$0x1] =	stream.indirect_vreg.gather [hbm4b:s3+s2], $0x80, v4, vm0, $0xb8;
	[tilespmem:$0x18100] =	vst v63  }
0xb4: {  	_ = 	snop  }
0xb5: {  	[tilespmem:s22], [sflag:$0x1] =	stream.indirect_vreg.gather [hbm4b:s3+s2], $0x80, v3, vm0, $0xb8;
	[tilespmem:$0x18100] =	vst v63  }
0xb6: {  	v3 =	vld [tilespmem:$0xE0];
	_ =	sdelay $0x4  }
0xb7: {  	v62 =	vshll.u32 v3, $0x1  }
0xb8: {  	v3 =	vand.u32 $0x7, v3;
	v4 =	vand.u32 $0xFFFFFFF0, v62  }
0xb9: {  	v3 =	vor.u32 v3, v4  }
0xba: {  	v4 =	vperm.xlane v3, v0;
	_ =	sdelay $0x1  }
0xbb: {  	v3 =	vperm.xlane v3, v2;
	v4 =	vadd.s32 v1, v4;
	_ =	sdelay $0x1  }
0xbc: {  	v3 =	vadd.s32 v1, v3;
	_ =	sdelay $0x2  }
0xbd: {  	[tilespmem:s23], [sflag:$0x1] =	stream.indirect_vreg.gather [hbm4b:s3+s2], $0x80, v4, vm0, $0xb8;
	[tilespmem:$0x18100] =	vst v63  }
0xbe: {  	_ = 	snop  }
0xbf: {  	[tilespmem:s24], [sflag:$0x1] =	stream.indirect_vreg.gather [hbm4b:s3+s2], $0x80, v3, vm0, $0xb8;
	[tilespmem:$0x18100] =	vst v63  }
0xc0: {  	v3 =	vld [tilespmem:$0xF0];
	_ =	sdelay $0x4  }
0xc1: {  	v63 =	vshll.u32 v3, $0x1  }
0xc2: {  	v3 =	vand.u32 $0x7, v3;
	v4 =	vand.u32 $0xFFFFFFF0, v63  }
0xc3: {  	v3 =	vor.u32 v3, v4  }
0xc4: {  	v4 =	vperm.xlane v3, v0;
	_ =	sdelay $0x1  }
0xc5: {  	v3 =	vperm.xlane v3, v2;
	v4 =	vadd.s32 v1, v4;
	_ =	sdelay $0x1  }
0xc6: {  	v3 =	vadd.s32 v1, v3;
	_ =	sdelay $0x2  }
0xc7: {  	[tilespmem:s25], [sflag:$0x1] =	stream.indirect_vreg.gather [hbm4b:s3+s2], $0x80, v4, vm0, $0xb8;
	[tilespmem:$0x18100] =	vst v63  }
0xc8: {  	_ = 	snop  }
0xc9: {  	[tilespmem:s26], [sflag:$0x1] =	stream.indirect_vreg.gather [hbm4b:s3+s2], $0x80, v3, vm0, $0xb8;
	[tilespmem:$0x18100] =	vst v63  }
0xca: {  	s4 =	rddreg [dreg:$0x2]  }
0xcb: {  	[tilespmem:s28], [sflag:$0x1] =	stream.indirect.gather [hbm4b:s4+s8], $0x80, s2, s8, $0xb8;
	[tilespmem:$0x18100] =	vst v63  }
0xcc: {  	_ =	swait.ge [sflag:s29], $0x10000  }
0xcd: {  	[sflag:s29] =	ssyncset.done $0x0  }
0xce: {  	[sflag:s29] =	ssyncadd.s32 $0xFFFF0000  }
0xcf: {  	_ =	swait.ge [sflag:s29], $0x8000  }
0xd0: {  	[sflag:s29] =	ssyncset.done $0x0  }
0xd1: {  	[sflag:s29] =	ssyncadd.s32 $0xFFFF8000  }
0xd2: {  	[hbm4b:s31+s2] =	stream.linear.scatter [tilespmem:s8], [sflag:$0x2], $0x10000, $0x38;
	[tilespmem:$0x18100] =	vst v63  }
0xd3: {  	_ =	swait.ge [sflag:s7], $0x10000  }
0xd4: {  	p0 =	sne.s32 s0, $0x120;
	[sflag:s7] =	ssyncset.done $0x0  }
.Ltmp0:
0xd5: {  	[sflag:s7] =	ssyncadd.s32 $0xFFFF0000;
	(pc) =	sbr.rel @p0 .LBB2_2-.Ltmp0, $4  }
0xd6: {  	[hbm4b:s5+s2] =	stream.linear.scatter [tilespmem:s28], [sflag:$0x2], $0x8000, $0x38;
	[tilespmem:$0x18100] =	vst v63  }
0xd7: {  	_ =	swait.ge [sflag:s7], $0x8000  }
0xd8: {  	s0 =	sadd.s32 $0x20, s0;
	[sflag:s7] =	ssyncset.done $0x0  }
0xd9: {  	s31 =	sadd.s32 $0x2000, s31;
	s5 =	sadd.s32 $0x1000, s5;
	[sflag:s7] =	ssyncadd.s32 $0xFFFF8000  }
0xda: {  	s30 =	sadd.s32 $0x1, s30;
	s0 =	rddreg [dreg:$0x11]  }
0xdb: {  	p0 =	sne.s32 s30, s0  }
.Ltmp1:
0xdc: {  	_ = 	snop;
	(pc) =	sbr.rel @p0 .LBB2_1-.Ltmp1, $1  }
0xdd: {  	_ =	sdelay $0x3  }
0xde: {  	_ =	sfence.sel $0x180000  }
0xdf: {  	[bflag:$0x0] =	sbarrier.arrive $0xFFFF  }
0xe0: {  	_ =	strace $0x90000050  }
0xe1: {  	s0 =	stileid.u32;
	[bflag:$0x2] =	sbarrier.arrive $0xFFFF  }
0xe2: {  	p0 =	sne.s32 s0, $0x0;
	s0 =	rddreg [dreg:$0x1]  }
0xe3: {  	s0 =	sadd.s32 @!p0 $0x100000, s0  }
0xe4: {  	[sflag:s0] =	ssyncadd.tile.s32 @!p0 $0x1;
	_ =	shalt  }
.Lfunc_end2:
_tile_overlayer_lowered:
.L_overlay_start_2:
0xe5: {  	(tag) =	ssettag $0x2  }
0xe6: {  	s0 =	rddreg [dreg:$0x0];
	s2 =	stileid.u32  }
0xe7: {  	s1 =	rddreg [dreg:$0x1];
	p0 =	sne.s32 s2, $0x0  }
0xe8: {  	s3 =	rddreg [dreg:$0x2];
	[bflag:$0x3] =	sbarrier.arrive $0xFFFF;
	s2 =	simm.s32 @!p0 $0x1C02  }
0xe9: {  	[timem:s3], [sflag:s2] =	dma.local @!p0 [hbm:s0], s1  }
0xea: {  	s0 =	simm.s32 @!p0 $0x2  }
0xeb: {  	_ =	swait.ge @!p0 [sflag:s0], s1  }
0xec: {  	s1 =	ssub.s32 @!p0 $0x0, s1;
	[sflag:s0] =	ssyncset.done @!p0 $0x0  }
0xed: {  	[sflag:s0] =	ssyncadd.s32 @!p0 s1  }
0xee: {  	[bflag:$0x3] =	sbarrier.arrive $0xFFFF  }
0xef: {  	_ =	shalt  }

// kernel: kernel.19.cloned.1.call-start
scs
__scs_entry_jumppad:
0x0: {  	(pc) =	sbr.rel $0x88, $3  }
0x1: {  	(tag) =	ssettag $0x0;
	lr =	simm.s32 $0x1  }
0x2: {  	[smem:$0x3F8D] =	sst lr;
	_ =	strace $0xD0000000  }
0x3: {  	_ = 	snop  }
0x4: {  	_ = 	snop  }
0x5: {  	_ = 	snop  }
0x6: {  	_ = 	snop  }
0x7: {  	_ = 	snop  }
__scs_overlays_trampoline_lowered:
0x8: {  	[smem:$0x3F9C] =	sst s0  }
0x9: {  	[smem:$0x3F9D] =	sst s1  }
0xa: {  	[smem:$0x3F9E] =	sst s2  }
0xb: {  	[smem:$0x3F9F] =	sst s3  }
0xc: {  	[smem:$0x3FA0] =	sst s4  }
0xd: {  	[smem:$0x3FA1] =	sst s5  }
0xe: {  	[smem:$0x3FA2] =	sst s6  }
0xf: {  	[smem:$0x3FA3] =	sst s7  }
0x10: {  	[smem:$0x3FA4] =	sst s8  }
0x11: {  	[smem:$0x3FA5] =	sst s9;
	s0 =	simm.s32 @!p0 $0x0  }
0x12: {  	s1 =	sld [smem:$0x3F8B];
	s0 =	simm.s32 @p0 $0x1  }
0x13: {  	[smem:$0x3FA6] =	sst s0;
	s0 =	simm.s32 @!p1 $0x0  }
0x14: {  	s2 =	sld [smem:$0x3F8A];
	s0 =	simm.s32 @p1 $0x1  }
0x15: {  	[smem:$0x3FA7] =	sst s0;
	s0 =	simm.s32 @!p2 $0x0  }
0x16: {  	s3 =	sld [smem:$0x3FDB];
	s0 =	simm.s32 @p2 $0x1  }
0x17: {  	s4 =	simm.s32 $0x1BF5;
	[smem:$0x3FA9] =	sst s0  }
0x18: {  	s0 =	sld [smem:$0x3F8C];
	_ =	swait.ge [sflag:s4], $0x0  }
0x19: {  	s7 =	sld [smem:$0x3F8D]  }
0x1a: {  	s8 =	sadd.s32 $0xFFFFE003, lr  }
0x1b: {  	s9 =	sadd.s32 $0xFFFFFEF7, lr;
	s5 =	simm.s32 $0xFFFFFFFF;
	p2 =	slt.u32 s8, $0xFFFFF086  }
0x1c: {  	p1 =	slt.u32 s9, $0xF7A;
	s5 =	simm.s32 @!p2 $0x0  }
0x1d: {  	s5 =	simm.s32 @p1 $0x1;
	p0 =	seq.s32 s7, s2  }
0x1e: {  	s7 =	smul.u32 @!p0 $0xF7A, s2;
	p2 =	seq.s32 @!p0 s5, $0x0  }
0x1f: {  	s9 =	smul.u32 $0xF7A, s1;
	s8 =	simm.s32 @!p0 $0x1BF5;
	p2 =	por !p2, p0  }
0x20: {  	[sflag:s8] =	ssyncset.s32 @!p0 $0xFFFFF086;
	s6 =	sadd.s32 @!p0 s3, s7;
	s7 =	simm.s32 @!p0 $0x108  }
0x21: {  	s3 =	sadd.s32 s3, s9;
	s6 =	sadd.s32 @!p0 $0x88, s6;
	s7 =	simm.s32 @p2 $0x1082  }
0x22: {  	[simem:s7], [sflag:s8] =	dma.local @!p0 [hbm:s6], $0xF7A  }
0x23: {  	s9 =	sor.u32 $0xD0000000, s2;
	s6 =	simm.s32 $0x108;
	_ =	swait.ge @!p0 [sflag:s8], $0x0  }
0x24: {  	s3 =	sadd.s32 $0x88, s3;
	s6 =	simm.s32 @!p1 $0x1082;
	[sflag:s4] =	ssyncset.s32 $0xFFFFF086  }
0x25: {  	[simem:s6], [sflag:s4] =	dma.local [hbm:s3], $0xF7A  }
0x26: {  	[smem:$0x3F8D] =	sst s1;
	(tag) =	ssettag s2;
	_ =	strace s9  }
0x27: {  	s1 =	sld [smem:$0x3F9D]  }
0x28: {  	s2 =	sld [smem:$0x3F9E]  }
0x29: {  	s4 =	sld [smem:$0x3FA0]  }
0x2a: {  	p0 =	seq.s32 s5, $0x0;
	s5 =	sld [smem:$0x3FA1]  }
0x2b: {  	s6 =	sld [smem:$0x3FA2]  }
0x2c: {  	s7 =	sld [smem:$0x3FA3]  }
0x2d: {  	s3 =	simm.s32 $0x108;
	s8 =	sld [smem:$0x3FA4]  }
0x2e: {  	s3 =	simm.s32 @!p0 $0x1082;
	s9 =	sld [smem:$0x3FA5]  }
0x2f: {  	lr =	sadd.s32 s0, s3;
	s0 =	sld [smem:$0x3F9C]  }
0x30: {  	s3 =	sld [smem:$0x3F9F]  }
0x31: {  	[smem:$0x3FA8] =	sst s10  }
0x32: {  	s10 =	sld [smem:$0x3FA6];
	_ =	sdelay $0x3  }
0x33: {  	p0 =	seq.s32 s10, $0x1;
	s10 =	sld [smem:$0x3FA8];
	_ =	sdelay $0x3  }
0x34: {  	[smem:$0x3FA8] =	sst s10  }
0x35: {  	s10 =	sld [smem:$0x3FA7];
	_ =	sdelay $0x3  }
0x36: {  	p1 =	seq.s32 s10, $0x1;
	s10 =	sld [smem:$0x3FA8];
	_ =	sdelay $0x3  }
0x37: {  	[smem:$0x3FA8] =	sst s10  }
0x38: {  	s10 =	sld [smem:$0x3FA9]  }
0x39: {  	_ = 	snop;
	(pc) =	sbr.ind lr, $3  }
0x3a: {  	_ = 	snop  }
0x3b: {  	_ = 	snop  }
0x3c: {  	p2 =	seq.s32 s10, $0x1;
	s10 =	sld [smem:$0x3FA8]  }
0x3d: {  	_ =	shalt  }
0x3e: {  	_ =	shalt  }
0x3f: {  	_ =	shalt  }
0x40: {  	_ =	shalt  }
0x41: {  	_ =	shalt  }
0x42: {  	_ =	shalt  }
0x43: {  	_ =	shalt  }
0x44: {  	_ =	shalt  }
0x45: {  	_ =	shalt  }
0x46: {  	_ =	shalt  }
0x47: {  	_ =	shalt  }
0x48: {  	_ =	shalt  }
0x49: {  	_ =	shalt  }
0x4a: {  	_ =	shalt  }
0x4b: {  	_ =	shalt  }
0x4c: {  	_ =	shalt  }
0x4d: {  	_ =	shalt  }
0x4e: {  	_ =	shalt  }
0x4f: {  	_ =	shalt  }
0x50: {  	_ =	shalt  }
0x51: {  	_ =	shalt  }
0x52: {  	_ =	shalt  }
0x53: {  	_ =	shalt  }
0x54: {  	_ =	shalt  }
0x55: {  	_ =	shalt  }
0x56: {  	_ =	shalt  }
0x57: {  	_ =	shalt  }
0x58: {  	_ =	shalt  }
0x59: {  	_ =	shalt  }
0x5a: {  	_ =	shalt  }
0x5b: {  	_ =	shalt  }
0x5c: {  	_ =	shalt  }
0x5d: {  	_ =	shalt  }
0x5e: {  	_ =	shalt  }
0x5f: {  	_ =	shalt  }
0x60: {  	_ =	shalt  }
0x61: {  	_ =	shalt  }
0x62: {  	_ =	shalt  }
0x63: {  	_ =	shalt  }
0x64: {  	_ =	shalt  }
0x65: {  	_ =	shalt  }
0x66: {  	_ =	shalt  }
0x67: {  	_ =	shalt  }
0x68: {  	_ =	shalt  }
0x69: {  	_ =	shalt  }
0x6a: {  	_ =	shalt  }
0x6b: {  	_ =	shalt  }
0x6c: {  	_ =	shalt  }
0x6d: {  	_ =	shalt  }
0x6e: {  	_ =	shalt  }
0x6f: {  	_ =	shalt  }
0x70: {  	_ =	shalt  }
0x71: {  	_ =	shalt  }
0x72: {  	_ =	shalt  }
0x73: {  	_ =	shalt  }
0x74: {  	_ =	shalt  }
0x75: {  	_ =	shalt  }
0x76: {  	_ =	shalt  }
0x77: {  	_ =	shalt  }
0x78: {  	_ =	shalt  }
0x79: {  	_ =	shalt  }
0x7a: {  	_ =	shalt  }
0x7b: {  	_ =	shalt  }
0x7c: {  	_ =	shalt  }
0x7d: {  	_ =	shalt  }
0x7e: {  	_ =	shalt  }
0x7f: {  	_ =	shalt  }
0x80: {  	_ =	shalt  }
0x81: {  	_ =	shalt  }
0x82: {  	_ =	shalt  }
0x83: {  	_ =	shalt  }
0x84: {  	_ =	shalt  }
0x85: {  	_ =	shalt  }
0x86: {  	_ =	shalt  }
0x87: {  	_ =	shalt  }
.Lfunc_end0:
.L_simem_size_0:
called_computation.2_lowered:
.L_overlay_start_0:
0x88: {  	s2 =	sld [smem:$0x3FD9]  }
0x89: {  	s3 =	sld [smem:$0x3FFE];
	_ =	sdelay $0x1  }
0x8a: {  	s1 =	srdreg.scid  }
0x8b: {  	s0 =	sand.u32 $0x1, s1  }
0x8c: {  	s16 =	sshll.u32 s0, $0xA;
	s2 =	sadd.s32 s3, s2  }
0x8d: {  	s2 =	sadd.s32 s2, s16  }
0x8e: {  	[smem:$0x3FB4] =	sst s2  }
0x8f: {  	_ = 	snop  }
0x90: {  	(tm) =	ssettm $0x1  }
0x91: {  	s17 =	sld [smem:$0x3FFB];
	_ =	sdelay $0x3  }
0x92: {  	_ =	strace s17  }
0x93: {  	s2 =	sld [smem:$0x3FFC];
	_ =	sdelay $0x3  }
0x94: {  	_ =	strace s2  }
0x95: {  	s2 =	sld [smem:$0x3FFD];
	_ =	sdelay $0x3  }
0x96: {  	_ =	strace s2  }
0x97: {  	_ =	strace $0x8FFFFFFF  }
0x98: {  	s18 =	sld [smem:$0x3FDB];
	_ =	sdelay $0x1  }
0x99: {  	s19 =	simm.s32 $_scs_section_size  }
0x9a: {  	s4 =	simm.s32 $_size__tile_overlayer_lowered;
	s5 =	simm.s32 $_tile_overlayer_lowered  }
0x9b: {  	s22 =	simm.s32 $0x1BFF;
	s21 =	sshll.u32 s5, $0x1;
	s2 =	sadd.s32 s19, s18  }
0x9c: {  	s6 =	simm.s32 $0x0;
	s20 =	sshll.u32 s4, $0x1;
	s4 =	sadd.s32 s21, s2  }
0x9d: {  	[timem:s6], [sflag:s22] =	dma.local [hbm:s4], s20  }
0x9e: {  	_ =	swait.ge [sflag:s22], s20  }
0x9f: {  	s3 =	ssub.s32 $0x0, s20;
	[sflag:s22] =	ssyncset.done $0x0  }
0xa0: {  	[sflag:s22] =	ssyncadd.s32 s3;
	_ =	sdelay $0x1  }
0xa1: {  	s23 =	simm.s32 $0x1B8B  }
0xa2: {  	_ =	swait.ge [sflag:s23], $0x1  }
0xa3: {  	[sflag:s23] =	ssyncset.done $0x0  }
0xa4: {  	s25 =	simm.s32 $0x1B8E;
	s24 =	sld [smem:$0x3FFE];
	[sflag:s23] =	ssyncadd.s32 $0xFFFFFFFF  }
0xa5: {  	s26 =	simm.s32 $execute0_lowered;
	[smem:$0x3FD2] =	sst s25  }
0xa6: {  	s4 =	sshll.u32 s26, $0x1;
	_ =	strace $0x80000046;
	[dreg:$0x1] =	wrdreg $0xFFFFFFFF  }
0xa7: {  	s28 =	simm.s32 $_size_execute0_lowered;
	s2 =	sadd.s32 s2, s4;
	[dreg:$0x0] =	wrdreg $0x0  }
0xa8: {  	s4 =	sshll.u32 s28, $0x1;
	[dreg:$0x2] =	wrdreg s2  }
0xa9: {  	[dreg:$0x3] =	wrdreg s4  }
0xaa: {  	[dreg:$0x4] =	wrdreg $0xC0  }
0xab: {  	_ =	task [dreg:s6], $0x5FFFF  }
0xac: {  	[dreg:$0x1] =	wrdreg $0xFFFFFFFF  }
0xad: {  	[dreg:$0x0] =	wrdreg $0x60  }
0xae: {  	[dreg:$0x2] =	wrdreg s24  }
0xaf: {  	[dreg:$0x3] =	wrdreg $0xA  }
0xb0: {  	_ =	task.clear_ibuf [dreg:s6], $0x4FFFF;
	_ =	strace $0x90000046  }
0xb1: {  	s29 =	simm.s32 $0xA;
	_ =	strace $0x80000048  }
0xb2: {  	_ =	swait.ge [sflag:s29], $0x1  }
0xb3: {  	[sflag:s29] =	ssyncadd.s32 $0xFFFFFFFF  }
0xb4: {  	_ =	strace $0x90000048  }
0xb5: {  	_ =	sfence  }
0xb6: {  	s30 =	sld [smem:$0x0];
	_ =	sdelay $0x2  }
0xb7: {  	s31 =	sshll.u32 s1, $0xD;
	s1 =	sshrl.u32 s1, $0x2  }
0xb8: {  	s3 =	sand.u32 $0x4000, s31;
	s1 =	sadd.s32 s1, s30  }
0xb9: {  	s0 =	sor.u32 s3, s0;
	s1 =	sshll.u32 s1, $0x11  }
0xba: {  	s0 =	sor.u32 s1, s0  }
0xbb: {  	s0 =	sadd.s32 $0x8F2B, s0  }
0xbc: {  	[sflag:s0] =	ssyncadd.remote.s32 $0x1  }
0xbd: {  	_ =	sfence.sel $0xFFFF  }
0xbe: {  	[dreg:$0x0] =	wrdreg $0xFFFFFFFF;
	(pc) =	sbr.abs _section_cstart, $3  }
0xbf: {  	[dreg:$0x1] =	wrdreg $0xFFFFFFFF  }
0xc0: {  	_ =	task.clear_ibuf [dreg:s6], $0x2FFFF;
	_ =	strace $0x9FFFFFFF  }
0xc1: {  	(tm) =	ssettm $0x7FFFFFFF  }
tec
execute0_lowered:
.L_overlay_start_1:
0x0: {  	(tag) =	ssettag $0x1  }
0x1: {  	s4 =	rddreg [dreg:$0x0]  }
0x2: {  	s0 =	rddreg [dreg:$0x1];
	s2 =	simm.s32 $0x0;
	s1 =	stileid.u32  }
0x3: {  	s3 =	srdreg.scid;
	s10 =	simm.s32 $0x0;
	s6 =	smul.u32 $0x1400, s1  }
0x4: {  	[smem:$0x7FF] =	sst s2;
	s5 =	sand.u32 $0x1, s3;
	s8 =	smul.u32 $0x14000, s1  }
0x5: {  	s3 =	sadd.s32 $0x6E00, s4;
	s7 =	smul.u32 $0xA00, s5;
	s9 =	ssub.s32 $0x2, s5  }
0x6: {  	_ =	strace $0x80000047;
	s5 =	smul.u32 $0xA000, s5;
	s31 =	sshrl.u32 s9, $0x1  }
0x7: {  	s8 =	sadd.s32 s8, s4;
	s6 =	sadd.s32 s7, s6;
	s7 =	ssub.s32 s9, s31  }
0x8: {  	s5 =	sadd.s32 s5, s8;
	s8 =	simm.s32 $0x100;
	s6 =	sshrl.u32 s6, $0x3  }
0x9: {  	s9 =	simm.s32 $0x1;
	s5 =	sadd.s32 $0x9600, s5;
	s6 =	sadd.s32 s6, s4  }
0xa: {  	s4 =	smax.u32 s7, $0x1;
	s7 =	simm.s32 $0x2;
	s6 =	sadd.s32 $0x4600, s6  }
.LBB2_1:
0xb: {  	s11 =	sadd.s32 $0x0, s6  }
0xc: {  	[tilespmem:s2], [sflag:$0x2] =	stream.linear.gather [hbm4b:s11+s2], $0x100, $0x38;
	[tilespmem:$0x8100] =	vst v63  }
0xd: {  	_ =	swait.ge [sflag:s7], $0x100  }
0xe: {  	[sflag:s7] =	ssyncset.done $0x0  }
0xf: {  	[sflag:s7] =	ssyncadd.s32 $0xFFFFFF00  }
0x10: {  	[tilespmem:s8], [sflag:$0x1] =	stream.indirect.gather [hbm4b:s3+s8], $0x80, s2, s8, $0xb8;
	[tilespmem:$0x8100] =	vst v63  }
0x11: {  	_ =	swait.ge [sflag:s9], $0x8000  }
0x12: {  	[sflag:s9] =	ssyncset.done $0x0  }
0x13: {  	[sflag:s9] =	ssyncadd.s32 $0xFFFF8000  }
0x14: {  	[hbm4b:s5+s2] =	stream.linear.scatter [tilespmem:s8], [sflag:$0x2], $0x8000, $0x38;
	[tilespmem:$0x8100] =	vst v63  }
0x15: {  	s12 =	simm.s32 $0x20;
	_ =	swait.ge [sflag:s7], $0x8000  }
0x16: {  	s13 =	simm.s32 $0x40;
	s11 =	sadd.s32 $0x1000, s5;
	[sflag:s7] =	ssyncset.done $0x0  }
.LBB2_2:
0x17: {  	s14 =	sadd.s32 s12, s6  }
0x18: {  	[sflag:s7] =	ssyncadd.s32 $0xFFFF8000;
	s12 =	smov.u32 s13;
	s15 =	sadd.s32 $0x20, s13  }
0x19: {  	[tilespmem:s2], [sflag:$0x2] =	stream.linear.gather [hbm4b:s14+s2], $0x100, $0x38;
	[tilespmem:$0x8100] =	vst v63  }
0x1a: {  	p0 =	sne.s32 s13, $0x120;
	_ =	swait.ge [sflag:s7], $0x100  }
0x1b: {  	[sflag:s7] =	ssyncset.done $0x0  }
0x1c: {  	[sflag:s7] =	ssyncadd.s32 $0xFFFFFF00  }
0x1d: {  	[tilespmem:s8], [sflag:$0x1] =	stream.indirect.gather [hbm4b:s3+s8], $0x80, s2, s8, $0xb8;
	[tilespmem:$0x8100] =	vst v63  }
0x1e: {  	_ =	swait.ge [sflag:s9], $0x8000  }
.Ltmp0:
0x1f: {  	[sflag:s9] =	ssyncset.done $0x0;
	(pc) =	sbr.rel @p0 .LBB2_2-.Ltmp0, $4  }
0x20: {  	[sflag:s9] =	ssyncadd.s32 $0xFFFF8000  }
0x21: {  	[hbm4b:s11+s2] =	stream.linear.scatter [tilespmem:s8], [sflag:$0x2], $0x8000, $0x38;
	[tilespmem:$0x8100] =	vst v63  }
0x22: {  	_ =	swait.ge [sflag:s7], $0x8000  }
0x23: {  	s13 =	smov.u32 s15;
	s11 =	sadd.s32 $0x1000, s11;
	[sflag:s7] =	ssyncset.done $0x0  }
0x24: {  	s12 =	sadd.s32 s12, s6;
	[sflag:s7] =	ssyncadd.s32 $0xFFFF8000  }
0x25: {  	[tilespmem:s2], [sflag:$0x2] =	stream.linear.gather [hbm4b:s12+s2], $0x100, $0x38;
	[tilespmem:$0x8100] =	vst v63  }
0x26: {  	_ =	swait.ge [sflag:s7], $0x100  }
0x27: {  	[sflag:s7] =	ssyncset.done $0x0  }
0x28: {  	[sflag:s7] =	ssyncadd.s32 $0xFFFFFF00  }
0x29: {  	[tilespmem:s8], [sflag:$0x1] =	stream.indirect.gather [hbm4b:s3+s8], $0x80, s2, s8, $0xb8;
	[tilespmem:$0x8100] =	vst v63  }
0x2a: {  	s10 =	sadd.s32 $0x1, s10;
	_ =	swait.ge [sflag:s9], $0x8000  }
0x2b: {  	p0 =	sne.s32 s10, s4;
	[sflag:s9] =	ssyncset.done $0x0  }
.Ltmp1:
0x2c: {  	[sflag:s9] =	ssyncadd.s32 $0xFFFF8000;
	(pc) =	sbr.rel @p0 .LBB2_1-.Ltmp1, $4  }
0x2d: {  	[hbm4b:s11+s2] =	stream.linear.scatter [tilespmem:s8], [sflag:$0x2], $0x8000, $0x38;
	[tilespmem:$0x8100] =	vst v63  }
0x2e: {  	_ =	swait.ge [sflag:s7], $0x8000  }
0x2f: {  	[sflag:s7] =	ssyncset.done $0x0  }
0x30: {  	[sflag:s7] =	ssyncadd.s32 $0xFFFF8000  }
0x31: {  	_ =	sfence.sel $0x180000  }
0x32: {  	[bflag:$0x0] =	sbarrier.arrive $0xFFFF  }
0x33: {  	p0 =	sne.s32 s1, $0x0;
	_ =	strace $0x90000047  }
0x34: {  	s0 =	sadd.s32 @!p0 $0x100000, s0;
	[bflag:$0x2] =	sbarrier.arrive $0xFFFF  }
0x35: {  	[sflag:s0] =	ssyncadd.tile.s32 @!p0 $0x1;
	_ =	shalt  }
.Lfunc_end2:
_tile_overlayer_lowered:
.L_overlay_start_2:
0x36: {  	(tag) =	ssettag $0x2  }
0x37: {  	s0 =	rddreg [dreg:$0x0];
	s2 =	stileid.u32  }
0x38: {  	s1 =	rddreg [dreg:$0x1];
	p0 =	sne.s32 s2, $0x0  }
0x39: {  	s3 =	rddreg [dreg:$0x2];
	[bflag:$0x3] =	sbarrier.arrive $0xFFFF;
	s2 =	simm.s32 @!p0 $0x1C02  }
0x3a: {  	[timem:s3], [sflag:s2] =	dma.local @!p0 [hbm:s0], s1  }
0x3b: {  	s0 =	simm.s32 @!p0 $0x2  }
0x3c: {  	_ =	swait.ge @!p0 [sflag:s0], s1  }
0x3d: {  	s1 =	ssub.s32 @!p0 $0x0, s1;
	[sflag:s0] =	ssyncset.done @!p0 $0x0  }
0x3e: {  	[sflag:s0] =	ssyncadd.s32 @!p0 s1  }
0x3f: {  	[bflag:$0x3] =	sbarrier.arrive $0xFFFF  }
0x40: {  	_ =	shalt  }

// kernel: kernel.22.cloned.1.call-start
scs
__scs_entry_jumppad:
0x0: {  	(pc) =	sbr.rel $0x88, $3  }
0x1: {  	(tag) =	ssettag $0x0;
	lr =	simm.s32 $0x1  }
0x2: {  	[smem:$0x3F8D] =	sst lr;
	_ =	strace $0xD0000000  }
0x3: {  	_ = 	snop  }
0x4: {  	_ = 	snop  }
0x5: {  	_ = 	snop  }
0x6: {  	_ = 	snop  }
0x7: {  	_ = 	snop  }
__scs_overlays_trampoline_lowered:
0x8: {  	[smem:$0x3F9C] =	sst s0  }
0x9: {  	[smem:$0x3F9D] =	sst s1  }
0xa: {  	[smem:$0x3F9E] =	sst s2  }
0xb: {  	[smem:$0x3F9F] =	sst s3  }
0xc: {  	[smem:$0x3FA0] =	sst s4  }
0xd: {  	[smem:$0x3FA1] =	sst s5  }
0xe: {  	[smem:$0x3FA2] =	sst s6  }
0xf: {  	[smem:$0x3FA3] =	sst s7  }
0x10: {  	[smem:$0x3FA4] =	sst s8  }
0x11: {  	[smem:$0x3FA5] =	sst s9;
	s0 =	simm.s32 @!p0 $0x0  }
0x12: {  	s1 =	sld [smem:$0x3F8B];
	s0 =	simm.s32 @p0 $0x1  }
0x13: {  	[smem:$0x3FA6] =	sst s0;
	s0 =	simm.s32 @!p1 $0x0  }
0x14: {  	s2 =	sld [smem:$0x3F8A];
	s0 =	simm.s32 @p1 $0x1  }
0x15: {  	[smem:$0x3FA7] =	sst s0;
	s0 =	simm.s32 @!p2 $0x0  }
0x16: {  	s3 =	sld [smem:$0x3FDB];
	s0 =	simm.s32 @p2 $0x1  }
0x17: {  	s4 =	simm.s32 $0x1BF5;
	[smem:$0x3FA9] =	sst s0  }
0x18: {  	s0 =	sld [smem:$0x3F8C];
	_ =	swait.ge [sflag:s4], $0x0  }
0x19: {  	s7 =	sld [smem:$0x3F8D]  }
0x1a: {  	s8 =	sadd.s32 $0xFFFFE003, lr  }
0x1b: {  	s9 =	sadd.s32 $0xFFFFFEF7, lr;
	s5 =	simm.s32 $0xFFFFFFFF;
	p2 =	slt.u32 s8, $0xFFFFF086  }
0x1c: {  	p1 =	slt.u32 s9, $0xF7A;
	s5 =	simm.s32 @!p2 $0x0  }
0x1d: {  	s5 =	simm.s32 @p1 $0x1;
	p0 =	seq.s32 s7, s2  }
0x1e: {  	s7 =	smul.u32 @!p0 $0xF7A, s2;
	p2 =	seq.s32 @!p0 s5, $0x0  }
0x1f: {  	s9 =	smul.u32 $0xF7A, s1;
	s8 =	simm.s32 @!p0 $0x1BF5;
	p2 =	por !p2, p0  }
0x20: {  	[sflag:s8] =	ssyncset.s32 @!p0 $0xFFFFF086;
	s6 =	sadd.s32 @!p0 s3, s7;
	s7 =	simm.s32 @!p0 $0x108  }
0x21: {  	s3 =	sadd.s32 s3, s9;
	s6 =	sadd.s32 @!p0 $0x88, s6;
	s7 =	simm.s32 @p2 $0x1082  }
0x22: {  	[simem:s7], [sflag:s8] =	dma.local @!p0 [hbm:s6], $0xF7A  }
0x23: {  	s9 =	sor.u32 $0xD0000000, s2;
	s6 =	simm.s32 $0x108;
	_ =	swait.ge @!p0 [sflag:s8], $0x0  }
0x24: {  	s3 =	sadd.s32 $0x88, s3;
	s6 =	simm.s32 @!p1 $0x1082;
	[sflag:s4] =	ssyncset.s32 $0xFFFFF086  }
0x25: {  	[simem:s6], [sflag:s4] =	dma.local [hbm:s3], $0xF7A  }
0x26: {  	[smem:$0x3F8D] =	sst s1;
	(tag) =	ssettag s2;
	_ =	strace s9  }
0x27: {  	s1 =	sld [smem:$0x3F9D]  }
0x28: {  	s2 =	sld [smem:$0x3F9E]  }
0x29: {  	s4 =	sld [smem:$0x3FA0]  }
0x2a: {  	p0 =	seq.s32 s5, $0x0;
	s5 =	sld [smem:$0x3FA1]  }
0x2b: {  	s6 =	sld [smem:$0x3FA2]  }
0x2c: {  	s7 =	sld [smem:$0x3FA3]  }
0x2d: {  	s3 =	simm.s32 $0x108;
	s8 =	sld [smem:$0x3FA4]  }
0x2e: {  	s3 =	simm.s32 @!p0 $0x1082;
	s9 =	sld [smem:$0x3FA5]  }
0x2f: {  	lr =	sadd.s32 s0, s3;
	s0 =	sld [smem:$0x3F9C]  }
0x30: {  	s3 =	sld [smem:$0x3F9F]  }
0x31: {  	[smem:$0x3FA8] =	sst s10  }
0x32: {  	s10 =	sld [smem:$0x3FA6];
	_ =	sdelay $0x3  }
0x33: {  	p0 =	seq.s32 s10, $0x1;
	s10 =	sld [smem:$0x3FA8];
	_ =	sdelay $0x3  }
0x34: {  	[smem:$0x3FA8] =	sst s10  }
0x35: {  	s10 =	sld [smem:$0x3FA7];
	_ =	sdelay $0x3  }
0x36: {  	p1 =	seq.s32 s10, $0x1;
	s10 =	sld [smem:$0x3FA8];
	_ =	sdelay $0x3  }
0x37: {  	[smem:$0x3FA8] =	sst s10  }
0x38: {  	s10 =	sld [smem:$0x3FA9]  }
0x39: {  	_ = 	snop;
	(pc) =	sbr.ind lr, $3  }
0x3a: {  	_ = 	snop  }
0x3b: {  	_ = 	snop  }
0x3c: {  	p2 =	seq.s32 s10, $0x1;
	s10 =	sld [smem:$0x3FA8]  }
0x3d: {  	_ =	shalt  }
0x3e: {  	_ =	shalt  }
0x3f: {  	_ =	shalt  }
0x40: {  	_ =	shalt  }
0x41: {  	_ =	shalt  }
0x42: {  	_ =	shalt  }
0x43: {  	_ =	shalt  }
0x44: {  	_ =	shalt  }
0x45: {  	_ =	shalt  }
0x46: {  	_ =	shalt  }
0x47: {  	_ =	shalt  }
0x48: {  	_ =	shalt  }
0x49: {  	_ =	shalt  }
0x4a: {  	_ =	shalt  }
0x4b: {  	_ =	shalt  }
0x4c: {  	_ =	shalt  }
0x4d: {  	_ =	shalt  }
0x4e: {  	_ =	shalt  }
0x4f: {  	_ =	shalt  }
0x50: {  	_ =	shalt  }
0x51: {  	_ =	shalt  }
0x52: {  	_ =	shalt  }
0x53: {  	_ =	shalt  }
0x54: {  	_ =	shalt  }
0x55: {  	_ =	shalt  }
0x56: {  	_ =	shalt  }
0x57: {  	_ =	shalt  }
0x58: {  	_ =	shalt  }
0x59: {  	_ =	shalt  }
0x5a: {  	_ =	shalt  }
0x5b: {  	_ =	shalt  }
0x5c: {  	_ =	shalt  }
0x5d: {  	_ =	shalt  }
0x5e: {  	_ =	shalt  }
0x5f: {  	_ =	shalt  }
0x60: {  	_ =	shalt  }
0x61: {  	_ =	shalt  }
0x62: {  	_ =	shalt  }
0x63: {  	_ =	shalt  }
0x64: {  	_ =	shalt  }
0x65: {  	_ =	shalt  }
0x66: {  	_ =	shalt  }
0x67: {  	_ =	shalt  }
0x68: {  	_ =	shalt  }
0x69: {  	_ =	shalt  }
0x6a: {  	_ =	shalt  }
0x6b: {  	_ =	shalt  }
0x6c: {  	_ =	shalt  }
0x6d: {  	_ =	shalt  }
0x6e: {  	_ =	shalt  }
0x6f: {  	_ =	shalt  }
0x70: {  	_ =	shalt  }
0x71: {  	_ =	shalt  }
0x72: {  	_ =	shalt  }
0x73: {  	_ =	shalt  }
0x74: {  	_ =	shalt  }
0x75: {  	_ =	shalt  }
0x76: {  	_ =	shalt  }
0x77: {  	_ =	shalt  }
0x78: {  	_ =	shalt  }
0x79: {  	_ =	shalt  }
0x7a: {  	_ =	shalt  }
0x7b: {  	_ =	shalt  }
0x7c: {  	_ =	shalt  }
0x7d: {  	_ =	shalt  }
0x7e: {  	_ =	shalt  }
0x7f: {  	_ =	shalt  }
0x80: {  	_ =	shalt  }
0x81: {  	_ =	shalt  }
0x82: {  	_ =	shalt  }
0x83: {  	_ =	shalt  }
0x84: {  	_ =	shalt  }
0x85: {  	_ =	shalt  }
0x86: {  	_ =	shalt  }
0x87: {  	_ =	shalt  }
.Lfunc_end0:
.L_simem_size_0:
called_computation.3_lowered:
.L_overlay_start_0:
0x88: {  	s2 =	sld [smem:$0x3FD9]  }
0x89: {  	s3 =	sld [smem:$0x3FFE];
	_ =	sdelay $0x1  }
0x8a: {  	s1 =	srdreg.scid  }
0x8b: {  	s0 =	sand.u32 $0x1, s1  }
0x8c: {  	s17 =	sshll.u32 s0, $0xA;
	s2 =	sadd.s32 s3, s2  }
0x8d: {  	s2 =	sadd.s32 s2, s17  }
0x8e: {  	[smem:$0x3FB4] =	sst s2  }
0x8f: {  	_ = 	snop  }
0x90: {  	s18 =	sld [smem:$0x3FD0];
	(tm) =	ssettm $0x1  }
0x91: {  	s19 =	sld [smem:$0x3FFB];
	_ =	sdelay $0x3  }
0x92: {  	_ =	strace s19  }
0x93: {  	s2 =	sld [smem:$0x3FFC];
	_ =	sdelay $0x3  }
0x94: {  	_ =	strace s2  }
0x95: {  	s2 =	sld [smem:$0x3FFD];
	_ =	sdelay $0x3  }
0x96: {  	_ =	strace s2  }
0x97: {  	_ =	strace $0x8FFFFFFF  }
0x98: {  	s20 =	sld [smem:$0x3FDB];
	_ =	sdelay $0x1  }
0x99: {  	s4 =	simm.s32 $_scs_section_size  }
0x9a: {  	s5 =	simm.s32 $_size__tile_overlayer_lowered;
	s6 =	simm.s32 $_tile_overlayer_lowered  }
0x9b: {  	s7 =	simm.s32 $0x1BFF;
	s21 =	sshll.u32 s6, $0x1;
	s4 =	sadd.s32 s4, s20  }
0x9c: {  	s22 =	simm.s32 $0x0;
	s5 =	sshll.u32 s5, $0x1;
	s6 =	sadd.s32 s21, s4  }
0x9d: {  	[timem:s22], [sflag:s7] =	dma.local [hbm:s6], s5  }
0x9e: {  	_ =	swait.ge [sflag:s7], s5  }
0x9f: {  	s5 =	ssub.s32 $0x0, s5;
	[sflag:s7] =	ssyncset.done $0x0  }
0xa0: {  	[sflag:s7] =	ssyncadd.s32 s5;
	_ =	sdelay $0x1  }
0xa1: {  	s23 =	simm.s32 $0x1B8B  }
0xa2: {  	_ =	swait.ge [sflag:s23], $0x1  }
0xa3: {  	[sflag:s23] =	ssyncset.done $0x0  }
0xa4: {  	[sflag:s23] =	ssyncadd.s32 $0xFFFFFFFF  }
0xa5: {  	s5 =	sld [smem:$0x0]  }
0xa6: {  	s6 =	sand.u32 $0xFFFFFFFE, s1  }
0xa7: {  	p0 =	sne.s32 s1, s6  }
0xa8: {  	s6 =	sshll.u32 @p0 s6, $0xE  }
0xa9: {  	s6 =	sadd.s32 @p0 $0x11B8D, s6;
	s7 =	sshll.u32 @p0 s5, $0x11  }
0xaa: {  	s6 =	sor.u32 @p0 s7, s6  }
0xab: {  	[sflag:s6] =	ssyncadd.remote.s32 @p0 $0x1;
	_ =	sdelay $0x1  }
0xac: {  	s6 =	simm.s32 @p0 $0x1B8D  }
0xad: {  	_ =	swait.eq @p0 [sflag:s6], $0x1  }
0xae: {  	[sflag:s6] =	ssyncadd.s32 @p0 $0xFFFFFFFF  }
0xaf: {  	s7 =	sshll.u32 @!p0 s1, $0xE  }
0xb0: {  	s7 =	sor.u32 @!p0 $0x4000, s7;
	s6 =	simm.s32 @!p0 $0x1B8D  }
0xb1: {  	s5 =	sshll.u32 @!p0 s5, $0x11;
	s7 =	sadd.s32 @!p0 $0x11B8D, s7;
	_ =	swait.eq @!p0 [sflag:s6], $0x1  }
0xb2: {  	s5 =	sor.u32 @!p0 s5, s7;
	[sflag:s6] =	ssyncadd.s32 @!p0 $0xFFFFFFFF  }
0xb3: {  	s25 =	simm.s32 $0x1B8E;
	s24 =	sld [smem:$0x3FFE];
	[sflag:s5] =	ssyncadd.remote.s32 @!p0 $0x1  }
0xb4: {  	s26 =	simm.s32 $execute0_lowered;
	[smem:$0x3FD2] =	sst s25  }
0xb5: {  	s6 =	sshll.u32 s26, $0x1;
	_ =	strace $0x8000004C;
	[dreg:$0x1] =	wrdreg $0xFFFFFFFF  }
0xb6: {  	s28 =	simm.s32 $_size_execute0_lowered;
	s4 =	sadd.s32 s4, s6;
	[dreg:$0x0] =	wrdreg $0x0  }
0xb7: {  	s6 =	sshll.u32 s28, $0x1;
	[dreg:$0x2] =	wrdreg s4  }
0xb8: {  	[dreg:$0x3] =	wrdreg s6  }
0xb9: {  	[dreg:$0x4] =	wrdreg $0xC0  }
0xba: {  	_ =	task [dreg:s22], $0x5FFFF  }
0xbb: {  	[dreg:$0x1] =	wrdreg $0xFFFFFFFF  }
0xbc: {  	[dreg:$0x0] =	wrdreg $0x60  }
0xbd: {  	[dreg:$0x2] =	wrdreg s24  }
0xbe: {  	[dreg:$0x3] =	wrdreg s18  }
0xbf: {  	[dreg:$0x4] =	wrdreg $0xA  }
0xc0: {  	_ =	task.clear_ibuf [dreg:s22], $0x5FFFF;
	_ =	strace $0x9000004C  }
0xc1: {  	s29 =	simm.s32 $0xA;
	_ =	strace $0x8000004E  }
0xc2: {  	_ =	swait.ge [sflag:s29], $0x1  }
0xc3: {  	[sflag:s29] =	ssyncadd.s32 $0xFFFFFFFF  }
0xc4: {  	_ =	strace $0x9000004E  }
0xc5: {  	_ =	sfence  }
0xc6: {  	s30 =	sld [smem:$0x0];
	_ =	sdelay $0x2  }
0xc7: {  	s31 =	sshll.u32 s1, $0xD;
	s1 =	sshrl.u32 s1, $0x2  }
0xc8: {  	s4 =	sand.u32 $0x4000, s31;
	s1 =	sadd.s32 s1, s30  }
0xc9: {  	s0 =	sor.u32 s4, s0;
	s1 =	sshll.u32 s1, $0x11  }
0xca: {  	s0 =	sor.u32 s1, s0  }
0xcb: {  	s0 =	sadd.s32 $0x8F2B, s0  }
0xcc: {  	[sflag:s0] =	ssyncadd.remote.s32 $0x1  }
0xcd: {  	_ =	sfence.sel $0xFFFF  }
0xce: {  	[dreg:$0x0] =	wrdreg $0xFFFFFFFF;
	(pc) =	sbr.abs _section_cstart, $3  }
0xcf: {  	[dreg:$0x1] =	wrdreg $0xFFFFFFFF  }
0xd0: {  	_ =	task.clear_ibuf [dreg:s22], $0x2FFFF;
	_ =	strace $0x9FFFFFFF  }
0xd1: {  	(tm) =	ssettm $0x7FFFFFFF  }
tec
execute0_lowered:
.L_overlay_start_1:
0x0: {  	(tag) =	ssettag $0x1  }
0x1: {  	s0 =	rddreg [dreg:$0x0]  }
0x2: {  	s7 =	stileid.u32;
	s4 =	rddreg [dreg:$0x1];
	s2 =	simm.s32 $0x0  }
0x3: {  	s1 =	srdreg.scid;
	[smem:$0x7FF] =	sst s2;
	s6 =	sadd.s32 $0x2EFE00, s0  }
0x4: {  	s10 =	simm.s32 $0x900;
	_ =	strace $0x8000004D;
	[dreg:$0x3] =	wrdreg s6  }
0x5: {  	s11 =	simm.s32 $0x1100;
	s12 =	simm.s32 $0x1900;
	[dreg:$0x5] =	wrdreg s10  }
0x6: {  	s14 =	simm.s32 $0x2100;
	s16 =	simm.s32 $0x2900;
	[dreg:$0x6] =	wrdreg s11  }
0x7: {  	s17 =	simm.s32 $0x3100;
	s20 =	simm.s32 $0x4100;
	[dreg:$0x7] =	wrdreg s12  }
0x8: {  	s21 =	simm.s32 $0x4900;
	s23 =	simm.s32 $0x5100;
	[dreg:$0x8] =	wrdreg s14  }
0x9: {  	s24 =	simm.s32 $0x5900;
	s26 =	simm.s32 $0x6100;
	[dreg:$0x9] =	wrdreg s16  }
0xa: {  	s31 =	simm.s32 $0x6900;
	s28 =	simm.s32 $0x10100;
	[dreg:$0xa] =	wrdreg s17  }
0xb: {  	s29 =	simm.s32 $0x1;
	s3 =	smul.u32 $0x1400, s7;
	[dreg:$0xc] =	wrdreg s20  }
0xc: {  	s30 =	simm.s32 $0x0;
	s8 =	smul.u32 $0x28000, s7;
	[dreg:$0xd] =	wrdreg s21  }
0xd: {  	s1 =	sand.u32 $0x1, s1;
	s9 =	smul.u32 $0x14000, s7;
	[dreg:$0xe] =	wrdreg s23  }
0xe: {  	s7 =	simm.s32 $0x2;
	s5 =	smul.u32 $0xA00, s1;
	[dreg:$0xf] =	wrdreg s24  }
0xf: {  	s13 =	ssub.s32 $0x2, s1;
	s18 =	smul.u32 $0xA000, s1;
	[dreg:$0x10] =	wrdreg s26  }
0x10: {  	s22 =	smul.u32 $0x14000, s1;
	[dreg:$0x11] =	wrdreg s31;
	s10 =	simm.s32 $0x7900  }
0x11: {  	s11 =	simm.s32 $0x8100;
	s12 =	simm.s32 $0x8900;
	s14 =	simm.s32 $0x9900  }
0x12: {  	s16 =	simm.s32 $0xA900;
	s17 =	simm.s32 $0xB100;
	s20 =	simm.s32 $0xC900  }
0x13: {  	s21 =	simm.s32 $0xD100;
	s23 =	simm.s32 $0xE100;
	s24 =	simm.s32 $0xE900  }
0x14: {  	s26 =	simm.s32 $0xF900;
	s6 =	sadd.s32 s8, s0;
	s15 =	sshrl.u32 s13, $0x1  }
0x15: {  	s8 =	simm.s32 $0x3900;
	s5 =	sadd.s32 s5, s3;
	s3 =	sadd.s32 $0x29FE00, s0  }
0x16: {  	s0 =	sadd.s32 s9, s0;
	[dreg:$0xb] =	wrdreg s8;
	s25 =	sadd.s32 s22, s6  }
0x17: {  	s8 =	simm.s32 $0x100;
	s9 =	simm.s32 $0x7100;
	s22 =	simm.s32 $0xD900  }
0x18: {  	s5 =	sshrl.u32 s5, $0x3;
	s0 =	sadd.s32 s18, s0;
	s6 =	sadd.s32 $0x33FE00, s25  }
0x19: {  	s18 =	simm.s32 $0xB900;
	s25 =	simm.s32 $0xF100;
	s4 =	sadd.s32 s5, s4  }
0x1a: {  	v2 =	vlaneseq.u32;
	s5 =	ssub.s32 s13, s15;
	s0 =	sadd.s32 $0x9600, s0;
	[dreg:$0x4] =	wrdreg s4  }
0x1b: {  	vm0 =	vmmov $0xffff;
	v1 =	vshrl.u32 v2, $0x3;
	s13 =	simm.s32 $0x9100;
	s19 =	smax.u32 s5, $0x1;
	[dreg:$0x13] =	wrdreg s0  }
0x1c: {  	v0 =	vand.u32 $0x7, v2;
	v2 =	vor.u32 $0x8, v2;
	v1 =	vmul.u32 $0x8, v1;
	s15 =	simm.s32 $0xA100;
	[dreg:$0x12] =	wrdreg s19;
	s19 =	simm.s32 $0xC100  }
.LBB2_1:
0x1d: {  	s31 =	smov.u32 s6;
	s5 =	rddreg [dreg:$0x13];
	s0 =	simm.s32 $0x0  }
.LBB2_2:
0x1e: {  	s4 =	rddreg [dreg:$0x4]  }
0x1f: {  	s4 =	sadd.s32 s0, s4  }
0x20: {  	[tilespmem:s2], [sflag:$0x2] =	stream.linear.gather [hbm4b:s4+s2], $0x100, $0x38;
	[tilespmem:$0x18100] =	vst v63  }
0x21: {  	_ =	swait.ge [sflag:s7], $0x100  }
0x22: {  	[sflag:s7] =	ssyncset.done $0x0  }
0x23: {  	[sflag:s7] =	ssyncadd.s32 $0xFFFFFF00  }
0x24: {  	v3 =	vld [tilespmem:$0x0];
	_ =	sdelay $0x4  }
0x25: {  	v4 =	vshll.u32 v3, $0x1  }
0x26: {  	v3 =	vand.u32 $0x7, v3;
	v4 =	vand.u32 $0xFFFFFFF0, v4  }
0x27: {  	v3 =	vor.u32 v3, v4  }
0x28: {  	v4 =	vperm.xlane v3, v0;
	_ =	sdelay $0x1  }
0x29: {  	v3 =	vperm.xlane v3, v2;
	v4 =	vadd.s32 v1, v4;
	_ =	sdelay $0x1  }
0x2a: {  	v3 =	vadd.s32 v1, v3;
	_ =	sdelay $0x2  }
0x2b: {  	[tilespmem:s8], [sflag:$0x1] =	stream.indirect_vreg.gather [hbm4b:s3+s2], $0x80, v4, vm0, $0xb8;
	[tilespmem:$0x18100] =	vst v63  }
0x2c: {  	s1 =	rddreg [dreg:$0x5]  }
0x2d: {  	[tilespmem:s1], [sflag:$0x1] =	stream.indirect_vreg.gather [hbm4b:s3+s2], $0x80, v3, vm0, $0xb8;
	[tilespmem:$0x18100] =	vst v63  }
0x2e: {  	v3 =	vld [tilespmem:$0x10];
	_ =	sdelay $0x4  }
0x2f: {  	v49 =	vshll.u32 v3, $0x1  }
0x30: {  	v3 =	vand.u32 $0x7, v3;
	v4 =	vand.u32 $0xFFFFFFF0, v49  }
0x31: {  	v3 =	vor.u32 v3, v4  }
0x32: {  	v4 =	vperm.xlane v3, v0;
	_ =	sdelay $0x1  }
0x33: {  	v3 =	vperm.xlane v3, v2;
	v4 =	vadd.s32 v1, v4;
	_ =	sdelay $0x1  }
0x34: {  	v3 =	vadd.s32 v1, v3;
	_ =	sdelay $0x1  }
0x35: {  	s4 =	rddreg [dreg:$0x6]  }
0x36: {  	[tilespmem:s4], [sflag:$0x1] =	stream.indirect_vreg.gather [hbm4b:s3+s2], $0x80, v4, vm0, $0xb8;
	[tilespmem:$0x18100] =	vst v63  }
0x37: {  	s1 =	rddreg [dreg:$0x7]  }
0x38: {  	[tilespmem:s1], [sflag:$0x1] =	stream.indirect_vreg.gather [hbm4b:s3+s2], $0x80, v3, vm0, $0xb8;
	[tilespmem:$0x18100] =	vst v63  }
0x39: {  	v3 =	vld [tilespmem:$0x20];
	_ =	sdelay $0x4  }
0x3a: {  	v50 =	vshll.u32 v3, $0x1  }
0x3b: {  	v3 =	vand.u32 $0x7, v3;
	v4 =	vand.u32 $0xFFFFFFF0, v50  }
0x3c: {  	v3 =	vor.u32 v3, v4  }
0x3d: {  	v4 =	vperm.xlane v3, v0;
	_ =	sdelay $0x1  }
0x3e: {  	v3 =	vperm.xlane v3, v2;
	v4 =	vadd.s32 v1, v4;
	_ =	sdelay $0x1  }
0x3f: {  	v3 =	vadd.s32 v1, v3;
	_ =	sdelay $0x1  }
0x40: {  	s1 =	rddreg [dreg:$0x8]  }
0x41: {  	[tilespmem:s1], [sflag:$0x1] =	stream.indirect_vreg.gather [hbm4b:s3+s2], $0x80, v4, vm0, $0xb8;
	[tilespmem:$0x18100] =	vst v63  }
0x42: {  	s4 =	rddreg [dreg:$0x9]  }
0x43: {  	[tilespmem:s4], [sflag:$0x1] =	stream.indirect_vreg.gather [hbm4b:s3+s2], $0x80, v3, vm0, $0xb8;
	[tilespmem:$0x18100] =	vst v63  }
0x44: {  	v3 =	vld [tilespmem:$0x30];
	_ =	sdelay $0x4  }
0x45: {  	v51 =	vshll.u32 v3, $0x1  }
0x46: {  	v3 =	vand.u32 $0x7, v3;
	v4 =	vand.u32 $0xFFFFFFF0, v51  }
0x47: {  	v3 =	vor.u32 v3, v4  }
0x48: {  	v4 =	vperm.xlane v3, v0;
	_ =	sdelay $0x1  }
0x49: {  	v3 =	vperm.xlane v3, v2;
	v4 =	vadd.s32 v1, v4;
	_ =	sdelay $0x1  }
0x4a: {  	v3 =	vadd.s32 v1, v3;
	_ =	sdelay $0x1  }
0x4b: {  	s1 =	rddreg [dreg:$0xa]  }
0x4c: {  	[tilespmem:s1], [sflag:$0x1] =	stream.indirect_vreg.gather [hbm4b:s3+s2], $0x80, v4, vm0, $0xb8;
	[tilespmem:$0x18100] =	vst v63  }
0x4d: {  	s4 =	rddreg [dreg:$0xb]  }
0x4e: {  	[tilespmem:s4], [sflag:$0x1] =	stream.indirect_vreg.gather [hbm4b:s3+s2], $0x80, v3, vm0, $0xb8;
	[tilespmem:$0x18100] =	vst v63  }
0x4f: {  	v3 =	vld [tilespmem:$0x40];
	_ =	sdelay $0x4  }
0x50: {  	v52 =	vshll.u32 v3, $0x1  }
0x51: {  	v3 =	vand.u32 $0x7, v3;
	v4 =	vand.u32 $0xFFFFFFF0, v52  }
0x52: {  	v3 =	vor.u32 v3, v4  }
0x53: {  	v4 =	vperm.xlane v3, v0;
	_ =	sdelay $0x1  }
0x54: {  	v3 =	vperm.xlane v3, v2;
	v4 =	vadd.s32 v1, v4;
	_ =	sdelay $0x1  }
0x55: {  	v3 =	vadd.s32 v1, v3;
	_ =	sdelay $0x1  }
0x56: {  	s1 =	rddreg [dreg:$0xc]  }
0x57: {  	[tilespmem:s1], [sflag:$0x1] =	stream.indirect_vreg.gather [hbm4b:s3+s2], $0x80, v4, vm0, $0xb8;
	[tilespmem:$0x18100] =	vst v63  }
0x58: {  	s4 =	rddreg [dreg:$0xd]  }
0x59: {  	[tilespmem:s4], [sflag:$0x1] =	stream.indirect_vreg.gather [hbm4b:s3+s2], $0x80, v3, vm0, $0xb8;
	[tilespmem:$0x18100] =	vst v63  }
0x5a: {  	v3 =	vld [tilespmem:$0x50];
	_ =	sdelay $0x4  }
0x5b: {  	v53 =	vshll.u32 v3, $0x1  }
0x5c: {  	v3 =	vand.u32 $0x7, v3;
	v4 =	vand.u32 $0xFFFFFFF0, v53  }
0x5d: {  	v3 =	vor.u32 v3, v4  }
0x5e: {  	v4 =	vperm.xlane v3, v0;
	_ =	sdelay $0x1  }
0x5f: {  	v3 =	vperm.xlane v3, v2;
	v4 =	vadd.s32 v1, v4;
	_ =	sdelay $0x1  }
0x60: {  	v3 =	vadd.s32 v1, v3;
	_ =	sdelay $0x1  }
0x61: {  	s1 =	rddreg [dreg:$0xe]  }
0x62: {  	[tilespmem:s1], [sflag:$0x1] =	stream.indirect_vreg.gather [hbm4b:s3+s2], $0x80, v4, vm0, $0xb8;
	[tilespmem:$0x18100] =	vst v63  }
0x63: {  	s4 =	rddreg [dreg:$0xf]  }
0x64: {  	[tilespmem:s4], [sflag:$0x1] =	stream.indirect_vreg.gather [hbm4b:s3+s2], $0x80, v3, vm0, $0xb8;
	[tilespmem:$0x18100] =	vst v63  }
0x65: {  	v3 =	vld [tilespmem:$0x60];
	_ =	sdelay $0x4  }
0x66: {  	v54 =	vshll.u32 v3, $0x1  }
0x67: {  	v3 =	vand.u32 $0x7, v3;
	v4 =	vand.u32 $0xFFFFFFF0, v54  }
0x68: {  	v3 =	vor.u32 v3, v4  }
0x69: {  	v4 =	vperm.xlane v3, v0;
	_ =	sdelay $0x1  }
0x6a: {  	v3 =	vperm.xlane v3, v2;
	v4 =	vadd.s32 v1, v4;
	_ =	sdelay $0x1  }
0x6b: {  	v3 =	vadd.s32 v1, v3;
	_ =	sdelay $0x1  }
0x6c: {  	s1 =	rddreg [dreg:$0x10]  }
0x6d: {  	[tilespmem:s1], [sflag:$0x1] =	stream.indirect_vreg.gather [hbm4b:s3+s2], $0x80, v4, vm0, $0xb8;
	[tilespmem:$0x18100] =	vst v63  }
0x6e: {  	s4 =	rddreg [dreg:$0x11]  }
0x6f: {  	[tilespmem:s4], [sflag:$0x1] =	stream.indirect_vreg.gather [hbm4b:s3+s2], $0x80, v3, vm0, $0xb8;
	[tilespmem:$0x18100] =	vst v63  }
0x70: {  	v3 =	vld [tilespmem:$0x70];
	_ =	sdelay $0x4  }
0x71: {  	v55 =	vshll.u32 v3, $0x1  }
0x72: {  	v3 =	vand.u32 $0x7, v3;
	v4 =	vand.u32 $0xFFFFFFF0, v55  }
0x73: {  	v3 =	vor.u32 v3, v4  }
0x74: {  	v4 =	vperm.xlane v3, v0;
	_ =	sdelay $0x1  }
0x75: {  	v3 =	vperm.xlane v3, v2;
	v4 =	vadd.s32 v1, v4;
	_ =	sdelay $0x1  }
0x76: {  	v3 =	vadd.s32 v1, v3;
	_ =	sdelay $0x2  }
0x77: {  	[tilespmem:s9], [sflag:$0x1] =	stream.indirect_vreg.gather [hbm4b:s3+s2], $0x80, v4, vm0, $0xb8;
	[tilespmem:$0x18100] =	vst v63  }
0x78: {  	_ = 	snop  }
0x79: {  	[tilespmem:s10], [sflag:$0x1] =	stream.indirect_vreg.gather [hbm4b:s3+s2], $0x80, v3, vm0, $0xb8;
	[tilespmem:$0x18100] =	vst v63  }
0x7a: {  	v3 =	vld [tilespmem:$0x80];
	_ =	sdelay $0x4  }
0x7b: {  	v56 =	vshll.u32 v3, $0x1  }
0x7c: {  	v3 =	vand.u32 $0x7, v3;
	v4 =	vand.u32 $0xFFFFFFF0, v56  }
0x7d: {  	v3 =	vor.u32 v3, v4  }
0x7e: {  	v4 =	vperm.xlane v3, v0;
	_ =	sdelay $0x1  }
0x7f: {  	v3 =	vperm.xlane v3, v2;
	v4 =	vadd.s32 v1, v4;
	_ =	sdelay $0x1  }
0x80: {  	v3 =	vadd.s32 v1, v3;
	_ =	sdelay $0x2  }
0x81: {  	[tilespmem:s11], [sflag:$0x1] =	stream.indirect_vreg.gather [hbm4b:s3+s2], $0x80, v4, vm0, $0xb8;
	[tilespmem:$0x18100] =	vst v63  }
0x82: {  	_ = 	snop  }
0x83: {  	[tilespmem:s12], [sflag:$0x1] =	stream.indirect_vreg.gather [hbm4b:s3+s2], $0x80, v3, vm0, $0xb8;
	[tilespmem:$0x18100] =	vst v63  }
0x84: {  	v3 =	vld [tilespmem:$0x90];
	_ =	sdelay $0x4  }
0x85: {  	v57 =	vshll.u32 v3, $0x1  }
0x86: {  	v3 =	vand.u32 $0x7, v3;
	v4 =	vand.u32 $0xFFFFFFF0, v57  }
0x87: {  	v3 =	vor.u32 v3, v4  }
0x88: {  	v4 =	vperm.xlane v3, v0;
	_ =	sdelay $0x1  }
0x89: {  	v3 =	vperm.xlane v3, v2;
	v4 =	vadd.s32 v1, v4;
	_ =	sdelay $0x1  }
0x8a: {  	v3 =	vadd.s32 v1, v3;
	_ =	sdelay $0x2  }
0x8b: {  	[tilespmem:s13], [sflag:$0x1] =	stream.indirect_vreg.gather [hbm4b:s3+s2], $0x80, v4, vm0, $0xb8;
	[tilespmem:$0x18100] =	vst v63  }
0x8c: {  	_ = 	snop  }
0x8d: {  	[tilespmem:s14], [sflag:$0x1] =	stream.indirect_vreg.gather [hbm4b:s3+s2], $0x80, v3, vm0, $0xb8;
	[tilespmem:$0x18100] =	vst v63  }
0x8e: {  	v3 =	vld [tilespmem:$0xA0];
	_ =	sdelay $0x4  }
0x8f: {  	v58 =	vshll.u32 v3, $0x1  }
0x90: {  	v3 =	vand.u32 $0x7, v3;
	v4 =	vand.u32 $0xFFFFFFF0, v58  }
0x91: {  	v3 =	vor.u32 v3, v4  }
0x92: {  	v4 =	vperm.xlane v3, v0;
	_ =	sdelay $0x1  }
0x93: {  	v3 =	vperm.xlane v3, v2;
	v4 =	vadd.s32 v1, v4;
	_ =	sdelay $0x1  }
0x94: {  	v3 =	vadd.s32 v1, v3;
	_ =	sdelay $0x2  }
0x95: {  	[tilespmem:s15], [sflag:$0x1] =	stream.indirect_vreg.gather [hbm4b:s3+s2], $0x80, v4, vm0, $0xb8;
	[tilespmem:$0x18100] =	vst v63  }
0x96: {  	_ = 	snop  }
0x97: {  	[tilespmem:s16], [sflag:$0x1] =	stream.indirect_vreg.gather [hbm4b:s3+s2], $0x80, v3, vm0, $0xb8;
	[tilespmem:$0x18100] =	vst v63  }
0x98: {  	v3 =	vld [tilespmem:$0xB0];
	_ =	sdelay $0x4  }
0x99: {  	v59 =	vshll.u32 v3, $0x1  }
0x9a: {  	v3 =	vand.u32 $0x7, v3;
	v4 =	vand.u32 $0xFFFFFFF0, v59  }
0x9b: {  	v3 =	vor.u32 v3, v4  }
0x9c: {  	v4 =	vperm.xlane v3, v0;
	_ =	sdelay $0x1  }
0x9d: {  	v3 =	vperm.xlane v3, v2;
	v4 =	vadd.s32 v1, v4;
	_ =	sdelay $0x1  }
0x9e: {  	v3 =	vadd.s32 v1, v3;
	_ =	sdelay $0x2  }
0x9f: {  	[tilespmem:s17], [sflag:$0x1] =	stream.indirect_vreg.gather [hbm4b:s3+s2], $0x80, v4, vm0, $0xb8;
	[tilespmem:$0x18100] =	vst v63  }
0xa0: {  	_ = 	snop  }
0xa1: {  	[tilespmem:s18], [sflag:$0x1] =	stream.indirect_vreg.gather [hbm4b:s3+s2], $0x80, v3, vm0, $0xb8;
	[tilespmem:$0x18100] =	vst v63  }
0xa2: {  	v3 =	vld [tilespmem:$0xC0];
	_ =	sdelay $0x4  }
0xa3: {  	v60 =	vshll.u32 v3, $0x1  }
0xa4: {  	v3 =	vand.u32 $0x7, v3;
	v4 =	vand.u32 $0xFFFFFFF0, v60  }
0xa5: {  	v3 =	vor.u32 v3, v4  }
0xa6: {  	v4 =	vperm.xlane v3, v0;
	_ =	sdelay $0x1  }
0xa7: {  	v3 =	vperm.xlane v3, v2;
	v4 =	vadd.s32 v1, v4;
	_ =	sdelay $0x1  }
0xa8: {  	v3 =	vadd.s32 v1, v3;
	_ =	sdelay $0x2  }
0xa9: {  	[tilespmem:s19], [sflag:$0x1] =	stream.indirect_vreg.gather [hbm4b:s3+s2], $0x80, v4, vm0, $0xb8;
	[tilespmem:$0x18100] =	vst v63  }
0xaa: {  	_ = 	snop  }
0xab: {  	[tilespmem:s20], [sflag:$0x1] =	stream.indirect_vreg.gather [hbm4b:s3+s2], $0x80, v3, vm0, $0xb8;
	[tilespmem:$0x18100] =	vst v63  }
0xac: {  	v3 =	vld [tilespmem:$0xD0];
	_ =	sdelay $0x4  }
0xad: {  	v61 =	vshll.u32 v3, $0x1  }
0xae: {  	v3 =	vand.u32 $0x7, v3;
	v4 =	vand.u32 $0xFFFFFFF0, v61  }
0xaf: {  	v3 =	vor.u32 v3, v4  }
0xb0: {  	v4 =	vperm.xlane v3, v0;
	_ =	sdelay $0x1  }
0xb1: {  	v3 =	vperm.xlane v3, v2;
	v4 =	vadd.s32 v1, v4;
	_ =	sdelay $0x1  }
0xb2: {  	v3 =	vadd.s32 v1, v3;
	_ =	sdelay $0x2  }
0xb3: {  	[tilespmem:s21], [sflag:$0x1] =	stream.indirect_vreg.gather [hbm4b:s3+s2], $0x80, v4, vm0, $0xb8;
	[tilespmem:$0x18100] =	vst v63  }
0xb4: {  	_ = 	snop  }
0xb5: {  	[tilespmem:s22], [sflag:$0x1] =	stream.indirect_vreg.gather [hbm4b:s3+s2], $0x80, v3, vm0, $0xb8;
	[tilespmem:$0x18100] =	vst v63  }
0xb6: {  	v3 =	vld [tilespmem:$0xE0];
	_ =	sdelay $0x4  }
0xb7: {  	v62 =	vshll.u32 v3, $0x1  }
0xb8: {  	v3 =	vand.u32 $0x7, v3;
	v4 =	vand.u32 $0xFFFFFFF0, v62  }
0xb9: {  	v3 =	vor.u32 v3, v4  }
0xba: {  	v4 =	vperm.xlane v3, v0;
	_ =	sdelay $0x1  }
0xbb: {  	v3 =	vperm.xlane v3, v2;
	v4 =	vadd.s32 v1, v4;
	_ =	sdelay $0x1  }
0xbc: {  	v3 =	vadd.s32 v1, v3;
	_ =	sdelay $0x2  }
0xbd: {  	[tilespmem:s23], [sflag:$0x1] =	stream.indirect_vreg.gather [hbm4b:s3+s2], $0x80, v4, vm0, $0xb8;
	[tilespmem:$0x18100] =	vst v63  }
0xbe: {  	_ = 	snop  }
0xbf: {  	[tilespmem:s24], [sflag:$0x1] =	stream.indirect_vreg.gather [hbm4b:s3+s2], $0x80, v3, vm0, $0xb8;
	[tilespmem:$0x18100] =	vst v63  }
0xc0: {  	v3 =	vld [tilespmem:$0xF0];
	_ =	sdelay $0x4  }
0xc1: {  	v63 =	vshll.u32 v3, $0x1  }
0xc2: {  	v3 =	vand.u32 $0x7, v3;
	v4 =	vand.u32 $0xFFFFFFF0, v63  }
0xc3: {  	v3 =	vor.u32 v3, v4  }
0xc4: {  	v4 =	vperm.xlane v3, v0;
	_ =	sdelay $0x1  }
0xc5: {  	v3 =	vperm.xlane v3, v2;
	v4 =	vadd.s32 v1, v4;
	_ =	sdelay $0x1  }
0xc6: {  	v3 =	vadd.s32 v1, v3;
	_ =	sdelay $0x2  }
0xc7: {  	[tilespmem:s25], [sflag:$0x1] =	stream.indirect_vreg.gather [hbm4b:s3+s2], $0x80, v4, vm0, $0xb8;
	[tilespmem:$0x18100] =	vst v63  }
0xc8: {  	_ = 	snop  }
0xc9: {  	[tilespmem:s26], [sflag:$0x1] =	stream.indirect_vreg.gather [hbm4b:s3+s2], $0x80, v3, vm0, $0xb8;
	[tilespmem:$0x18100] =	vst v63  }
0xca: {  	s4 =	rddreg [dreg:$0x3]  }
0xcb: {  	[tilespmem:s28], [sflag:$0x1] =	stream.indirect.gather [hbm4b:s4+s8], $0x80, s2, s8, $0xb8;
	[tilespmem:$0x18100] =	vst v63  }
0xcc: {  	_ =	swait.ge [sflag:s29], $0x10000  }
0xcd: {  	[sflag:s29] =	ssyncset.done $0x0  }
0xce: {  	[sflag:s29] =	ssyncadd.s32 $0xFFFF0000  }
0xcf: {  	_ =	swait.ge [sflag:s29], $0x8000  }
0xd0: {  	[sflag:s29] =	ssyncset.done $0x0  }
0xd1: {  	[sflag:s29] =	ssyncadd.s32 $0xFFFF8000  }
0xd2: {  	[hbm4b:s31+s2] =	stream.linear.scatter [tilespmem:s8], [sflag:$0x2], $0x10000, $0x38;
	[tilespmem:$0x18100] =	vst v63  }
0xd3: {  	_ =	swait.ge [sflag:s7], $0x10000  }
0xd4: {  	p0 =	sne.s32 s0, $0x120;
	[sflag:s7] =	ssyncset.done $0x0  }
.Ltmp0:
0xd5: {  	[sflag:s7] =	ssyncadd.s32 $0xFFFF0000;
	(pc) =	sbr.rel @p0 .LBB2_2-.Ltmp0, $4  }
0xd6: {  	[hbm4b:s5+s2] =	stream.linear.scatter [tilespmem:s28], [sflag:$0x2], $0x8000, $0x38;
	[tilespmem:$0x18100] =	vst v63  }
0xd7: {  	_ =	swait.ge [sflag:s7], $0x8000  }
0xd8: {  	s0 =	sadd.s32 $0x20, s0;
	[sflag:s7] =	ssyncset.done $0x0  }
0xd9: {  	s31 =	sadd.s32 $0x2000, s31;
	s5 =	sadd.s32 $0x1000, s5;
	[sflag:s7] =	ssyncadd.s32 $0xFFFF8000  }
0xda: {  	s30 =	sadd.s32 $0x1, s30;
	s0 =	rddreg [dreg:$0x12]  }
0xdb: {  	p0 =	sne.s32 s30, s0  }
.Ltmp1:
0xdc: {  	_ = 	snop;
	(pc) =	sbr.rel @p0 .LBB2_1-.Ltmp1, $1  }
0xdd: {  	_ =	sdelay $0x3  }
0xde: {  	_ =	sfence.sel $0x180000  }
0xdf: {  	[bflag:$0x0] =	sbarrier.arrive $0xFFFF  }
0xe0: {  	_ =	strace $0x9000004D  }
0xe1: {  	s0 =	stileid.u32;
	[bflag:$0x2] =	sbarrier.arrive $0xFFFF  }
0xe2: {  	p0 =	sne.s32 s0, $0x0;
	s0 =	rddreg [dreg:$0x2]  }
0xe3: {  	s0 =	sadd.s32 @!p0 $0x100000, s0  }
0xe4: {  	[sflag:s0] =	ssyncadd.tile.s32 @!p0 $0x1;
	_ =	shalt  }
.Lfunc_end2:
_tile_overlayer_lowered:
.L_overlay_start_2:
0xe5: {  	(tag) =	ssettag $0x2  }
0xe6: {  	s0 =	rddreg [dreg:$0x0];
	s2 =	stileid.u32  }
0xe7: {  	s1 =	rddreg [dreg:$0x1];
	p0 =	sne.s32 s2, $0x0  }
0xe8: {  	s3 =	rddreg [dreg:$0x2];
	[bflag:$0x3] =	sbarrier.arrive $0xFFFF;
	s2 =	simm.s32 @!p0 $0x1C02  }
0xe9: {  	[timem:s3], [sflag:s2] =	dma.local @!p0 [hbm:s0], s1  }
0xea: {  	s0 =	simm.s32 @!p0 $0x2  }
0xeb: {  	_ =	swait.ge @!p0 [sflag:s0], s1  }
0xec: {  	s1 =	ssub.s32 @!p0 $0x0, s1;
	[sflag:s0] =	ssyncset.done @!p0 $0x0  }
0xed: {  	[sflag:s0] =	ssyncadd.s32 @!p0 s1  }
0xee: {  	[bflag:$0x3] =	sbarrier.arrive $0xFFFF  }
0xef: {  	_ =	shalt  }

</sc_bundles>
